<compile_context>
chip_gen: v7x
topology: tpu7x:2x2x1
jax: 0.10.2.dev20260603
libtpu: 0.0.44.dev20260713+nightly
codegen_flags: <defaults>
</compile_context>

<pallas_src>
import functools

import jax
import jax.numpy as jnp
from jax import lax
from jax.experimental import pallas as pl
from jax.experimental.pallas import tpu as pltpu
from jax.experimental.pallas import tpu_sc as plsc

N, NC, E, EC, EB, D = 10000, 2000, 320000, 32000, 10000, 128
NPAD = 10016
NCPAD = 2048
EBPAD = 10240
K1 = 80
K3 = 40
KB = 40
BR = 5

_mesh = plsc.VectorSubcoreMesh(core_axis_name="c", subcore_axis_name="s")


def _fill(ref, rows, cols, val):
    def body(i, _):
        for u in range(cols // 16):
            ref[i, pl.ds(u * 16, 16)] = jnp.full((16,), val, jnp.float32)
        return 0
    lax.fori_loop(0, rows, body, 0)


def _sc_body(src_a, dst_a, attr_a, src_c, dst_c, attr_c,
             src_a2c, dst_a2c, src_c2a, dst_c2a, x_hbm, xcl_hbm, zeros_hbm,
             out_agg_a, out_agg_c2a, out_cnt_c2a,
             out_agg_c, out_agg_a2c, out_cnt_a2c,
             acc, obuf, rows0, rows1, attr0, attr1,
             isxr0, isxr1, isxr2, isxr3, isxr4,
             idxr0, idxr1, idxr2, idxr3, idxr4,
             isc0, isc1, isc2, isc3, isc4,
             idc0, idc1, idc2, idc3, idc4,
             idx3d0, idx_sb, idx_d2,
             sem_g0, sem_g1, sem_a0, sem_a1, sem_i):
    c = lax.axis_index("c")
    s = lax.axis_index("s")
    wid = c * 16 + s

    _fill(obuf, KB, 128, 1.0)

    sem_g = [sem_g0, sem_g1]
    sem_a = [sem_a0, sem_a1]
    isxr = [isxr0, isxr1, isxr2, isxr3, isxr4]
    idxr = [idxr0, idxr1, idxr2, idxr3, idxr4]
    iscr = [isc0, isc1, isc2, isc3, isc4]
    idcr = [idc0, idc1, idc2, idc3, idc4]

    def zero_acc(nrows_total):
        per = nrows_total // 16
        pltpu.sync_copy(zeros_hbm.at[pl.ds(0, K1)], rows0)
        for j in range(per // K1):
            pltpu.sync_copy(rows0, acc.at[pl.ds(s * per + j * K1, K1)])
        rem = per % K1
        if rem:
            pltpu.sync_copy(rows0.at[pl.ds(0, rem)],
                            acc.at[pl.ds(s * per + (per // K1) * K1, rem)])

    def relu_add(rb, ab, k):
        def body(i, _):
            for u in range(D // 16):
                sl = pl.ds(u * 16, 16)
                rb[i, sl] = jnp.maximum(rb[i, sl] + ab[i, sl], 0.0)
            return 0
        lax.fori_loop(0, k, body, 0)

    def gine_pipe(src_h, dst_h, attr_h, xtab, ept, k,
                  rows_dma, rows_cmp, attr_dma, attr_cmp, isxr, idxr):
        nrounds = ept // k
        nblocks = nrounds // BR
        kbr = k * BR
        tbase = wid * ept

        def block(b, _):
            base = pl.multiple_of(tbase + b * kbr, 8)
            idx_cps = []
            for i in range(BR):
                off = pl.multiple_of(base + i * k, 8)
                idx_cps.append(pltpu.async_copy(
                    src_h.at[pl.ds(off, k)], isxr[i], sem_i))
                idx_cps.append(pltpu.async_copy(
                    dst_h.at[pl.ds(off, k)], idxr[i], sem_i))
            for cp in idx_cps:
                cp.wait()

            def fire(i):
                sl = i % 2
                g = pltpu.async_copy(xtab.at[isxr[i]], rows_dma[sl],
                                     sem_g[sl])
                a = pltpu.async_copy(attr_h.at[pl.ds(base + i * k, k)],
                                     attr_dma[sl], sem_a[sl])
                return (g, a)

            cps = {0: fire(0), 1: fire(1)}
            for i in range(BR):
                g, a = cps.pop(i)
                g.wait()
                a.wait()
                relu_add(rows_cmp[i % 2], attr_cmp[i % 2], k)
                pltpu.sync_copy(rows_dma[i % 2], acc.at[idxr[i]], add=True)
                if i + 2 < BR:
                    cps[i + 2] = fire(i + 2)
            return 0

        lax.fori_loop(0, nblocks, block, 0)

    def gine_sync(src_h, dst_h, attr_h, xtab, ept, k, rb_dma, rb_cmp,
                  ab_dma, ab_cmp, isxf, idxf):
        def rbody(r, _):
            base = pl.multiple_of(wid * ept + r * k, 8)
            pltpu.sync_copy(src_h.at[pl.ds(base, k)], isxf)
            cp_g = pltpu.async_copy(xtab.at[isxf], rb_dma, sem_g0)
            cp_a = pltpu.async_copy(attr_h.at[pl.ds(base, k)], ab_dma, sem_a0)
            pltpu.sync_copy(dst_h.at[pl.ds(base, k)], idxf)
            cp_g.wait()
            cp_a.wait()
            relu_add(rb_cmp, ab_cmp, k)
            pltpu.sync_copy(rb_dma, acc.at[idxf], add=True)
            return 0
        lax.fori_loop(0, ept // k, rbody, 0)

    def sage_phase(src_h, dst_h, xtab, cnt_off):
        def rbody(r, _):
            base = pl.multiple_of(wid * (EBPAD // 32) + r * KB, 8)
            pltpu.sync_copy(src_h.at[pl.ds(base, KB)], idx_sb)
            cp_g = pltpu.async_copy(xtab.at[idx_sb], rows0.at[pl.ds(0, KB)],
                                    sem_g0)
            pltpu.sync_copy(dst_h.at[pl.ds(base, KB)], idx3d0)
            if cnt_off is not None:
                offs2 = list(range(0, KB - 15, 16))
                if KB % 16:
                    offs2.append(KB - 16)
                for o in offs2:
                    sl = pl.ds(o, 16)
                    idx_d2[sl] = idx3d0[sl] + cnt_off
                pltpu.sync_copy(obuf, acc.at[idx_d2], add=True)
            cp_g.wait()
            pltpu.sync_copy(rows0.at[pl.ds(0, KB)], acc.at[idx3d0], add=True)
            return 0
        lax.fori_loop(0, EBPAD // 32 // KB, rbody, 0)

    def cnt_phase(dst_h):
        def rbody(r, _):
            base = pl.multiple_of(wid * (EBPAD // 32) + r * KB, 8)
            pltpu.sync_copy(dst_h.at[pl.ds(base, KB)], idx3d0)
            pltpu.sync_copy(obuf, acc.at[idx3d0], add=True)
            return 0
        lax.fori_loop(0, EBPAD // 32 // KB, rbody, 0)

    def copyout(dst, nrows_total, src_off=0):
        per = nrows_total // 16
        pltpu.sync_copy(acc.at[pl.ds(src_off + s * per, per)],
                        dst.at[c, pl.ds(s * per, per)])

    zero_acc(NPAD)
    plsc.subcore_barrier()
    gine_pipe(src_a, dst_a, attr_a, x_hbm, E // 32, K1,
              [rows0, rows1], [rows0, rows1], [attr0, attr1], [attr0, attr1],
              isxr, idxr)
    plsc.subcore_barrier()
    copyout(out_agg_a, NPAD)
    plsc.subcore_barrier()

    zero_acc(NPAD)
    plsc.subcore_barrier()
    sage_phase(src_c2a, dst_c2a, xcl_hbm, None)
    plsc.subcore_barrier()
    copyout(out_agg_c2a, NPAD)
    plsc.subcore_barrier()

    zero_acc(NPAD)
    plsc.subcore_barrier()
    cnt_phase(dst_c2a)
    plsc.subcore_barrier()
    copyout(out_cnt_c2a, NPAD)
    plsc.subcore_barrier()

    zero_acc(NCPAD)
    plsc.subcore_barrier()
    gine_pipe(src_c, dst_c, attr_c, xcl_hbm, EC // 32, K3,
              [rows0.at[pl.ds(0, K3)], rows1.at[pl.ds(0, K3)]],
              [rows0, rows1],
              [attr0.at[pl.ds(0, K3)], attr1.at[pl.ds(0, K3)]],
              [attr0, attr1],
              iscr, idcr)
    plsc.subcore_barrier()
    copyout(out_agg_c, NCPAD)
    plsc.subcore_barrier()

    zero_acc(2 * NCPAD)
    plsc.subcore_barrier()
    sage_phase(src_a2c, dst_a2c, x_hbm, NCPAD)
    plsc.subcore_barrier()
    copyout(out_agg_a2c, NCPAD)
    copyout(out_cnt_a2c, NCPAD, src_off=NCPAD)


_sc_aggregate = functools.partial(
    pl.kernel,
    out_type=[
        jax.ShapeDtypeStruct((2, NPAD, D), jnp.float32),
        jax.ShapeDtypeStruct((2, NPAD, D), jnp.float32),
        jax.ShapeDtypeStruct((2, NPAD, D), jnp.float32),
        jax.ShapeDtypeStruct((2, NCPAD, D), jnp.float32),
        jax.ShapeDtypeStruct((2, NCPAD, D), jnp.float32),
        jax.ShapeDtypeStruct((2, NCPAD, D), jnp.float32),
    ],
    mesh=_mesh,
    compiler_params=pltpu.CompilerParams(use_tc_tiling_on_sc=False,
                                         needs_layout_passes=False),
    scratch_types=[
        pltpu.VMEM_SHARED((NPAD, D), jnp.float32),
        pltpu.VMEM((KB, D), jnp.float32),
        pltpu.VMEM((K1, D), jnp.float32),
        pltpu.VMEM((K1, D), jnp.float32),
        pltpu.VMEM((K1, D), jnp.float32),
        pltpu.VMEM((K1, D), jnp.float32),
        pltpu.VMEM((K1,), jnp.int32),
        pltpu.VMEM((K1,), jnp.int32),
        pltpu.VMEM((K1,), jnp.int32),
        pltpu.VMEM((K1,), jnp.int32),
        pltpu.VMEM((K1,), jnp.int32),
        pltpu.VMEM((K1,), jnp.int32),
        pltpu.VMEM((K1,), jnp.int32),
        pltpu.VMEM((K1,), jnp.int32),
        pltpu.VMEM((K1,), jnp.int32),
        pltpu.VMEM((K1,), jnp.int32),
        pltpu.VMEM((K3,), jnp.int32),
        pltpu.VMEM((K3,), jnp.int32),
        pltpu.VMEM((K3,), jnp.int32),
        pltpu.VMEM((K3,), jnp.int32),
        pltpu.VMEM((K3,), jnp.int32),
        pltpu.VMEM((K3,), jnp.int32),
        pltpu.VMEM((K3,), jnp.int32),
        pltpu.VMEM((K3,), jnp.int32),
        pltpu.VMEM((K3,), jnp.int32),
        pltpu.VMEM((K3,), jnp.int32),
        pltpu.VMEM((KB,), jnp.int32),
        pltpu.VMEM((KB,), jnp.int32),
        pltpu.VMEM((KB,), jnp.int32),
        pltpu.SemaphoreType.DMA,
        pltpu.SemaphoreType.DMA,
        pltpu.SemaphoreType.DMA,
        pltpu.SemaphoreType.DMA,
        pltpu.SemaphoreType.DMA,
    ],
)(_sc_body)


def _dotT(a, w):
    return lax.dot_general(a, w, (((1,), (1,)), ((), ())),
                           preferred_element_type=jnp.float32)


def _tc_body(x_ref, xcl_ref, agg_a_ref, agg_c2a_ref, cnt_c2a_ref,
             agg_c_ref, agg_a2c_ref, cnt_a2c_ref,
             eps_a_ref, W_a_ref, b_a_ref, g_a_ref, be_a_ref,
             eps_c_ref, W_c_ref, b_c_ref, g_c_ref, be_c_ref,
             Wl_a2c_ref, bl_a2c_ref, Wr_a2c_ref,
             Wl_c2a_ref, bl_c2a_ref, Wr_c2a_ref,
             Wm_a_ref, bm_a_ref, Wm_c_ref, bm_c_ref,
             h_ref, hcl_ref):
    x = x_ref[...]
    xcl = xcl_ref[...]

    def gine_mlp(pre, W, b, g, be):
        z = _dotT(pre, W) + b
        mu = jnp.mean(z, axis=0, keepdims=True)
        d = z - mu
        var = jnp.mean(d * d, axis=0, keepdims=True)
        zn = d * lax.rsqrt(var + 1e-5)
        return jnp.maximum(g * zn + be, 0.0)

    agg_a = agg_a_ref[0, :N, :] + agg_a_ref[1, :N, :]
    h1 = gine_mlp((1.0 + eps_a_ref[0, 0]) * x + agg_a,
                  W_a_ref[...], b_a_ref[...], g_a_ref[...], be_a_ref[...])

    agg_c = agg_c_ref[0, :NC, :] + agg_c_ref[1, :NC, :]
    h1c = gine_mlp((1.0 + eps_c_ref[0, 0]) * xcl + agg_c,
                   W_c_ref[...], b_c_ref[...], g_c_ref[...], be_c_ref[...])

    cnt = cnt_c2a_ref[0, :N, 0:1] + cnt_c2a_ref[1, :N, 0:1]
    mean = (agg_c2a_ref[0, :N, :] + agg_c2a_ref[1, :N, :]) / jnp.maximum(cnt, 1.0)
    h_c2a = _dotT(mean, Wl_c2a_ref[...]) + bl_c2a_ref[...] + _dotT(x, Wr_c2a_ref[...])

    cntc = cnt_a2c_ref[0, :NC, 0:1] + cnt_a2c_ref[1, :NC, 0:1]
    meanc = (agg_a2c_ref[0, :NC, :] + agg_a2c_ref[1, :NC, :]) / jnp.maximum(cntc, 1.0)
    h_a2c = _dotT(meanc, Wl_a2c_ref[...]) + bl_a2c_ref[...] + _dotT(xcl, Wr_a2c_ref[...])

    h_ref[...] = _dotT(h1 + h_c2a, Wm_a_ref[...]) + bm_a_ref[...]
    hcl_ref[...] = _dotT(h1c + h_a2c, Wm_c_ref[...]) + bm_c_ref[...]


_tc_merge = pl.pallas_call(
    _tc_body,
    compiler_params=pltpu.CompilerParams(vmem_limit_bytes=100 * 1024 * 1024),
    out_shape=[
        jax.ShapeDtypeStruct((N, D), jnp.float32),
        jax.ShapeDtypeStruct((NC, D), jnp.float32),
    ],
)


@jax.jit
def kernel(x, edge_index, edge_attr, x_cl, c2c_edge_index, c2c_edge_attr,
           atom2c_edge_index, c2atom_edge_index,
           eps_a, W_a, b_a, g_a, be_a,
           eps_c, W_c, b_c, g_c, be_c,
           Wl_a2c, bl_a2c, Wr_a2c,
           Wl_c2a, bl_c2a, Wr_c2a,
           Wm_a, bm_a, Wm_c, bm_c):
    src_a, dst_a = edge_index[0], edge_index[1]
    src_c, dst_c = c2c_edge_index[0], c2c_edge_index[1]
    pad = EBPAD - EB
    src_a2c = jnp.concatenate([atom2c_edge_index[0], jnp.zeros((pad,), jnp.int32)])
    dst_a2c = jnp.concatenate([atom2c_edge_index[1], jnp.full((pad,), NC, jnp.int32)])
    src_c2a = jnp.concatenate([c2atom_edge_index[0], jnp.zeros((pad,), jnp.int32)])
    dst_c2a = jnp.concatenate([c2atom_edge_index[1], jnp.full((pad,), N, jnp.int32)])
    zeros_hbm = jnp.zeros((K1, D), jnp.float32)

    agg_a, agg_c2a, cnt_c2a, agg_c, agg_a2c, cnt_a2c = _sc_aggregate(
        src_a, dst_a, edge_attr, src_c, dst_c, c2c_edge_attr,
        src_a2c, dst_a2c, src_c2a, dst_c2a, x, x_cl, zeros_hbm)

    h, h_cl = _tc_merge(
        x, x_cl, agg_a, agg_c2a, cnt_c2a, agg_c, agg_a2c, cnt_a2c,
        eps_a.reshape(1, 1), W_a, b_a.reshape(1, D), g_a.reshape(1, D),
        be_a.reshape(1, D),
        eps_c.reshape(1, 1), W_c, b_c.reshape(1, D), g_c.reshape(1, D),
        be_c.reshape(1, D),
        Wl_a2c, bl_a2c.reshape(1, D), Wr_a2c,
        Wl_c2a, bl_c2a.reshape(1, D), Wr_c2a,
        Wm_a, bm_a.reshape(1, D), Wm_c, bm_c.reshape(1, D))
    return (h, h_cl)

# --- scband reference (transcript-rebuilt; emitter-appended) ---
"""Pipeline reference for scband-fghgnnconv-60404420051112 (READ-ONLY COPY).

The authoritative reference and input builder live on the scoring server;
editing this copy changes nothing except your own understanding.
"""

import jax, jax.numpy as jnp
import numpy as np


def _mlp(h, W, b, gamma, beta):
    # Linear -> BatchNorm1d (training-mode batch stats) -> ReLU
    z = h @ W.T + b
    mu = jnp.mean(z, axis=0, keepdims=True)
    var = jnp.var(z, axis=0, keepdims=True)
    zn = (z - mu) / jnp.sqrt(var + 1e-5)
    return jax.nn.relu(gamma * zn + beta)


def _gine(x, edge_index, edge_attr, eps, W, b, gamma, beta):
    # PyG GINEConv: nn((1+eps)*x + sum_j relu(x_j + e_ij)), messages src->dst
    src = edge_index[0]
    dst = edge_index[1]
    msg = jax.nn.relu(x[src] + edge_attr)
    agg = jax.ops.segment_sum(msg, dst, num_segments=x.shape[0])
    return _mlp((1.0 + eps) * x + agg, W, b, gamma, beta)


def _sage_bipartite(x_src, x_dst, edge_index, Wl, bl, Wr):
    # PyG SAGEConv((in_src, in_dst), out): lin_l(mean_j x_src_j) + lin_r(x_dst)
    src = edge_index[0]
    dst = edge_index[1]
    n_dst = x_dst.shape[0]
    agg = jax.ops.segment_sum(x_src[src], dst, num_segments=n_dst)
    cnt = jax.ops.segment_sum(jnp.ones((src.shape[0],), x_src.dtype), dst, num_segments=n_dst)
    mean = agg / jnp.maximum(cnt, 1.0)[:, None]
    return mean @ Wl.T + bl + x_dst @ Wr.T


def setup_inputs(seed: int = 0):
    key = jax.random.key(seed)
    ks = jax.random.split(key, 32)
    N, NC, E, EC, EB, D = 10000, 2000, 320000, 32000, 10000, 128
    s = 0.05
    inp = {}
    inp["x"] = jax.random.normal(ks[0], (N, D), jnp.float32)
    inp["edge_index"] = jax.random.randint(ks[1], (2, E), 0, N, jnp.int32)
    inp["edge_attr"] = jax.random.normal(ks[2], (E, D), jnp.float32)
    inp["x_cl"] = jax.random.normal(ks[3], (NC, D), jnp.float32)
    inp["c2c_edge_index"] = jax.random.randint(ks[4], (2, EC), 0, NC, jnp.int32)
    inp["c2c_edge_attr"] = jax.random.normal(ks[5], (EC, D), jnp.float32)
    inp["atom2c_edge_index"] = jnp.stack([
        jax.random.randint(ks[6], (EB,), 0, N, jnp.int32),
        jax.random.randint(ks[7], (EB,), 0, NC, jnp.int32)])
    inp["c2atom_edge_index"] = jnp.stack([
        jax.random.randint(ks[8], (EB,), 0, NC, jnp.int32),
        jax.random.randint(ks[9], (EB,), 0, N, jnp.int32)])
    # atom GINE params
    inp["eps_a"] = jnp.zeros((), jnp.float32)
    inp["W_a"] = jax.random.normal(ks[10], (D, D), jnp.float32) * s
    inp["b_a"] = jnp.zeros((D,), jnp.float32)
    inp["g_a"] = jnp.ones((D,), jnp.float32)
    inp["be_a"] = jnp.zeros((D,), jnp.float32)
    # cluster GINE params
    inp["eps_c"] = jnp.zeros((), jnp.float32)
    inp["W_c"] = jax.random.normal(ks[11], (D, D), jnp.float32) * s
    inp["b_c"] = jnp.zeros((D,), jnp.float32)
    inp["g_c"] = jnp.ones((D,), jnp.float32)
    inp["be_c"] = jnp.zeros((D,), jnp.float32)
    # bipartite SAGE params
    inp["Wl_a2c"] = jax.random.normal(ks[12], (D, D), jnp.float32) * s
    inp["bl_a2c"] = jnp.zeros((D,), jnp.float32)
    inp["Wr_a2c"] = jax.random.normal(ks[13], (D, D), jnp.float32) * s
    inp["Wl_c2a"] = jax.random.normal(ks[14], (D, D), jnp.float32) * s
    inp["bl_c2a"] = jnp.zeros((D,), jnp.float32)
    inp["Wr_c2a"] = jax.random.normal(ks[15], (D, D), jnp.float32) * s
    # merge linears
    inp["Wm_a"] = jax.random.normal(ks[16], (D, D), jnp.float32) * s
    inp["bm_a"] = jnp.zeros((D,), jnp.float32)
    inp["Wm_c"] = jax.random.normal(ks[17], (D, D), jnp.float32) * s
    inp["bm_c"] = jnp.zeros((D,), jnp.float32)
    return inp


def reference(x, edge_index, edge_attr, x_cl, c2c_edge_index, c2c_edge_attr,
              atom2c_edge_index, c2atom_edge_index,
              eps_a, W_a, b_a, g_a, be_a,
              eps_c, W_c, b_c, g_c, be_c,
              Wl_a2c, bl_a2c, Wr_a2c,
              Wl_c2a, bl_c2a, Wr_c2a,
              Wm_a, bm_a, Wm_c, bm_c):
    h = _gine(x, edge_index, edge_attr, eps_a, W_a, b_a, g_a, be_a)
    h_cl = _gine(x_cl, c2c_edge_index, c2c_edge_attr, eps_c, W_c, b_c, g_c, be_c)
    h_atom2c = _sage_bipartite(x, x_cl, atom2c_edge_index, Wl_a2c, bl_a2c, Wr_a2c)
    h_c2atom = _sage_bipartite(x_cl, x, c2atom_edge_index, Wl_c2a, bl_c2a, Wr_c2a)
    h = (h + h_c2atom) @ Wm_a.T + bm_a
    h_cl = (h_cl + h_atom2c) @ Wm_c.T + bm_c
    return (h, h_cl)

if __name__ == "__main__":
    import jax
    _d = setup_inputs()
    print(jax.jit(kernel)(*tuple(_d.values())))

</pallas_src>

<mosaic_0001>
#map = affine_map<(d0, d1) -> (0)>
#map1 = affine_map<(d0, d1) -> (0, 0)>
#map2 = affine_map<(d0, d1) -> (0, 0, 0)>
module attributes {stable_mosaic.version = 14 : i64} {
  func.func @_sc_body(%arg0: i32, %arg1: i32, %arg2: memref<320000xi32, #tpu.memory_space<hbm>>, %arg3: memref<320000xi32, #tpu.memory_space<hbm>>, %arg4: memref<320000x128xf32, #tpu.memory_space<hbm>>, %arg5: memref<32000xi32, #tpu.memory_space<hbm>>, %arg6: memref<32000xi32, #tpu.memory_space<hbm>>, %arg7: memref<32000x128xf32, #tpu.memory_space<hbm>>, %arg8: memref<10240xi32, #tpu.memory_space<hbm>>, %arg9: memref<10240xi32, #tpu.memory_space<hbm>>, %arg10: memref<10240xi32, #tpu.memory_space<hbm>>, %arg11: memref<10240xi32, #tpu.memory_space<hbm>>, %arg12: memref<10000x128xf32, #tpu.memory_space<hbm>>, %arg13: memref<2000x128xf32, #tpu.memory_space<hbm>>, %arg14: memref<80x128xf32, #tpu.memory_space<hbm>>, %arg15: memref<2x10016x128xf32, #tpu.memory_space<hbm>>, %arg16: memref<2x10016x128xf32, #tpu.memory_space<hbm>>, %arg17: memref<2x10016x128xf32, #tpu.memory_space<hbm>>, %arg18: memref<2x2048x128xf32, #tpu.memory_space<hbm>>, %arg19: memref<2x2048x128xf32, #tpu.memory_space<hbm>>, %arg20: memref<2x2048x128xf32, #tpu.memory_space<hbm>>, %arg21: memref<10016x128xf32, #tpu.memory_space<vmem_shared>>, %arg22: memref<40x128xf32, #tpu.memory_space<vmem>>, %arg23: memref<80x128xf32, #tpu.memory_space<vmem>>, %arg24: memref<80x128xf32, #tpu.memory_space<vmem>>, %arg25: memref<80x128xf32, #tpu.memory_space<vmem>>, %arg26: memref<80x128xf32, #tpu.memory_space<vmem>>, %arg27: memref<80xi32, #tpu.memory_space<vmem>>, %arg28: memref<80xi32, #tpu.memory_space<vmem>>, %arg29: memref<80xi32, #tpu.memory_space<vmem>>, %arg30: memref<80xi32, #tpu.memory_space<vmem>>, %arg31: memref<80xi32, #tpu.memory_space<vmem>>, %arg32: memref<80xi32, #tpu.memory_space<vmem>>, %arg33: memref<80xi32, #tpu.memory_space<vmem>>, %arg34: memref<80xi32, #tpu.memory_space<vmem>>, %arg35: memref<80xi32, #tpu.memory_space<vmem>>, %arg36: memref<80xi32, #tpu.memory_space<vmem>>, %arg37: memref<40xi32, #tpu.memory_space<vmem>>, %arg38: memref<40xi32, #tpu.memory_space<vmem>>, %arg39: memref<40xi32, #tpu.memory_space<vmem>>, %arg40: memref<40xi32, #tpu.memory_space<vmem>>, %arg41: memref<40xi32, #tpu.memory_space<vmem>>, %arg42: memref<40xi32, #tpu.memory_space<vmem>>, %arg43: memref<40xi32, #tpu.memory_space<vmem>>, %arg44: memref<40xi32, #tpu.memory_space<vmem>>, %arg45: memref<40xi32, #tpu.memory_space<vmem>>, %arg46: memref<40xi32, #tpu.memory_space<vmem>>, %arg47: memref<40xi32, #tpu.memory_space<vmem>>, %arg48: memref<40xi32, #tpu.memory_space<vmem>>, %arg49: memref<40xi32, #tpu.memory_space<vmem>>, %arg50: memref<!tpu.dma_semaphore, #tpu.memory_space<semaphore_mem>>, %arg51: memref<!tpu.dma_semaphore, #tpu.memory_space<semaphore_mem>>, %arg52: memref<!tpu.dma_semaphore, #tpu.memory_space<semaphore_mem>>, %arg53: memref<!tpu.dma_semaphore, #tpu.memory_space<semaphore_mem>>, %arg54: memref<!tpu.dma_semaphore, #tpu.memory_space<semaphore_mem>>) attributes {dimension_semantics = [#tpu.dimension_semantics<core_parallel>, #tpu.dimension_semantics<subcore_parallel>], iteration_bounds = array<i64: 2, 16>, scalar_prefetch = 0 : i64, scratch_operands = 34 : i64, tpu.core_type = #tpu.core_type<sc_vector_subcore>, window_params = [{transform_indices = #map}, {transform_indices = #map}, {transform_indices = #map1}, {transform_indices = #map}, {transform_indices = #map}, {transform_indices = #map1}, {transform_indices = #map}, {transform_indices = #map}, {transform_indices = #map}, {transform_indices = #map}, {transform_indices = #map1}, {transform_indices = #map1}, {transform_indices = #map1}, {transform_indices = #map2}, {transform_indices = #map2}, {transform_indices = #map2}, {transform_indices = #map2}, {transform_indices = #map2}, {transform_indices = #map2}]} {
    %mul3A = arith.constant 16 : i32
    %mul3A_0 = arith.muli %arg0, %mul3A : i32
    %add3A = arith.addi %mul3A_0, %arg1 : i32
    %scan3A = arith.constant 0 : i32
    %scan3A_1 = arith.constant 0 : i32
    %scan3A_2 = arith.constant 40 : i32
    %scan3A_3 = arith.addi %scan3A_1, %scan3A_2 : i32
    %scan3A_4 = arith.constant 1 : i32
    %scan3A_5 = scf.for %scan3A_215 = %scan3A_1 to %scan3A_3 step %scan3A_4 iter_args(%scan3A_216 = %scan3A) -> (i32)  : i32 {
      %broadcast_in_dim3A = arith.constant 1.000000e+00 : f32
      %broadcast_in_dim3A_217 = vector.broadcast %broadcast_in_dim3A : f32 to vector<16xf32>
      %swap3A = arith.index_cast %scan3A_215 : i32 to index
      %swap3A_218 = arith.constant 0 : index
      %swap3A_219 = tpu.vector_load %arg22[%swap3A, %swap3A_218] {strides = array<i32>} : memref<40x128xf32, #tpu.memory_space<vmem>>, vector<16xf32>,
      tpu.vector_store %arg22[%swap3A, %swap3A_218], %broadcast_in_dim3A_217 {strides = array<i32>} : memref<40x128xf32, #tpu.memory_space<vmem>>, vector<16xf32>,
      %broadcast_in_dim3A_220 = arith.constant 1.000000e+00 : f32
      %broadcast_in_dim3A_221 = vector.broadcast %broadcast_in_dim3A_220 : f32 to vector<16xf32>
      %swap3A_222 = arith.index_cast %scan3A_215 : i32 to index
      %swap3A_223 = arith.constant 16 : index
      %swap3A_224 = tpu.vector_load %arg22[%swap3A_222, %swap3A_223] {strides = array<i32>} : memref<40x128xf32, #tpu.memory_space<vmem>>, vector<16xf32>,
      tpu.vector_store %arg22[%swap3A_222, %swap3A_223], %broadcast_in_dim3A_221 {strides = array<i32>} : memref<40x128xf32, #tpu.memory_space<vmem>>, vector<16xf32>,
      %broadcast_in_dim3A_225 = arith.constant 1.000000e+00 : f32
      %broadcast_in_dim3A_226 = vector.broadcast %broadcast_in_dim3A_225 : f32 to vector<16xf32>
      %swap3A_227 = arith.index_cast %scan3A_215 : i32 to index
      %swap3A_228 = arith.constant 32 : index
      %swap3A_229 = tpu.vector_load %arg22[%swap3A_227, %swap3A_228] {strides = array<i32>} : memref<40x128xf32, #tpu.memory_space<vmem>>, vector<16xf32>,
      tpu.vector_store %arg22[%swap3A_227, %swap3A_228], %broadcast_in_dim3A_226 {strides = array<i32>} : memref<40x128xf32, #tpu.memory_space<vmem>>, vector<16xf32>,
      %broadcast_in_dim3A_230 = arith.constant 1.000000e+00 : f32
      %broadcast_in_dim3A_231 = vector.broadcast %broadcast_in_dim3A_230 : f32 to vector<16xf32>
      %swap3A_232 = arith.index_cast %scan3A_215 : i32 to index
      %swap3A_233 = arith.constant 48 : index
      %swap3A_234 = tpu.vector_load %arg22[%swap3A_232, %swap3A_233] {strides = array<i32>} : memref<40x128xf32, #tpu.memory_space<vmem>>, vector<16xf32>,
      tpu.vector_store %arg22[%swap3A_232, %swap3A_233], %broadcast_in_dim3A_231 {strides = array<i32>} : memref<40x128xf32, #tpu.memory_space<vmem>>, vector<16xf32>,
      %broadcast_in_dim3A_235 = arith.constant 1.000000e+00 : f32
      %broadcast_in_dim3A_236 = vector.broadcast %broadcast_in_dim3A_235 : f32 to vector<16xf32>
      %swap3A_237 = arith.index_cast %scan3A_215 : i32 to index
      %swap3A_238 = arith.constant 64 : index
      %swap3A_239 = tpu.vector_load %arg22[%swap3A_237, %swap3A_238] {strides = array<i32>} : memref<40x128xf32, #tpu.memory_space<vmem>>, vector<16xf32>,
      tpu.vector_store %arg22[%swap3A_237, %swap3A_238], %broadcast_in_dim3A_236 {strides = array<i32>} : memref<40x128xf32, #tpu.memory_space<vmem>>, vector<16xf32>,
      %broadcast_in_dim3A_240 = arith.constant 1.000000e+00 : f32
      %broadcast_in_dim3A_241 = vector.broadcast %broadcast_in_dim3A_240 : f32 to vector<16xf32>
      %swap3A_242 = arith.index_cast %scan3A_215 : i32 to index
      %swap3A_243 = arith.constant 80 : index
      %swap3A_244 = tpu.vector_load %arg22[%swap3A_242, %swap3A_243] {strides = array<i32>} : memref<40x128xf32, #tpu.memory_space<vmem>>, vector<16xf32>,
      tpu.vector_store %arg22[%swap3A_242, %swap3A_243], %broadcast_in_dim3A_241 {strides = array<i32>} : memref<40x128xf32, #tpu.memory_space<vmem>>, vector<16xf32>,
      %broadcast_in_dim3A_245 = arith.constant 1.000000e+00 : f32
      %broadcast_in_dim3A_246 = vector.broadcast %broadcast_in_dim3A_245 : f32 to vector<16xf32>
      %swap3A_247 = arith.index_cast %scan3A_215 : i32 to index
      %swap3A_248 = arith.constant 96 : index
      %swap3A_249 = tpu.vector_load %arg22[%swap3A_247, %swap3A_248] {strides = array<i32>} : memref<40x128xf32, #tpu.memory_space<vmem>>, vector<16xf32>,
      tpu.vector_store %arg22[%swap3A_247, %swap3A_248], %broadcast_in_dim3A_246 {strides = array<i32>} : memref<40x128xf32, #tpu.memory_space<vmem>>, vector<16xf32>,
      %broadcast_in_dim3A_250 = arith.constant 1.000000e+00 : f32
      %broadcast_in_dim3A_251 = vector.broadcast %broadcast_in_dim3A_250 : f32 to vector<16xf32>
      %swap3A_252 = arith.index_cast %scan3A_215 : i32 to index
      %swap3A_253 = arith.constant 112 : index
      %swap3A_254 = tpu.vector_load %arg22[%swap3A_252, %swap3A_253] {strides = array<i32>} : memref<40x128xf32, #tpu.memory_space<vmem>>, vector<16xf32>,
      tpu.vector_store %arg22[%swap3A_252, %swap3A_253], %broadcast_in_dim3A_251 {strides = array<i32>} : memref<40x128xf32, #tpu.memory_space<vmem>>, vector<16xf32>,
      %scan3A_255 = arith.constant 0 : i32
      scf.yield %scan3A_255 : i32
    }
    %scan3A_6 = arith.constant 40 : i32
    "tpu.region"() ({
      %run_scoped3A = tpu.sem_alloc : memref<!tpu.dma_semaphore, #tpu.memory_space<semaphore_mem>>
      %dma_start3A = arith.constant 0 : i32
      %dma_start3A_215 = arith.constant 0 : i32
      %dma_start3A_216 = tpu.memref_slice %arg14[%dma_start3A, %dma_start3A_215] : memref<80x128xf32, #tpu.memory_space<hbm>> -> memref<80x128xf32, #tpu.memory_space<hbm>>
      %dma_start3A_217 = arith.constant 0 : i32
      %dma_start3A_218 = arith.constant 0 : i32
      %dma_start3A_219 = tpu.memref_slice %arg14[%dma_start3A_217, %dma_start3A_218] : memref<80x128xf32, #tpu.memory_space<hbm>> -> memref<80x128xf32, #tpu.memory_space<hbm>>
      tpu.enqueue_dma source(%dma_start3A_219 : memref<80x128xf32, #tpu.memory_space<hbm>>) target(%arg23 : memref<80x128xf32, #tpu.memory_space<vmem>>) target_semaphore(%run_scoped3A : memref<!tpu.dma_semaphore, #tpu.memory_space<semaphore_mem>>)
      %dma_wait3A = arith.constant 0 : i32
      %dma_wait3A_220 = arith.constant 0 : i32
      %dma_wait3A_221 = tpu.memref_slice %arg14[%dma_wait3A, %dma_wait3A_220] : memref<80x128xf32, #tpu.memory_space<hbm>> -> memref<80x128xf32, #tpu.memory_space<hbm>>
      %dma_wait3A_222 = arith.constant 0 : i32
      %dma_wait3A_223 = arith.constant 0 : i32
      %dma_wait3A_224 = tpu.memref_slice %arg14[%dma_wait3A_222, %dma_wait3A_223] : memref<80x128xf32, #tpu.memory_space<hbm>> -> memref<80x128xf32, #tpu.memory_space<hbm>>
      tpu.wait_dma2 semaphore(%run_scoped3A : memref<!tpu.dma_semaphore, #tpu.memory_space<semaphore_mem>>) src(%dma_wait3A_224 : memref<80x128xf32, #tpu.memory_space<hbm>>) dst(%arg23 : memref<80x128xf32, #tpu.memory_space<vmem>>)
      tpu.yield
    }) : () -> ()
    %mul3A_7 = arith.constant 626 : i32
    %mul3A_8 = arith.muli %arg1, %mul3A_7 : i32
    %add3A_9 = arith.constant 0 : i32
    %add3A_10 = arith.addi %mul3A_8, %add3A_9 : i32
    "tpu.region"() ({
      %run_scoped3A = tpu.sem_alloc : memref<!tpu.dma_semaphore, #tpu.memory_space<semaphore_mem>>
      %dma_start3A = arith.constant 0 : i32
      %dma_start3A_215 = tpu.memref_slice %arg21[%add3A_10, %dma_start3A] : memref<10016x128xf32, #tpu.memory_space<vmem_shared>> -> memref<80x128xf32, #tpu.memory_space<vmem_shared>>
      %dma_start3A_216 = arith.constant 0 : i32
      %dma_start3A_217 = tpu.memref_slice %arg21[%add3A_10, %dma_start3A_216] : memref<10016x128xf32, #tpu.memory_space<vmem_shared>> -> memref<80x128xf32, #tpu.memory_space<vmem_shared>>
      tpu.enqueue_dma source(%arg23 : memref<80x128xf32, #tpu.memory_space<vmem>>) target(%dma_start3A_217 : memref<80x128xf32, #tpu.memory_space<vmem_shared>>) target_semaphore(%run_scoped3A : memref<!tpu.dma_semaphore, #tpu.memory_space<semaphore_mem>>)
      %dma_wait3A = arith.constant 0 : i32
      %dma_wait3A_218 = tpu.memref_slice %arg21[%add3A_10, %dma_wait3A] : memref<10016x128xf32, #tpu.memory_space<vmem_shared>> -> memref<80x128xf32, #tpu.memory_space<vmem_shared>>
      %dma_wait3A_219 = arith.constant 0 : i32
      %dma_wait3A_220 = tpu.memref_slice %arg21[%add3A_10, %dma_wait3A_219] : memref<10016x128xf32, #tpu.memory_space<vmem_shared>> -> memref<80x128xf32, #tpu.memory_space<vmem_shared>>
      tpu.wait_dma2 semaphore(%run_scoped3A : memref<!tpu.dma_semaphore, #tpu.memory_space<semaphore_mem>>) src(%arg23 : memref<80x128xf32, #tpu.memory_space<vmem>>) dst(%dma_wait3A_220 : memref<80x128xf32, #tpu.memory_space<vmem_shared>>)
      tpu.yield
    }) : () -> ()
    %mul3A_11 = arith.constant 626 : i32
    %mul3A_12 = arith.muli %arg1, %mul3A_11 : i32
    %add3A_13 = arith.constant 80 : i32
    %add3A_14 = arith.addi %mul3A_12, %add3A_13 : i32
    "tpu.region"() ({
      %run_scoped3A = tpu.sem_alloc : memref<!tpu.dma_semaphore, #tpu.memory_space<semaphore_mem>>
      %dma_start3A = arith.constant 0 : i32
      %dma_start3A_215 = tpu.memref_slice %arg21[%add3A_14, %dma_start3A] : memref<10016x128xf32, #tpu.memory_space<vmem_shared>> -> memref<80x128xf32, #tpu.memory_space<vmem_shared>>
      %dma_start3A_216 = arith.constant 0 : i32
      %dma_start3A_217 = tpu.memref_slice %arg21[%add3A_14, %dma_start3A_216] : memref<10016x128xf32, #tpu.memory_space<vmem_shared>> -> memref<80x128xf32, #tpu.memory_space<vmem_shared>>
      tpu.enqueue_dma source(%arg23 : memref<80x128xf32, #tpu.memory_space<vmem>>) target(%dma_start3A_217 : memref<80x128xf32, #tpu.memory_space<vmem_shared>>) target_semaphore(%run_scoped3A : memref<!tpu.dma_semaphore, #tpu.memory_space<semaphore_mem>>)
      %dma_wait3A = arith.constant 0 : i32
      %dma_wait3A_218 = tpu.memref_slice %arg21[%add3A_14, %dma_wait3A] : memref<10016x128xf32, #tpu.memory_space<vmem_shared>> -> memref<80x128xf32, #tpu.memory_space<vmem_shared>>
      %dma_wait3A_219 = arith.constant 0 : i32
      %dma_wait3A_220 = tpu.memref_slice %arg21[%add3A_14, %dma_wait3A_219] : memref<10016x128xf32, #tpu.memory_space<vmem_shared>> -> memref<80x128xf32, #tpu.memory_space<vmem_shared>>
      tpu.wait_dma2 semaphore(%run_scoped3A : memref<!tpu.dma_semaphore, #tpu.memory_space<semaphore_mem>>) src(%arg23 : memref<80x128xf32, #tpu.memory_space<vmem>>) dst(%dma_wait3A_220 : memref<80x128xf32, #tpu.memory_space<vmem_shared>>)
      tpu.yield
    }) : () -> ()
    %mul3A_15 = arith.constant 626 : i32
    %mul3A_16 = arith.muli %arg1, %mul3A_15 : i32
    %add3A_17 = arith.constant 160 : i32
    %add3A_18 = arith.addi %mul3A_16, %add3A_17 : i32
    "tpu.region"() ({
      %run_scoped3A = tpu.sem_alloc : memref<!tpu.dma_semaphore, #tpu.memory_space<semaphore_mem>>
      %dma_start3A = arith.constant 0 : i32
      %dma_start3A_215 = tpu.memref_slice %arg21[%add3A_18, %dma_start3A] : memref<10016x128xf32, #tpu.memory_space<vmem_shared>> -> memref<80x128xf32, #tpu.memory_space<vmem_shared>>
      %dma_start3A_216 = arith.constant 0 : i32
      %dma_start3A_217 = tpu.memref_slice %arg21[%add3A_18, %dma_start3A_216] : memref<10016x128xf32, #tpu.memory_space<vmem_shared>> -> memref<80x128xf32, #tpu.memory_space<vmem_shared>>
      tpu.enqueue_dma source(%arg23 : memref<80x128xf32, #tpu.memory_space<vmem>>) target(%dma_start3A_217 : memref<80x128xf32, #tpu.memory_space<vmem_shared>>) target_semaphore(%run_scoped3A : memref<!tpu.dma_semaphore, #tpu.memory_space<semaphore_mem>>)
      %dma_wait3A = arith.constant 0 : i32
      %dma_wait3A_218 = tpu.memref_slice %arg21[%add3A_18, %dma_wait3A] : memref<10016x128xf32, #tpu.memory_space<vmem_shared>> -> memref<80x128xf32, #tpu.memory_space<vmem_shared>>
      %dma_wait3A_219 = arith.constant 0 : i32
      %dma_wait3A_220 = tpu.memref_slice %arg21[%add3A_18, %dma_wait3A_219] : memref<10016x128xf32, #tpu.memory_space<vmem_shared>> -> memref<80x128xf32, #tpu.memory_space<vmem_shared>>
      tpu.wait_dma2 semaphore(%run_scoped3A : memref<!tpu.dma_semaphore, #tpu.memory_space<semaphore_mem>>) src(%arg23 : memref<80x128xf32, #tpu.memory_space<vmem>>) dst(%dma_wait3A_220 : memref<80x128xf32, #tpu.memory_space<vmem_shared>>)
      tpu.yield
    }) : () -> ()
    %mul3A_19 = arith.constant 626 : i32
    %mul3A_20 = arith.muli %arg1, %mul3A_19 : i32
    %add3A_21 = arith.constant 240 : i32
    %add3A_22 = arith.addi %mul3A_20, %add3A_21 : i32
    "tpu.region"() ({
      %run_scoped3A = tpu.sem_alloc : memref<!tpu.dma_semaphore, #tpu.memory_space<semaphore_mem>>
      %dma_start3A = arith.constant 0 : i32
      %dma_start3A_215 = tpu.memref_slice %arg21[%add3A_22, %dma_start3A] : memref<10016x128xf32, #tpu.memory_space<vmem_shared>> -> memref<80x128xf32, #tpu.memory_space<vmem_shared>>
      %dma_start3A_216 = arith.constant 0 : i32
      %dma_start3A_217 = tpu.memref_slice %arg21[%add3A_22, %dma_start3A_216] : memref<10016x128xf32, #tpu.memory_space<vmem_shared>> -> memref<80x128xf32, #tpu.memory_space<vmem_shared>>
      tpu.enqueue_dma source(%arg23 : memref<80x128xf32, #tpu.memory_space<vmem>>) target(%dma_start3A_217 : memref<80x128xf32, #tpu.memory_space<vmem_shared>>) target_semaphore(%run_scoped3A : memref<!tpu.dma_semaphore, #tpu.memory_space<semaphore_mem>>)
      %dma_wait3A = arith.constant 0 : i32
      %dma_wait3A_218 = tpu.memref_slice %arg21[%add3A_22, %dma_wait3A] : memref<10016x128xf32, #tpu.memory_space<vmem_shared>> -> memref<80x128xf32, #tpu.memory_space<vmem_shared>>
      %dma_wait3A_219 = arith.constant 0 : i32
      %dma_wait3A_220 = tpu.memref_slice %arg21[%add3A_22, %dma_wait3A_219] : memref<10016x128xf32, #tpu.memory_space<vmem_shared>> -> memref<80x128xf32, #tpu.memory_space<vmem_shared>>
      tpu.wait_dma2 semaphore(%run_scoped3A : memref<!tpu.dma_semaphore, #tpu.memory_space<semaphore_mem>>) src(%arg23 : memref<80x128xf32, #tpu.memory_space<vmem>>) dst(%dma_wait3A_220 : memref<80x128xf32, #tpu.memory_space<vmem_shared>>)
      tpu.yield
    }) : () -> ()
    %mul3A_23 = arith.constant 626 : i32
    %mul3A_24 = arith.muli %arg1, %mul3A_23 : i32
    %add3A_25 = arith.constant 320 : i32
    %add3A_26 = arith.addi %mul3A_24, %add3A_25 : i32
    "tpu.region"() ({
      %run_scoped3A = tpu.sem_alloc : memref<!tpu.dma_semaphore, #tpu.memory_space<semaphore_mem>>
      %dma_start3A = arith.constant 0 : i32
      %dma_start3A_215 = tpu.memref_slice %arg21[%add3A_26, %dma_start3A] : memref<10016x128xf32, #tpu.memory_space<vmem_shared>> -> memref<80x128xf32, #tpu.memory_space<vmem_shared>>
      %dma_start3A_216 = arith.constant 0 : i32
      %dma_start3A_217 = tpu.memref_slice %arg21[%add3A_26, %dma_start3A_216] : memref<10016x128xf32, #tpu.memory_space<vmem_shared>> -> memref<80x128xf32, #tpu.memory_space<vmem_shared>>
      tpu.enqueue_dma source(%arg23 : memref<80x128xf32, #tpu.memory_space<vmem>>) target(%dma_start3A_217 : memref<80x128xf32, #tpu.memory_space<vmem_shared>>) target_semaphore(%run_scoped3A : memref<!tpu.dma_semaphore, #tpu.memory_space<semaphore_mem>>)
      %dma_wait3A = arith.constant 0 : i32
      %dma_wait3A_218 = tpu.memref_slice %arg21[%add3A_26, %dma_wait3A] : memref<10016x128xf32, #tpu.memory_space<vmem_shared>> -> memref<80x128xf32, #tpu.memory_space<vmem_shared>>
      %dma_wait3A_219 = arith.constant 0 : i32
      %dma_wait3A_220 = tpu.memref_slice %arg21[%add3A_26, %dma_wait3A_219] : memref<10016x128xf32, #tpu.memory_space<vmem_shared>> -> memref<80x128xf32, #tpu.memory_space<vmem_shared>>
      tpu.wait_dma2 semaphore(%run_scoped3A : memref<!tpu.dma_semaphore, #tpu.memory_space<semaphore_mem>>) src(%arg23 : memref<80x128xf32, #tpu.memory_space<vmem>>) dst(%dma_wait3A_220 : memref<80x128xf32, #tpu.memory_space<vmem_shared>>)
      tpu.yield
    }) : () -> ()
    %mul3A_27 = arith.constant 626 : i32
    %mul3A_28 = arith.muli %arg1, %mul3A_27 : i32
    %add3A_29 = arith.constant 400 : i32
    %add3A_30 = arith.addi %mul3A_28, %add3A_29 : i32
    "tpu.region"() ({
      %run_scoped3A = tpu.sem_alloc : memref<!tpu.dma_semaphore, #tpu.memory_space<semaphore_mem>>
      %dma_start3A = arith.constant 0 : i32
      %dma_start3A_215 = tpu.memref_slice %arg21[%add3A_30, %dma_start3A] : memref<10016x128xf32, #tpu.memory_space<vmem_shared>> -> memref<80x128xf32, #tpu.memory_space<vmem_shared>>
      %dma_start3A_216 = arith.constant 0 : i32
      %dma_start3A_217 = tpu.memref_slice %arg21[%add3A_30, %dma_start3A_216] : memref<10016x128xf32, #tpu.memory_space<vmem_shared>> -> memref<80x128xf32, #tpu.memory_space<vmem_shared>>
      tpu.enqueue_dma source(%arg23 : memref<80x128xf32, #tpu.memory_space<vmem>>) target(%dma_start3A_217 : memref<80x128xf32, #tpu.memory_space<vmem_shared>>) target_semaphore(%run_scoped3A : memref<!tpu.dma_semaphore, #tpu.memory_space<semaphore_mem>>)
      %dma_wait3A = arith.constant 0 : i32
      %dma_wait3A_218 = tpu.memref_slice %arg21[%add3A_30, %dma_wait3A] : memref<10016x128xf32, #tpu.memory_space<vmem_shared>> -> memref<80x128xf32, #tpu.memory_space<vmem_shared>>
      %dma_wait3A_219 = arith.constant 0 : i32
      %dma_wait3A_220 = tpu.memref_slice %arg21[%add3A_30, %dma_wait3A_219] : memref<10016x128xf32, #tpu.memory_space<vmem_shared>> -> memref<80x128xf32, #tpu.memory_space<vmem_shared>>
      tpu.wait_dma2 semaphore(%run_scoped3A : memref<!tpu.dma_semaphore, #tpu.memory_space<semaphore_mem>>) src(%arg23 : memref<80x128xf32, #tpu.memory_space<vmem>>) dst(%dma_wait3A_220 : memref<80x128xf32, #tpu.memory_space<vmem_shared>>)
      tpu.yield
    }) : () -> ()
    %mul3A_31 = arith.constant 626 : i32
    %mul3A_32 = arith.muli %arg1, %mul3A_31 : i32
    %add3A_33 = arith.constant 480 : i32
    %add3A_34 = arith.addi %mul3A_32, %add3A_33 : i32
    "tpu.region"() ({
      %run_scoped3A = tpu.sem_alloc : memref<!tpu.dma_semaphore, #tpu.memory_space<semaphore_mem>>
      %dma_start3A = arith.constant 0 : i32
      %dma_start3A_215 = tpu.memref_slice %arg21[%add3A_34, %dma_start3A] : memref<10016x128xf32, #tpu.memory_space<vmem_shared>> -> memref<80x128xf32, #tpu.memory_space<vmem_shared>>
      %dma_start3A_216 = arith.constant 0 : i32
      %dma_start3A_217 = tpu.memref_slice %arg21[%add3A_34, %dma_start3A_216] : memref<10016x128xf32, #tpu.memory_space<vmem_shared>> -> memref<80x128xf32, #tpu.memory_space<vmem_shared>>
      tpu.enqueue_dma source(%arg23 : memref<80x128xf32, #tpu.memory_space<vmem>>) target(%dma_start3A_217 : memref<80x128xf32, #tpu.memory_space<vmem_shared>>) target_semaphore(%run_scoped3A : memref<!tpu.dma_semaphore, #tpu.memory_space<semaphore_mem>>)
      %dma_wait3A = arith.constant 0 : i32
      %dma_wait3A_218 = tpu.memref_slice %arg21[%add3A_34, %dma_wait3A] : memref<10016x128xf32, #tpu.memory_space<vmem_shared>> -> memref<80x128xf32, #tpu.memory_space<vmem_shared>>
      %dma_wait3A_219 = arith.constant 0 : i32
      %dma_wait3A_220 = tpu.memref_slice %arg21[%add3A_34, %dma_wait3A_219] : memref<10016x128xf32, #tpu.memory_space<vmem_shared>> -> memref<80x128xf32, #tpu.memory_space<vmem_shared>>
      tpu.wait_dma2 semaphore(%run_scoped3A : memref<!tpu.dma_semaphore, #tpu.memory_space<semaphore_mem>>) src(%arg23 : memref<80x128xf32, #tpu.memory_space<vmem>>) dst(%dma_wait3A_220 : memref<80x128xf32, #tpu.memory_space<vmem_shared>>)
      tpu.yield
    }) : () -> ()
    %mul3A_35 = arith.constant 626 : i32
    %mul3A_36 = arith.muli %arg1, %mul3A_35 : i32
    %add3A_37 = arith.constant 560 : i32
    %add3A_38 = arith.addi %mul3A_36, %add3A_37 : i32
    "tpu.region"() ({
      %run_scoped3A = tpu.sem_alloc : memref<!tpu.dma_semaphore, #tpu.memory_space<semaphore_mem>>
      %dma_start3A = arith.constant 0 : i32
      %dma_start3A_215 = arith.constant 0 : i32
      %dma_start3A_216 = tpu.memref_slice %arg23[%dma_start3A, %dma_start3A_215] : memref<80x128xf32, #tpu.memory_space<vmem>> -> memref<66x128xf32, #tpu.memory_space<vmem>>
      %dma_start3A_217 = arith.constant 0 : i32
      %dma_start3A_218 = tpu.memref_slice %arg21[%add3A_38, %dma_start3A_217] : memref<10016x128xf32, #tpu.memory_space<vmem_shared>> -> memref<66x128xf32, #tpu.memory_space<vmem_shared>>
      %dma_start3A_219 = arith.constant 0 : i32
      %dma_start3A_220 = tpu.memref_slice %arg21[%add3A_38, %dma_start3A_219] : memref<10016x128xf32, #tpu.memory_space<vmem_shared>> -> memref<66x128xf32, #tpu.memory_space<vmem_shared>>
      %dma_start3A_221 = arith.constant 0 : i32
      %dma_start3A_222 = arith.constant 0 : i32
      %dma_start3A_223 = tpu.memref_slice %arg23[%dma_start3A_221, %dma_start3A_222] : memref<80x128xf32, #tpu.memory_space<vmem>> -> memref<66x128xf32, #tpu.memory_space<vmem>>
      tpu.enqueue_dma source(%dma_start3A_223 : memref<66x128xf32, #tpu.memory_space<vmem>>) target(%dma_start3A_220 : memref<66x128xf32, #tpu.memory_space<vmem_shared>>) target_semaphore(%run_scoped3A : memref<!tpu.dma_semaphore, #tpu.memory_space<semaphore_mem>>)
      %dma_wait3A = arith.constant 0 : i32
      %dma_wait3A_224 = arith.constant 0 : i32
      %dma_wait3A_225 = tpu.memref_slice %arg23[%dma_wait3A, %dma_wait3A_224] : memref<80x128xf32, #tpu.memory_space<vmem>> -> memref<66x128xf32, #tpu.memory_space<vmem>>
      %dma_wait3A_226 = arith.constant 0 : i32
      %dma_wait3A_227 = tpu.memref_slice %arg21[%add3A_38, %dma_wait3A_226] : memref<10016x128xf32, #tpu.memory_space<vmem_shared>> -> memref<66x128xf32, #tpu.memory_space<vmem_shared>>
      %dma_wait3A_228 = arith.constant 0 : i32
      %dma_wait3A_229 = tpu.memref_slice %arg21[%add3A_38, %dma_wait3A_228] : memref<10016x128xf32, #tpu.memory_space<vmem_shared>> -> memref<66x128xf32, #tpu.memory_space<vmem_shared>>
      %dma_wait3A_230 = arith.constant 0 : i32
      %dma_wait3A_231 = arith.constant 0 : i32
      %dma_wait3A_232 = tpu.memref_slice %arg23[%dma_wait3A_230, %dma_wait3A_231] : memref<80x128xf32, #tpu.memory_space<vmem>> -> memref<66x128xf32, #tpu.memory_space<vmem>>
      tpu.wait_dma2 semaphore(%run_scoped3A : memref<!tpu.dma_semaphore, #tpu.memory_space<semaphore_mem>>) src(%dma_wait3A_232 : memref<66x128xf32, #tpu.memory_space<vmem>>) dst(%dma_wait3A_229 : memref<66x128xf32, #tpu.memory_space<vmem_shared>>)
      tpu.yield
    }) : () -> ()
    %barrier3A = arith.constant 0 : index
    tpu.barrier barrier_id(%barrier3A)
    %mul3A_39 = arith.constant 10000 : i32
    %mul3A_40 = arith.muli %add3A, %mul3A_39 : i32
    %scan3A_41 = arith.constant 0 : i32
    %scan3A_42 = arith.constant 0 : i32
    %scan3A_43 = arith.constant 25 : i32
    %scan3A_44 = arith.addi %scan3A_42, %scan3A_43 : i32
    %scan3A_45 = arith.constant 1 : i32
    %scan3A_46 = scf.for %scan3A_215 = %scan3A_42 to %scan3A_44 step %scan3A_45 iter_args(%scan3A_216 = %scan3A_41) -> (i32)  : i32 {
      %mul3A_217 = arith.constant 400 : i32
      %mul3A_218 = arith.muli %scan3A_215, %mul3A_217 : i32
      %add3A_219 = arith.addi %mul3A_40, %mul3A_218 : i32
      %multiple_of3A = tpu.assume_multiple %add3A_219, 8 : i32
      %add3A_220 = arith.constant 0 : i32
      %add3A_221 = arith.addi %multiple_of3A, %add3A_220 : i32
      %multiple_of3A_222 = tpu.assume_multiple %add3A_221, 8 : i32
      %dma_start3A = tpu.memref_slice %arg2[%multiple_of3A_222] : memref<320000xi32, #tpu.memory_space<hbm>> -> memref<80xi32, #tpu.memory_space<hbm>>
      %dma_start3A_223 = tpu.memref_slice %arg2[%multiple_of3A_222] : memref<320000xi32, #tpu.memory_space<hbm>> -> memref<80xi32, #tpu.memory_space<hbm>>
      tpu.enqueue_dma source(%dma_start3A_223 : memref<80xi32, #tpu.memory_space<hbm>>) target(%arg27 : memref<80xi32, #tpu.memory_space<vmem>>) target_semaphore(%arg54 : memref<!tpu.dma_semaphore, #tpu.memory_space<semaphore_mem>>)
      %dma_start3A_224 = tpu.memref_slice %arg3[%multiple_of3A_222] : memref<320000xi32, #tpu.memory_space<hbm>> -> memref<80xi32, #tpu.memory_space<hbm>>
      %dma_start3A_225 = tpu.memref_slice %arg3[%multiple_of3A_222] : memref<320000xi32, #tpu.memory_space<hbm>> -> memref<80xi32, #tpu.memory_space<hbm>>
      tpu.enqueue_dma source(%dma_start3A_225 : memref<80xi32, #tpu.memory_space<hbm>>) target(%arg32 : memref<80xi32, #tpu.memory_space<vmem>>) target_semaphore(%arg54 : memref<!tpu.dma_semaphore, #tpu.memory_space<semaphore_mem>>)
      %add3A_226 = arith.constant 80 : i32
      %add3A_227 = arith.addi %multiple_of3A, %add3A_226 : i32
      %multiple_of3A_228 = tpu.assume_multiple %add3A_227, 8 : i32
      %dma_start3A_229 = tpu.memref_slice %arg2[%multiple_of3A_228] : memref<320000xi32, #tpu.memory_space<hbm>> -> memref<80xi32, #tpu.memory_space<hbm>>
      %dma_start3A_230 = tpu.memref_slice %arg2[%multiple_of3A_228] : memref<320000xi32, #tpu.memory_space<hbm>> -> memref<80xi32, #tpu.memory_space<hbm>>
      tpu.enqueue_dma source(%dma_start3A_230 : memref<80xi32, #tpu.memory_space<hbm>>) target(%arg28 : memref<80xi32, #tpu.memory_space<vmem>>) target_semaphore(%arg54 : memref<!tpu.dma_semaphore, #tpu.memory_space<semaphore_mem>>)
      %dma_start3A_231 = tpu.memref_slice %arg3[%multiple_of3A_228] : memref<320000xi32, #tpu.memory_space<hbm>> -> memref<80xi32, #tpu.memory_space<hbm>>
      %dma_start3A_232 = tpu.memref_slice %arg3[%multiple_of3A_228] : memref<320000xi32, #tpu.memory_space<hbm>> -> memref<80xi32, #tpu.memory_space<hbm>>
      tpu.enqueue_dma source(%dma_start3A_232 : memref<80xi32, #tpu.memory_space<hbm>>) target(%arg33 : memref<80xi32, #tpu.memory_space<vmem>>) target_semaphore(%arg54 : memref<!tpu.dma_semaphore, #tpu.memory_space<semaphore_mem>>)
      %add3A_233 = arith.constant 160 : i32
      %add3A_234 = arith.addi %multiple_of3A, %add3A_233 : i32
      %multiple_of3A_235 = tpu.assume_multiple %add3A_234, 8 : i32
      %dma_start3A_236 = tpu.memref_slice %arg2[%multiple_of3A_235] : memref<320000xi32, #tpu.memory_space<hbm>> -> memref<80xi32, #tpu.memory_space<hbm>>
      %dma_start3A_237 = tpu.memref_slice %arg2[%multiple_of3A_235] : memref<320000xi32, #tpu.memory_space<hbm>> -> memref<80xi32, #tpu.memory_space<hbm>>
      tpu.enqueue_dma source(%dma_start3A_237 : memref<80xi32, #tpu.memory_space<hbm>>) target(%arg29 : memref<80xi32, #tpu.memory_space<vmem>>) target_semaphore(%arg54 : memref<!tpu.dma_semaphore, #tpu.memory_space<semaphore_mem>>)
      %dma_start3A_238 = tpu.memref_slice %arg3[%multiple_of3A_235] : memref<320000xi32, #tpu.memory_space<hbm>> -> memref<80xi32, #tpu.memory_space<hbm>>
      %dma_start3A_239 = tpu.memref_slice %arg3[%multiple_of3A_235] : memref<320000xi32, #tpu.memory_space<hbm>> -> memref<80xi32, #tpu.memory_space<hbm>>
      tpu.enqueue_dma source(%dma_start3A_239 : memref<80xi32, #tpu.memory_space<hbm>>) target(%arg34 : memref<80xi32, #tpu.memory_space<vmem>>) target_semaphore(%arg54 : memref<!tpu.dma_semaphore, #tpu.memory_space<semaphore_mem>>)
      %add3A_240 = arith.constant 240 : i32
      %add3A_241 = arith.addi %multiple_of3A, %add3A_240 : i32
      %multiple_of3A_242 = tpu.assume_multiple %add3A_241, 8 : i32
      %dma_start3A_243 = tpu.memref_slice %arg2[%multiple_of3A_242] : memref<320000xi32, #tpu.memory_space<hbm>> -> memref<80xi32, #tpu.memory_space<hbm>>
      %dma_start3A_244 = tpu.memref_slice %arg2[%multiple_of3A_242] : memref<320000xi32, #tpu.memory_space<hbm>> -> memref<80xi32, #tpu.memory_space<hbm>>
      tpu.enqueue_dma source(%dma_start3A_244 : memref<80xi32, #tpu.memory_space<hbm>>) target(%arg30 : memref<80xi32, #tpu.memory_space<vmem>>) target_semaphore(%arg54 : memref<!tpu.dma_semaphore, #tpu.memory_space<semaphore_mem>>)
      %dma_start3A_245 = tpu.memref_slice %arg3[%multiple_of3A_242] : memref<320000xi32, #tpu.memory_space<hbm>> -> memref<80xi32, #tpu.memory_space<hbm>>
      %dma_start3A_246 = tpu.memref_slice %arg3[%multiple_of3A_242] : memref<320000xi32, #tpu.memory_space<hbm>> -> memref<80xi32, #tpu.memory_space<hbm>>
      tpu.enqueue_dma source(%dma_start3A_246 : memref<80xi32, #tpu.memory_space<hbm>>) target(%arg35 : memref<80xi32, #tpu.memory_space<vmem>>) target_semaphore(%arg54 : memref<!tpu.dma_semaphore, #tpu.memory_space<semaphore_mem>>)
      %add3A_247 = arith.constant 320 : i32
      %add3A_248 = arith.addi %multiple_of3A, %add3A_247 : i32
      %multiple_of3A_249 = tpu.assume_multiple %add3A_248, 8 : i32
      %dma_start3A_250 = tpu.memref_slice %arg2[%multiple_of3A_249] : memref<320000xi32, #tpu.memory_space<hbm>> -> memref<80xi32, #tpu.memory_space<hbm>>
      %dma_start3A_251 = tpu.memref_slice %arg2[%multiple_of3A_249] : memref<320000xi32, #tpu.memory_space<hbm>> -> memref<80xi32, #tpu.memory_space<hbm>>
      tpu.enqueue_dma source(%dma_start3A_251 : memref<80xi32, #tpu.memory_space<hbm>>) target(%arg31 : memref<80xi32, #tpu.memory_space<vmem>>) target_semaphore(%arg54 : memref<!tpu.dma_semaphore, #tpu.memory_space<semaphore_mem>>)
      %dma_start3A_252 = tpu.memref_slice %arg3[%multiple_of3A_249] : memref<320000xi32, #tpu.memory_space<hbm>> -> memref<80xi32, #tpu.memory_space<hbm>>
      %dma_start3A_253 = tpu.memref_slice %arg3[%multiple_of3A_249] : memref<320000xi32, #tpu.memory_space<hbm>> -> memref<80xi32, #tpu.memory_space<hbm>>
      tpu.enqueue_dma source(%dma_start3A_253 : memref<80xi32, #tpu.memory_space<hbm>>) target(%arg36 : memref<80xi32, #tpu.memory_space<vmem>>) target_semaphore(%arg54 : memref<!tpu.dma_semaphore, #tpu.memory_space<semaphore_mem>>)
      %dma_wait3A = tpu.memref_slice %arg2[%multiple_of3A_222] : memref<320000xi32, #tpu.memory_space<hbm>> -> memref<80xi32, #tpu.memory_space<hbm>>
      %dma_wait3A_254 = tpu.memref_slice %arg2[%multiple_of3A_222] : memref<320000xi32, #tpu.memory_space<hbm>> -> memref<80xi32, #tpu.memory_space<hbm>>
      tpu.wait_dma2 semaphore(%arg54 : memref<!tpu.dma_semaphore, #tpu.memory_space<semaphore_mem>>) src(%dma_wait3A_254 : memref<80xi32, #tpu.memory_space<hbm>>) dst(%arg27 : memref<80xi32, #tpu.memory_space<vmem>>)
      %dma_wait3A_255 = tpu.memref_slice %arg3[%multiple_of3A_222] : memref<320000xi32, #tpu.memory_space<hbm>> -> memref<80xi32, #tpu.memory_space<hbm>>
      %dma_wait3A_256 = tpu.memref_slice %arg3[%multiple_of3A_222] : memref<320000xi32, #tpu.memory_space<hbm>> -> memref<80xi32, #tpu.memory_space<hbm>>
      tpu.wait_dma2 semaphore(%arg54 : memref<!tpu.dma_semaphore, #tpu.memory_space<semaphore_mem>>) src(%dma_wait3A_256 : memref<80xi32, #tpu.memory_space<hbm>>) dst(%arg32 : memref<80xi32, #tpu.memory_space<vmem>>)
      %dma_wait3A_257 = tpu.memref_slice %arg2[%multiple_of3A_228] : memref<320000xi32, #tpu.memory_space<hbm>> -> memref<80xi32, #tpu.memory_space<hbm>>
      %dma_wait3A_258 = tpu.memref_slice %arg2[%multiple_of3A_228] : memref<320000xi32, #tpu.memory_space<hbm>> -> memref<80xi32, #tpu.memory_space<hbm>>
      tpu.wait_dma2 semaphore(%arg54 : memref<!tpu.dma_semaphore, #tpu.memory_space<semaphore_mem>>) src(%dma_wait3A_258 : memref<80xi32, #tpu.memory_space<hbm>>) dst(%arg28 : memref<80xi32, #tpu.memory_space<vmem>>)
      %dma_wait3A_259 = tpu.memref_slice %arg3[%multiple_of3A_228] : memref<320000xi32, #tpu.memory_space<hbm>> -> memref<80xi32, #tpu.memory_space<hbm>>
      %dma_wait3A_260 = tpu.memref_slice %arg3[%multiple_of3A_228] : memref<320000xi32, #tpu.memory_space<hbm>> -> memref<80xi32, #tpu.memory_space<hbm>>
      tpu.wait_dma2 semaphore(%arg54 : memref<!tpu.dma_semaphore, #tpu.memory_space<semaphore_mem>>) src(%dma_wait3A_260 : memref<80xi32, #tpu.memory_space<hbm>>) dst(%arg33 : memref<80xi32, #tpu.memory_space<vmem>>)
      %dma_wait3A_261 = tpu.memref_slice %arg2[%multiple_of3A_235] : memref<320000xi32, #tpu.memory_space<hbm>> -> memref<80xi32, #tpu.memory_space<hbm>>
      %dma_wait3A_262 = tpu.memref_slice %arg2[%multiple_of3A_235] : memref<320000xi32, #tpu.memory_space<hbm>> -> memref<80xi32, #tpu.memory_space<hbm>>
      tpu.wait_dma2 semaphore(%arg54 : memref<!tpu.dma_semaphore, #tpu.memory_space<semaphore_mem>>) src(%dma_wait3A_262 : memref<80xi32, #tpu.memory_space<hbm>>) dst(%arg29 : memref<80xi32, #tpu.memory_space<vmem>>)
      %dma_wait3A_263 = tpu.memref_slice %arg3[%multiple_of3A_235] : memref<320000xi32, #tpu.memory_space<hbm>> -> memref<80xi32, #tpu.memory_space<hbm>>
      %dma_wait3A_264 = tpu.memref_slice %arg3[%multiple_of3A_235] : memref<320000xi32, #tpu.memory_space<hbm>> -> memref<80xi32, #tpu.memory_space<hbm>>
      tpu.wait_dma2 semaphore(%arg54 : memref<!tpu.dma_semaphore, #tpu.memory_space<semaphore_mem>>) src(%dma_wait3A_264 : memref<80xi32, #tpu.memory_space<hbm>>) dst(%arg34 : memref<80xi32, #tpu.memory_space<vmem>>)
      %dma_wait3A_265 = tpu.memref_slice %arg2[%multiple_of3A_242] : memref<320000xi32, #tpu.memory_space<hbm>> -> memref<80xi32, #tpu.memory_space<hbm>>
      %dma_wait3A_266 = tpu.memref_slice %arg2[%multiple_of3A_242] : memref<320000xi32, #tpu.memory_space<hbm>> -> memref<80xi32, #tpu.memory_space<hbm>>
      tpu.wait_dma2 semaphore(%arg54 : memref<!tpu.dma_semaphore, #tpu.memory_space<semaphore_mem>>) src(%dma_wait3A_266 : memref<80xi32, #tpu.memory_space<hbm>>) dst(%arg30 : memref<80xi32, #tpu.memory_space<vmem>>)
      %dma_wait3A_267 = tpu.memref_slice %arg3[%multiple_of3A_242] : memref<320000xi32, #tpu.memory_space<hbm>> -> memref<80xi32, #tpu.memory_space<hbm>>
      %dma_wait3A_268 = tpu.memref_slice %arg3[%multiple_of3A_242] : memref<320000xi32, #tpu.memory_space<hbm>> -> memref<80xi32, #tpu.memory_space<hbm>>
      tpu.wait_dma2 semaphore(%arg54 : memref<!tpu.dma_semaphore, #tpu.memory_space<semaphore_mem>>) src(%dma_wait3A_268 : memref<80xi32, #tpu.memory_space<hbm>>) dst(%arg35 : memref<80xi32, #tpu.memory_space<vmem>>)
      %dma_wait3A_269 = tpu.memref_slice %arg2[%multiple_of3A_249] : memref<320000xi32, #tpu.memory_space<hbm>> -> memref<80xi32, #tpu.memory_space<hbm>>
      %dma_wait3A_270 = tpu.memref_slice %arg2[%multiple_of3A_249] : memref<320000xi32, #tpu.memory_space<hbm>> -> memref<80xi32, #tpu.memory_space<hbm>>
      tpu.wait_dma2 semaphore(%arg54 : memref<!tpu.dma_semaphore, #tpu.memory_space<semaphore_mem>>) src(%dma_wait3A_270 : memref<80xi32, #tpu.memory_space<hbm>>) dst(%arg31 : memref<80xi32, #tpu.memory_space<vmem>>)
      %dma_wait3A_271 = tpu.memref_slice %arg3[%multiple_of3A_249] : memref<320000xi32, #tpu.memory_space<hbm>> -> memref<80xi32, #tpu.memory_space<hbm>>
      %dma_wait3A_272 = tpu.memref_slice %arg3[%multiple_of3A_249] : memref<320000xi32, #tpu.memory_space<hbm>> -> memref<80xi32, #tpu.memory_space<hbm>>
      tpu.wait_dma2 semaphore(%arg54 : memref<!tpu.dma_semaphore, #tpu.memory_space<semaphore_mem>>) src(%dma_wait3A_272 : memref<80xi32, #tpu.memory_space<hbm>>) dst(%arg36 : memref<80xi32, #tpu.memory_space<vmem>>)
      %dma_start3A_273 = arith.constant 0 : i32
      %dma_start3A_274 = arith.constant 0 : i32
      %dma_start3A_275 = tpu.memref_slice %arg12[%dma_start3A_273, %dma_start3A_274] : memref<10000x128xf32, #tpu.memory_space<hbm>> -> memref<10000x128xf32, #tpu.memory_space<hbm>>
      tpu.enqueue_indirect_dma source(%dma_start3A_275 : memref<10000x128xf32, #tpu.memory_space<hbm>>) target(%arg23 : memref<80x128xf32, #tpu.memory_space<vmem>>) offsets(%arg27 : memref<80xi32, #tpu.memory_space<vmem>>) semaphore(%arg50 : memref<!tpu.dma_semaphore, #tpu.memory_space<semaphore_mem>>)
      %add3A_276 = arith.constant 0 : i32
      %add3A_277 = arith.addi %multiple_of3A, %add3A_276 : i32
      %dma_start3A_278 = arith.constant 0 : i32
      %dma_start3A_279 = tpu.memref_slice %arg4[%add3A_277, %dma_start3A_278] : memref<320000x128xf32, #tpu.memory_space<hbm>> -> memref<80x128xf32, #tpu.memory_space<hbm>>
      %dma_start3A_280 = arith.constant 0 : i32
      %dma_start3A_281 = tpu.memref_slice %arg4[%add3A_277, %dma_start3A_280] : memref<320000x128xf32, #tpu.memory_space<hbm>> -> memref<80x128xf32, #tpu.memory_space<hbm>>
      tpu.enqueue_dma source(%dma_start3A_281 : memref<80x128xf32, #tpu.memory_space<hbm>>) target(%arg25 : memref<80x128xf32, #tpu.memory_space<vmem>>) target_semaphore(%arg52 : memref<!tpu.dma_semaphore, #tpu.memory_space<semaphore_mem>>)
      %dma_start3A_282 = arith.constant 0 : i32
      %dma_start3A_283 = arith.constant 0 : i32
      %dma_start3A_284 = tpu.memref_slice %arg12[%dma_start3A_282, %dma_start3A_283] : memref<10000x128xf32, #tpu.memory_space<hbm>> -> memref<10000x128xf32, #tpu.memory_space<hbm>>
      tpu.enqueue_indirect_dma source(%dma_start3A_284 : memref<10000x128xf32, #tpu.memory_space<hbm>>) target(%arg24 : memref<80x128xf32, #tpu.memory_space<vmem>>) offsets(%arg28 : memref<80xi32, #tpu.memory_space<vmem>>) semaphore(%arg51 : memref<!tpu.dma_semaphore, #tpu.memory_space<semaphore_mem>>)
      %add3A_285 = arith.constant 80 : i32
      %add3A_286 = arith.addi %multiple_of3A, %add3A_285 : i32
      %dma_start3A_287 = arith.constant 0 : i32
      %dma_start3A_288 = tpu.memref_slice %arg4[%add3A_286, %dma_start3A_287] : memref<320000x128xf32, #tpu.memory_space<hbm>> -> memref<80x128xf32, #tpu.memory_space<hbm>>
      %dma_start3A_289 = arith.constant 0 : i32
      %dma_start3A_290 = tpu.memref_slice %arg4[%add3A_286, %dma_start3A_289] : memref<320000x128xf32, #tpu.memory_space<hbm>> -> memref<80x128xf32, #tpu.memory_space<hbm>>
      tpu.enqueue_dma source(%dma_start3A_290 : memref<80x128xf32, #tpu.memory_space<hbm>>) target(%arg26 : memref<80x128xf32, #tpu.memory_space<vmem>>) target_semaphore(%arg53 : memref<!tpu.dma_semaphore, #tpu.memory_space<semaphore_mem>>)
      %dma_wait3A_291 = arith.constant 0 : i32
      %dma_wait3A_292 = arith.constant 0 : i32
      %dma_wait3A_293 = tpu.memref_slice %arg12[%dma_wait3A_291, %dma_wait3A_292] : memref<10000x128xf32, #tpu.memory_space<hbm>> -> memref<10000x128xf32, #tpu.memory_space<hbm>>
      tpu.wait_indirect_dma semaphore(%arg50 : memref<!tpu.dma_semaphore, #tpu.memory_space<semaphore_mem>>) src(%dma_wait3A_293 : memref<10000x128xf32, #tpu.memory_space<hbm>>) dst(%arg23 : memref<80x128xf32, #tpu.memory_space<vmem>>)
      %dma_wait3A_294 = arith.constant 0 : i32
      %dma_wait3A_295 = tpu.memref_slice %arg4[%add3A_277, %dma_wait3A_294] : memref<320000x128xf32, #tpu.memory_space<hbm>> -> memref<80x128xf32, #tpu.memory_space<hbm>>
      %dma_wait3A_296 = arith.constant 0 : i32
      %dma_wait3A_297 = tpu.memref_slice %arg4[%add3A_277, %dma_wait3A_296] : memref<320000x128xf32, #tpu.memory_space<hbm>> -> memref<80x128xf32, #tpu.memory_space<hbm>>
      tpu.wait_dma2 semaphore(%arg52 : memref<!tpu.dma_semaphore, #tpu.memory_space<semaphore_mem>>) src(%dma_wait3A_297 : memref<80x128xf32, #tpu.memory_space<hbm>>) dst(%arg25 : memref<80x128xf32, #tpu.memory_space<vmem>>)
      %scan3A_298 = arith.constant 0 : i32
      %scan3A_299 = arith.constant 0 : i32
      %scan3A_300 = arith.constant 80 : i32
      %scan3A_301 = arith.addi %scan3A_299, %scan3A_300 : i32
      %scan3A_302 = arith.constant 1 : i32
      %scan3A_303 = scf.for %scan3A_389 = %scan3A_299 to %scan3A_301 step %scan3A_302 iter_args(%scan3A_390 = %scan3A_298) -> (i32)  : i32 {
        %get3A = arith.index_cast %scan3A_389 : i32 to index
        %get3A_391 = arith.constant 0 : index
        %get3A_392 = tpu.vector_load %arg23[%get3A, %get3A_391] {strides = array<i32>} : memref<80x128xf32, #tpu.memory_space<vmem>>, vector<16xf32>,
        %get3A_393 = arith.index_cast %scan3A_389 : i32 to index
        %get3A_394 = arith.constant 0 : index
        %get3A_395 = tpu.vector_load %arg25[%get3A_393, %get3A_394] {strides = array<i32>} : memref<80x128xf32, #tpu.memory_space<vmem>>, vector<16xf32>,
        %add3A_396 = arith.addf %get3A_392, %get3A_395 : vector<16xf32>
        %max3A = arith.constant 0.000000e+00 : f32
        %max3A_397 = vector.broadcast %max3A : f32 to vector<16xf32>
        %max3A_398 = arith.maximumf %add3A_396, %max3A_397 : vector<16xf32>
        %swap3A = arith.index_cast %scan3A_389 : i32 to index
        %swap3A_399 = arith.constant 0 : index
        %swap3A_400 = tpu.vector_load %arg23[%swap3A, %swap3A_399] {strides = array<i32>} : memref<80x128xf32, #tpu.memory_space<vmem>>, vector<16xf32>,
        tpu.vector_store %arg23[%swap3A, %swap3A_399], %max3A_398 {strides = array<i32>} : memref<80x128xf32, #tpu.memory_space<vmem>>, vector<16xf32>,
        %get3A_401 = arith.index_cast %scan3A_389 : i32 to index
        %get3A_402 = arith.constant 16 : index
        %get3A_403 = tpu.vector_load %arg23[%get3A_401, %get3A_402] {strides = array<i32>} : memref<80x128xf32, #tpu.memory_space<vmem>>, vector<16xf32>,
        %get3A_404 = arith.index_cast %scan3A_389 : i32 to index
        %get3A_405 = arith.constant 16 : index
        %get3A_406 = tpu.vector_load %arg25[%get3A_404, %get3A_405] {strides = array<i32>} : memref<80x128xf32, #tpu.memory_space<vmem>>, vector<16xf32>,
        %add3A_407 = arith.addf %get3A_403, %get3A_406 : vector<16xf32>
        %max3A_408 = arith.constant 0.000000e+00 : f32
        %max3A_409 = vector.broadcast %max3A_408 : f32 to vector<16xf32>
        %max3A_410 = arith.maximumf %add3A_407, %max3A_409 : vector<16xf32>
        %swap3A_411 = arith.index_cast %scan3A_389 : i32 to index
        %swap3A_412 = arith.constant 16 : index
        %swap3A_413 = tpu.vector_load %arg23[%swap3A_411, %swap3A_412] {strides = array<i32>} : memref<80x128xf32, #tpu.memory_space<vmem>>, vector<16xf32>,
        tpu.vector_store %arg23[%swap3A_411, %swap3A_412], %max3A_410 {strides = array<i32>} : memref<80x128xf32, #tpu.memory_space<vmem>>, vector<16xf32>,
        %get3A_414 = arith.index_cast %scan3A_389 : i32 to index
        %get3A_415 = arith.constant 32 : index
        %get3A_416 = tpu.vector_load %arg23[%get3A_414, %get3A_415] {strides = array<i32>} : memref<80x128xf32, #tpu.memory_space<vmem>>, vector<16xf32>,
        %get3A_417 = arith.index_cast %scan3A_389 : i32 to index
        %get3A_418 = arith.constant 32 : index
        %get3A_419 = tpu.vector_load %arg25[%get3A_417, %get3A_418] {strides = array<i32>} : memref<80x128xf32, #tpu.memory_space<vmem>>, vector<16xf32>,
        %add3A_420 = arith.addf %get3A_416, %get3A_419 : vector<16xf32>
        %max3A_421 = arith.constant 0.000000e+00 : f32
        %max3A_422 = vector.broadcast %max3A_421 : f32 to vector<16xf32>
        %max3A_423 = arith.maximumf %add3A_420, %max3A_422 : vector<16xf32>
        %swap3A_424 = arith.index_cast %scan3A_389 : i32 to index
        %swap3A_425 = arith.constant 32 : index
        %swap3A_426 = tpu.vector_load %arg23[%swap3A_424, %swap3A_425] {strides = array<i32>} : memref<80x128xf32, #tpu.memory_space<vmem>>, vector<16xf32>,
        tpu.vector_store %arg23[%swap3A_424, %swap3A_425], %max3A_423 {strides = array<i32>} : memref<80x128xf32, #tpu.memory_space<vmem>>, vector<16xf32>,
        %get3A_427 = arith.index_cast %scan3A_389 : i32 to index
        %get3A_428 = arith.constant 48 : index
        %get3A_429 = tpu.vector_load %arg23[%get3A_427, %get3A_428] {strides = array<i32>} : memref<80x128xf32, #tpu.memory_space<vmem>>, vector<16xf32>,
        %get3A_430 = arith.index_cast %scan3A_389 : i32 to index
        %get3A_431 = arith.constant 48 : index
        %get3A_432 = tpu.vector_load %arg25[%get3A_430, %get3A_431] {strides = array<i32>} : memref<80x128xf32, #tpu.memory_space<vmem>>, vector<16xf32>,
        %add3A_433 = arith.addf %get3A_429, %get3A_432 : vector<16xf32>
        %max3A_434 = arith.constant 0.000000e+00 : f32
        %max3A_435 = vector.broadcast %max3A_434 : f32 to vector<16xf32>
        %max3A_436 = arith.maximumf %add3A_433, %max3A_435 : vector<16xf32>
        %swap3A_437 = arith.index_cast %scan3A_389 : i32 to index
        %swap3A_438 = arith.constant 48 : index
        %swap3A_439 = tpu.vector_load %arg23[%swap3A_437, %swap3A_438] {strides = array<i32>} : memref<80x128xf32, #tpu.memory_space<vmem>>, vector<16xf32>,
        tpu.vector_store %arg23[%swap3A_437, %swap3A_438], %max3A_436 {strides = array<i32>} : memref<80x128xf32, #tpu.memory_space<vmem>>, vector<16xf32>,
        %get3A_440 = arith.index_cast %scan3A_389 : i32 to index
        %get3A_441 = arith.constant 64 : index
        %get3A_442 = tpu.vector_load %arg23[%get3A_440, %get3A_441] {strides = array<i32>} : memref<80x128xf32, #tpu.memory_space<vmem>>, vector<16xf32>,
        %get3A_443 = arith.index_cast %scan3A_389 : i32 to index
        %get3A_444 = arith.constant 64 : index
        %get3A_445 = tpu.vector_load %arg25[%get3A_443, %get3A_444] {strides = array<i32>} : memref<80x128xf32, #tpu.memory_space<vmem>>, vector<16xf32>,
        %add3A_446 = arith.addf %get3A_442, %get3A_445 : vector<16xf32>
        %max3A_447 = arith.constant 0.000000e+00 : f32
        %max3A_448 = vector.broadcast %max3A_447 : f32 to vector<16xf32>
        %max3A_449 = arith.maximumf %add3A_446, %max3A_448 : vector<16xf32>
        %swap3A_450 = arith.index_cast %scan3A_389 : i32 to index
        %swap3A_451 = arith.constant 64 : index
        %swap3A_452 = tpu.vector_load %arg23[%swap3A_450, %swap3A_451] {strides = array<i32>} : memref<80x128xf32, #tpu.memory_space<vmem>>, vector<16xf32>,
        tpu.vector_store %arg23[%swap3A_450, %swap3A_451], %max3A_449 {strides = array<i32>} : memref<80x128xf32, #tpu.memory_space<vmem>>, vector<16xf32>,
        %get3A_453 = arith.index_cast %scan3A_389 : i32 to index
        %get3A_454 = arith.constant 80 : index
        %get3A_455 = tpu.vector_load %arg23[%get3A_453, %get3A_454] {strides = array<i32>} : memref<80x128xf32, #tpu.memory_space<vmem>>, vector<16xf32>,
        %get3A_456 = arith.index_cast %scan3A_389 : i32 to index
        %get3A_457 = arith.constant 80 : index
        %get3A_458 = tpu.vector_load %arg25[%get3A_456, %get3A_457] {strides = array<i32>} : memref<80x128xf32, #tpu.memory_space<vmem>>, vector<16xf32>,
        %add3A_459 = arith.addf %get3A_455, %get3A_458 : vector<16xf32>
        %max3A_460 = arith.constant 0.000000e+00 : f32
        %max3A_461 = vector.broadcast %max3A_460 : f32 to vector<16xf32>
        %max3A_462 = arith.maximumf %add3A_459, %max3A_461 : vector<16xf32>
        %swap3A_463 = arith.index_cast %scan3A_389 : i32 to index
        %swap3A_464 = arith.constant 80 : index
        %swap3A_465 = tpu.vector_load %arg23[%swap3A_463, %swap3A_464] {strides = array<i32>} : memref<80x128xf32, #tpu.memory_space<vmem>>, vector<16xf32>,
        tpu.vector_store %arg23[%swap3A_463, %swap3A_464], %max3A_462 {strides = array<i32>} : memref<80x128xf32, #tpu.memory_space<vmem>>, vector<16xf32>,
        %get3A_466 = arith.index_cast %scan3A_389 : i32 to index
        %get3A_467 = arith.constant 96 : index
        %get3A_468 = tpu.vector_load %arg23[%get3A_466, %get3A_467] {strides = array<i32>} : memref<80x128xf32, #tpu.memory_space<vmem>>, vector<16xf32>,
        %get3A_469 = arith.index_cast %scan3A_389 : i32 to index
        %get3A_470 = arith.constant 96 : index
        %get3A_471 = tpu.vector_load %arg25[%get3A_469, %get3A_470] {strides = array<i32>} : memref<80x128xf32, #tpu.memory_space<vmem>>, vector<16xf32>,
        %add3A_472 = arith.addf %get3A_468, %get3A_471 : vector<16xf32>
        %max3A_473 = arith.constant 0.000000e+00 : f32
        %max3A_474 = vector.broadcast %max3A_473 : f32 to vector<16xf32>
        %max3A_475 = arith.maximumf %add3A_472, %max3A_474 : vector<16xf32>
        %swap3A_476 = arith.index_cast %scan3A_389 : i32 to index
        %swap3A_477 = arith.constant 96 : index
        %swap3A_478 = tpu.vector_load %arg23[%swap3A_476, %swap3A_477] {strides = array<i32>} : memref<80x128xf32, #tpu.memory_space<vmem>>, vector<16xf32>,
        tpu.vector_store %arg23[%swap3A_476, %swap3A_477], %max3A_475 {strides = array<i32>} : memref<80x128xf32, #tpu.memory_space<vmem>>, vector<16xf32>,
        %get3A_479 = arith.index_cast %scan3A_389 : i32 to index
        %get3A_480 = arith.constant 112 : index
        %get3A_481 = tpu.vector_load %arg23[%get3A_479, %get3A_480] {strides = array<i32>} : memref<80x128xf32, #tpu.memory_space<vmem>>, vector<16xf32>,
        %get3A_482 = arith.index_cast %scan3A_389 : i32 to index
        %get3A_483 = arith.constant 112 : index
        %get3A_484 = tpu.vector_load %arg25[%get3A_482, %get3A_483] {strides = array<i32>} : memref<80x128xf32, #tpu.memory_space<vmem>>, vector<16xf32>,
        %add3A_485 = arith.addf %get3A_481, %get3A_484 : vector<16xf32>
        %max3A_486 = arith.constant 0.000000e+00 : f32
        %max3A_487 = vector.broadcast %max3A_486 : f32 to vector<16xf32>
        %max3A_488 = arith.maximumf %add3A_485, %max3A_487 : vector<16xf32>
        %swap3A_489 = arith.index_cast %scan3A_389 : i32 to index
        %swap3A_490 = arith.constant 112 : index
        %swap3A_491 = tpu.vector_load %arg23[%swap3A_489, %swap3A_490] {strides = array<i32>} : memref<80x128xf32, #tpu.memory_space<vmem>>, vector<16xf32>,
        tpu.vector_store %arg23[%swap3A_489, %swap3A_490], %max3A_488 {strides = array<i32>} : memref<80x128xf32, #tpu.memory_space<vmem>>, vector<16xf32>,
        %scan3A_492 = arith.constant 0 : i32
        scf.yield %scan3A_492 : i32
      }
      %scan3A_304 = arith.constant 80 : i32
      "tpu.region"() ({
        %run_scoped3A = tpu.sem_alloc : memref<!tpu.dma_semaphore, #tpu.memory_space<semaphore_mem>>
        %dma_start3A_389 = arith.constant 0 : i32
        %dma_start3A_390 = arith.constant 0 : i32
        %dma_start3A_391 = tpu.memref_slice %arg21[%dma_start3A_389, %dma_start3A_390] : memref<10016x128xf32, #tpu.memory_space<vmem_shared>> -> memref<10016x128xf32, #tpu.memory_space<vmem_shared>>
        tpu.enqueue_indirect_dma source(%arg23 : memref<80x128xf32, #tpu.memory_space<vmem>>) target(%dma_start3A_391 : memref<10016x128xf32, #tpu.memory_space<vmem_shared>>) offsets(%arg32 : memref<80xi32, #tpu.memory_space<vmem>>) semaphore(%run_scoped3A : memref<!tpu.dma_semaphore, #tpu.memory_space<semaphore_mem>>) {add = true}
        %dma_wait3A_392 = arith.constant 0 : i32
        %dma_wait3A_393 = arith.constant 0 : i32
        %dma_wait3A_394 = tpu.memref_slice %arg21[%dma_wait3A_392, %dma_wait3A_393] : memref<10016x128xf32, #tpu.memory_space<vmem_shared>> -> memref<10016x128xf32, #tpu.memory_space<vmem_shared>>
        tpu.wait_indirect_dma semaphore(%run_scoped3A : memref<!tpu.dma_semaphore, #tpu.memory_space<semaphore_mem>>) src(%arg23 : memref<80x128xf32, #tpu.memory_space<vmem>>) dst(%dma_wait3A_394 : memref<10016x128xf32, #tpu.memory_space<vmem_shared>>)
        tpu.yield
      }) : () -> ()
      %dma_start3A_305 = arith.constant 0 : i32
      %dma_start3A_306 = arith.constant 0 : i32
      %dma_start3A_307 = tpu.memref_slice %arg12[%dma_start3A_305, %dma_start3A_306] : memref<10000x128xf32, #tpu.memory_space<hbm>> -> memref<10000x128xf32, #tpu.memory_space<hbm>>
      tpu.enqueue_indirect_dma source(%dma_start3A_307 : memref<10000x128xf32, #tpu.memory_space<hbm>>) target(%arg23 : memref<80x128xf32, #tpu.memory_space<vmem>>) offsets(%arg29 : memref<80xi32, #tpu.memory_space<vmem>>) semaphore(%arg50 : memref<!tpu.dma_semaphore, #tpu.memory_space<semaphore_mem>>)
      %add3A_308 = arith.constant 160 : i32
      %add3A_309 = arith.addi %multiple_of3A, %add3A_308 : i32
      %dma_start3A_310 = arith.constant 0 : i32
      %dma_start3A_311 = tpu.memref_slice %arg4[%add3A_309, %dma_start3A_310] : memref<320000x128xf32, #tpu.memory_space<hbm>> -> memref<80x128xf32, #tpu.memory_space<hbm>>
      %dma_start3A_312 = arith.constant 0 : i32
      %dma_start3A_313 = tpu.memref_slice %arg4[%add3A_309, %dma_start3A_312] : memref<320000x128xf32, #tpu.memory_space<hbm>> -> memref<80x128xf32, #tpu.memory_space<hbm>>
      tpu.enqueue_dma source(%dma_start3A_313 : memref<80x128xf32, #tpu.memory_space<hbm>>) target(%arg25 : memref<80x128xf32, #tpu.memory_space<vmem>>) target_semaphore(%arg52 : memref<!tpu.dma_semaphore, #tpu.memory_space<semaphore_mem>>)
      %dma_wait3A_314 = arith.constant 0 : i32
      %dma_wait3A_315 = arith.constant 0 : i32
      %dma_wait3A_316 = tpu.memref_slice %arg12[%dma_wait3A_314, %dma_wait3A_315] : memref<10000x128xf32, #tpu.memory_space<hbm>> -> memref<10000x128xf32, #tpu.memory_space<hbm>>
      tpu.wait_indirect_dma semaphore(%arg51 : memref<!tpu.dma_semaphore, #tpu.memory_space<semaphore_mem>>) src(%dma_wait3A_316 : memref<10000x128xf32, #tpu.memory_space<hbm>>) dst(%arg24 : memref<80x128xf32, #tpu.memory_space<vmem>>)
      %dma_wait3A_317 = arith.constant 0 : i32
      %dma_wait3A_318 = tpu.memref_slice %arg4[%add3A_286, %dma_wait3A_317] : memref<320000x128xf32, #tpu.memory_space<hbm>> -> memref<80x128xf32, #tpu.memory_space<hbm>>
      %dma_wait3A_319 = arith.constant 0 : i32
      %dma_wait3A_320 = tpu.memref_slice %arg4[%add3A_286, %dma_wait3A_319] : memref<320000x128xf32, #tpu.memory_space<hbm>> -> memref<80x128xf32, #tpu.memory_space<hbm>>
      tpu.wait_dma2 semaphore(%arg53 : memref<!tpu.dma_semaphore, #tpu.memory_space<semaphore_mem>>) src(%dma_wait3A_320 : memref<80x128xf32, #tpu.memory_space<hbm>>) dst(%arg26 : memref<80x128xf32, #tpu.memory_space<vmem>>)
      %scan3A_321 = arith.constant 0 : i32
      %scan3A_322 = arith.constant 0 : i32
      %scan3A_323 = arith.constant 80 : i32
      %scan3A_324 = arith.addi %scan3A_322, %scan3A_323 : i32
      %scan3A_325 = arith.constant 1 : i32
      %scan3A_326 = scf.for %scan3A_389 = %scan3A_322 to %scan3A_324 step %scan3A_325 iter_args(%scan3A_390 = %scan3A_321) -> (i32)  : i32 {
        %get3A = arith.index_cast %scan3A_389 : i32 to index
        %get3A_391 = arith.constant 0 : index
        %get3A_392 = tpu.vector_load %arg24[%get3A, %get3A_391] {strides = array<i32>} : memref<80x128xf32, #tpu.memory_space<vmem>>, vector<16xf32>,
        %get3A_393 = arith.index_cast %scan3A_389 : i32 to index
        %get3A_394 = arith.constant 0 : index
        %get3A_395 = tpu.vector_load %arg26[%get3A_393, %get3A_394] {strides = array<i32>} : memref<80x128xf32, #tpu.memory_space<vmem>>, vector<16xf32>,
        %add3A_396 = arith.addf %get3A_392, %get3A_395 : vector<16xf32>
        %max3A = arith.constant 0.000000e+00 : f32
        %max3A_397 = vector.broadcast %max3A : f32 to vector<16xf32>
        %max3A_398 = arith.maximumf %add3A_396, %max3A_397 : vector<16xf32>
        %swap3A = arith.index_cast %scan3A_389 : i32 to index
        %swap3A_399 = arith.constant 0 : index
        %swap3A_400 = tpu.vector_load %arg24[%swap3A, %swap3A_399] {strides = array<i32>} : memref<80x128xf32, #tpu.memory_space<vmem>>, vector<16xf32>,
        tpu.vector_store %arg24[%swap3A, %swap3A_399], %max3A_398 {strides = array<i32>} : memref<80x128xf32, #tpu.memory_space<vmem>>, vector<16xf32>,
        %get3A_401 = arith.index_cast %scan3A_389 : i32 to index
        %get3A_402 = arith.constant 16 : index
        %get3A_403 = tpu.vector_load %arg24[%get3A_401, %get3A_402] {strides = array<i32>} : memref<80x128xf32, #tpu.memory_space<vmem>>, vector<16xf32>,
        %get3A_404 = arith.index_cast %scan3A_389 : i32 to index
        %get3A_405 = arith.constant 16 : index
        %get3A_406 = tpu.vector_load %arg26[%get3A_404, %get3A_405] {strides = array<i32>} : memref<80x128xf32, #tpu.memory_space<vmem>>, vector<16xf32>,
        %add3A_407 = arith.addf %get3A_403, %get3A_406 : vector<16xf32>
        %max3A_408 = arith.constant 0.000000e+00 : f32
        %max3A_409 = vector.broadcast %max3A_408 : f32 to vector<16xf32>
        %max3A_410 = arith.maximumf %add3A_407, %max3A_409 : vector<16xf32>
        %swap3A_411 = arith.index_cast %scan3A_389 : i32 to index
        %swap3A_412 = arith.constant 16 : index
        %swap3A_413 = tpu.vector_load %arg24[%swap3A_411, %swap3A_412] {strides = array<i32>} : memref<80x128xf32, #tpu.memory_space<vmem>>, vector<16xf32>,
        tpu.vector_store %arg24[%swap3A_411, %swap3A_412], %max3A_410 {strides = array<i32>} : memref<80x128xf32, #tpu.memory_space<vmem>>, vector<16xf32>,
        %get3A_414 = arith.index_cast %scan3A_389 : i32 to index
        %get3A_415 = arith.constant 32 : index
        %get3A_416 = tpu.vector_load %arg24[%get3A_414, %get3A_415] {strides = array<i32>} : memref<80x128xf32, #tpu.memory_space<vmem>>, vector<16xf32>,
        %get3A_417 = arith.index_cast %scan3A_389 : i32 to index
        %get3A_418 = arith.constant 32 : index
        %get3A_419 = tpu.vector_load %arg26[%get3A_417, %get3A_418] {strides = array<i32>} : memref<80x128xf32, #tpu.memory_space<vmem>>, vector<16xf32>,
        %add3A_420 = arith.addf %get3A_416, %get3A_419 : vector<16xf32>
        %max3A_421 = arith.constant 0.000000e+00 : f32
        %max3A_422 = vector.broadcast %max3A_421 : f32 to vector<16xf32>
        %max3A_423 = arith.maximumf %add3A_420, %max3A_422 : vector<16xf32>
        %swap3A_424 = arith.index_cast %scan3A_389 : i32 to index
        %swap3A_425 = arith.constant 32 : index
        %swap3A_426 = tpu.vector_load %arg24[%swap3A_424, %swap3A_425] {strides = array<i32>} : memref<80x128xf32, #tpu.memory_space<vmem>>, vector<16xf32>,
        tpu.vector_store %arg24[%swap3A_424, %swap3A_425], %max3A_423 {strides = array<i32>} : memref<80x128xf32, #tpu.memory_space<vmem>>, vector<16xf32>,
        %get3A_427 = arith.index_cast %scan3A_389 : i32 to index
        %get3A_428 = arith.constant 48 : index
        %get3A_429 = tpu.vector_load %arg24[%get3A_427, %get3A_428] {strides = array<i32>} : memref<80x128xf32, #tpu.memory_space<vmem>>, vector<16xf32>,
        %get3A_430 = arith.index_cast %scan3A_389 : i32 to index
        %get3A_431 = arith.constant 48 : index
        %get3A_432 = tpu.vector_load %arg26[%get3A_430, %get3A_431] {strides = array<i32>} : memref<80x128xf32, #tpu.memory_space<vmem>>, vector<16xf32>,
        %add3A_433 = arith.addf %get3A_429, %get3A_432 : vector<16xf32>
        %max3A_434 = arith.constant 0.000000e+00 : f32
        %max3A_435 = vector.broadcast %max3A_434 : f32 to vector<16xf32>
        %max3A_436 = arith.maximumf %add3A_433, %max3A_435 : vector<16xf32>
        %swap3A_437 = arith.index_cast %scan3A_389 : i32 to index
        %swap3A_438 = arith.constant 48 : index
        %swap3A_439 = tpu.vector_load %arg24[%swap3A_437, %swap3A_438] {strides = array<i32>} : memref<80x128xf32, #tpu.memory_space<vmem>>, vector<16xf32>,
        tpu.vector_store %arg24[%swap3A_437, %swap3A_438], %max3A_436 {strides = array<i32>} : memref<80x128xf32, #tpu.memory_space<vmem>>, vector<16xf32>,
        %get3A_440 = arith.index_cast %scan3A_389 : i32 to index
        %get3A_441 = arith.constant 64 : index
        %get3A_442 = tpu.vector_load %arg24[%get3A_440, %get3A_441] {strides = array<i32>} : memref<80x128xf32, #tpu.memory_space<vmem>>, vector<16xf32>,
        %get3A_443 = arith.index_cast %scan3A_389 : i32 to index
        %get3A_444 = arith.constant 64 : index
        %get3A_445 = tpu.vector_load %arg26[%get3A_443, %get3A_444] {strides = array<i32>} : memref<80x128xf32, #tpu.memory_space<vmem>>, vector<16xf32>,
        %add3A_446 = arith.addf %get3A_442, %get3A_445 : vector<16xf32>
        %max3A_447 = arith.constant 0.000000e+00 : f32
        %max3A_448 = vector.broadcast %max3A_447 : f32 to vector<16xf32>
        %max3A_449 = arith.maximumf %add3A_446, %max3A_448 : vector<16xf32>
        %swap3A_450 = arith.index_cast %scan3A_389 : i32 to index
        %swap3A_451 = arith.constant 64 : index
        %swap3A_452 = tpu.vector_load %arg24[%swap3A_450, %swap3A_451] {strides = array<i32>} : memref<80x128xf32, #tpu.memory_space<vmem>>, vector<16xf32>,
        tpu.vector_store %arg24[%swap3A_450, %swap3A_451], %max3A_449 {strides = array<i32>} : memref<80x128xf32, #tpu.memory_space<vmem>>, vector<16xf32>,
        %get3A_453 = arith.index_cast %scan3A_389 : i32 to index
        %get3A_454 = arith.constant 80 : index
        %get3A_455 = tpu.vector_load %arg24[%get3A_453, %get3A_454] {strides = array<i32>} : memref<80x128xf32, #tpu.memory_space<vmem>>, vector<16xf32>,
        %get3A_456 = arith.index_cast %scan3A_389 : i32 to index
        %get3A_457 = arith.constant 80 : index
        %get3A_458 = tpu.vector_load %arg26[%get3A_456, %get3A_457] {strides = array<i32>} : memref<80x128xf32, #tpu.memory_space<vmem>>, vector<16xf32>,
        %add3A_459 = arith.addf %get3A_455, %get3A_458 : vector<16xf32>
        %max3A_460 = arith.constant 0.000000e+00 : f32
        %max3A_461 = vector.broadcast %max3A_460 : f32 to vector<16xf32>
        %max3A_462 = arith.maximumf %add3A_459, %max3A_461 : vector<16xf32>
        %swap3A_463 = arith.index_cast %scan3A_389 : i32 to index
        %swap3A_464 = arith.constant 80 : index
        %swap3A_465 = tpu.vector_load %arg24[%swap3A_463, %swap3A_464] {strides = array<i32>} : memref<80x128xf32, #tpu.memory_space<vmem>>, vector<16xf32>,
        tpu.vector_store %arg24[%swap3A_463, %swap3A_464], %max3A_462 {strides = array<i32>} : memref<80x128xf32, #tpu.memory_space<vmem>>, vector<16xf32>,
        %get3A_466 = arith.index_cast %scan3A_389 : i32 to index
        %get3A_467 = arith.constant 96 : index
        %get3A_468 = tpu.vector_load %arg24[%get3A_466, %get3A_467] {strides = array<i32>} : memref<80x128xf32, #tpu.memory_space<vmem>>, vector<16xf32>,
        %get3A_469 = arith.index_cast %scan3A_389 : i32 to index
        %get3A_470 = arith.constant 96 : index
        %get3A_471 = tpu.vector_load %arg26[%get3A_469, %get3A_470] {strides = array<i32>} : memref<80x128xf32, #tpu.memory_space<vmem>>, vector<16xf32>,
        %add3A_472 = arith.addf %get3A_468, %get3A_471 : vector<16xf32>
        %max3A_473 = arith.constant 0.000000e+00 : f32
        %max3A_474 = vector.broadcast %max3A_473 : f32 to vector<16xf32>
        %max3A_475 = arith.maximumf %add3A_472, %max3A_474 : vector<16xf32>
        %swap3A_476 = arith.index_cast %scan3A_389 : i32 to index
        %swap3A_477 = arith.constant 96 : index
        %swap3A_478 = tpu.vector_load %arg24[%swap3A_476, %swap3A_477] {strides = array<i32>} : memref<80x128xf32, #tpu.memory_space<vmem>>, vector<16xf32>,
        tpu.vector_store %arg24[%swap3A_476, %swap3A_477], %max3A_475 {strides = array<i32>} : memref<80x128xf32, #tpu.memory_space<vmem>>, vector<16xf32>,
        %get3A_479 = arith.index_cast %scan3A_389 : i32 to index
        %get3A_480 = arith.constant 112 : index
        %get3A_481 = tpu.vector_load %arg24[%get3A_479, %get3A_480] {strides = array<i32>} : memref<80x128xf32, #tpu.memory_space<vmem>>, vector<16xf32>,
        %get3A_482 = arith.index_cast %scan3A_389 : i32 to index
        %get3A_483 = arith.constant 112 : index
        %get3A_484 = tpu.vector_load %arg26[%get3A_482, %get3A_483] {strides = array<i32>} : memref<80x128xf32, #tpu.memory_space<vmem>>, vector<16xf32>,
        %add3A_485 = arith.addf %get3A_481, %get3A_484 : vector<16xf32>
        %max3A_486 = arith.constant 0.000000e+00 : f32
        %max3A_487 = vector.broadcast %max3A_486 : f32 to vector<16xf32>
        %max3A_488 = arith.maximumf %add3A_485, %max3A_487 : vector<16xf32>
        %swap3A_489 = arith.index_cast %scan3A_389 : i32 to index
        %swap3A_490 = arith.constant 112 : index
        %swap3A_491 = tpu.vector_load %arg24[%swap3A_489, %swap3A_490] {strides = array<i32>} : memref<80x128xf32, #tpu.memory_space<vmem>>, vector<16xf32>,
        tpu.vector_store %arg24[%swap3A_489, %swap3A_490], %max3A_488 {strides = array<i32>} : memref<80x128xf32, #tpu.memory_space<vmem>>, vector<16xf32>,
        %scan3A_492 = arith.constant 0 : i32
        scf.yield %scan3A_492 : i32
      }
      %scan3A_327 = arith.constant 80 : i32
      "tpu.region"() ({
        %run_scoped3A = tpu.sem_alloc : memref<!tpu.dma_semaphore, #tpu.memory_space<semaphore_mem>>
        %dma_start3A_389 = arith.constant 0 : i32
        %dma_start3A_390 = arith.constant 0 : i32
        %dma_start3A_391 = tpu.memref_slice %arg21[%dma_start3A_389, %dma_start3A_390] : memref<10016x128xf32, #tpu.memory_space<vmem_shared>> -> memref<10016x128xf32, #tpu.memory_space<vmem_shared>>
        tpu.enqueue_indirect_dma source(%arg24 : memref<80x128xf32, #tpu.memory_space<vmem>>) target(%dma_start3A_391 : memref<10016x128xf32, #tpu.memory_space<vmem_shared>>) offsets(%arg33 : memref<80xi32, #tpu.memory_space<vmem>>) semaphore(%run_scoped3A : memref<!tpu.dma_semaphore, #tpu.memory_space<semaphore_mem>>) {add = true}
        %dma_wait3A_392 = arith.constant 0 : i32
        %dma_wait3A_393 = arith.constant 0 : i32
        %dma_wait3A_394 = tpu.memref_slice %arg21[%dma_wait3A_392, %dma_wait3A_393] : memref<10016x128xf32, #tpu.memory_space<vmem_shared>> -> memref<10016x128xf32, #tpu.memory_space<vmem_shared>>
        tpu.wait_indirect_dma semaphore(%run_scoped3A : memref<!tpu.dma_semaphore, #tpu.memory_space<semaphore_mem>>) src(%arg24 : memref<80x128xf32, #tpu.memory_space<vmem>>) dst(%dma_wait3A_394 : memref<10016x128xf32, #tpu.memory_space<vmem_shared>>)
        tpu.yield
      }) : () -> ()
      %dma_start3A_328 = arith.constant 0 : i32
      %dma_start3A_329 = arith.constant 0 : i32
      %dma_start3A_330 = tpu.memref_slice %arg12[%dma_start3A_328, %dma_start3A_329] : memref<10000x128xf32, #tpu.memory_space<hbm>> -> memref<10000x128xf32, #tpu.memory_space<hbm>>
      tpu.enqueue_indirect_dma source(%dma_start3A_330 : memref<10000x128xf32, #tpu.memory_space<hbm>>) target(%arg24 : memref<80x128xf32, #tpu.memory_space<vmem>>) offsets(%arg30 : memref<80xi32, #tpu.memory_space<vmem>>) semaphore(%arg51 : memref<!tpu.dma_semaphore, #tpu.memory_space<semaphore_mem>>)
      %add3A_331 = arith.constant 240 : i32
      %add3A_332 = arith.addi %multiple_of3A, %add3A_331 : i32
      %dma_start3A_333 = arith.constant 0 : i32
      %dma_start3A_334 = tpu.memref_slice %arg4[%add3A_332, %dma_start3A_333] : memref<320000x128xf32, #tpu.memory_space<hbm>> -> memref<80x128xf32, #tpu.memory_space<hbm>>
      %dma_start3A_335 = arith.constant 0 : i32
      %dma_start3A_336 = tpu.memref_slice %arg4[%add3A_332, %dma_start3A_335] : memref<320000x128xf32, #tpu.memory_space<hbm>> -> memref<80x128xf32, #tpu.memory_space<hbm>>
      tpu.enqueue_dma source(%dma_start3A_336 : memref<80x128xf32, #tpu.memory_space<hbm>>) target(%arg26 : memref<80x128xf32, #tpu.memory_space<vmem>>) target_semaphore(%arg53 : memref<!tpu.dma_semaphore, #tpu.memory_space<semaphore_mem>>)
      %dma_wait3A_337 = arith.constant 0 : i32
      %dma_wait3A_338 = arith.constant 0 : i32
      %dma_wait3A_339 = tpu.memref_slice %arg12[%dma_wait3A_337, %dma_wait3A_338] : memref<10000x128xf32, #tpu.memory_space<hbm>> -> memref<10000x128xf32, #tpu.memory_space<hbm>>
      tpu.wait_indirect_dma semaphore(%arg50 : memref<!tpu.dma_semaphore, #tpu.memory_space<semaphore_mem>>) src(%dma_wait3A_339 : memref<10000x128xf32, #tpu.memory_space<hbm>>) dst(%arg23 : memref<80x128xf32, #tpu.memory_space<vmem>>)
      %dma_wait3A_340 = arith.constant 0 : i32
      %dma_wait3A_341 = tpu.memref_slice %arg4[%add3A_309, %dma_wait3A_340] : memref<320000x128xf32, #tpu.memory_space<hbm>> -> memref<80x128xf32, #tpu.memory_space<hbm>>
      %dma_wait3A_342 = arith.constant 0 : i32
      %dma_wait3A_343 = tpu.memref_slice %arg4[%add3A_309, %dma_wait3A_342] : memref<320000x128xf32, #tpu.memory_space<hbm>> -> memref<80x128xf32, #tpu.memory_space<hbm>>
      tpu.wait_dma2 semaphore(%arg52 : memref<!tpu.dma_semaphore, #tpu.memory_space<semaphore_mem>>) src(%dma_wait3A_343 : memref<80x128xf32, #tpu.memory_space<hbm>>) dst(%arg25 : memref<80x128xf32, #tpu.memory_space<vmem>>)
      %scan3A_344 = arith.constant 0 : i32
      %scan3A_345 = arith.constant 0 : i32
      %scan3A_346 = arith.constant 80 : i32
      %scan3A_347 = arith.addi %scan3A_345, %scan3A_346 : i32
      %scan3A_348 = arith.constant 1 : i32
      %scan3A_349 = scf.for %scan3A_389 = %scan3A_345 to %scan3A_347 step %scan3A_348 iter_args(%scan3A_390 = %scan3A_344) -> (i32)  : i32 {
        %get3A = arith.index_cast %scan3A_389 : i32 to index
        %get3A_391 = arith.constant 0 : index
        %get3A_392 = tpu.vector_load %arg23[%get3A, %get3A_391] {strides = array<i32>} : memref<80x128xf32, #tpu.memory_space<vmem>>, vector<16xf32>,
        %get3A_393 = arith.index_cast %scan3A_389 : i32 to index
        %get3A_394 = arith.constant 0 : index
        %get3A_395 = tpu.vector_load %arg25[%get3A_393, %get3A_394] {strides = array<i32>} : memref<80x128xf32, #tpu.memory_space<vmem>>, vector<16xf32>,
        %add3A_396 = arith.addf %get3A_392, %get3A_395 : vector<16xf32>
        %max3A = arith.constant 0.000000e+00 : f32
        %max3A_397 = vector.broadcast %max3A : f32 to vector<16xf32>
        %max3A_398 = arith.maximumf %add3A_396, %max3A_397 : vector<16xf32>
        %swap3A = arith.index_cast %scan3A_389 : i32 to index
        %swap3A_399 = arith.constant 0 : index
        %swap3A_400 = tpu.vector_load %arg23[%swap3A, %swap3A_399] {strides = array<i32>} : memref<80x128xf32, #tpu.memory_space<vmem>>, vector<16xf32>,
        tpu.vector_store %arg23[%swap3A, %swap3A_399], %max3A_398 {strides = array<i32>} : memref<80x128xf32, #tpu.memory_space<vmem>>, vector<16xf32>,
        %get3A_401 = arith.index_cast %scan3A_389 : i32 to index
        %get3A_402 = arith.constant 16 : index
        %get3A_403 = tpu.vector_load %arg23[%get3A_401, %get3A_402] {strides = array<i32>} : memref<80x128xf32, #tpu.memory_space<vmem>>, vector<16xf32>,
        %get3A_404 = arith.index_cast %scan3A_389 : i32 to index
        %get3A_405 = arith.constant 16 : index
        %get3A_406 = tpu.vector_load %arg25[%get3A_404, %get3A_405] {strides = array<i32>} : memref<80x128xf32, #tpu.memory_space<vmem>>, vector<16xf32>,
        %add3A_407 = arith.addf %get3A_403, %get3A_406 : vector<16xf32>
        %max3A_408 = arith.constant 0.000000e+00 : f32
        %max3A_409 = vector.broadcast %max3A_408 : f32 to vector<16xf32>
        %max3A_410 = arith.maximumf %add3A_407, %max3A_409 : vector<16xf32>
        %swap3A_411 = arith.index_cast %scan3A_389 : i32 to index
        %swap3A_412 = arith.constant 16 : index
        %swap3A_413 = tpu.vector_load %arg23[%swap3A_411, %swap3A_412] {strides = array<i32>} : memref<80x128xf32, #tpu.memory_space<vmem>>, vector<16xf32>,
        tpu.vector_store %arg23[%swap3A_411, %swap3A_412], %max3A_410 {strides = array<i32>} : memref<80x128xf32, #tpu.memory_space<vmem>>, vector<16xf32>,
        %get3A_414 = arith.index_cast %scan3A_389 : i32 to index
        %get3A_415 = arith.constant 32 : index
        %get3A_416 = tpu.vector_load %arg23[%get3A_414, %get3A_415] {strides = array<i32>} : memref<80x128xf32, #tpu.memory_space<vmem>>, vector<16xf32>,
        %get3A_417 = arith.index_cast %scan3A_389 : i32 to index
        %get3A_418 = arith.constant 32 : index
        %get3A_419 = tpu.vector_load %arg25[%get3A_417, %get3A_418] {strides = array<i32>} : memref<80x128xf32, #tpu.memory_space<vmem>>, vector<16xf32>,
        %add3A_420 = arith.addf %get3A_416, %get3A_419 : vector<16xf32>
        %max3A_421 = arith.constant 0.000000e+00 : f32
        %max3A_422 = vector.broadcast %max3A_421 : f32 to vector<16xf32>
        %max3A_423 = arith.maximumf %add3A_420, %max3A_422 : vector<16xf32>
        %swap3A_424 = arith.index_cast %scan3A_389 : i32 to index
        %swap3A_425 = arith.constant 32 : index
        %swap3A_426 = tpu.vector_load %arg23[%swap3A_424, %swap3A_425] {strides = array<i32>} : memref<80x128xf32, #tpu.memory_space<vmem>>, vector<16xf32>,
        tpu.vector_store %arg23[%swap3A_424, %swap3A_425], %max3A_423 {strides = array<i32>} : memref<80x128xf32, #tpu.memory_space<vmem>>, vector<16xf32>,
        %get3A_427 = arith.index_cast %scan3A_389 : i32 to index
        %get3A_428 = arith.constant 48 : index
        %get3A_429 = tpu.vector_load %arg23[%get3A_427, %get3A_428] {strides = array<i32>} : memref<80x128xf32, #tpu.memory_space<vmem>>, vector<16xf32>,
        %get3A_430 = arith.index_cast %scan3A_389 : i32 to index
        %get3A_431 = arith.constant 48 : index
        %get3A_432 = tpu.vector_load %arg25[%get3A_430, %get3A_431] {strides = array<i32>} : memref<80x128xf32, #tpu.memory_space<vmem>>, vector<16xf32>,
        %add3A_433 = arith.addf %get3A_429, %get3A_432 : vector<16xf32>
        %max3A_434 = arith.constant 0.000000e+00 : f32
        %max3A_435 = vector.broadcast %max3A_434 : f32 to vector<16xf32>
        %max3A_436 = arith.maximumf %add3A_433, %max3A_435 : vector<16xf32>
        %swap3A_437 = arith.index_cast %scan3A_389 : i32 to index
        %swap3A_438 = arith.constant 48 : index
        %swap3A_439 = tpu.vector_load %arg23[%swap3A_437, %swap3A_438] {strides = array<i32>} : memref<80x128xf32, #tpu.memory_space<vmem>>, vector<16xf32>,
        tpu.vector_store %arg23[%swap3A_437, %swap3A_438], %max3A_436 {strides = array<i32>} : memref<80x128xf32, #tpu.memory_space<vmem>>, vector<16xf32>,
        %get3A_440 = arith.index_cast %scan3A_389 : i32 to index
        %get3A_441 = arith.constant 64 : index
        %get3A_442 = tpu.vector_load %arg23[%get3A_440, %get3A_441] {strides = array<i32>} : memref<80x128xf32, #tpu.memory_space<vmem>>, vector<16xf32>,
        %get3A_443 = arith.index_cast %scan3A_389 : i32 to index
        %get3A_444 = arith.constant 64 : index
        %get3A_445 = tpu.vector_load %arg25[%get3A_443, %get3A_444] {strides = array<i32>} : memref<80x128xf32, #tpu.memory_space<vmem>>, vector<16xf32>,
        %add3A_446 = arith.addf %get3A_442, %get3A_445 : vector<16xf32>
        %max3A_447 = arith.constant 0.000000e+00 : f32
        %max3A_448 = vector.broadcast %max3A_447 : f32 to vector<16xf32>
        %max3A_449 = arith.maximumf %add3A_446, %max3A_448 : vector<16xf32>
        %swap3A_450 = arith.index_cast %scan3A_389 : i32 to index
        %swap3A_451 = arith.constant 64 : index
        %swap3A_452 = tpu.vector_load %arg23[%swap3A_450, %swap3A_451] {strides = array<i32>} : memref<80x128xf32, #tpu.memory_space<vmem>>, vector<16xf32>,
        tpu.vector_store %arg23[%swap3A_450, %swap3A_451], %max3A_449 {strides = array<i32>} : memref<80x128xf32, #tpu.memory_space<vmem>>, vector<16xf32>,
        %get3A_453 = arith.index_cast %scan3A_389 : i32 to index
        %get3A_454 = arith.constant 80 : index
        %get3A_455 = tpu.vector_load %arg23[%get3A_453, %get3A_454] {strides = array<i32>} : memref<80x128xf32, #tpu.memory_space<vmem>>, vector<16xf32>,
        %get3A_456 = arith.index_cast %scan3A_389 : i32 to index
        %get3A_457 = arith.constant 80 : index
        %get3A_458 = tpu.vector_load %arg25[%get3A_456, %get3A_457] {strides = array<i32>} : memref<80x128xf32, #tpu.memory_space<vmem>>, vector<16xf32>,
        %add3A_459 = arith.addf %get3A_455, %get3A_458 : vector<16xf32>
        %max3A_460 = arith.constant 0.000000e+00 : f32
        %max3A_461 = vector.broadcast %max3A_460 : f32 to vector<16xf32>
        %max3A_462 = arith.maximumf %add3A_459, %max3A_461 : vector<16xf32>
        %swap3A_463 = arith.index_cast %scan3A_389 : i32 to index
        %swap3A_464 = arith.constant 80 : index
        %swap3A_465 = tpu.vector_load %arg23[%swap3A_463, %swap3A_464] {strides = array<i32>} : memref<80x128xf32, #tpu.memory_space<vmem>>, vector<16xf32>,
        tpu.vector_store %arg23[%swap3A_463, %swap3A_464], %max3A_462 {strides = array<i32>} : memref<80x128xf32, #tpu.memory_space<vmem>>, vector<16xf32>,
        %get3A_466 = arith.index_cast %scan3A_389 : i32 to index
        %get3A_467 = arith.constant 96 : index
        %get3A_468 = tpu.vector_load %arg23[%get3A_466, %get3A_467] {strides = array<i32>} : memref<80x128xf32, #tpu.memory_space<vmem>>, vector<16xf32>,
        %get3A_469 = arith.index_cast %scan3A_389 : i32 to index
        %get3A_470 = arith.constant 96 : index
        %get3A_471 = tpu.vector_load %arg25[%get3A_469, %get3A_470] {strides = array<i32>} : memref<80x128xf32, #tpu.memory_space<vmem>>, vector<16xf32>,
        %add3A_472 = arith.addf %get3A_468, %get3A_471 : vector<16xf32>
        %max3A_473 = arith.constant 0.000000e+00 : f32
        %max3A_474 = vector.broadcast %max3A_473 : f32 to vector<16xf32>
        %max3A_475 = arith.maximumf %add3A_472, %max3A_474 : vector<16xf32>
        %swap3A_476 = arith.index_cast %scan3A_389 : i32 to index
        %swap3A_477 = arith.constant 96 : index
        %swap3A_478 = tpu.vector_load %arg23[%swap3A_476, %swap3A_477] {strides = array<i32>} : memref<80x128xf32, #tpu.memory_space<vmem>>, vector<16xf32>,
        tpu.vector_store %arg23[%swap3A_476, %swap3A_477], %max3A_475 {strides = array<i32>} : memref<80x128xf32, #tpu.memory_space<vmem>>, vector<16xf32>,
        %get3A_479 = arith.index_cast %scan3A_389 : i32 to index
        %get3A_480 = arith.constant 112 : index
        %get3A_481 = tpu.vector_load %arg23[%get3A_479, %get3A_480] {strides = array<i32>} : memref<80x128xf32, #tpu.memory_space<vmem>>, vector<16xf32>,
        %get3A_482 = arith.index_cast %scan3A_389 : i32 to index
        %get3A_483 = arith.constant 112 : index
        %get3A_484 = tpu.vector_load %arg25[%get3A_482, %get3A_483] {strides = array<i32>} : memref<80x128xf32, #tpu.memory_space<vmem>>, vector<16xf32>,
        %add3A_485 = arith.addf %get3A_481, %get3A_484 : vector<16xf32>
        %max3A_486 = arith.constant 0.000000e+00 : f32
        %max3A_487 = vector.broadcast %max3A_486 : f32 to vector<16xf32>
        %max3A_488 = arith.maximumf %add3A_485, %max3A_487 : vector<16xf32>
        %swap3A_489 = arith.index_cast %scan3A_389 : i32 to index
        %swap3A_490 = arith.constant 112 : index
        %swap3A_491 = tpu.vector_load %arg23[%swap3A_489, %swap3A_490] {strides = array<i32>} : memref<80x128xf32, #tpu.memory_space<vmem>>, vector<16xf32>,
        tpu.vector_store %arg23[%swap3A_489, %swap3A_490], %max3A_488 {strides = array<i32>} : memref<80x128xf32, #tpu.memory_space<vmem>>, vector<16xf32>,
        %scan3A_492 = arith.constant 0 : i32
        scf.yield %scan3A_492 : i32
      }
      %scan3A_350 = arith.constant 80 : i32
      "tpu.region"() ({
        %run_scoped3A = tpu.sem_alloc : memref<!tpu.dma_semaphore, #tpu.memory_space<semaphore_mem>>
        %dma_start3A_389 = arith.constant 0 : i32
        %dma_start3A_390 = arith.constant 0 : i32
        %dma_start3A_391 = tpu.memref_slice %arg21[%dma_start3A_389, %dma_start3A_390] : memref<10016x128xf32, #tpu.memory_space<vmem_shared>> -> memref<10016x128xf32, #tpu.memory_space<vmem_shared>>
        tpu.enqueue_indirect_dma source(%arg23 : memref<80x128xf32, #tpu.memory_space<vmem>>) target(%dma_start3A_391 : memref<10016x128xf32, #tpu.memory_space<vmem_shared>>) offsets(%arg34 : memref<80xi32, #tpu.memory_space<vmem>>) semaphore(%run_scoped3A : memref<!tpu.dma_semaphore, #tpu.memory_space<semaphore_mem>>) {add = true}
        %dma_wait3A_392 = arith.constant 0 : i32
        %dma_wait3A_393 = arith.constant 0 : i32
        %dma_wait3A_394 = tpu.memref_slice %arg21[%dma_wait3A_392, %dma_wait3A_393] : memref<10016x128xf32, #tpu.memory_space<vmem_shared>> -> memref<10016x128xf32, #tpu.memory_space<vmem_shared>>
        tpu.wait_indirect_dma semaphore(%run_scoped3A : memref<!tpu.dma_semaphore, #tpu.memory_space<semaphore_mem>>) src(%arg23 : memref<80x128xf32, #tpu.memory_space<vmem>>) dst(%dma_wait3A_394 : memref<10016x128xf32, #tpu.memory_space<vmem_shared>>)
        tpu.yield
      }) : () -> ()
      %dma_start3A_351 = arith.constant 0 : i32
      %dma_start3A_352 = arith.constant 0 : i32
      %dma_start3A_353 = tpu.memref_slice %arg12[%dma_start3A_351, %dma_start3A_352] : memref<10000x128xf32, #tpu.memory_space<hbm>> -> memref<10000x128xf32, #tpu.memory_space<hbm>>
      tpu.enqueue_indirect_dma source(%dma_start3A_353 : memref<10000x128xf32, #tpu.memory_space<hbm>>) target(%arg23 : memref<80x128xf32, #tpu.memory_space<vmem>>) offsets(%arg31 : memref<80xi32, #tpu.memory_space<vmem>>) semaphore(%arg50 : memref<!tpu.dma_semaphore, #tpu.memory_space<semaphore_mem>>)
      %add3A_354 = arith.constant 320 : i32
      %add3A_355 = arith.addi %multiple_of3A, %add3A_354 : i32
      %dma_start3A_356 = arith.constant 0 : i32
      %dma_start3A_357 = tpu.memref_slice %arg4[%add3A_355, %dma_start3A_356] : memref<320000x128xf32, #tpu.memory_space<hbm>> -> memref<80x128xf32, #tpu.memory_space<hbm>>
      %dma_start3A_358 = arith.constant 0 : i32
      %dma_start3A_359 = tpu.memref_slice %arg4[%add3A_355, %dma_start3A_358] : memref<320000x128xf32, #tpu.memory_space<hbm>> -> memref<80x128xf32, #tpu.memory_space<hbm>>
      tpu.enqueue_dma source(%dma_start3A_359 : memref<80x128xf32, #tpu.memory_space<hbm>>) target(%arg25 : memref<80x128xf32, #tpu.memory_space<vmem>>) target_semaphore(%arg52 : memref<!tpu.dma_semaphore, #tpu.memory_space<semaphore_mem>>)
      %dma_wait3A_360 = arith.constant 0 : i32
      %dma_wait3A_361 = arith.constant 0 : i32
      %dma_wait3A_362 = tpu.memref_slice %arg12[%dma_wait3A_360, %dma_wait3A_361] : memref<10000x128xf32, #tpu.memory_space<hbm>> -> memref<10000x128xf32, #tpu.memory_space<hbm>>
      tpu.wait_indirect_dma semaphore(%arg51 : memref<!tpu.dma_semaphore, #tpu.memory_space<semaphore_mem>>) src(%dma_wait3A_362 : memref<10000x128xf32, #tpu.memory_space<hbm>>) dst(%arg24 : memref<80x128xf32, #tpu.memory_space<vmem>>)
      %dma_wait3A_363 = arith.constant 0 : i32
      %dma_wait3A_364 = tpu.memref_slice %arg4[%add3A_332, %dma_wait3A_363] : memref<320000x128xf32, #tpu.memory_space<hbm>> -> memref<80x128xf32, #tpu.memory_space<hbm>>
      %dma_wait3A_365 = arith.constant 0 : i32
      %dma_wait3A_366 = tpu.memref_slice %arg4[%add3A_332, %dma_wait3A_365] : memref<320000x128xf32, #tpu.memory_space<hbm>> -> memref<80x128xf32, #tpu.memory_space<hbm>>
      tpu.wait_dma2 semaphore(%arg53 : memref<!tpu.dma_semaphore, #tpu.memory_space<semaphore_mem>>) src(%dma_wait3A_366 : memref<80x128xf32, #tpu.memory_space<hbm>>) dst(%arg26 : memref<80x128xf32, #tpu.memory_space<vmem>>)
      %scan3A_367 = arith.constant 0 : i32
      %scan3A_368 = arith.constant 0 : i32
      %scan3A_369 = arith.constant 80 : i32
      %scan3A_370 = arith.addi %scan3A_368, %scan3A_369 : i32
      %scan3A_371 = arith.constant 1 : i32
      %scan3A_372 = scf.for %scan3A_389 = %scan3A_368 to %scan3A_370 step %scan3A_371 iter_args(%scan3A_390 = %scan3A_367) -> (i32)  : i32 {
        %get3A = arith.index_cast %scan3A_389 : i32 to index
        %get3A_391 = arith.constant 0 : index
        %get3A_392 = tpu.vector_load %arg24[%get3A, %get3A_391] {strides = array<i32>} : memref<80x128xf32, #tpu.memory_space<vmem>>, vector<16xf32>,
        %get3A_393 = arith.index_cast %scan3A_389 : i32 to index
        %get3A_394 = arith.constant 0 : index
        %get3A_395 = tpu.vector_load %arg26[%get3A_393, %get3A_394] {strides = array<i32>} : memref<80x128xf32, #tpu.memory_space<vmem>>, vector<16xf32>,
        %add3A_396 = arith.addf %get3A_392, %get3A_395 : vector<16xf32>
        %max3A = arith.constant 0.000000e+00 : f32
        %max3A_397 = vector.broadcast %max3A : f32 to vector<16xf32>
        %max3A_398 = arith.maximumf %add3A_396, %max3A_397 : vector<16xf32>
        %swap3A = arith.index_cast %scan3A_389 : i32 to index
        %swap3A_399 = arith.constant 0 : index
        %swap3A_400 = tpu.vector_load %arg24[%swap3A, %swap3A_399] {strides = array<i32>} : memref<80x128xf32, #tpu.memory_space<vmem>>, vector<16xf32>,
        tpu.vector_store %arg24[%swap3A, %swap3A_399], %max3A_398 {strides = array<i32>} : memref<80x128xf32, #tpu.memory_space<vmem>>, vector<16xf32>,
        %get3A_401 = arith.index_cast %scan3A_389 : i32 to index
        %get3A_402 = arith.constant 16 : index
        %get3A_403 = tpu.vector_load %arg24[%get3A_401, %get3A_402] {strides = array<i32>} : memref<80x128xf32, #tpu.memory_space<vmem>>, vector<16xf32>,
        %get3A_404 = arith.index_cast %scan3A_389 : i32 to index
        %get3A_405 = arith.constant 16 : index
        %get3A_406 = tpu.vector_load %arg26[%get3A_404, %get3A_405] {strides = array<i32>} : memref<80x128xf32, #tpu.memory_space<vmem>>, vector<16xf32>,
        %add3A_407 = arith.addf %get3A_403, %get3A_406 : vector<16xf32>
        %max3A_408 = arith.constant 0.000000e+00 : f32
        %max3A_409 = vector.broadcast %max3A_408 : f32 to vector<16xf32>
        %max3A_410 = arith.maximumf %add3A_407, %max3A_409 : vector<16xf32>
        %swap3A_411 = arith.index_cast %scan3A_389 : i32 to index
        %swap3A_412 = arith.constant 16 : index
        %swap3A_413 = tpu.vector_load %arg24[%swap3A_411, %swap3A_412] {strides = array<i32>} : memref<80x128xf32, #tpu.memory_space<vmem>>, vector<16xf32>,
        tpu.vector_store %arg24[%swap3A_411, %swap3A_412], %max3A_410 {strides = array<i32>} : memref<80x128xf32, #tpu.memory_space<vmem>>, vector<16xf32>,
        %get3A_414 = arith.index_cast %scan3A_389 : i32 to index
        %get3A_415 = arith.constant 32 : index
        %get3A_416 = tpu.vector_load %arg24[%get3A_414, %get3A_415] {strides = array<i32>} : memref<80x128xf32, #tpu.memory_space<vmem>>, vector<16xf32>,
        %get3A_417 = arith.index_cast %scan3A_389 : i32 to index
        %get3A_418 = arith.constant 32 : index
        %get3A_419 = tpu.vector_load %arg26[%get3A_417, %get3A_418] {strides = array<i32>} : memref<80x128xf32, #tpu.memory_space<vmem>>, vector<16xf32>,
        %add3A_420 = arith.addf %get3A_416, %get3A_419 : vector<16xf32>
        %max3A_421 = arith.constant 0.000000e+00 : f32
        %max3A_422 = vector.broadcast %max3A_421 : f32 to vector<16xf32>
        %max3A_423 = arith.maximumf %add3A_420, %max3A_422 : vector<16xf32>
        %swap3A_424 = arith.index_cast %scan3A_389 : i32 to index
        %swap3A_425 = arith.constant 32 : index
        %swap3A_426 = tpu.vector_load %arg24[%swap3A_424, %swap3A_425] {strides = array<i32>} : memref<80x128xf32, #tpu.memory_space<vmem>>, vector<16xf32>,
        tpu.vector_store %arg24[%swap3A_424, %swap3A_425], %max3A_423 {strides = array<i32>} : memref<80x128xf32, #tpu.memory_space<vmem>>, vector<16xf32>,
        %get3A_427 = arith.index_cast %scan3A_389 : i32 to index
        %get3A_428 = arith.constant 48 : index
        %get3A_429 = tpu.vector_load %arg24[%get3A_427, %get3A_428] {strides = array<i32>} : memref<80x128xf32, #tpu.memory_space<vmem>>, vector<16xf32>,
        %get3A_430 = arith.index_cast %scan3A_389 : i32 to index
        %get3A_431 = arith.constant 48 : index
        %get3A_432 = tpu.vector_load %arg26[%get3A_430, %get3A_431] {strides = array<i32>} : memref<80x128xf32, #tpu.memory_space<vmem>>, vector<16xf32>,
        %add3A_433 = arith.addf %get3A_429, %get3A_432 : vector<16xf32>
        %max3A_434 = arith.constant 0.000000e+00 : f32
        %max3A_435 = vector.broadcast %max3A_434 : f32 to vector<16xf32>
        %max3A_436 = arith.maximumf %add3A_433, %max3A_435 : vector<16xf32>
        %swap3A_437 = arith.index_cast %scan3A_389 : i32 to index
        %swap3A_438 = arith.constant 48 : index
        %swap3A_439 = tpu.vector_load %arg24[%swap3A_437, %swap3A_438] {strides = array<i32>} : memref<80x128xf32, #tpu.memory_space<vmem>>, vector<16xf32>,
        tpu.vector_store %arg24[%swap3A_437, %swap3A_438], %max3A_436 {strides = array<i32>} : memref<80x128xf32, #tpu.memory_space<vmem>>, vector<16xf32>,
        %get3A_440 = arith.index_cast %scan3A_389 : i32 to index
        %get3A_441 = arith.constant 64 : index
        %get3A_442 = tpu.vector_load %arg24[%get3A_440, %get3A_441] {strides = array<i32>} : memref<80x128xf32, #tpu.memory_space<vmem>>, vector<16xf32>,
        %get3A_443 = arith.index_cast %scan3A_389 : i32 to index
        %get3A_444 = arith.constant 64 : index
        %get3A_445 = tpu.vector_load %arg26[%get3A_443, %get3A_444] {strides = array<i32>} : memref<80x128xf32, #tpu.memory_space<vmem>>, vector<16xf32>,
        %add3A_446 = arith.addf %get3A_442, %get3A_445 : vector<16xf32>
        %max3A_447 = arith.constant 0.000000e+00 : f32
        %max3A_448 = vector.broadcast %max3A_447 : f32 to vector<16xf32>
        %max3A_449 = arith.maximumf %add3A_446, %max3A_448 : vector<16xf32>
        %swap3A_450 = arith.index_cast %scan3A_389 : i32 to index
        %swap3A_451 = arith.constant 64 : index
        %swap3A_452 = tpu.vector_load %arg24[%swap3A_450, %swap3A_451] {strides = array<i32>} : memref<80x128xf32, #tpu.memory_space<vmem>>, vector<16xf32>,
        tpu.vector_store %arg24[%swap3A_450, %swap3A_451], %max3A_449 {strides = array<i32>} : memref<80x128xf32, #tpu.memory_space<vmem>>, vector<16xf32>,
        %get3A_453 = arith.index_cast %scan3A_389 : i32 to index
        %get3A_454 = arith.constant 80 : index
        %get3A_455 = tpu.vector_load %arg24[%get3A_453, %get3A_454] {strides = array<i32>} : memref<80x128xf32, #tpu.memory_space<vmem>>, vector<16xf32>,
        %get3A_456 = arith.index_cast %scan3A_389 : i32 to index
        %get3A_457 = arith.constant 80 : index
        %get3A_458 = tpu.vector_load %arg26[%get3A_456, %get3A_457] {strides = array<i32>} : memref<80x128xf32, #tpu.memory_space<vmem>>, vector<16xf32>,
        %add3A_459 = arith.addf %get3A_455, %get3A_458 : vector<16xf32>
        %max3A_460 = arith.constant 0.000000e+00 : f32
        %max3A_461 = vector.broadcast %max3A_460 : f32 to vector<16xf32>
        %max3A_462 = arith.maximumf %add3A_459, %max3A_461 : vector<16xf32>
        %swap3A_463 = arith.index_cast %scan3A_389 : i32 to index
        %swap3A_464 = arith.constant 80 : index
        %swap3A_465 = tpu.vector_load %arg24[%swap3A_463, %swap3A_464] {strides = array<i32>} : memref<80x128xf32, #tpu.memory_space<vmem>>, vector<16xf32>,
        tpu.vector_store %arg24[%swap3A_463, %swap3A_464], %max3A_462 {strides = array<i32>} : memref<80x128xf32, #tpu.memory_space<vmem>>, vector<16xf32>,
        %get3A_466 = arith.index_cast %scan3A_389 : i32 to index
        %get3A_467 = arith.constant 96 : index
        %get3A_468 = tpu.vector_load %arg24[%get3A_466, %get3A_467] {strides = array<i32>} : memref<80x128xf32, #tpu.memory_space<vmem>>, vector<16xf32>,
        %get3A_469 = arith.index_cast %scan3A_389 : i32 to index
        %get3A_470 = arith.constant 96 : index
        %get3A_471 = tpu.vector_load %arg26[%get3A_469, %get3A_470] {strides = array<i32>} : memref<80x128xf32, #tpu.memory_space<vmem>>, vector<16xf32>,
        %add3A_472 = arith.addf %get3A_468, %get3A_471 : vector<16xf32>
        %max3A_473 = arith.constant 0.000000e+00 : f32
        %max3A_474 = vector.broadcast %max3A_473 : f32 to vector<16xf32>
        %max3A_475 = arith.maximumf %add3A_472, %max3A_474 : vector<16xf32>
        %swap3A_476 = arith.index_cast %scan3A_389 : i32 to index
        %swap3A_477 = arith.constant 96 : index
        %swap3A_478 = tpu.vector_load %arg24[%swap3A_476, %swap3A_477] {strides = array<i32>} : memref<80x128xf32, #tpu.memory_space<vmem>>, vector<16xf32>,
        tpu.vector_store %arg24[%swap3A_476, %swap3A_477], %max3A_475 {strides = array<i32>} : memref<80x128xf32, #tpu.memory_space<vmem>>, vector<16xf32>,
        %get3A_479 = arith.index_cast %scan3A_389 : i32 to index
        %get3A_480 = arith.constant 112 : index
        %get3A_481 = tpu.vector_load %arg24[%get3A_479, %get3A_480] {strides = array<i32>} : memref<80x128xf32, #tpu.memory_space<vmem>>, vector<16xf32>,
        %get3A_482 = arith.index_cast %scan3A_389 : i32 to index
        %get3A_483 = arith.constant 112 : index
        %get3A_484 = tpu.vector_load %arg26[%get3A_482, %get3A_483] {strides = array<i32>} : memref<80x128xf32, #tpu.memory_space<vmem>>, vector<16xf32>,
        %add3A_485 = arith.addf %get3A_481, %get3A_484 : vector<16xf32>
        %max3A_486 = arith.constant 0.000000e+00 : f32
        %max3A_487 = vector.broadcast %max3A_486 : f32 to vector<16xf32>
        %max3A_488 = arith.maximumf %add3A_485, %max3A_487 : vector<16xf32>
        %swap3A_489 = arith.index_cast %scan3A_389 : i32 to index
        %swap3A_490 = arith.constant 112 : index
        %swap3A_491 = tpu.vector_load %arg24[%swap3A_489, %swap3A_490] {strides = array<i32>} : memref<80x128xf32, #tpu.memory_space<vmem>>, vector<16xf32>,
        tpu.vector_store %arg24[%swap3A_489, %swap3A_490], %max3A_488 {strides = array<i32>} : memref<80x128xf32, #tpu.memory_space<vmem>>, vector<16xf32>,
        %scan3A_492 = arith.constant 0 : i32
        scf.yield %scan3A_492 : i32
      }
      %scan3A_373 = arith.constant 80 : i32
      "tpu.region"() ({
        %run_scoped3A = tpu.sem_alloc : memref<!tpu.dma_semaphore, #tpu.memory_space<semaphore_mem>>
        %dma_start3A_389 = arith.constant 0 : i32
        %dma_start3A_390 = arith.constant 0 : i32
        %dma_start3A_391 = tpu.memref_slice %arg21[%dma_start3A_389, %dma_start3A_390] : memref<10016x128xf32, #tpu.memory_space<vmem_shared>> -> memref<10016x128xf32, #tpu.memory_space<vmem_shared>>
        tpu.enqueue_indirect_dma source(%arg24 : memref<80x128xf32, #tpu.memory_space<vmem>>) target(%dma_start3A_391 : memref<10016x128xf32, #tpu.memory_space<vmem_shared>>) offsets(%arg35 : memref<80xi32, #tpu.memory_space<vmem>>) semaphore(%run_scoped3A : memref<!tpu.dma_semaphore, #tpu.memory_space<semaphore_mem>>) {add = true}
        %dma_wait3A_392 = arith.constant 0 : i32
        %dma_wait3A_393 = arith.constant 0 : i32
        %dma_wait3A_394 = tpu.memref_slice %arg21[%dma_wait3A_392, %dma_wait3A_393] : memref<10016x128xf32, #tpu.memory_space<vmem_shared>> -> memref<10016x128xf32, #tpu.memory_space<vmem_shared>>
        tpu.wait_indirect_dma semaphore(%run_scoped3A : memref<!tpu.dma_semaphore, #tpu.memory_space<semaphore_mem>>) src(%arg24 : memref<80x128xf32, #tpu.memory_space<vmem>>) dst(%dma_wait3A_394 : memref<10016x128xf32, #tpu.memory_space<vmem_shared>>)
        tpu.yield
      }) : () -> ()
      %dma_wait3A_374 = arith.constant 0 : i32
      %dma_wait3A_375 = arith.constant 0 : i32
      %dma_wait3A_376 = tpu.memref_slice %arg12[%dma_wait3A_374, %dma_wait3A_375] : memref<10000x128xf32, #tpu.memory_space<hbm>> -> memref<10000x128xf32, #tpu.memory_space<hbm>>
      tpu.wait_indirect_dma semaphore(%arg50 : memref<!tpu.dma_semaphore, #tpu.memory_space<semaphore_mem>>) src(%dma_wait3A_376 : memref<10000x128xf32, #tpu.memory_space<hbm>>) dst(%arg23 : memref<80x128xf32, #tpu.memory_space<vmem>>)
      %dma_wait3A_377 = arith.constant 0 : i32
      %dma_wait3A_378 = tpu.memref_slice %arg4[%add3A_355, %dma_wait3A_377] : memref<320000x128xf32, #tpu.memory_space<hbm>> -> memref<80x128xf32, #tpu.memory_space<hbm>>
      %dma_wait3A_379 = arith.constant 0 : i32
      %dma_wait3A_380 = tpu.memref_slice %arg4[%add3A_355, %dma_wait3A_379] : memref<320000x128xf32, #tpu.memory_space<hbm>> -> memref<80x128xf32, #tpu.memory_space<hbm>>
      tpu.wait_dma2 semaphore(%arg52 : memref<!tpu.dma_semaphore, #tpu.memory_space<semaphore_mem>>) src(%dma_wait3A_380 : memref<80x128xf32, #tpu.memory_space<hbm>>) dst(%arg25 : memref<80x128xf32, #tpu.memory_space<vmem>>)
      %scan3A_381 = arith.constant 0 : i32
      %scan3A_382 = arith.constant 0 : i32
      %scan3A_383 = arith.constant 80 : i32
      %scan3A_384 = arith.addi %scan3A_382, %scan3A_383 : i32
      %scan3A_385 = arith.constant 1 : i32
      %scan3A_386 = scf.for %scan3A_389 = %scan3A_382 to %scan3A_384 step %scan3A_385 iter_args(%scan3A_390 = %scan3A_381) -> (i32)  : i32 {
        %get3A = arith.index_cast %scan3A_389 : i32 to index
        %get3A_391 = arith.constant 0 : index
        %get3A_392 = tpu.vector_load %arg23[%get3A, %get3A_391] {strides = array<i32>} : memref<80x128xf32, #tpu.memory_space<vmem>>, vector<16xf32>,
        %get3A_393 = arith.index_cast %scan3A_389 : i32 to index
        %get3A_394 = arith.constant 0 : index
        %get3A_395 = tpu.vector_load %arg25[%get3A_393, %get3A_394] {strides = array<i32>} : memref<80x128xf32, #tpu.memory_space<vmem>>, vector<16xf32>,
        %add3A_396 = arith.addf %get3A_392, %get3A_395 : vector<16xf32>
        %max3A = arith.constant 0.000000e+00 : f32
        %max3A_397 = vector.broadcast %max3A : f32 to vector<16xf32>
        %max3A_398 = arith.maximumf %add3A_396, %max3A_397 : vector<16xf32>
        %swap3A = arith.index_cast %scan3A_389 : i32 to index
        %swap3A_399 = arith.constant 0 : index
        %swap3A_400 = tpu.vector_load %arg23[%swap3A, %swap3A_399] {strides = array<i32>} : memref<80x128xf32, #tpu.memory_space<vmem>>, vector<16xf32>,
        tpu.vector_store %arg23[%swap3A, %swap3A_399], %max3A_398 {strides = array<i32>} : memref<80x128xf32, #tpu.memory_space<vmem>>, vector<16xf32>,
        %get3A_401 = arith.index_cast %scan3A_389 : i32 to index
        %get3A_402 = arith.constant 16 : index
        %get3A_403 = tpu.vector_load %arg23[%get3A_401, %get3A_402] {strides = array<i32>} : memref<80x128xf32, #tpu.memory_space<vmem>>, vector<16xf32>,
        %get3A_404 = arith.index_cast %scan3A_389 : i32 to index
        %get3A_405 = arith.constant 16 : index
        %get3A_406 = tpu.vector_load %arg25[%get3A_404, %get3A_405] {strides = array<i32>} : memref<80x128xf32, #tpu.memory_space<vmem>>, vector<16xf32>,
        %add3A_407 = arith.addf %get3A_403, %get3A_406 : vector<16xf32>
        %max3A_408 = arith.constant 0.000000e+00 : f32
        %max3A_409 = vector.broadcast %max3A_408 : f32 to vector<16xf32>
        %max3A_410 = arith.maximumf %add3A_407, %max3A_409 : vector<16xf32>
        %swap3A_411 = arith.index_cast %scan3A_389 : i32 to index
        %swap3A_412 = arith.constant 16 : index
        %swap3A_413 = tpu.vector_load %arg23[%swap3A_411, %swap3A_412] {strides = array<i32>} : memref<80x128xf32, #tpu.memory_space<vmem>>, vector<16xf32>,
        tpu.vector_store %arg23[%swap3A_411, %swap3A_412], %max3A_410 {strides = array<i32>} : memref<80x128xf32, #tpu.memory_space<vmem>>, vector<16xf32>,
        %get3A_414 = arith.index_cast %scan3A_389 : i32 to index
        %get3A_415 = arith.constant 32 : index
        %get3A_416 = tpu.vector_load %arg23[%get3A_414, %get3A_415] {strides = array<i32>} : memref<80x128xf32, #tpu.memory_space<vmem>>, vector<16xf32>,
        %get3A_417 = arith.index_cast %scan3A_389 : i32 to index
        %get3A_418 = arith.constant 32 : index
        %get3A_419 = tpu.vector_load %arg25[%get3A_417, %get3A_418] {strides = array<i32>} : memref<80x128xf32, #tpu.memory_space<vmem>>, vector<16xf32>,
        %add3A_420 = arith.addf %get3A_416, %get3A_419 : vector<16xf32>
        %max3A_421 = arith.constant 0.000000e+00 : f32
        %max3A_422 = vector.broadcast %max3A_421 : f32 to vector<16xf32>
        %max3A_423 = arith.maximumf %add3A_420, %max3A_422 : vector<16xf32>
        %swap3A_424 = arith.index_cast %scan3A_389 : i32 to index
        %swap3A_425 = arith.constant 32 : index
        %swap3A_426 = tpu.vector_load %arg23[%swap3A_424, %swap3A_425] {strides = array<i32>} : memref<80x128xf32, #tpu.memory_space<vmem>>, vector<16xf32>,
        tpu.vector_store %arg23[%swap3A_424, %swap3A_425], %max3A_423 {strides = array<i32>} : memref<80x128xf32, #tpu.memory_space<vmem>>, vector<16xf32>,
        %get3A_427 = arith.index_cast %scan3A_389 : i32 to index
        %get3A_428 = arith.constant 48 : index
        %get3A_429 = tpu.vector_load %arg23[%get3A_427, %get3A_428] {strides = array<i32>} : memref<80x128xf32, #tpu.memory_space<vmem>>, vector<16xf32>,
        %get3A_430 = arith.index_cast %scan3A_389 : i32 to index
        %get3A_431 = arith.constant 48 : index
        %get3A_432 = tpu.vector_load %arg25[%get3A_430, %get3A_431] {strides = array<i32>} : memref<80x128xf32, #tpu.memory_space<vmem>>, vector<16xf32>,
        %add3A_433 = arith.addf %get3A_429, %get3A_432 : vector<16xf32>
        %max3A_434 = arith.constant 0.000000e+00 : f32
        %max3A_435 = vector.broadcast %max3A_434 : f32 to vector<16xf32>
        %max3A_436 = arith.maximumf %add3A_433, %max3A_435 : vector<16xf32>
        %swap3A_437 = arith.index_cast %scan3A_389 : i32 to index
        %swap3A_438 = arith.constant 48 : index
        %swap3A_439 = tpu.vector_load %arg23[%swap3A_437, %swap3A_438] {strides = array<i32>} : memref<80x128xf32, #tpu.memory_space<vmem>>, vector<16xf32>,
        tpu.vector_store %arg23[%swap3A_437, %swap3A_438], %max3A_436 {strides = array<i32>} : memref<80x128xf32, #tpu.memory_space<vmem>>, vector<16xf32>,
        %get3A_440 = arith.index_cast %scan3A_389 : i32 to index
        %get3A_441 = arith.constant 64 : index
        %get3A_442 = tpu.vector_load %arg23[%get3A_440, %get3A_441] {strides = array<i32>} : memref<80x128xf32, #tpu.memory_space<vmem>>, vector<16xf32>,
        %get3A_443 = arith.index_cast %scan3A_389 : i32 to index
        %get3A_444 = arith.constant 64 : index
        %get3A_445 = tpu.vector_load %arg25[%get3A_443, %get3A_444] {strides = array<i32>} : memref<80x128xf32, #tpu.memory_space<vmem>>, vector<16xf32>,
        %add3A_446 = arith.addf %get3A_442, %get3A_445 : vector<16xf32>
        %max3A_447 = arith.constant 0.000000e+00 : f32
        %max3A_448 = vector.broadcast %max3A_447 : f32 to vector<16xf32>
        %max3A_449 = arith.maximumf %add3A_446, %max3A_448 : vector<16xf32>
        %swap3A_450 = arith.index_cast %scan3A_389 : i32 to index
        %swap3A_451 = arith.constant 64 : index
        %swap3A_452 = tpu.vector_load %arg23[%swap3A_450, %swap3A_451] {strides = array<i32>} : memref<80x128xf32, #tpu.memory_space<vmem>>, vector<16xf32>,
        tpu.vector_store %arg23[%swap3A_450, %swap3A_451], %max3A_449 {strides = array<i32>} : memref<80x128xf32, #tpu.memory_space<vmem>>, vector<16xf32>,
        %get3A_453 = arith.index_cast %scan3A_389 : i32 to index
        %get3A_454 = arith.constant 80 : index
        %get3A_455 = tpu.vector_load %arg23[%get3A_453, %get3A_454] {strides = array<i32>} : memref<80x128xf32, #tpu.memory_space<vmem>>, vector<16xf32>,
        %get3A_456 = arith.index_cast %scan3A_389 : i32 to index
        %get3A_457 = arith.constant 80 : index
        %get3A_458 = tpu.vector_load %arg25[%get3A_456, %get3A_457] {strides = array<i32>} : memref<80x128xf32, #tpu.memory_space<vmem>>, vector<16xf32>,
        %add3A_459 = arith.addf %get3A_455, %get3A_458 : vector<16xf32>
        %max3A_460 = arith.constant 0.000000e+00 : f32
        %max3A_461 = vector.broadcast %max3A_460 : f32 to vector<16xf32>
        %max3A_462 = arith.maximumf %add3A_459, %max3A_461 : vector<16xf32>
        %swap3A_463 = arith.index_cast %scan3A_389 : i32 to index
        %swap3A_464 = arith.constant 80 : index
        %swap3A_465 = tpu.vector_load %arg23[%swap3A_463, %swap3A_464] {strides = array<i32>} : memref<80x128xf32, #tpu.memory_space<vmem>>, vector<16xf32>,
        tpu.vector_store %arg23[%swap3A_463, %swap3A_464], %max3A_462 {strides = array<i32>} : memref<80x128xf32, #tpu.memory_space<vmem>>, vector<16xf32>,
        %get3A_466 = arith.index_cast %scan3A_389 : i32 to index
        %get3A_467 = arith.constant 96 : index
        %get3A_468 = tpu.vector_load %arg23[%get3A_466, %get3A_467] {strides = array<i32>} : memref<80x128xf32, #tpu.memory_space<vmem>>, vector<16xf32>,
        %get3A_469 = arith.index_cast %scan3A_389 : i32 to index
        %get3A_470 = arith.constant 96 : index
        %get3A_471 = tpu.vector_load %arg25[%get3A_469, %get3A_470] {strides = array<i32>} : memref<80x128xf32, #tpu.memory_space<vmem>>, vector<16xf32>,
        %add3A_472 = arith.addf %get3A_468, %get3A_471 : vector<16xf32>
        %max3A_473 = arith.constant 0.000000e+00 : f32
        %max3A_474 = vector.broadcast %max3A_473 : f32 to vector<16xf32>
        %max3A_475 = arith.maximumf %add3A_472, %max3A_474 : vector<16xf32>
        %swap3A_476 = arith.index_cast %scan3A_389 : i32 to index
        %swap3A_477 = arith.constant 96 : index
        %swap3A_478 = tpu.vector_load %arg23[%swap3A_476, %swap3A_477] {strides = array<i32>} : memref<80x128xf32, #tpu.memory_space<vmem>>, vector<16xf32>,
        tpu.vector_store %arg23[%swap3A_476, %swap3A_477], %max3A_475 {strides = array<i32>} : memref<80x128xf32, #tpu.memory_space<vmem>>, vector<16xf32>,
        %get3A_479 = arith.index_cast %scan3A_389 : i32 to index
        %get3A_480 = arith.constant 112 : index
        %get3A_481 = tpu.vector_load %arg23[%get3A_479, %get3A_480] {strides = array<i32>} : memref<80x128xf32, #tpu.memory_space<vmem>>, vector<16xf32>,
        %get3A_482 = arith.index_cast %scan3A_389 : i32 to index
        %get3A_483 = arith.constant 112 : index
        %get3A_484 = tpu.vector_load %arg25[%get3A_482, %get3A_483] {strides = array<i32>} : memref<80x128xf32, #tpu.memory_space<vmem>>, vector<16xf32>,
        %add3A_485 = arith.addf %get3A_481, %get3A_484 : vector<16xf32>
        %max3A_486 = arith.constant 0.000000e+00 : f32
        %max3A_487 = vector.broadcast %max3A_486 : f32 to vector<16xf32>
        %max3A_488 = arith.maximumf %add3A_485, %max3A_487 : vector<16xf32>
        %swap3A_489 = arith.index_cast %scan3A_389 : i32 to index
        %swap3A_490 = arith.constant 112 : index
        %swap3A_491 = tpu.vector_load %arg23[%swap3A_489, %swap3A_490] {strides = array<i32>} : memref<80x128xf32, #tpu.memory_space<vmem>>, vector<16xf32>,
        tpu.vector_store %arg23[%swap3A_489, %swap3A_490], %max3A_488 {strides = array<i32>} : memref<80x128xf32, #tpu.memory_space<vmem>>, vector<16xf32>,
        %scan3A_492 = arith.constant 0 : i32
        scf.yield %scan3A_492 : i32
      }
      %scan3A_387 = arith.constant 80 : i32
      "tpu.region"() ({
        %run_scoped3A = tpu.sem_alloc : memref<!tpu.dma_semaphore, #tpu.memory_space<semaphore_mem>>
        %dma_start3A_389 = arith.constant 0 : i32
        %dma_start3A_390 = arith.constant 0 : i32
        %dma_start3A_391 = tpu.memref_slice %arg21[%dma_start3A_389, %dma_start3A_390] : memref<10016x128xf32, #tpu.memory_space<vmem_shared>> -> memref<10016x128xf32, #tpu.memory_space<vmem_shared>>
        tpu.enqueue_indirect_dma source(%arg23 : memref<80x128xf32, #tpu.memory_space<vmem>>) target(%dma_start3A_391 : memref<10016x128xf32, #tpu.memory_space<vmem_shared>>) offsets(%arg36 : memref<80xi32, #tpu.memory_space<vmem>>) semaphore(%run_scoped3A : memref<!tpu.dma_semaphore, #tpu.memory_space<semaphore_mem>>) {add = true}
        %dma_wait3A_392 = arith.constant 0 : i32
        %dma_wait3A_393 = arith.constant 0 : i32
        %dma_wait3A_394 = tpu.memref_slice %arg21[%dma_wait3A_392, %dma_wait3A_393] : memref<10016x128xf32, #tpu.memory_space<vmem_shared>> -> memref<10016x128xf32, #tpu.memory_space<vmem_shared>>
        tpu.wait_indirect_dma semaphore(%run_scoped3A : memref<!tpu.dma_semaphore, #tpu.memory_space<semaphore_mem>>) src(%arg23 : memref<80x128xf32, #tpu.memory_space<vmem>>) dst(%dma_wait3A_394 : memref<10016x128xf32, #tpu.memory_space<vmem_shared>>)
        tpu.yield
      }) : () -> ()
      %scan3A_388 = arith.constant 0 : i32
      scf.yield %scan3A_388 : i32
    }
    %scan3A_47 = arith.constant 25 : i32
    %barrier3A_48 = arith.constant 0 : index
    tpu.barrier barrier_id(%barrier3A_48)
    %mul3A_49 = arith.constant 626 : i32
    %mul3A_50 = arith.muli %arg1, %mul3A_49 : i32
    %add3A_51 = arith.constant 0 : i32
    %add3A_52 = arith.addi %add3A_51, %mul3A_50 : i32
    %mul3A_53 = arith.constant 626 : i32
    %mul3A_54 = arith.muli %arg1, %mul3A_53 : i32
    "tpu.region"() ({
      %run_scoped3A = tpu.sem_alloc : memref<!tpu.dma_semaphore, #tpu.memory_space<semaphore_mem>>
      %dma_start3A = arith.constant 0 : i32
      %dma_start3A_215 = tpu.memref_slice %arg15[%arg0, %mul3A_54, %dma_start3A] : memref<2x10016x128xf32, #tpu.memory_space<hbm>> -> memref<1x626x128xf32, #tpu.memory_space<hbm>>
      %dma_start3A_216 = tpu.memref_squeeze %dma_start3A_215 : memref<1x626x128xf32, #tpu.memory_space<hbm>> -> memref<626x128xf32, #tpu.memory_space<hbm>>
      %dma_start3A_217 = arith.constant 0 : i32
      %dma_start3A_218 = tpu.memref_slice %arg21[%add3A_52, %dma_start3A_217] : memref<10016x128xf32, #tpu.memory_space<vmem_shared>> -> memref<626x128xf32, #tpu.memory_space<vmem_shared>>
      tpu.enqueue_dma source(%dma_start3A_218 : memref<626x128xf32, #tpu.memory_space<vmem_shared>>) target(%dma_start3A_216 : memref<626x128xf32, #tpu.memory_space<hbm>>) target_semaphore(%run_scoped3A : memref<!tpu.dma_semaphore, #tpu.memory_space<semaphore_mem>>)
      %dma_wait3A = arith.constant 0 : i32
      %dma_wait3A_219 = tpu.memref_slice %arg15[%arg0, %mul3A_54, %dma_wait3A] : memref<2x10016x128xf32, #tpu.memory_space<hbm>> -> memref<1x626x128xf32, #tpu.memory_space<hbm>>
      %dma_wait3A_220 = tpu.memref_squeeze %dma_wait3A_219 : memref<1x626x128xf32, #tpu.memory_space<hbm>> -> memref<626x128xf32, #tpu.memory_space<hbm>>
      %dma_wait3A_221 = arith.constant 0 : i32
      %dma_wait3A_222 = tpu.memref_slice %arg21[%add3A_52, %dma_wait3A_221] : memref<10016x128xf32, #tpu.memory_space<vmem_shared>> -> memref<626x128xf32, #tpu.memory_space<vmem_shared>>
      tpu.wait_dma2 semaphore(%run_scoped3A : memref<!tpu.dma_semaphore, #tpu.memory_space<semaphore_mem>>) src(%dma_wait3A_222 : memref<626x128xf32, #tpu.memory_space<vmem_shared>>) dst(%dma_wait3A_220 : memref<626x128xf32, #tpu.memory_space<hbm>>)
      tpu.yield
    }) : () -> ()
    %barrier3A_55 = arith.constant 0 : index
    tpu.barrier barrier_id(%barrier3A_55)
    "tpu.region"() ({
      %run_scoped3A = tpu.sem_alloc : memref<!tpu.dma_semaphore, #tpu.memory_space<semaphore_mem>>
      %dma_start3A = arith.constant 0 : i32
      %dma_start3A_215 = arith.constant 0 : i32
      %dma_start3A_216 = tpu.memref_slice %arg14[%dma_start3A, %dma_start3A_215] : memref<80x128xf32, #tpu.memory_space<hbm>> -> memref<80x128xf32, #tpu.memory_space<hbm>>
      %dma_start3A_217 = arith.constant 0 : i32
      %dma_start3A_218 = arith.constant 0 : i32
      %dma_start3A_219 = tpu.memref_slice %arg14[%dma_start3A_217, %dma_start3A_218] : memref<80x128xf32, #tpu.memory_space<hbm>> -> memref<80x128xf32, #tpu.memory_space<hbm>>
      tpu.enqueue_dma source(%dma_start3A_219 : memref<80x128xf32, #tpu.memory_space<hbm>>) target(%arg23 : memref<80x128xf32, #tpu.memory_space<vmem>>) target_semaphore(%run_scoped3A : memref<!tpu.dma_semaphore, #tpu.memory_space<semaphore_mem>>)
      %dma_wait3A = arith.constant 0 : i32
      %dma_wait3A_220 = arith.constant 0 : i32
      %dma_wait3A_221 = tpu.memref_slice %arg14[%dma_wait3A, %dma_wait3A_220] : memref<80x128xf32, #tpu.memory_space<hbm>> -> memref<80x128xf32, #tpu.memory_space<hbm>>
      %dma_wait3A_222 = arith.constant 0 : i32
      %dma_wait3A_223 = arith.constant 0 : i32
      %dma_wait3A_224 = tpu.memref_slice %arg14[%dma_wait3A_222, %dma_wait3A_223] : memref<80x128xf32, #tpu.memory_space<hbm>> -> memref<80x128xf32, #tpu.memory_space<hbm>>
      tpu.wait_dma2 semaphore(%run_scoped3A : memref<!tpu.dma_semaphore, #tpu.memory_space<semaphore_mem>>) src(%dma_wait3A_224 : memref<80x128xf32, #tpu.memory_space<hbm>>) dst(%arg23 : memref<80x128xf32, #tpu.memory_space<vmem>>)
      tpu.yield
    }) : () -> ()
    %mul3A_56 = arith.constant 626 : i32
    %mul3A_57 = arith.muli %arg1, %mul3A_56 : i32
    %add3A_58 = arith.constant 0 : i32
    %add3A_59 = arith.addi %mul3A_57, %add3A_58 : i32
    "tpu.region"() ({
      %run_scoped3A = tpu.sem_alloc : memref<!tpu.dma_semaphore, #tpu.memory_space<semaphore_mem>>
      %dma_start3A = arith.constant 0 : i32
      %dma_start3A_215 = tpu.memref_slice %arg21[%add3A_59, %dma_start3A] : memref<10016x128xf32, #tpu.memory_space<vmem_shared>> -> memref<80x128xf32, #tpu.memory_space<vmem_shared>>
      %dma_start3A_216 = arith.constant 0 : i32
      %dma_start3A_217 = tpu.memref_slice %arg21[%add3A_59, %dma_start3A_216] : memref<10016x128xf32, #tpu.memory_space<vmem_shared>> -> memref<80x128xf32, #tpu.memory_space<vmem_shared>>
      tpu.enqueue_dma source(%arg23 : memref<80x128xf32, #tpu.memory_space<vmem>>) target(%dma_start3A_217 : memref<80x128xf32, #tpu.memory_space<vmem_shared>>) target_semaphore(%run_scoped3A : memref<!tpu.dma_semaphore, #tpu.memory_space<semaphore_mem>>)
      %dma_wait3A = arith.constant 0 : i32
      %dma_wait3A_218 = tpu.memref_slice %arg21[%add3A_59, %dma_wait3A] : memref<10016x128xf32, #tpu.memory_space<vmem_shared>> -> memref<80x128xf32, #tpu.memory_space<vmem_shared>>
      %dma_wait3A_219 = arith.constant 0 : i32
      %dma_wait3A_220 = tpu.memref_slice %arg21[%add3A_59, %dma_wait3A_219] : memref<10016x128xf32, #tpu.memory_space<vmem_shared>> -> memref<80x128xf32, #tpu.memory_space<vmem_shared>>
      tpu.wait_dma2 semaphore(%run_scoped3A : memref<!tpu.dma_semaphore, #tpu.memory_space<semaphore_mem>>) src(%arg23 : memref<80x128xf32, #tpu.memory_space<vmem>>) dst(%dma_wait3A_220 : memref<80x128xf32, #tpu.memory_space<vmem_shared>>)
      tpu.yield
    }) : () -> ()
    %mul3A_60 = arith.constant 626 : i32
    %mul3A_61 = arith.muli %arg1, %mul3A_60 : i32
    %add3A_62 = arith.constant 80 : i32
    %add3A_63 = arith.addi %mul3A_61, %add3A_62 : i32
    "tpu.region"() ({
      %run_scoped3A = tpu.sem_alloc : memref<!tpu.dma_semaphore, #tpu.memory_space<semaphore_mem>>
      %dma_start3A = arith.constant 0 : i32
      %dma_start3A_215 = tpu.memref_slice %arg21[%add3A_63, %dma_start3A] : memref<10016x128xf32, #tpu.memory_space<vmem_shared>> -> memref<80x128xf32, #tpu.memory_space<vmem_shared>>
      %dma_start3A_216 = arith.constant 0 : i32
      %dma_start3A_217 = tpu.memref_slice %arg21[%add3A_63, %dma_start3A_216] : memref<10016x128xf32, #tpu.memory_space<vmem_shared>> -> memref<80x128xf32, #tpu.memory_space<vmem_shared>>
      tpu.enqueue_dma source(%arg23 : memref<80x128xf32, #tpu.memory_space<vmem>>) target(%dma_start3A_217 : memref<80x128xf32, #tpu.memory_space<vmem_shared>>) target_semaphore(%run_scoped3A : memref<!tpu.dma_semaphore, #tpu.memory_space<semaphore_mem>>)
      %dma_wait3A = arith.constant 0 : i32
      %dma_wait3A_218 = tpu.memref_slice %arg21[%add3A_63, %dma_wait3A] : memref<10016x128xf32, #tpu.memory_space<vmem_shared>> -> memref<80x128xf32, #tpu.memory_space<vmem_shared>>
      %dma_wait3A_219 = arith.constant 0 : i32
      %dma_wait3A_220 = tpu.memref_slice %arg21[%add3A_63, %dma_wait3A_219] : memref<10016x128xf32, #tpu.memory_space<vmem_shared>> -> memref<80x128xf32, #tpu.memory_space<vmem_shared>>
      tpu.wait_dma2 semaphore(%run_scoped3A : memref<!tpu.dma_semaphore, #tpu.memory_space<semaphore_mem>>) src(%arg23 : memref<80x128xf32, #tpu.memory_space<vmem>>) dst(%dma_wait3A_220 : memref<80x128xf32, #tpu.memory_space<vmem_shared>>)
      tpu.yield
    }) : () -> ()
    %mul3A_64 = arith.constant 626 : i32
    %mul3A_65 = arith.muli %arg1, %mul3A_64 : i32
    %add3A_66 = arith.constant 160 : i32
    %add3A_67 = arith.addi %mul3A_65, %add3A_66 : i32
    "tpu.region"() ({
      %run_scoped3A = tpu.sem_alloc : memref<!tpu.dma_semaphore, #tpu.memory_space<semaphore_mem>>
      %dma_start3A = arith.constant 0 : i32
      %dma_start3A_215 = tpu.memref_slice %arg21[%add3A_67, %dma_start3A] : memref<10016x128xf32, #tpu.memory_space<vmem_shared>> -> memref<80x128xf32, #tpu.memory_space<vmem_shared>>
      %dma_start3A_216 = arith.constant 0 : i32
      %dma_start3A_217 = tpu.memref_slice %arg21[%add3A_67, %dma_start3A_216] : memref<10016x128xf32, #tpu.memory_space<vmem_shared>> -> memref<80x128xf32, #tpu.memory_space<vmem_shared>>
      tpu.enqueue_dma source(%arg23 : memref<80x128xf32, #tpu.memory_space<vmem>>) target(%dma_start3A_217 : memref<80x128xf32, #tpu.memory_space<vmem_shared>>) target_semaphore(%run_scoped3A : memref<!tpu.dma_semaphore, #tpu.memory_space<semaphore_mem>>)
      %dma_wait3A = arith.constant 0 : i32
      %dma_wait3A_218 = tpu.memref_slice %arg21[%add3A_67, %dma_wait3A] : memref<10016x128xf32, #tpu.memory_space<vmem_shared>> -> memref<80x128xf32, #tpu.memory_space<vmem_shared>>
      %dma_wait3A_219 = arith.constant 0 : i32
      %dma_wait3A_220 = tpu.memref_slice %arg21[%add3A_67, %dma_wait3A_219] : memref<10016x128xf32, #tpu.memory_space<vmem_shared>> -> memref<80x128xf32, #tpu.memory_space<vmem_shared>>
      tpu.wait_dma2 semaphore(%run_scoped3A : memref<!tpu.dma_semaphore, #tpu.memory_space<semaphore_mem>>) src(%arg23 : memref<80x128xf32, #tpu.memory_space<vmem>>) dst(%dma_wait3A_220 : memref<80x128xf32, #tpu.memory_space<vmem_shared>>)
      tpu.yield
    }) : () -> ()
    %mul3A_68 = arith.constant 626 : i32
    %mul3A_69 = arith.muli %arg1, %mul3A_68 : i32
    %add3A_70 = arith.constant 240 : i32
    %add3A_71 = arith.addi %mul3A_69, %add3A_70 : i32
    "tpu.region"() ({
      %run_scoped3A = tpu.sem_alloc : memref<!tpu.dma_semaphore, #tpu.memory_space<semaphore_mem>>
      %dma_start3A = arith.constant 0 : i32
      %dma_start3A_215 = tpu.memref_slice %arg21[%add3A_71, %dma_start3A] : memref<10016x128xf32, #tpu.memory_space<vmem_shared>> -> memref<80x128xf32, #tpu.memory_space<vmem_shared>>
      %dma_start3A_216 = arith.constant 0 : i32
      %dma_start3A_217 = tpu.memref_slice %arg21[%add3A_71, %dma_start3A_216] : memref<10016x128xf32, #tpu.memory_space<vmem_shared>> -> memref<80x128xf32, #tpu.memory_space<vmem_shared>>
      tpu.enqueue_dma source(%arg23 : memref<80x128xf32, #tpu.memory_space<vmem>>) target(%dma_start3A_217 : memref<80x128xf32, #tpu.memory_space<vmem_shared>>) target_semaphore(%run_scoped3A : memref<!tpu.dma_semaphore, #tpu.memory_space<semaphore_mem>>)
      %dma_wait3A = arith.constant 0 : i32
      %dma_wait3A_218 = tpu.memref_slice %arg21[%add3A_71, %dma_wait3A] : memref<10016x128xf32, #tpu.memory_space<vmem_shared>> -> memref<80x128xf32, #tpu.memory_space<vmem_shared>>
      %dma_wait3A_219 = arith.constant 0 : i32
      %dma_wait3A_220 = tpu.memref_slice %arg21[%add3A_71, %dma_wait3A_219] : memref<10016x128xf32, #tpu.memory_space<vmem_shared>> -> memref<80x128xf32, #tpu.memory_space<vmem_shared>>
      tpu.wait_dma2 semaphore(%run_scoped3A : memref<!tpu.dma_semaphore, #tpu.memory_space<semaphore_mem>>) src(%arg23 : memref<80x128xf32, #tpu.memory_space<vmem>>) dst(%dma_wait3A_220 : memref<80x128xf32, #tpu.memory_space<vmem_shared>>)
      tpu.yield
    }) : () -> ()
    %mul3A_72 = arith.constant 626 : i32
    %mul3A_73 = arith.muli %arg1, %mul3A_72 : i32
    %add3A_74 = arith.constant 320 : i32
    %add3A_75 = arith.addi %mul3A_73, %add3A_74 : i32
    "tpu.region"() ({
      %run_scoped3A = tpu.sem_alloc : memref<!tpu.dma_semaphore, #tpu.memory_space<semaphore_mem>>
      %dma_start3A = arith.constant 0 : i32
      %dma_start3A_215 = tpu.memref_slice %arg21[%add3A_75, %dma_start3A] : memref<10016x128xf32, #tpu.memory_space<vmem_shared>> -> memref<80x128xf32, #tpu.memory_space<vmem_shared>>
      %dma_start3A_216 = arith.constant 0 : i32
      %dma_start3A_217 = tpu.memref_slice %arg21[%add3A_75, %dma_start3A_216] : memref<10016x128xf32, #tpu.memory_space<vmem_shared>> -> memref<80x128xf32, #tpu.memory_space<vmem_shared>>
      tpu.enqueue_dma source(%arg23 : memref<80x128xf32, #tpu.memory_space<vmem>>) target(%dma_start3A_217 : memref<80x128xf32, #tpu.memory_space<vmem_shared>>) target_semaphore(%run_scoped3A : memref<!tpu.dma_semaphore, #tpu.memory_space<semaphore_mem>>)
      %dma_wait3A = arith.constant 0 : i32
      %dma_wait3A_218 = tpu.memref_slice %arg21[%add3A_75, %dma_wait3A] : memref<10016x128xf32, #tpu.memory_space<vmem_shared>> -> memref<80x128xf32, #tpu.memory_space<vmem_shared>>
      %dma_wait3A_219 = arith.constant 0 : i32
      %dma_wait3A_220 = tpu.memref_slice %arg21[%add3A_75, %dma_wait3A_219] : memref<10016x128xf32, #tpu.memory_space<vmem_shared>> -> memref<80x128xf32, #tpu.memory_space<vmem_shared>>
      tpu.wait_dma2 semaphore(%run_scoped3A : memref<!tpu.dma_semaphore, #tpu.memory_space<semaphore_mem>>) src(%arg23 : memref<80x128xf32, #tpu.memory_space<vmem>>) dst(%dma_wait3A_220 : memref<80x128xf32, #tpu.memory_space<vmem_shared>>)
      tpu.yield
    }) : () -> ()
    %mul3A_76 = arith.constant 626 : i32
    %mul3A_77 = arith.muli %arg1, %mul3A_76 : i32
    %add3A_78 = arith.constant 400 : i32
    %add3A_79 = arith.addi %mul3A_77, %add3A_78 : i32
    "tpu.region"() ({
      %run_scoped3A = tpu.sem_alloc : memref<!tpu.dma_semaphore, #tpu.memory_space<semaphore_mem>>
      %dma_start3A = arith.constant 0 : i32
      %dma_start3A_215 = tpu.memref_slice %arg21[%add3A_79, %dma_start3A] : memref<10016x128xf32, #tpu.memory_space<vmem_shared>> -> memref<80x128xf32, #tpu.memory_space<vmem_shared>>
      %dma_start3A_216 = arith.constant 0 : i32
      %dma_start3A_217 = tpu.memref_slice %arg21[%add3A_79, %dma_start3A_216] : memref<10016x128xf32, #tpu.memory_space<vmem_shared>> -> memref<80x128xf32, #tpu.memory_space<vmem_shared>>
      tpu.enqueue_dma source(%arg23 : memref<80x128xf32, #tpu.memory_space<vmem>>) target(%dma_start3A_217 : memref<80x128xf32, #tpu.memory_space<vmem_shared>>) target_semaphore(%run_scoped3A : memref<!tpu.dma_semaphore, #tpu.memory_space<semaphore_mem>>)
      %dma_wait3A = arith.constant 0 : i32
      %dma_wait3A_218 = tpu.memref_slice %arg21[%add3A_79, %dma_wait3A] : memref<10016x128xf32, #tpu.memory_space<vmem_shared>> -> memref<80x128xf32, #tpu.memory_space<vmem_shared>>
      %dma_wait3A_219 = arith.constant 0 : i32
      %dma_wait3A_220 = tpu.memref_slice %arg21[%add3A_79, %dma_wait3A_219] : memref<10016x128xf32, #tpu.memory_space<vmem_shared>> -> memref<80x128xf32, #tpu.memory_space<vmem_shared>>
      tpu.wait_dma2 semaphore(%run_scoped3A : memref<!tpu.dma_semaphore, #tpu.memory_space<semaphore_mem>>) src(%arg23 : memref<80x128xf32, #tpu.memory_space<vmem>>) dst(%dma_wait3A_220 : memref<80x128xf32, #tpu.memory_space<vmem_shared>>)
      tpu.yield
    }) : () -> ()
    %mul3A_80 = arith.constant 626 : i32
    %mul3A_81 = arith.muli %arg1, %mul3A_80 : i32
    %add3A_82 = arith.constant 480 : i32
    %add3A_83 = arith.addi %mul3A_81, %add3A_82 : i32
    "tpu.region"() ({
      %run_scoped3A = tpu.sem_alloc : memref<!tpu.dma_semaphore, #tpu.memory_space<semaphore_mem>>
      %dma_start3A = arith.constant 0 : i32
      %dma_start3A_215 = tpu.memref_slice %arg21[%add3A_83, %dma_start3A] : memref<10016x128xf32, #tpu.memory_space<vmem_shared>> -> memref<80x128xf32, #tpu.memory_space<vmem_shared>>
      %dma_start3A_216 = arith.constant 0 : i32
      %dma_start3A_217 = tpu.memref_slice %arg21[%add3A_83, %dma_start3A_216] : memref<10016x128xf32, #tpu.memory_space<vmem_shared>> -> memref<80x128xf32, #tpu.memory_space<vmem_shared>>
      tpu.enqueue_dma source(%arg23 : memref<80x128xf32, #tpu.memory_space<vmem>>) target(%dma_start3A_217 : memref<80x128xf32, #tpu.memory_space<vmem_shared>>) target_semaphore(%run_scoped3A : memref<!tpu.dma_semaphore, #tpu.memory_space<semaphore_mem>>)
      %dma_wait3A = arith.constant 0 : i32
      %dma_wait3A_218 = tpu.memref_slice %arg21[%add3A_83, %dma_wait3A] : memref<10016x128xf32, #tpu.memory_space<vmem_shared>> -> memref<80x128xf32, #tpu.memory_space<vmem_shared>>
      %dma_wait3A_219 = arith.constant 0 : i32
      %dma_wait3A_220 = tpu.memref_slice %arg21[%add3A_83, %dma_wait3A_219] : memref<10016x128xf32, #tpu.memory_space<vmem_shared>> -> memref<80x128xf32, #tpu.memory_space<vmem_shared>>
      tpu.wait_dma2 semaphore(%run_scoped3A : memref<!tpu.dma_semaphore, #tpu.memory_space<semaphore_mem>>) src(%arg23 : memref<80x128xf32, #tpu.memory_space<vmem>>) dst(%dma_wait3A_220 : memref<80x128xf32, #tpu.memory_space<vmem_shared>>)
      tpu.yield
    }) : () -> ()
    %mul3A_84 = arith.constant 626 : i32
    %mul3A_85 = arith.muli %arg1, %mul3A_84 : i32
    %add3A_86 = arith.constant 560 : i32
    %add3A_87 = arith.addi %mul3A_85, %add3A_86 : i32
    "tpu.region"() ({
      %run_scoped3A = tpu.sem_alloc : memref<!tpu.dma_semaphore, #tpu.memory_space<semaphore_mem>>
      %dma_start3A = arith.constant 0 : i32
      %dma_start3A_215 = arith.constant 0 : i32
      %dma_start3A_216 = tpu.memref_slice %arg23[%dma_start3A, %dma_start3A_215] : memref<80x128xf32, #tpu.memory_space<vmem>> -> memref<66x128xf32, #tpu.memory_space<vmem>>
      %dma_start3A_217 = arith.constant 0 : i32
      %dma_start3A_218 = tpu.memref_slice %arg21[%add3A_87, %dma_start3A_217] : memref<10016x128xf32, #tpu.memory_space<vmem_shared>> -> memref<66x128xf32, #tpu.memory_space<vmem_shared>>
      %dma_start3A_219 = arith.constant 0 : i32
      %dma_start3A_220 = tpu.memref_slice %arg21[%add3A_87, %dma_start3A_219] : memref<10016x128xf32, #tpu.memory_space<vmem_shared>> -> memref<66x128xf32, #tpu.memory_space<vmem_shared>>
      %dma_start3A_221 = arith.constant 0 : i32
      %dma_start3A_222 = arith.constant 0 : i32
      %dma_start3A_223 = tpu.memref_slice %arg23[%dma_start3A_221, %dma_start3A_222] : memref<80x128xf32, #tpu.memory_space<vmem>> -> memref<66x128xf32, #tpu.memory_space<vmem>>
      tpu.enqueue_dma source(%dma_start3A_223 : memref<66x128xf32, #tpu.memory_space<vmem>>) target(%dma_start3A_220 : memref<66x128xf32, #tpu.memory_space<vmem_shared>>) target_semaphore(%run_scoped3A : memref<!tpu.dma_semaphore, #tpu.memory_space<semaphore_mem>>)
      %dma_wait3A = arith.constant 0 : i32
      %dma_wait3A_224 = arith.constant 0 : i32
      %dma_wait3A_225 = tpu.memref_slice %arg23[%dma_wait3A, %dma_wait3A_224] : memref<80x128xf32, #tpu.memory_space<vmem>> -> memref<66x128xf32, #tpu.memory_space<vmem>>
      %dma_wait3A_226 = arith.constant 0 : i32
      %dma_wait3A_227 = tpu.memref_slice %arg21[%add3A_87, %dma_wait3A_226] : memref<10016x128xf32, #tpu.memory_space<vmem_shared>> -> memref<66x128xf32, #tpu.memory_space<vmem_shared>>
      %dma_wait3A_228 = arith.constant 0 : i32
      %dma_wait3A_229 = tpu.memref_slice %arg21[%add3A_87, %dma_wait3A_228] : memref<10016x128xf32, #tpu.memory_space<vmem_shared>> -> memref<66x128xf32, #tpu.memory_space<vmem_shared>>
      %dma_wait3A_230 = arith.constant 0 : i32
      %dma_wait3A_231 = arith.constant 0 : i32
      %dma_wait3A_232 = tpu.memref_slice %arg23[%dma_wait3A_230, %dma_wait3A_231] : memref<80x128xf32, #tpu.memory_space<vmem>> -> memref<66x128xf32, #tpu.memory_space<vmem>>
      tpu.wait_dma2 semaphore(%run_scoped3A : memref<!tpu.dma_semaphore, #tpu.memory_space<semaphore_mem>>) src(%dma_wait3A_232 : memref<66x128xf32, #tpu.memory_space<vmem>>) dst(%dma_wait3A_229 : memref<66x128xf32, #tpu.memory_space<vmem_shared>>)
      tpu.yield
    }) : () -> ()
    %barrier3A_88 = arith.constant 0 : index
    tpu.barrier barrier_id(%barrier3A_88)
    %scan3A_89 = arith.constant 0 : i32
    %scan3A_90 = arith.constant 0 : i32
    %scan3A_91 = arith.constant 8 : i32
    %scan3A_92 = arith.addi %scan3A_90, %scan3A_91 : i32
    %scan3A_93 = arith.constant 1 : i32
    %scan3A_94 = scf.for %scan3A_215 = %scan3A_90 to %scan3A_92 step %scan3A_93 iter_args(%scan3A_216 = %scan3A_89) -> (i32)  : i32 {
      %mul3A_217 = arith.constant 320 : i32
      %mul3A_218 = arith.muli %add3A, %mul3A_217 : i32
      %mul3A_219 = arith.constant 40 : i32
      %mul3A_220 = arith.muli %scan3A_215, %mul3A_219 : i32
      %add3A_221 = arith.addi %mul3A_218, %mul3A_220 : i32
      %multiple_of3A = tpu.assume_multiple %add3A_221, 8 : i32
      "tpu.region"() ({
        %run_scoped3A = tpu.sem_alloc : memref<!tpu.dma_semaphore, #tpu.memory_space<semaphore_mem>>
        %dma_start3A_233 = tpu.memref_slice %arg10[%multiple_of3A] : memref<10240xi32, #tpu.memory_space<hbm>> -> memref<40xi32, #tpu.memory_space<hbm>>
        %dma_start3A_234 = tpu.memref_slice %arg10[%multiple_of3A] : memref<10240xi32, #tpu.memory_space<hbm>> -> memref<40xi32, #tpu.memory_space<hbm>>
        tpu.enqueue_dma source(%dma_start3A_234 : memref<40xi32, #tpu.memory_space<hbm>>) target(%arg48 : memref<40xi32, #tpu.memory_space<vmem>>) target_semaphore(%run_scoped3A : memref<!tpu.dma_semaphore, #tpu.memory_space<semaphore_mem>>)
        %dma_wait3A_235 = tpu.memref_slice %arg10[%multiple_of3A] : memref<10240xi32, #tpu.memory_space<hbm>> -> memref<40xi32, #tpu.memory_space<hbm>>
        %dma_wait3A_236 = tpu.memref_slice %arg10[%multiple_of3A] : memref<10240xi32, #tpu.memory_space<hbm>> -> memref<40xi32, #tpu.memory_space<hbm>>
        tpu.wait_dma2 semaphore(%run_scoped3A : memref<!tpu.dma_semaphore, #tpu.memory_space<semaphore_mem>>) src(%dma_wait3A_236 : memref<40xi32, #tpu.memory_space<hbm>>) dst(%arg48 : memref<40xi32, #tpu.memory_space<vmem>>)
        tpu.yield
      }) : () -> ()
      %dma_start3A = arith.constant 0 : i32
      %dma_start3A_222 = arith.constant 0 : i32
      %dma_start3A_223 = tpu.memref_slice %arg23[%dma_start3A, %dma_start3A_222] : memref<80x128xf32, #tpu.memory_space<vmem>> -> memref<40x128xf32, #tpu.memory_space<vmem>>
      %dma_start3A_224 = arith.constant 0 : i32
      %dma_start3A_225 = arith.constant 0 : i32
      %dma_start3A_226 = tpu.memref_slice %arg13[%dma_start3A_224, %dma_start3A_225] : memref<2000x128xf32, #tpu.memory_space<hbm>> -> memref<2000x128xf32, #tpu.memory_space<hbm>>
      tpu.enqueue_indirect_dma source(%dma_start3A_226 : memref<2000x128xf32, #tpu.memory_space<hbm>>) target(%dma_start3A_223 : memref<40x128xf32, #tpu.memory_space<vmem>>) offsets(%arg48 : memref<40xi32, #tpu.memory_space<vmem>>) semaphore(%arg50 : memref<!tpu.dma_semaphore, #tpu.memory_space<semaphore_mem>>)
      "tpu.region"() ({
        %run_scoped3A = tpu.sem_alloc : memref<!tpu.dma_semaphore, #tpu.memory_space<semaphore_mem>>
        %dma_start3A_233 = tpu.memref_slice %arg11[%multiple_of3A] : memref<10240xi32, #tpu.memory_space<hbm>> -> memref<40xi32, #tpu.memory_space<hbm>>
        %dma_start3A_234 = tpu.memref_slice %arg11[%multiple_of3A] : memref<10240xi32, #tpu.memory_space<hbm>> -> memref<40xi32, #tpu.memory_space<hbm>>
        tpu.enqueue_dma source(%dma_start3A_234 : memref<40xi32, #tpu.memory_space<hbm>>) target(%arg47 : memref<40xi32, #tpu.memory_space<vmem>>) target_semaphore(%run_scoped3A : memref<!tpu.dma_semaphore, #tpu.memory_space<semaphore_mem>>)
        %dma_wait3A_235 = tpu.memref_slice %arg11[%multiple_of3A] : memref<10240xi32, #tpu.memory_space<hbm>> -> memref<40xi32, #tpu.memory_space<hbm>>
        %dma_wait3A_236 = tpu.memref_slice %arg11[%multiple_of3A] : memref<10240xi32, #tpu.memory_space<hbm>> -> memref<40xi32, #tpu.memory_space<hbm>>
        tpu.wait_dma2 semaphore(%run_scoped3A : memref<!tpu.dma_semaphore, #tpu.memory_space<semaphore_mem>>) src(%dma_wait3A_236 : memref<40xi32, #tpu.memory_space<hbm>>) dst(%arg47 : memref<40xi32, #tpu.memory_space<vmem>>)
        tpu.yield
      }) : () -> ()
      %dma_wait3A = arith.constant 0 : i32
      %dma_wait3A_227 = arith.constant 0 : i32
      %dma_wait3A_228 = tpu.memref_slice %arg23[%dma_wait3A, %dma_wait3A_227] : memref<80x128xf32, #tpu.memory_space<vmem>> -> memref<40x128xf32, #tpu.memory_space<vmem>>
      %dma_wait3A_229 = arith.constant 0 : i32
      %dma_wait3A_230 = arith.constant 0 : i32
      %dma_wait3A_231 = tpu.memref_slice %arg13[%dma_wait3A_229, %dma_wait3A_230] : memref<2000x128xf32, #tpu.memory_space<hbm>> -> memref<2000x128xf32, #tpu.memory_space<hbm>>
      tpu.wait_indirect_dma semaphore(%arg50 : memref<!tpu.dma_semaphore, #tpu.memory_space<semaphore_mem>>) src(%dma_wait3A_231 : memref<2000x128xf32, #tpu.memory_space<hbm>>) dst(%dma_wait3A_228 : memref<40x128xf32, #tpu.memory_space<vmem>>)
      "tpu.region"() ({
        %run_scoped3A = tpu.sem_alloc : memref<!tpu.dma_semaphore, #tpu.memory_space<semaphore_mem>>
        %dma_start3A_233 = arith.constant 0 : i32
        %dma_start3A_234 = arith.constant 0 : i32
        %dma_start3A_235 = tpu.memref_slice %arg23[%dma_start3A_233, %dma_start3A_234] : memref<80x128xf32, #tpu.memory_space<vmem>> -> memref<40x128xf32, #tpu.memory_space<vmem>>
        %dma_start3A_236 = arith.constant 0 : i32
        %dma_start3A_237 = arith.constant 0 : i32
        %dma_start3A_238 = tpu.memref_slice %arg21[%dma_start3A_236, %dma_start3A_237] : memref<10016x128xf32, #tpu.memory_space<vmem_shared>> -> memref<10016x128xf32, #tpu.memory_space<vmem_shared>>
        tpu.enqueue_indirect_dma source(%dma_start3A_235 : memref<40x128xf32, #tpu.memory_space<vmem>>) target(%dma_start3A_238 : memref<10016x128xf32, #tpu.memory_space<vmem_shared>>) offsets(%arg47 : memref<40xi32, #tpu.memory_space<vmem>>) semaphore(%run_scoped3A : memref<!tpu.dma_semaphore, #tpu.memory_space<semaphore_mem>>) {add = true}
        %dma_wait3A_239 = arith.constant 0 : i32
        %dma_wait3A_240 = arith.constant 0 : i32
        %dma_wait3A_241 = tpu.memref_slice %arg23[%dma_wait3A_239, %dma_wait3A_240] : memref<80x128xf32, #tpu.memory_space<vmem>> -> memref<40x128xf32, #tpu.memory_space<vmem>>
        %dma_wait3A_242 = arith.constant 0 : i32
        %dma_wait3A_243 = arith.constant 0 : i32
        %dma_wait3A_244 = tpu.memref_slice %arg21[%dma_wait3A_242, %dma_wait3A_243] : memref<10016x128xf32, #tpu.memory_space<vmem_shared>> -> memref<10016x128xf32, #tpu.memory_space<vmem_shared>>
        tpu.wait_indirect_dma semaphore(%run_scoped3A : memref<!tpu.dma_semaphore, #tpu.memory_space<semaphore_mem>>) src(%dma_wait3A_241 : memref<40x128xf32, #tpu.memory_space<vmem>>) dst(%dma_wait3A_244 : memref<10016x128xf32, #tpu.memory_space<vmem_shared>>)
        tpu.yield
      }) : () -> ()
      %scan3A_232 = arith.constant 0 : i32
      scf.yield %scan3A_232 : i32
    }
    %scan3A_95 = arith.constant 8 : i32
    %barrier3A_96 = arith.constant 0 : index
    tpu.barrier barrier_id(%barrier3A_96)
    %mul3A_97 = arith.constant 626 : i32
    %mul3A_98 = arith.muli %arg1, %mul3A_97 : i32
    %add3A_99 = arith.constant 0 : i32
    %add3A_100 = arith.addi %add3A_99, %mul3A_98 : i32
    %mul3A_101 = arith.constant 626 : i32
    %mul3A_102 = arith.muli %arg1, %mul3A_101 : i32
    "tpu.region"() ({
      %run_scoped3A = tpu.sem_alloc : memref<!tpu.dma_semaphore, #tpu.memory_space<semaphore_mem>>
      %dma_start3A = arith.constant 0 : i32
      %dma_start3A_215 = tpu.memref_slice %arg16[%arg0, %mul3A_102, %dma_start3A] : memref<2x10016x128xf32, #tpu.memory_space<hbm>> -> memref<1x626x128xf32, #tpu.memory_space<hbm>>
      %dma_start3A_216 = tpu.memref_squeeze %dma_start3A_215 : memref<1x626x128xf32, #tpu.memory_space<hbm>> -> memref<626x128xf32, #tpu.memory_space<hbm>>
      %dma_start3A_217 = arith.constant 0 : i32
      %dma_start3A_218 = tpu.memref_slice %arg21[%add3A_100, %dma_start3A_217] : memref<10016x128xf32, #tpu.memory_space<vmem_shared>> -> memref<626x128xf32, #tpu.memory_space<vmem_shared>>
      tpu.enqueue_dma source(%dma_start3A_218 : memref<626x128xf32, #tpu.memory_space<vmem_shared>>) target(%dma_start3A_216 : memref<626x128xf32, #tpu.memory_space<hbm>>) target_semaphore(%run_scoped3A : memref<!tpu.dma_semaphore, #tpu.memory_space<semaphore_mem>>)
      %dma_wait3A = arith.constant 0 : i32
      %dma_wait3A_219 = tpu.memref_slice %arg16[%arg0, %mul3A_102, %dma_wait3A] : memref<2x10016x128xf32, #tpu.memory_space<hbm>> -> memref<1x626x128xf32, #tpu.memory_space<hbm>>
      %dma_wait3A_220 = tpu.memref_squeeze %dma_wait3A_219 : memref<1x626x128xf32, #tpu.memory_space<hbm>> -> memref<626x128xf32, #tpu.memory_space<hbm>>
      %dma_wait3A_221 = arith.constant 0 : i32
      %dma_wait3A_222 = tpu.memref_slice %arg21[%add3A_100, %dma_wait3A_221] : memref<10016x128xf32, #tpu.memory_space<vmem_shared>> -> memref<626x128xf32, #tpu.memory_space<vmem_shared>>
      tpu.wait_dma2 semaphore(%run_scoped3A : memref<!tpu.dma_semaphore, #tpu.memory_space<semaphore_mem>>) src(%dma_wait3A_222 : memref<626x128xf32, #tpu.memory_space<vmem_shared>>) dst(%dma_wait3A_220 : memref<626x128xf32, #tpu.memory_space<hbm>>)
      tpu.yield
    }) : () -> ()
    %barrier3A_103 = arith.constant 0 : index
    tpu.barrier barrier_id(%barrier3A_103)
    "tpu.region"() ({
      %run_scoped3A = tpu.sem_alloc : memref<!tpu.dma_semaphore, #tpu.memory_space<semaphore_mem>>
      %dma_start3A = arith.constant 0 : i32
      %dma_start3A_215 = arith.constant 0 : i32
      %dma_start3A_216 = tpu.memref_slice %arg14[%dma_start3A, %dma_start3A_215] : memref<80x128xf32, #tpu.memory_space<hbm>> -> memref<80x128xf32, #tpu.memory_space<hbm>>
      %dma_start3A_217 = arith.constant 0 : i32
      %dma_start3A_218 = arith.constant 0 : i32
      %dma_start3A_219 = tpu.memref_slice %arg14[%dma_start3A_217, %dma_start3A_218] : memref<80x128xf32, #tpu.memory_space<hbm>> -> memref<80x128xf32, #tpu.memory_space<hbm>>
      tpu.enqueue_dma source(%dma_start3A_219 : memref<80x128xf32, #tpu.memory_space<hbm>>) target(%arg23 : memref<80x128xf32, #tpu.memory_space<vmem>>) target_semaphore(%run_scoped3A : memref<!tpu.dma_semaphore, #tpu.memory_space<semaphore_mem>>)
      %dma_wait3A = arith.constant 0 : i32
      %dma_wait3A_220 = arith.constant 0 : i32
      %dma_wait3A_221 = tpu.memref_slice %arg14[%dma_wait3A, %dma_wait3A_220] : memref<80x128xf32, #tpu.memory_space<hbm>> -> memref<80x128xf32, #tpu.memory_space<hbm>>
      %dma_wait3A_222 = arith.constant 0 : i32
      %dma_wait3A_223 = arith.constant 0 : i32
      %dma_wait3A_224 = tpu.memref_slice %arg14[%dma_wait3A_222, %dma_wait3A_223] : memref<80x128xf32, #tpu.memory_space<hbm>> -> memref<80x128xf32, #tpu.memory_space<hbm>>
      tpu.wait_dma2 semaphore(%run_scoped3A : memref<!tpu.dma_semaphore, #tpu.memory_space<semaphore_mem>>) src(%dma_wait3A_224 : memref<80x128xf32, #tpu.memory_space<hbm>>) dst(%arg23 : memref<80x128xf32, #tpu.memory_space<vmem>>)
      tpu.yield
    }) : () -> ()
    %mul3A_104 = arith.constant 626 : i32
    %mul3A_105 = arith.muli %arg1, %mul3A_104 : i32
    %add3A_106 = arith.constant 0 : i32
    %add3A_107 = arith.addi %mul3A_105, %add3A_106 : i32
    "tpu.region"() ({
      %run_scoped3A = tpu.sem_alloc : memref<!tpu.dma_semaphore, #tpu.memory_space<semaphore_mem>>
      %dma_start3A = arith.constant 0 : i32
      %dma_start3A_215 = tpu.memref_slice %arg21[%add3A_107, %dma_start3A] : memref<10016x128xf32, #tpu.memory_space<vmem_shared>> -> memref<80x128xf32, #tpu.memory_space<vmem_shared>>
      %dma_start3A_216 = arith.constant 0 : i32
      %dma_start3A_217 = tpu.memref_slice %arg21[%add3A_107, %dma_start3A_216] : memref<10016x128xf32, #tpu.memory_space<vmem_shared>> -> memref<80x128xf32, #tpu.memory_space<vmem_shared>>
      tpu.enqueue_dma source(%arg23 : memref<80x128xf32, #tpu.memory_space<vmem>>) target(%dma_start3A_217 : memref<80x128xf32, #tpu.memory_space<vmem_shared>>) target_semaphore(%run_scoped3A : memref<!tpu.dma_semaphore, #tpu.memory_space<semaphore_mem>>)
      %dma_wait3A = arith.constant 0 : i32
      %dma_wait3A_218 = tpu.memref_slice %arg21[%add3A_107, %dma_wait3A] : memref<10016x128xf32, #tpu.memory_space<vmem_shared>> -> memref<80x128xf32, #tpu.memory_space<vmem_shared>>
      %dma_wait3A_219 = arith.constant 0 : i32
      %dma_wait3A_220 = tpu.memref_slice %arg21[%add3A_107, %dma_wait3A_219] : memref<10016x128xf32, #tpu.memory_space<vmem_shared>> -> memref<80x128xf32, #tpu.memory_space<vmem_shared>>
      tpu.wait_dma2 semaphore(%run_scoped3A : memref<!tpu.dma_semaphore, #tpu.memory_space<semaphore_mem>>) src(%arg23 : memref<80x128xf32, #tpu.memory_space<vmem>>) dst(%dma_wait3A_220 : memref<80x128xf32, #tpu.memory_space<vmem_shared>>)
      tpu.yield
    }) : () -> ()
    %mul3A_108 = arith.constant 626 : i32
    %mul3A_109 = arith.muli %arg1, %mul3A_108 : i32
    %add3A_110 = arith.constant 80 : i32
    %add3A_111 = arith.addi %mul3A_109, %add3A_110 : i32
    "tpu.region"() ({
      %run_scoped3A = tpu.sem_alloc : memref<!tpu.dma_semaphore, #tpu.memory_space<semaphore_mem>>
      %dma_start3A = arith.constant 0 : i32
      %dma_start3A_215 = tpu.memref_slice %arg21[%add3A_111, %dma_start3A] : memref<10016x128xf32, #tpu.memory_space<vmem_shared>> -> memref<80x128xf32, #tpu.memory_space<vmem_shared>>
      %dma_start3A_216 = arith.constant 0 : i32
      %dma_start3A_217 = tpu.memref_slice %arg21[%add3A_111, %dma_start3A_216] : memref<10016x128xf32, #tpu.memory_space<vmem_shared>> -> memref<80x128xf32, #tpu.memory_space<vmem_shared>>
      tpu.enqueue_dma source(%arg23 : memref<80x128xf32, #tpu.memory_space<vmem>>) target(%dma_start3A_217 : memref<80x128xf32, #tpu.memory_space<vmem_shared>>) target_semaphore(%run_scoped3A : memref<!tpu.dma_semaphore, #tpu.memory_space<semaphore_mem>>)
      %dma_wait3A = arith.constant 0 : i32
      %dma_wait3A_218 = tpu.memref_slice %arg21[%add3A_111, %dma_wait3A] : memref<10016x128xf32, #tpu.memory_space<vmem_shared>> -> memref<80x128xf32, #tpu.memory_space<vmem_shared>>
      %dma_wait3A_219 = arith.constant 0 : i32
      %dma_wait3A_220 = tpu.memref_slice %arg21[%add3A_111, %dma_wait3A_219] : memref<10016x128xf32, #tpu.memory_space<vmem_shared>> -> memref<80x128xf32, #tpu.memory_space<vmem_shared>>
      tpu.wait_dma2 semaphore(%run_scoped3A : memref<!tpu.dma_semaphore, #tpu.memory_space<semaphore_mem>>) src(%arg23 : memref<80x128xf32, #tpu.memory_space<vmem>>) dst(%dma_wait3A_220 : memref<80x128xf32, #tpu.memory_space<vmem_shared>>)
      tpu.yield
    }) : () -> ()
    %mul3A_112 = arith.constant 626 : i32
    %mul3A_113 = arith.muli %arg1, %mul3A_112 : i32
    %add3A_114 = arith.constant 160 : i32
    %add3A_115 = arith.addi %mul3A_113, %add3A_114 : i32
    "tpu.region"() ({
      %run_scoped3A = tpu.sem_alloc : memref<!tpu.dma_semaphore, #tpu.memory_space<semaphore_mem>>
      %dma_start3A = arith.constant 0 : i32
      %dma_start3A_215 = tpu.memref_slice %arg21[%add3A_115, %dma_start3A] : memref<10016x128xf32, #tpu.memory_space<vmem_shared>> -> memref<80x128xf32, #tpu.memory_space<vmem_shared>>
      %dma_start3A_216 = arith.constant 0 : i32
      %dma_start3A_217 = tpu.memref_slice %arg21[%add3A_115, %dma_start3A_216] : memref<10016x128xf32, #tpu.memory_space<vmem_shared>> -> memref<80x128xf32, #tpu.memory_space<vmem_shared>>
      tpu.enqueue_dma source(%arg23 : memref<80x128xf32, #tpu.memory_space<vmem>>) target(%dma_start3A_217 : memref<80x128xf32, #tpu.memory_space<vmem_shared>>) target_semaphore(%run_scoped3A : memref<!tpu.dma_semaphore, #tpu.memory_space<semaphore_mem>>)
      %dma_wait3A = arith.constant 0 : i32
      %dma_wait3A_218 = tpu.memref_slice %arg21[%add3A_115, %dma_wait3A] : memref<10016x128xf32, #tpu.memory_space<vmem_shared>> -> memref<80x128xf32, #tpu.memory_space<vmem_shared>>
      %dma_wait3A_219 = arith.constant 0 : i32
      %dma_wait3A_220 = tpu.memref_slice %arg21[%add3A_115, %dma_wait3A_219] : memref<10016x128xf32, #tpu.memory_space<vmem_shared>> -> memref<80x128xf32, #tpu.memory_space<vmem_shared>>
      tpu.wait_dma2 semaphore(%run_scoped3A : memref<!tpu.dma_semaphore, #tpu.memory_space<semaphore_mem>>) src(%arg23 : memref<80x128xf32, #tpu.memory_space<vmem>>) dst(%dma_wait3A_220 : memref<80x128xf32, #tpu.memory_space<vmem_shared>>)
      tpu.yield
    }) : () -> ()
    %mul3A_116 = arith.constant 626 : i32
    %mul3A_117 = arith.muli %arg1, %mul3A_116 : i32
    %add3A_118 = arith.constant 240 : i32
    %add3A_119 = arith.addi %mul3A_117, %add3A_118 : i32
    "tpu.region"() ({
      %run_scoped3A = tpu.sem_alloc : memref<!tpu.dma_semaphore, #tpu.memory_space<semaphore_mem>>
      %dma_start3A = arith.constant 0 : i32
      %dma_start3A_215 = tpu.memref_slice %arg21[%add3A_119, %dma_start3A] : memref<10016x128xf32, #tpu.memory_space<vmem_shared>> -> memref<80x128xf32, #tpu.memory_space<vmem_shared>>
      %dma_start3A_216 = arith.constant 0 : i32
      %dma_start3A_217 = tpu.memref_slice %arg21[%add3A_119, %dma_start3A_216] : memref<10016x128xf32, #tpu.memory_space<vmem_shared>> -> memref<80x128xf32, #tpu.memory_space<vmem_shared>>
      tpu.enqueue_dma source(%arg23 : memref<80x128xf32, #tpu.memory_space<vmem>>) target(%dma_start3A_217 : memref<80x128xf32, #tpu.memory_space<vmem_shared>>) target_semaphore(%run_scoped3A : memref<!tpu.dma_semaphore, #tpu.memory_space<semaphore_mem>>)
      %dma_wait3A = arith.constant 0 : i32
      %dma_wait3A_218 = tpu.memref_slice %arg21[%add3A_119, %dma_wait3A] : memref<10016x128xf32, #tpu.memory_space<vmem_shared>> -> memref<80x128xf32, #tpu.memory_space<vmem_shared>>
      %dma_wait3A_219 = arith.constant 0 : i32
      %dma_wait3A_220 = tpu.memref_slice %arg21[%add3A_119, %dma_wait3A_219] : memref<10016x128xf32, #tpu.memory_space<vmem_shared>> -> memref<80x128xf32, #tpu.memory_space<vmem_shared>>
      tpu.wait_dma2 semaphore(%run_scoped3A : memref<!tpu.dma_semaphore, #tpu.memory_space<semaphore_mem>>) src(%arg23 : memref<80x128xf32, #tpu.memory_space<vmem>>) dst(%dma_wait3A_220 : memref<80x128xf32, #tpu.memory_space<vmem_shared>>)
      tpu.yield
    }) : () -> ()
    %mul3A_120 = arith.constant 626 : i32
    %mul3A_121 = arith.muli %arg1, %mul3A_120 : i32
    %add3A_122 = arith.constant 320 : i32
    %add3A_123 = arith.addi %mul3A_121, %add3A_122 : i32
    "tpu.region"() ({
      %run_scoped3A = tpu.sem_alloc : memref<!tpu.dma_semaphore, #tpu.memory_space<semaphore_mem>>
      %dma_start3A = arith.constant 0 : i32
      %dma_start3A_215 = tpu.memref_slice %arg21[%add3A_123, %dma_start3A] : memref<10016x128xf32, #tpu.memory_space<vmem_shared>> -> memref<80x128xf32, #tpu.memory_space<vmem_shared>>
      %dma_start3A_216 = arith.constant 0 : i32
      %dma_start3A_217 = tpu.memref_slice %arg21[%add3A_123, %dma_start3A_216] : memref<10016x128xf32, #tpu.memory_space<vmem_shared>> -> memref<80x128xf32, #tpu.memory_space<vmem_shared>>
      tpu.enqueue_dma source(%arg23 : memref<80x128xf32, #tpu.memory_space<vmem>>) target(%dma_start3A_217 : memref<80x128xf32, #tpu.memory_space<vmem_shared>>) target_semaphore(%run_scoped3A : memref<!tpu.dma_semaphore, #tpu.memory_space<semaphore_mem>>)
      %dma_wait3A = arith.constant 0 : i32
      %dma_wait3A_218 = tpu.memref_slice %arg21[%add3A_123, %dma_wait3A] : memref<10016x128xf32, #tpu.memory_space<vmem_shared>> -> memref<80x128xf32, #tpu.memory_space<vmem_shared>>
      %dma_wait3A_219 = arith.constant 0 : i32
      %dma_wait3A_220 = tpu.memref_slice %arg21[%add3A_123, %dma_wait3A_219] : memref<10016x128xf32, #tpu.memory_space<vmem_shared>> -> memref<80x128xf32, #tpu.memory_space<vmem_shared>>
      tpu.wait_dma2 semaphore(%run_scoped3A : memref<!tpu.dma_semaphore, #tpu.memory_space<semaphore_mem>>) src(%arg23 : memref<80x128xf32, #tpu.memory_space<vmem>>) dst(%dma_wait3A_220 : memref<80x128xf32, #tpu.memory_space<vmem_shared>>)
      tpu.yield
    }) : () -> ()
    %mul3A_124 = arith.constant 626 : i32
    %mul3A_125 = arith.muli %arg1, %mul3A_124 : i32
    %add3A_126 = arith.constant 400 : i32
    %add3A_127 = arith.addi %mul3A_125, %add3A_126 : i32
    "tpu.region"() ({
      %run_scoped3A = tpu.sem_alloc : memref<!tpu.dma_semaphore, #tpu.memory_space<semaphore_mem>>
      %dma_start3A = arith.constant 0 : i32
      %dma_start3A_215 = tpu.memref_slice %arg21[%add3A_127, %dma_start3A] : memref<10016x128xf32, #tpu.memory_space<vmem_shared>> -> memref<80x128xf32, #tpu.memory_space<vmem_shared>>
      %dma_start3A_216 = arith.constant 0 : i32
      %dma_start3A_217 = tpu.memref_slice %arg21[%add3A_127, %dma_start3A_216] : memref<10016x128xf32, #tpu.memory_space<vmem_shared>> -> memref<80x128xf32, #tpu.memory_space<vmem_shared>>
      tpu.enqueue_dma source(%arg23 : memref<80x128xf32, #tpu.memory_space<vmem>>) target(%dma_start3A_217 : memref<80x128xf32, #tpu.memory_space<vmem_shared>>) target_semaphore(%run_scoped3A : memref<!tpu.dma_semaphore, #tpu.memory_space<semaphore_mem>>)
      %dma_wait3A = arith.constant 0 : i32
      %dma_wait3A_218 = tpu.memref_slice %arg21[%add3A_127, %dma_wait3A] : memref<10016x128xf32, #tpu.memory_space<vmem_shared>> -> memref<80x128xf32, #tpu.memory_space<vmem_shared>>
      %dma_wait3A_219 = arith.constant 0 : i32
      %dma_wait3A_220 = tpu.memref_slice %arg21[%add3A_127, %dma_wait3A_219] : memref<10016x128xf32, #tpu.memory_space<vmem_shared>> -> memref<80x128xf32, #tpu.memory_space<vmem_shared>>
      tpu.wait_dma2 semaphore(%run_scoped3A : memref<!tpu.dma_semaphore, #tpu.memory_space<semaphore_mem>>) src(%arg23 : memref<80x128xf32, #tpu.memory_space<vmem>>) dst(%dma_wait3A_220 : memref<80x128xf32, #tpu.memory_space<vmem_shared>>)
      tpu.yield
    }) : () -> ()
    %mul3A_128 = arith.constant 626 : i32
    %mul3A_129 = arith.muli %arg1, %mul3A_128 : i32
    %add3A_130 = arith.constant 480 : i32
    %add3A_131 = arith.addi %mul3A_129, %add3A_130 : i32
    "tpu.region"() ({
      %run_scoped3A = tpu.sem_alloc : memref<!tpu.dma_semaphore, #tpu.memory_space<semaphore_mem>>
      %dma_start3A = arith.constant 0 : i32
      %dma_start3A_215 = tpu.memref_slice %arg21[%add3A_131, %dma_start3A] : memref<10016x128xf32, #tpu.memory_space<vmem_shared>> -> memref<80x128xf32, #tpu.memory_space<vmem_shared>>
      %dma_start3A_216 = arith.constant 0 : i32
      %dma_start3A_217 = tpu.memref_slice %arg21[%add3A_131, %dma_start3A_216] : memref<10016x128xf32, #tpu.memory_space<vmem_shared>> -> memref<80x128xf32, #tpu.memory_space<vmem_shared>>
      tpu.enqueue_dma source(%arg23 : memref<80x128xf32, #tpu.memory_space<vmem>>) target(%dma_start3A_217 : memref<80x128xf32, #tpu.memory_space<vmem_shared>>) target_semaphore(%run_scoped3A : memref<!tpu.dma_semaphore, #tpu.memory_space<semaphore_mem>>)
      %dma_wait3A = arith.constant 0 : i32
      %dma_wait3A_218 = tpu.memref_slice %arg21[%add3A_131, %dma_wait3A] : memref<10016x128xf32, #tpu.memory_space<vmem_shared>> -> memref<80x128xf32, #tpu.memory_space<vmem_shared>>
      %dma_wait3A_219 = arith.constant 0 : i32
      %dma_wait3A_220 = tpu.memref_slice %arg21[%add3A_131, %dma_wait3A_219] : memref<10016x128xf32, #tpu.memory_space<vmem_shared>> -> memref<80x128xf32, #tpu.memory_space<vmem_shared>>
      tpu.wait_dma2 semaphore(%run_scoped3A : memref<!tpu.dma_semaphore, #tpu.memory_space<semaphore_mem>>) src(%arg23 : memref<80x128xf32, #tpu.memory_space<vmem>>) dst(%dma_wait3A_220 : memref<80x128xf32, #tpu.memory_space<vmem_shared>>)
      tpu.yield
    }) : () -> ()
    %mul3A_132 = arith.constant 626 : i32
    %mul3A_133 = arith.muli %arg1, %mul3A_132 : i32
    %add3A_134 = arith.constant 560 : i32
    %add3A_135 = arith.addi %mul3A_133, %add3A_134 : i32
    "tpu.region"() ({
      %run_scoped3A = tpu.sem_alloc : memref<!tpu.dma_semaphore, #tpu.memory_space<semaphore_mem>>
      %dma_start3A = arith.constant 0 : i32
      %dma_start3A_215 = arith.constant 0 : i32
      %dma_start3A_216 = tpu.memref_slice %arg23[%dma_start3A, %dma_start3A_215] : memref<80x128xf32, #tpu.memory_space<vmem>> -> memref<66x128xf32, #tpu.memory_space<vmem>>
      %dma_start3A_217 = arith.constant 0 : i32
      %dma_start3A_218 = tpu.memref_slice %arg21[%add3A_135, %dma_start3A_217] : memref<10016x128xf32, #tpu.memory_space<vmem_shared>> -> memref<66x128xf32, #tpu.memory_space<vmem_shared>>
      %dma_start3A_219 = arith.constant 0 : i32
      %dma_start3A_220 = tpu.memref_slice %arg21[%add3A_135, %dma_start3A_219] : memref<10016x128xf32, #tpu.memory_space<vmem_shared>> -> memref<66x128xf32, #tpu.memory_space<vmem_shared>>
      %dma_start3A_221 = arith.constant 0 : i32
      %dma_start3A_222 = arith.constant 0 : i32
      %dma_start3A_223 = tpu.memref_slice %arg23[%dma_start3A_221, %dma_start3A_222] : memref<80x128xf32, #tpu.memory_space<vmem>> -> memref<66x128xf32, #tpu.memory_space<vmem>>
      tpu.enqueue_dma source(%dma_start3A_223 : memref<66x128xf32, #tpu.memory_space<vmem>>) target(%dma_start3A_220 : memref<66x128xf32, #tpu.memory_space<vmem_shared>>) target_semaphore(%run_scoped3A : memref<!tpu.dma_semaphore, #tpu.memory_space<semaphore_mem>>)
      %dma_wait3A = arith.constant 0 : i32
      %dma_wait3A_224 = arith.constant 0 : i32
      %dma_wait3A_225 = tpu.memref_slice %arg23[%dma_wait3A, %dma_wait3A_224] : memref<80x128xf32, #tpu.memory_space<vmem>> -> memref<66x128xf32, #tpu.memory_space<vmem>>
      %dma_wait3A_226 = arith.constant 0 : i32
      %dma_wait3A_227 = tpu.memref_slice %arg21[%add3A_135, %dma_wait3A_226] : memref<10016x128xf32, #tpu.memory_space<vmem_shared>> -> memref<66x128xf32, #tpu.memory_space<vmem_shared>>
      %dma_wait3A_228 = arith.constant 0 : i32
      %dma_wait3A_229 = tpu.memref_slice %arg21[%add3A_135, %dma_wait3A_228] : memref<10016x128xf32, #tpu.memory_space<vmem_shared>> -> memref<66x128xf32, #tpu.memory_space<vmem_shared>>
      %dma_wait3A_230 = arith.constant 0 : i32
      %dma_wait3A_231 = arith.constant 0 : i32
      %dma_wait3A_232 = tpu.memref_slice %arg23[%dma_wait3A_230, %dma_wait3A_231] : memref<80x128xf32, #tpu.memory_space<vmem>> -> memref<66x128xf32, #tpu.memory_space<vmem>>
      tpu.wait_dma2 semaphore(%run_scoped3A : memref<!tpu.dma_semaphore, #tpu.memory_space<semaphore_mem>>) src(%dma_wait3A_232 : memref<66x128xf32, #tpu.memory_space<vmem>>) dst(%dma_wait3A_229 : memref<66x128xf32, #tpu.memory_space<vmem_shared>>)
      tpu.yield
    }) : () -> ()
    %barrier3A_136 = arith.constant 0 : index
    tpu.barrier barrier_id(%barrier3A_136)
    %scan3A_137 = arith.constant 0 : i32
    %scan3A_138 = arith.constant 0 : i32
    %scan3A_139 = arith.constant 8 : i32
    %scan3A_140 = arith.addi %scan3A_138, %scan3A_139 : i32
    %scan3A_141 = arith.constant 1 : i32
    %scan3A_142 = scf.for %scan3A_215 = %scan3A_138 to %scan3A_140 step %scan3A_141 iter_args(%scan3A_216 = %scan3A_137) -> (i32)  : i32 {
      %mul3A_217 = arith.constant 320 : i32
      %mul3A_218 = arith.muli %add3A, %mul3A_217 : i32
      %mul3A_219 = arith.constant 40 : i32
      %mul3A_220 = arith.muli %scan3A_215, %mul3A_219 : i32
      %add3A_221 = arith.addi %mul3A_218, %mul3A_220 : i32
      %multiple_of3A = tpu.assume_multiple %add3A_221, 8 : i32
      "tpu.region"() ({
        %run_scoped3A = tpu.sem_alloc : memref<!tpu.dma_semaphore, #tpu.memory_space<semaphore_mem>>
        %dma_start3A = tpu.memref_slice %arg11[%multiple_of3A] : memref<10240xi32, #tpu.memory_space<hbm>> -> memref<40xi32, #tpu.memory_space<hbm>>
        %dma_start3A_223 = tpu.memref_slice %arg11[%multiple_of3A] : memref<10240xi32, #tpu.memory_space<hbm>> -> memref<40xi32, #tpu.memory_space<hbm>>
        tpu.enqueue_dma source(%dma_start3A_223 : memref<40xi32, #tpu.memory_space<hbm>>) target(%arg47 : memref<40xi32, #tpu.memory_space<vmem>>) target_semaphore(%run_scoped3A : memref<!tpu.dma_semaphore, #tpu.memory_space<semaphore_mem>>)
        %dma_wait3A = tpu.memref_slice %arg11[%multiple_of3A] : memref<10240xi32, #tpu.memory_space<hbm>> -> memref<40xi32, #tpu.memory_space<hbm>>
        %dma_wait3A_224 = tpu.memref_slice %arg11[%multiple_of3A] : memref<10240xi32, #tpu.memory_space<hbm>> -> memref<40xi32, #tpu.memory_space<hbm>>
        tpu.wait_dma2 semaphore(%run_scoped3A : memref<!tpu.dma_semaphore, #tpu.memory_space<semaphore_mem>>) src(%dma_wait3A_224 : memref<40xi32, #tpu.memory_space<hbm>>) dst(%arg47 : memref<40xi32, #tpu.memory_space<vmem>>)
        tpu.yield
      }) : () -> ()
      "tpu.region"() ({
        %run_scoped3A = tpu.sem_alloc : memref<!tpu.dma_semaphore, #tpu.memory_space<semaphore_mem>>
        %dma_start3A = arith.constant 0 : i32
        %dma_start3A_223 = arith.constant 0 : i32
        %dma_start3A_224 = tpu.memref_slice %arg21[%dma_start3A, %dma_start3A_223] : memref<10016x128xf32, #tpu.memory_space<vmem_shared>> -> memref<10016x128xf32, #tpu.memory_space<vmem_shared>>
        tpu.enqueue_indirect_dma source(%arg22 : memref<40x128xf32, #tpu.memory_space<vmem>>) target(%dma_start3A_224 : memref<10016x128xf32, #tpu.memory_space<vmem_shared>>) offsets(%arg47 : memref<40xi32, #tpu.memory_space<vmem>>) semaphore(%run_scoped3A : memref<!tpu.dma_semaphore, #tpu.memory_space<semaphore_mem>>) {add = true}
        %dma_wait3A = arith.constant 0 : i32
        %dma_wait3A_225 = arith.constant 0 : i32
        %dma_wait3A_226 = tpu.memref_slice %arg21[%dma_wait3A, %dma_wait3A_225] : memref<10016x128xf32, #tpu.memory_space<vmem_shared>> -> memref<10016x128xf32, #tpu.memory_space<vmem_shared>>
        tpu.wait_indirect_dma semaphore(%run_scoped3A : memref<!tpu.dma_semaphore, #tpu.memory_space<semaphore_mem>>) src(%arg22 : memref<40x128xf32, #tpu.memory_space<vmem>>) dst(%dma_wait3A_226 : memref<10016x128xf32, #tpu.memory_space<vmem_shared>>)
        tpu.yield
      }) : () -> ()
      %scan3A_222 = arith.constant 0 : i32
      scf.yield %scan3A_222 : i32
    }
    %scan3A_143 = arith.constant 8 : i32
    %barrier3A_144 = arith.constant 0 : index
    tpu.barrier barrier_id(%barrier3A_144)
    %mul3A_145 = arith.constant 626 : i32
    %mul3A_146 = arith.muli %arg1, %mul3A_145 : i32
    %add3A_147 = arith.constant 0 : i32
    %add3A_148 = arith.addi %add3A_147, %mul3A_146 : i32
    %mul3A_149 = arith.constant 626 : i32
    %mul3A_150 = arith.muli %arg1, %mul3A_149 : i32
    "tpu.region"() ({
      %run_scoped3A = tpu.sem_alloc : memref<!tpu.dma_semaphore, #tpu.memory_space<semaphore_mem>>
      %dma_start3A = arith.constant 0 : i32
      %dma_start3A_215 = tpu.memref_slice %arg17[%arg0, %mul3A_150, %dma_start3A] : memref<2x10016x128xf32, #tpu.memory_space<hbm>> -> memref<1x626x128xf32, #tpu.memory_space<hbm>>
      %dma_start3A_216 = tpu.memref_squeeze %dma_start3A_215 : memref<1x626x128xf32, #tpu.memory_space<hbm>> -> memref<626x128xf32, #tpu.memory_space<hbm>>
      %dma_start3A_217 = arith.constant 0 : i32
      %dma_start3A_218 = tpu.memref_slice %arg21[%add3A_148, %dma_start3A_217] : memref<10016x128xf32, #tpu.memory_space<vmem_shared>> -> memref<626x128xf32, #tpu.memory_space<vmem_shared>>
      tpu.enqueue_dma source(%dma_start3A_218 : memref<626x128xf32, #tpu.memory_space<vmem_shared>>) target(%dma_start3A_216 : memref<626x128xf32, #tpu.memory_space<hbm>>) target_semaphore(%run_scoped3A : memref<!tpu.dma_semaphore, #tpu.memory_space<semaphore_mem>>)
      %dma_wait3A = arith.constant 0 : i32
      %dma_wait3A_219 = tpu.memref_slice %arg17[%arg0, %mul3A_150, %dma_wait3A] : memref<2x10016x128xf32, #tpu.memory_space<hbm>> -> memref<1x626x128xf32, #tpu.memory_space<hbm>>
      %dma_wait3A_220 = tpu.memref_squeeze %dma_wait3A_219 : memref<1x626x128xf32, #tpu.memory_space<hbm>> -> memref<626x128xf32, #tpu.memory_space<hbm>>
      %dma_wait3A_221 = arith.constant 0 : i32
      %dma_wait3A_222 = tpu.memref_slice %arg21[%add3A_148, %dma_wait3A_221] : memref<10016x128xf32, #tpu.memory_space<vmem_shared>> -> memref<626x128xf32, #tpu.memory_space<vmem_shared>>
      tpu.wait_dma2 semaphore(%run_scoped3A : memref<!tpu.dma_semaphore, #tpu.memory_space<semaphore_mem>>) src(%dma_wait3A_222 : memref<626x128xf32, #tpu.memory_space<vmem_shared>>) dst(%dma_wait3A_220 : memref<626x128xf32, #tpu.memory_space<hbm>>)
      tpu.yield
    }) : () -> ()
    %barrier3A_151 = arith.constant 0 : index
    tpu.barrier barrier_id(%barrier3A_151)
    "tpu.region"() ({
      %run_scoped3A = tpu.sem_alloc : memref<!tpu.dma_semaphore, #tpu.memory_space<semaphore_mem>>
      %dma_start3A = arith.constant 0 : i32
      %dma_start3A_215 = arith.constant 0 : i32
      %dma_start3A_216 = tpu.memref_slice %arg14[%dma_start3A, %dma_start3A_215] : memref<80x128xf32, #tpu.memory_space<hbm>> -> memref<80x128xf32, #tpu.memory_space<hbm>>
      %dma_start3A_217 = arith.constant 0 : i32
      %dma_start3A_218 = arith.constant 0 : i32
      %dma_start3A_219 = tpu.memref_slice %arg14[%dma_start3A_217, %dma_start3A_218] : memref<80x128xf32, #tpu.memory_space<hbm>> -> memref<80x128xf32, #tpu.memory_space<hbm>>
      tpu.enqueue_dma source(%dma_start3A_219 : memref<80x128xf32, #tpu.memory_space<hbm>>) target(%arg23 : memref<80x128xf32, #tpu.memory_space<vmem>>) target_semaphore(%run_scoped3A : memref<!tpu.dma_semaphore, #tpu.memory_space<semaphore_mem>>)
      %dma_wait3A = arith.constant 0 : i32
      %dma_wait3A_220 = arith.constant 0 : i32
      %dma_wait3A_221 = tpu.memref_slice %arg14[%dma_wait3A, %dma_wait3A_220] : memref<80x128xf32, #tpu.memory_space<hbm>> -> memref<80x128xf32, #tpu.memory_space<hbm>>
      %dma_wait3A_222 = arith.constant 0 : i32
      %dma_wait3A_223 = arith.constant 0 : i32
      %dma_wait3A_224 = tpu.memref_slice %arg14[%dma_wait3A_222, %dma_wait3A_223] : memref<80x128xf32, #tpu.memory_space<hbm>> -> memref<80x128xf32, #tpu.memory_space<hbm>>
      tpu.wait_dma2 semaphore(%run_scoped3A : memref<!tpu.dma_semaphore, #tpu.memory_space<semaphore_mem>>) src(%dma_wait3A_224 : memref<80x128xf32, #tpu.memory_space<hbm>>) dst(%arg23 : memref<80x128xf32, #tpu.memory_space<vmem>>)
      tpu.yield
    }) : () -> ()
    %mul3A_152 = arith.constant 128 : i32
    %mul3A_153 = arith.muli %arg1, %mul3A_152 : i32
    %add3A_154 = arith.constant 0 : i32
    %add3A_155 = arith.addi %mul3A_153, %add3A_154 : i32
    "tpu.region"() ({
      %run_scoped3A = tpu.sem_alloc : memref<!tpu.dma_semaphore, #tpu.memory_space<semaphore_mem>>
      %dma_start3A = arith.constant 0 : i32
      %dma_start3A_215 = tpu.memref_slice %arg21[%add3A_155, %dma_start3A] : memref<10016x128xf32, #tpu.memory_space<vmem_shared>> -> memref<80x128xf32, #tpu.memory_space<vmem_shared>>
      %dma_start3A_216 = arith.constant 0 : i32
      %dma_start3A_217 = tpu.memref_slice %arg21[%add3A_155, %dma_start3A_216] : memref<10016x128xf32, #tpu.memory_space<vmem_shared>> -> memref<80x128xf32, #tpu.memory_space<vmem_shared>>
      tpu.enqueue_dma source(%arg23 : memref<80x128xf32, #tpu.memory_space<vmem>>) target(%dma_start3A_217 : memref<80x128xf32, #tpu.memory_space<vmem_shared>>) target_semaphore(%run_scoped3A : memref<!tpu.dma_semaphore, #tpu.memory_space<semaphore_mem>>)
      %dma_wait3A = arith.constant 0 : i32
      %dma_wait3A_218 = tpu.memref_slice %arg21[%add3A_155, %dma_wait3A] : memref<10016x128xf32, #tpu.memory_space<vmem_shared>> -> memref<80x128xf32, #tpu.memory_space<vmem_shared>>
      %dma_wait3A_219 = arith.constant 0 : i32
      %dma_wait3A_220 = tpu.memref_slice %arg21[%add3A_155, %dma_wait3A_219] : memref<10016x128xf32, #tpu.memory_space<vmem_shared>> -> memref<80x128xf32, #tpu.memory_space<vmem_shared>>
      tpu.wait_dma2 semaphore(%run_scoped3A : memref<!tpu.dma_semaphore, #tpu.memory_space<semaphore_mem>>) src(%arg23 : memref<80x128xf32, #tpu.memory_space<vmem>>) dst(%dma_wait3A_220 : memref<80x128xf32, #tpu.memory_space<vmem_shared>>)
      tpu.yield
    }) : () -> ()
    %mul3A_156 = arith.constant 128 : i32
    %mul3A_157 = arith.muli %arg1, %mul3A_156 : i32
    %add3A_158 = arith.constant 80 : i32
    %add3A_159 = arith.addi %mul3A_157, %add3A_158 : i32
    "tpu.region"() ({
      %run_scoped3A = tpu.sem_alloc : memref<!tpu.dma_semaphore, #tpu.memory_space<semaphore_mem>>
      %dma_start3A = arith.constant 0 : i32
      %dma_start3A_215 = arith.constant 0 : i32
      %dma_start3A_216 = tpu.memref_slice %arg23[%dma_start3A, %dma_start3A_215] : memref<80x128xf32, #tpu.memory_space<vmem>> -> memref<48x128xf32, #tpu.memory_space<vmem>>
      %dma_start3A_217 = arith.constant 0 : i32
      %dma_start3A_218 = tpu.memref_slice %arg21[%add3A_159, %dma_start3A_217] : memref<10016x128xf32, #tpu.memory_space<vmem_shared>> -> memref<48x128xf32, #tpu.memory_space<vmem_shared>>
      %dma_start3A_219 = arith.constant 0 : i32
      %dma_start3A_220 = tpu.memref_slice %arg21[%add3A_159, %dma_start3A_219] : memref<10016x128xf32, #tpu.memory_space<vmem_shared>> -> memref<48x128xf32, #tpu.memory_space<vmem_shared>>
      %dma_start3A_221 = arith.constant 0 : i32
      %dma_start3A_222 = arith.constant 0 : i32
      %dma_start3A_223 = tpu.memref_slice %arg23[%dma_start3A_221, %dma_start3A_222] : memref<80x128xf32, #tpu.memory_space<vmem>> -> memref<48x128xf32, #tpu.memory_space<vmem>>
      tpu.enqueue_dma source(%dma_start3A_223 : memref<48x128xf32, #tpu.memory_space<vmem>>) target(%dma_start3A_220 : memref<48x128xf32, #tpu.memory_space<vmem_shared>>) target_semaphore(%run_scoped3A : memref<!tpu.dma_semaphore, #tpu.memory_space<semaphore_mem>>)
      %dma_wait3A = arith.constant 0 : i32
      %dma_wait3A_224 = arith.constant 0 : i32
      %dma_wait3A_225 = tpu.memref_slice %arg23[%dma_wait3A, %dma_wait3A_224] : memref<80x128xf32, #tpu.memory_space<vmem>> -> memref<48x128xf32, #tpu.memory_space<vmem>>
      %dma_wait3A_226 = arith.constant 0 : i32
      %dma_wait3A_227 = tpu.memref_slice %arg21[%add3A_159, %dma_wait3A_226] : memref<10016x128xf32, #tpu.memory_space<vmem_shared>> -> memref<48x128xf32, #tpu.memory_space<vmem_shared>>
      %dma_wait3A_228 = arith.constant 0 : i32
      %dma_wait3A_229 = tpu.memref_slice %arg21[%add3A_159, %dma_wait3A_228] : memref<10016x128xf32, #tpu.memory_space<vmem_shared>> -> memref<48x128xf32, #tpu.memory_space<vmem_shared>>
      %dma_wait3A_230 = arith.constant 0 : i32
      %dma_wait3A_231 = arith.constant 0 : i32
      %dma_wait3A_232 = tpu.memref_slice %arg23[%dma_wait3A_230, %dma_wait3A_231] : memref<80x128xf32, #tpu.memory_space<vmem>> -> memref<48x128xf32, #tpu.memory_space<vmem>>
      tpu.wait_dma2 semaphore(%run_scoped3A : memref<!tpu.dma_semaphore, #tpu.memory_space<semaphore_mem>>) src(%dma_wait3A_232 : memref<48x128xf32, #tpu.memory_space<vmem>>) dst(%dma_wait3A_229 : memref<48x128xf32, #tpu.memory_space<vmem_shared>>)
      tpu.yield
    }) : () -> ()
    %barrier3A_160 = arith.constant 0 : index
    tpu.barrier barrier_id(%barrier3A_160)
    %mul3A_161 = arith.constant 1000 : i32
    %mul3A_162 = arith.muli %add3A, %mul3A_161 : i32
    %scan3A_163 = arith.constant 0 : i32
    %scan3A_164 = arith.constant 0 : i32
    %scan3A_165 = arith.constant 5 : i32
    %scan3A_166 = arith.addi %scan3A_164, %scan3A_165 : i32
    %scan3A_167 = arith.constant 1 : i32
    %scan3A_168 = scf.for %scan3A_215 = %scan3A_164 to %scan3A_166 step %scan3A_167 iter_args(%scan3A_216 = %scan3A_163) -> (i32)  : i32 {
      %mul3A_217 = arith.constant 200 : i32
      %mul3A_218 = arith.muli %scan3A_215, %mul3A_217 : i32
      %add3A_219 = arith.addi %mul3A_162, %mul3A_218 : i32
      %multiple_of3A = tpu.assume_multiple %add3A_219, 8 : i32
      %add3A_220 = arith.constant 0 : i32
      %add3A_221 = arith.addi %multiple_of3A, %add3A_220 : i32
      %multiple_of3A_222 = tpu.assume_multiple %add3A_221, 8 : i32
      %dma_start3A = tpu.memref_slice %arg5[%multiple_of3A_222] : memref<32000xi32, #tpu.memory_space<hbm>> -> memref<40xi32, #tpu.memory_space<hbm>>
      %dma_start3A_223 = tpu.memref_slice %arg5[%multiple_of3A_222] : memref<32000xi32, #tpu.memory_space<hbm>> -> memref<40xi32, #tpu.memory_space<hbm>>
      tpu.enqueue_dma source(%dma_start3A_223 : memref<40xi32, #tpu.memory_space<hbm>>) target(%arg37 : memref<40xi32, #tpu.memory_space<vmem>>) target_semaphore(%arg54 : memref<!tpu.dma_semaphore, #tpu.memory_space<semaphore_mem>>)
      %dma_start3A_224 = tpu.memref_slice %arg6[%multiple_of3A_222] : memref<32000xi32, #tpu.memory_space<hbm>> -> memref<40xi32, #tpu.memory_space<hbm>>
      %dma_start3A_225 = tpu.memref_slice %arg6[%multiple_of3A_222] : memref<32000xi32, #tpu.memory_space<hbm>> -> memref<40xi32, #tpu.memory_space<hbm>>
      tpu.enqueue_dma source(%dma_start3A_225 : memref<40xi32, #tpu.memory_space<hbm>>) target(%arg42 : memref<40xi32, #tpu.memory_space<vmem>>) target_semaphore(%arg54 : memref<!tpu.dma_semaphore, #tpu.memory_space<semaphore_mem>>)
      %add3A_226 = arith.constant 40 : i32
      %add3A_227 = arith.addi %multiple_of3A, %add3A_226 : i32
      %multiple_of3A_228 = tpu.assume_multiple %add3A_227, 8 : i32
      %dma_start3A_229 = tpu.memref_slice %arg5[%multiple_of3A_228] : memref<32000xi32, #tpu.memory_space<hbm>> -> memref<40xi32, #tpu.memory_space<hbm>>
      %dma_start3A_230 = tpu.memref_slice %arg5[%multiple_of3A_228] : memref<32000xi32, #tpu.memory_space<hbm>> -> memref<40xi32, #tpu.memory_space<hbm>>
      tpu.enqueue_dma source(%dma_start3A_230 : memref<40xi32, #tpu.memory_space<hbm>>) target(%arg38 : memref<40xi32, #tpu.memory_space<vmem>>) target_semaphore(%arg54 : memref<!tpu.dma_semaphore, #tpu.memory_space<semaphore_mem>>)
      %dma_start3A_231 = tpu.memref_slice %arg6[%multiple_of3A_228] : memref<32000xi32, #tpu.memory_space<hbm>> -> memref<40xi32, #tpu.memory_space<hbm>>
      %dma_start3A_232 = tpu.memref_slice %arg6[%multiple_of3A_228] : memref<32000xi32, #tpu.memory_space<hbm>> -> memref<40xi32, #tpu.memory_space<hbm>>
      tpu.enqueue_dma source(%dma_start3A_232 : memref<40xi32, #tpu.memory_space<hbm>>) target(%arg43 : memref<40xi32, #tpu.memory_space<vmem>>) target_semaphore(%arg54 : memref<!tpu.dma_semaphore, #tpu.memory_space<semaphore_mem>>)
      %add3A_233 = arith.constant 80 : i32
      %add3A_234 = arith.addi %multiple_of3A, %add3A_233 : i32
      %multiple_of3A_235 = tpu.assume_multiple %add3A_234, 8 : i32
      %dma_start3A_236 = tpu.memref_slice %arg5[%multiple_of3A_235] : memref<32000xi32, #tpu.memory_space<hbm>> -> memref<40xi32, #tpu.memory_space<hbm>>
      %dma_start3A_237 = tpu.memref_slice %arg5[%multiple_of3A_235] : memref<32000xi32, #tpu.memory_space<hbm>> -> memref<40xi32, #tpu.memory_space<hbm>>
      tpu.enqueue_dma source(%dma_start3A_237 : memref<40xi32, #tpu.memory_space<hbm>>) target(%arg39 : memref<40xi32, #tpu.memory_space<vmem>>) target_semaphore(%arg54 : memref<!tpu.dma_semaphore, #tpu.memory_space<semaphore_mem>>)
      %dma_start3A_238 = tpu.memref_slice %arg6[%multiple_of3A_235] : memref<32000xi32, #tpu.memory_space<hbm>> -> memref<40xi32, #tpu.memory_space<hbm>>
      %dma_start3A_239 = tpu.memref_slice %arg6[%multiple_of3A_235] : memref<32000xi32, #tpu.memory_space<hbm>> -> memref<40xi32, #tpu.memory_space<hbm>>
      tpu.enqueue_dma source(%dma_start3A_239 : memref<40xi32, #tpu.memory_space<hbm>>) target(%arg44 : memref<40xi32, #tpu.memory_space<vmem>>) target_semaphore(%arg54 : memref<!tpu.dma_semaphore, #tpu.memory_space<semaphore_mem>>)
      %add3A_240 = arith.constant 120 : i32
      %add3A_241 = arith.addi %multiple_of3A, %add3A_240 : i32
      %multiple_of3A_242 = tpu.assume_multiple %add3A_241, 8 : i32
      %dma_start3A_243 = tpu.memref_slice %arg5[%multiple_of3A_242] : memref<32000xi32, #tpu.memory_space<hbm>> -> memref<40xi32, #tpu.memory_space<hbm>>
      %dma_start3A_244 = tpu.memref_slice %arg5[%multiple_of3A_242] : memref<32000xi32, #tpu.memory_space<hbm>> -> memref<40xi32, #tpu.memory_space<hbm>>
      tpu.enqueue_dma source(%dma_start3A_244 : memref<40xi32, #tpu.memory_space<hbm>>) target(%arg40 : memref<40xi32, #tpu.memory_space<vmem>>) target_semaphore(%arg54 : memref<!tpu.dma_semaphore, #tpu.memory_space<semaphore_mem>>)
      %dma_start3A_245 = tpu.memref_slice %arg6[%multiple_of3A_242] : memref<32000xi32, #tpu.memory_space<hbm>> -> memref<40xi32, #tpu.memory_space<hbm>>
      %dma_start3A_246 = tpu.memref_slice %arg6[%multiple_of3A_242] : memref<32000xi32, #tpu.memory_space<hbm>> -> memref<40xi32, #tpu.memory_space<hbm>>
      tpu.enqueue_dma source(%dma_start3A_246 : memref<40xi32, #tpu.memory_space<hbm>>) target(%arg45 : memref<40xi32, #tpu.memory_space<vmem>>) target_semaphore(%arg54 : memref<!tpu.dma_semaphore, #tpu.memory_space<semaphore_mem>>)
      %add3A_247 = arith.constant 160 : i32
      %add3A_248 = arith.addi %multiple_of3A, %add3A_247 : i32
      %multiple_of3A_249 = tpu.assume_multiple %add3A_248, 8 : i32
      %dma_start3A_250 = tpu.memref_slice %arg5[%multiple_of3A_249] : memref<32000xi32, #tpu.memory_space<hbm>> -> memref<40xi32, #tpu.memory_space<hbm>>
      %dma_start3A_251 = tpu.memref_slice %arg5[%multiple_of3A_249] : memref<32000xi32, #tpu.memory_space<hbm>> -> memref<40xi32, #tpu.memory_space<hbm>>
      tpu.enqueue_dma source(%dma_start3A_251 : memref<40xi32, #tpu.memory_space<hbm>>) target(%arg41 : memref<40xi32, #tpu.memory_space<vmem>>) target_semaphore(%arg54 : memref<!tpu.dma_semaphore, #tpu.memory_space<semaphore_mem>>)
      %dma_start3A_252 = tpu.memref_slice %arg6[%multiple_of3A_249] : memref<32000xi32, #tpu.memory_space<hbm>> -> memref<40xi32, #tpu.memory_space<hbm>>
      %dma_start3A_253 = tpu.memref_slice %arg6[%multiple_of3A_249] : memref<32000xi32, #tpu.memory_space<hbm>> -> memref<40xi32, #tpu.memory_space<hbm>>
      tpu.enqueue_dma source(%dma_start3A_253 : memref<40xi32, #tpu.memory_space<hbm>>) target(%arg46 : memref<40xi32, #tpu.memory_space<vmem>>) target_semaphore(%arg54 : memref<!tpu.dma_semaphore, #tpu.memory_space<semaphore_mem>>)
      %dma_wait3A = tpu.memref_slice %arg5[%multiple_of3A_222] : memref<32000xi32, #tpu.memory_space<hbm>> -> memref<40xi32, #tpu.memory_space<hbm>>
      %dma_wait3A_254 = tpu.memref_slice %arg5[%multiple_of3A_222] : memref<32000xi32, #tpu.memory_space<hbm>> -> memref<40xi32, #tpu.memory_space<hbm>>
      tpu.wait_dma2 semaphore(%arg54 : memref<!tpu.dma_semaphore, #tpu.memory_space<semaphore_mem>>) src(%dma_wait3A_254 : memref<40xi32, #tpu.memory_space<hbm>>) dst(%arg37 : memref<40xi32, #tpu.memory_space<vmem>>)
      %dma_wait3A_255 = tpu.memref_slice %arg6[%multiple_of3A_222] : memref<32000xi32, #tpu.memory_space<hbm>> -> memref<40xi32, #tpu.memory_space<hbm>>
      %dma_wait3A_256 = tpu.memref_slice %arg6[%multiple_of3A_222] : memref<32000xi32, #tpu.memory_space<hbm>> -> memref<40xi32, #tpu.memory_space<hbm>>
      tpu.wait_dma2 semaphore(%arg54 : memref<!tpu.dma_semaphore, #tpu.memory_space<semaphore_mem>>) src(%dma_wait3A_256 : memref<40xi32, #tpu.memory_space<hbm>>) dst(%arg42 : memref<40xi32, #tpu.memory_space<vmem>>)
      %dma_wait3A_257 = tpu.memref_slice %arg5[%multiple_of3A_228] : memref<32000xi32, #tpu.memory_space<hbm>> -> memref<40xi32, #tpu.memory_space<hbm>>
      %dma_wait3A_258 = tpu.memref_slice %arg5[%multiple_of3A_228] : memref<32000xi32, #tpu.memory_space<hbm>> -> memref<40xi32, #tpu.memory_space<hbm>>
      tpu.wait_dma2 semaphore(%arg54 : memref<!tpu.dma_semaphore, #tpu.memory_space<semaphore_mem>>) src(%dma_wait3A_258 : memref<40xi32, #tpu.memory_space<hbm>>) dst(%arg38 : memref<40xi32, #tpu.memory_space<vmem>>)
      %dma_wait3A_259 = tpu.memref_slice %arg6[%multiple_of3A_228] : memref<32000xi32, #tpu.memory_space<hbm>> -> memref<40xi32, #tpu.memory_space<hbm>>
      %dma_wait3A_260 = tpu.memref_slice %arg6[%multiple_of3A_228] : memref<32000xi32, #tpu.memory_space<hbm>> -> memref<40xi32, #tpu.memory_space<hbm>>
      tpu.wait_dma2 semaphore(%arg54 : memref<!tpu.dma_semaphore, #tpu.memory_space<semaphore_mem>>) src(%dma_wait3A_260 : memref<40xi32, #tpu.memory_space<hbm>>) dst(%arg43 : memref<40xi32, #tpu.memory_space<vmem>>)
      %dma_wait3A_261 = tpu.memref_slice %arg5[%multiple_of3A_235] : memref<32000xi32, #tpu.memory_space<hbm>> -> memref<40xi32, #tpu.memory_space<hbm>>
      %dma_wait3A_262 = tpu.memref_slice %arg5[%multiple_of3A_235] : memref<32000xi32, #tpu.memory_space<hbm>> -> memref<40xi32, #tpu.memory_space<hbm>>
      tpu.wait_dma2 semaphore(%arg54 : memref<!tpu.dma_semaphore, #tpu.memory_space<semaphore_mem>>) src(%dma_wait3A_262 : memref<40xi32, #tpu.memory_space<hbm>>) dst(%arg39 : memref<40xi32, #tpu.memory_space<vmem>>)
      %dma_wait3A_263 = tpu.memref_slice %arg6[%multiple_of3A_235] : memref<32000xi32, #tpu.memory_space<hbm>> -> memref<40xi32, #tpu.memory_space<hbm>>
      %dma_wait3A_264 = tpu.memref_slice %arg6[%multiple_of3A_235] : memref<32000xi32, #tpu.memory_space<hbm>> -> memref<40xi32, #tpu.memory_space<hbm>>
      tpu.wait_dma2 semaphore(%arg54 : memref<!tpu.dma_semaphore, #tpu.memory_space<semaphore_mem>>) src(%dma_wait3A_264 : memref<40xi32, #tpu.memory_space<hbm>>) dst(%arg44 : memref<40xi32, #tpu.memory_space<vmem>>)
      %dma_wait3A_265 = tpu.memref_slice %arg5[%multiple_of3A_242] : memref<32000xi32, #tpu.memory_space<hbm>> -> memref<40xi32, #tpu.memory_space<hbm>>
      %dma_wait3A_266 = tpu.memref_slice %arg5[%multiple_of3A_242] : memref<32000xi32, #tpu.memory_space<hbm>> -> memref<40xi32, #tpu.memory_space<hbm>>
      tpu.wait_dma2 semaphore(%arg54 : memref<!tpu.dma_semaphore, #tpu.memory_space<semaphore_mem>>) src(%dma_wait3A_266 : memref<40xi32, #tpu.memory_space<hbm>>) dst(%arg40 : memref<40xi32, #tpu.memory_space<vmem>>)
      %dma_wait3A_267 = tpu.memref_slice %arg6[%multiple_of3A_242] : memref<32000xi32, #tpu.memory_space<hbm>> -> memref<40xi32, #tpu.memory_space<hbm>>
      %dma_wait3A_268 = tpu.memref_slice %arg6[%multiple_of3A_242] : memref<32000xi32, #tpu.memory_space<hbm>> -> memref<40xi32, #tpu.memory_space<hbm>>
      tpu.wait_dma2 semaphore(%arg54 : memref<!tpu.dma_semaphore, #tpu.memory_space<semaphore_mem>>) src(%dma_wait3A_268 : memref<40xi32, #tpu.memory_space<hbm>>) dst(%arg45 : memref<40xi32, #tpu.memory_space<vmem>>)
      %dma_wait3A_269 = tpu.memref_slice %arg5[%multiple_of3A_249] : memref<32000xi32, #tpu.memory_space<hbm>> -> memref<40xi32, #tpu.memory_space<hbm>>
      %dma_wait3A_270 = tpu.memref_slice %arg5[%multiple_of3A_249] : memref<32000xi32, #tpu.memory_space<hbm>> -> memref<40xi32, #tpu.memory_space<hbm>>
      tpu.wait_dma2 semaphore(%arg54 : memref<!tpu.dma_semaphore, #tpu.memory_space<semaphore_mem>>) src(%dma_wait3A_270 : memref<40xi32, #tpu.memory_space<hbm>>) dst(%arg41 : memref<40xi32, #tpu.memory_space<vmem>>)
      %dma_wait3A_271 = tpu.memref_slice %arg6[%multiple_of3A_249] : memref<32000xi32, #tpu.memory_space<hbm>> -> memref<40xi32, #tpu.memory_space<hbm>>
      %dma_wait3A_272 = tpu.memref_slice %arg6[%multiple_of3A_249] : memref<32000xi32, #tpu.memory_space<hbm>> -> memref<40xi32, #tpu.memory_space<hbm>>
      tpu.wait_dma2 semaphore(%arg54 : memref<!tpu.dma_semaphore, #tpu.memory_space<semaphore_mem>>) src(%dma_wait3A_272 : memref<40xi32, #tpu.memory_space<hbm>>) dst(%arg46 : memref<40xi32, #tpu.memory_space<vmem>>)
      %dma_start3A_273 = arith.constant 0 : i32
      %dma_start3A_274 = arith.constant 0 : i32
      %dma_start3A_275 = tpu.memref_slice %arg23[%dma_start3A_273, %dma_start3A_274] : memref<80x128xf32, #tpu.memory_space<vmem>> -> memref<40x128xf32, #tpu.memory_space<vmem>>
      %dma_start3A_276 = arith.constant 0 : i32
      %dma_start3A_277 = arith.constant 0 : i32
      %dma_start3A_278 = tpu.memref_slice %arg13[%dma_start3A_276, %dma_start3A_277] : memref<2000x128xf32, #tpu.memory_space<hbm>> -> memref<2000x128xf32, #tpu.memory_space<hbm>>
      tpu.enqueue_indirect_dma source(%dma_start3A_278 : memref<2000x128xf32, #tpu.memory_space<hbm>>) target(%dma_start3A_275 : memref<40x128xf32, #tpu.memory_space<vmem>>) offsets(%arg37 : memref<40xi32, #tpu.memory_space<vmem>>) semaphore(%arg50 : memref<!tpu.dma_semaphore, #tpu.memory_space<semaphore_mem>>)
      %add3A_279 = arith.constant 0 : i32
      %add3A_280 = arith.addi %multiple_of3A, %add3A_279 : i32
      %dma_start3A_281 = arith.constant 0 : i32
      %dma_start3A_282 = arith.constant 0 : i32
      %dma_start3A_283 = tpu.memref_slice %arg25[%dma_start3A_281, %dma_start3A_282] : memref<80x128xf32, #tpu.memory_space<vmem>> -> memref<40x128xf32, #tpu.memory_space<vmem>>
      %dma_start3A_284 = arith.constant 0 : i32
      %dma_start3A_285 = tpu.memref_slice %arg7[%add3A_280, %dma_start3A_284] : memref<32000x128xf32, #tpu.memory_space<hbm>> -> memref<40x128xf32, #tpu.memory_space<hbm>>
      %dma_start3A_286 = arith.constant 0 : i32
      %dma_start3A_287 = arith.constant 0 : i32
      %dma_start3A_288 = tpu.memref_slice %arg25[%dma_start3A_286, %dma_start3A_287] : memref<80x128xf32, #tpu.memory_space<vmem>> -> memref<40x128xf32, #tpu.memory_space<vmem>>
      %dma_start3A_289 = arith.constant 0 : i32
      %dma_start3A_290 = tpu.memref_slice %arg7[%add3A_280, %dma_start3A_289] : memref<32000x128xf32, #tpu.memory_space<hbm>> -> memref<40x128xf32, #tpu.memory_space<hbm>>
      tpu.enqueue_dma source(%dma_start3A_290 : memref<40x128xf32, #tpu.memory_space<hbm>>) target(%dma_start3A_288 : memref<40x128xf32, #tpu.memory_space<vmem>>) target_semaphore(%arg52 : memref<!tpu.dma_semaphore, #tpu.memory_space<semaphore_mem>>)
      %dma_start3A_291 = arith.constant 0 : i32
      %dma_start3A_292 = arith.constant 0 : i32
      %dma_start3A_293 = tpu.memref_slice %arg24[%dma_start3A_291, %dma_start3A_292] : memref<80x128xf32, #tpu.memory_space<vmem>> -> memref<40x128xf32, #tpu.memory_space<vmem>>
      %dma_start3A_294 = arith.constant 0 : i32
      %dma_start3A_295 = arith.constant 0 : i32
      %dma_start3A_296 = tpu.memref_slice %arg13[%dma_start3A_294, %dma_start3A_295] : memref<2000x128xf32, #tpu.memory_space<hbm>> -> memref<2000x128xf32, #tpu.memory_space<hbm>>
      tpu.enqueue_indirect_dma source(%dma_start3A_296 : memref<2000x128xf32, #tpu.memory_space<hbm>>) target(%dma_start3A_293 : memref<40x128xf32, #tpu.memory_space<vmem>>) offsets(%arg38 : memref<40xi32, #tpu.memory_space<vmem>>) semaphore(%arg51 : memref<!tpu.dma_semaphore, #tpu.memory_space<semaphore_mem>>)
      %add3A_297 = arith.constant 40 : i32
      %add3A_298 = arith.addi %multiple_of3A, %add3A_297 : i32
      %dma_start3A_299 = arith.constant 0 : i32
      %dma_start3A_300 = arith.constant 0 : i32
      %dma_start3A_301 = tpu.memref_slice %arg26[%dma_start3A_299, %dma_start3A_300] : memref<80x128xf32, #tpu.memory_space<vmem>> -> memref<40x128xf32, #tpu.memory_space<vmem>>
      %dma_start3A_302 = arith.constant 0 : i32
      %dma_start3A_303 = tpu.memref_slice %arg7[%add3A_298, %dma_start3A_302] : memref<32000x128xf32, #tpu.memory_space<hbm>> -> memref<40x128xf32, #tpu.memory_space<hbm>>
      %dma_start3A_304 = arith.constant 0 : i32
      %dma_start3A_305 = arith.constant 0 : i32
      %dma_start3A_306 = tpu.memref_slice %arg26[%dma_start3A_304, %dma_start3A_305] : memref<80x128xf32, #tpu.memory_space<vmem>> -> memref<40x128xf32, #tpu.memory_space<vmem>>
      %dma_start3A_307 = arith.constant 0 : i32
      %dma_start3A_308 = tpu.memref_slice %arg7[%add3A_298, %dma_start3A_307] : memref<32000x128xf32, #tpu.memory_space<hbm>> -> memref<40x128xf32, #tpu.memory_space<hbm>>
      tpu.enqueue_dma source(%dma_start3A_308 : memref<40x128xf32, #tpu.memory_space<hbm>>) target(%dma_start3A_306 : memref<40x128xf32, #tpu.memory_space<vmem>>) target_semaphore(%arg53 : memref<!tpu.dma_semaphore, #tpu.memory_space<semaphore_mem>>)
      %dma_wait3A_309 = arith.constant 0 : i32
      %dma_wait3A_310 = arith.constant 0 : i32
      %dma_wait3A_311 = tpu.memref_slice %arg23[%dma_wait3A_309, %dma_wait3A_310] : memref<80x128xf32, #tpu.memory_space<vmem>> -> memref<40x128xf32, #tpu.memory_space<vmem>>
      %dma_wait3A_312 = arith.constant 0 : i32
      %dma_wait3A_313 = arith.constant 0 : i32
      %dma_wait3A_314 = tpu.memref_slice %arg13[%dma_wait3A_312, %dma_wait3A_313] : memref<2000x128xf32, #tpu.memory_space<hbm>> -> memref<2000x128xf32, #tpu.memory_space<hbm>>
      tpu.wait_indirect_dma semaphore(%arg50 : memref<!tpu.dma_semaphore, #tpu.memory_space<semaphore_mem>>) src(%dma_wait3A_314 : memref<2000x128xf32, #tpu.memory_space<hbm>>) dst(%dma_wait3A_311 : memref<40x128xf32, #tpu.memory_space<vmem>>)
      %dma_wait3A_315 = arith.constant 0 : i32
      %dma_wait3A_316 = arith.constant 0 : i32
      %dma_wait3A_317 = tpu.memref_slice %arg25[%dma_wait3A_315, %dma_wait3A_316] : memref<80x128xf32, #tpu.memory_space<vmem>> -> memref<40x128xf32, #tpu.memory_space<vmem>>
      %dma_wait3A_318 = arith.constant 0 : i32
      %dma_wait3A_319 = tpu.memref_slice %arg7[%add3A_280, %dma_wait3A_318] : memref<32000x128xf32, #tpu.memory_space<hbm>> -> memref<40x128xf32, #tpu.memory_space<hbm>>
      %dma_wait3A_320 = arith.constant 0 : i32
      %dma_wait3A_321 = arith.constant 0 : i32
      %dma_wait3A_322 = tpu.memref_slice %arg25[%dma_wait3A_320, %dma_wait3A_321] : memref<80x128xf32, #tpu.memory_space<vmem>> -> memref<40x128xf32, #tpu.memory_space<vmem>>
      %dma_wait3A_323 = arith.constant 0 : i32
      %dma_wait3A_324 = tpu.memref_slice %arg7[%add3A_280, %dma_wait3A_323] : memref<32000x128xf32, #tpu.memory_space<hbm>> -> memref<40x128xf32, #tpu.memory_space<hbm>>
      tpu.wait_dma2 semaphore(%arg52 : memref<!tpu.dma_semaphore, #tpu.memory_space<semaphore_mem>>) src(%dma_wait3A_324 : memref<40x128xf32, #tpu.memory_space<hbm>>) dst(%dma_wait3A_322 : memref<40x128xf32, #tpu.memory_space<vmem>>)
      %scan3A_325 = arith.constant 0 : i32
      %scan3A_326 = arith.constant 0 : i32
      %scan3A_327 = arith.constant 40 : i32
      %scan3A_328 = arith.addi %scan3A_326, %scan3A_327 : i32
      %scan3A_329 = arith.constant 1 : i32
      %scan3A_330 = scf.for %scan3A_479 = %scan3A_326 to %scan3A_328 step %scan3A_329 iter_args(%scan3A_480 = %scan3A_325) -> (i32)  : i32 {
        %get3A = arith.index_cast %scan3A_479 : i32 to index
        %get3A_481 = arith.constant 0 : index
        %get3A_482 = tpu.vector_load %arg23[%get3A, %get3A_481] {strides = array<i32>} : memref<80x128xf32, #tpu.memory_space<vmem>>, vector<16xf32>,
        %get3A_483 = arith.index_cast %scan3A_479 : i32 to index
        %get3A_484 = arith.constant 0 : index
        %get3A_485 = tpu.vector_load %arg25[%get3A_483, %get3A_484] {strides = array<i32>} : memref<80x128xf32, #tpu.memory_space<vmem>>, vector<16xf32>,
        %add3A_486 = arith.addf %get3A_482, %get3A_485 : vector<16xf32>
        %max3A = arith.constant 0.000000e+00 : f32
        %max3A_487 = vector.broadcast %max3A : f32 to vector<16xf32>
        %max3A_488 = arith.maximumf %add3A_486, %max3A_487 : vector<16xf32>
        %swap3A = arith.index_cast %scan3A_479 : i32 to index
        %swap3A_489 = arith.constant 0 : index
        %swap3A_490 = tpu.vector_load %arg23[%swap3A, %swap3A_489] {strides = array<i32>} : memref<80x128xf32, #tpu.memory_space<vmem>>, vector<16xf32>,
        tpu.vector_store %arg23[%swap3A, %swap3A_489], %max3A_488 {strides = array<i32>} : memref<80x128xf32, #tpu.memory_space<vmem>>, vector<16xf32>,
        %get3A_491 = arith.index_cast %scan3A_479 : i32 to index
        %get3A_492 = arith.constant 16 : index
        %get3A_493 = tpu.vector_load %arg23[%get3A_491, %get3A_492] {strides = array<i32>} : memref<80x128xf32, #tpu.memory_space<vmem>>, vector<16xf32>,
        %get3A_494 = arith.index_cast %scan3A_479 : i32 to index
        %get3A_495 = arith.constant 16 : index
        %get3A_496 = tpu.vector_load %arg25[%get3A_494, %get3A_495] {strides = array<i32>} : memref<80x128xf32, #tpu.memory_space<vmem>>, vector<16xf32>,
        %add3A_497 = arith.addf %get3A_493, %get3A_496 : vector<16xf32>
        %max3A_498 = arith.constant 0.000000e+00 : f32
        %max3A_499 = vector.broadcast %max3A_498 : f32 to vector<16xf32>
        %max3A_500 = arith.maximumf %add3A_497, %max3A_499 : vector<16xf32>
        %swap3A_501 = arith.index_cast %scan3A_479 : i32 to index
        %swap3A_502 = arith.constant 16 : index
        %swap3A_503 = tpu.vector_load %arg23[%swap3A_501, %swap3A_502] {strides = array<i32>} : memref<80x128xf32, #tpu.memory_space<vmem>>, vector<16xf32>,
        tpu.vector_store %arg23[%swap3A_501, %swap3A_502], %max3A_500 {strides = array<i32>} : memref<80x128xf32, #tpu.memory_space<vmem>>, vector<16xf32>,
        %get3A_504 = arith.index_cast %scan3A_479 : i32 to index
        %get3A_505 = arith.constant 32 : index
        %get3A_506 = tpu.vector_load %arg23[%get3A_504, %get3A_505] {strides = array<i32>} : memref<80x128xf32, #tpu.memory_space<vmem>>, vector<16xf32>,
        %get3A_507 = arith.index_cast %scan3A_479 : i32 to index
        %get3A_508 = arith.constant 32 : index
        %get3A_509 = tpu.vector_load %arg25[%get3A_507, %get3A_508] {strides = array<i32>} : memref<80x128xf32, #tpu.memory_space<vmem>>, vector<16xf32>,
        %add3A_510 = arith.addf %get3A_506, %get3A_509 : vector<16xf32>
        %max3A_511 = arith.constant 0.000000e+00 : f32
        %max3A_512 = vector.broadcast %max3A_511 : f32 to vector<16xf32>
        %max3A_513 = arith.maximumf %add3A_510, %max3A_512 : vector<16xf32>
        %swap3A_514 = arith.index_cast %scan3A_479 : i32 to index
        %swap3A_515 = arith.constant 32 : index
        %swap3A_516 = tpu.vector_load %arg23[%swap3A_514, %swap3A_515] {strides = array<i32>} : memref<80x128xf32, #tpu.memory_space<vmem>>, vector<16xf32>,
        tpu.vector_store %arg23[%swap3A_514, %swap3A_515], %max3A_513 {strides = array<i32>} : memref<80x128xf32, #tpu.memory_space<vmem>>, vector<16xf32>,
        %get3A_517 = arith.index_cast %scan3A_479 : i32 to index
        %get3A_518 = arith.constant 48 : index
        %get3A_519 = tpu.vector_load %arg23[%get3A_517, %get3A_518] {strides = array<i32>} : memref<80x128xf32, #tpu.memory_space<vmem>>, vector<16xf32>,
        %get3A_520 = arith.index_cast %scan3A_479 : i32 to index
        %get3A_521 = arith.constant 48 : index
        %get3A_522 = tpu.vector_load %arg25[%get3A_520, %get3A_521] {strides = array<i32>} : memref<80x128xf32, #tpu.memory_space<vmem>>, vector<16xf32>,
        %add3A_523 = arith.addf %get3A_519, %get3A_522 : vector<16xf32>
        %max3A_524 = arith.constant 0.000000e+00 : f32
        %max3A_525 = vector.broadcast %max3A_524 : f32 to vector<16xf32>
        %max3A_526 = arith.maximumf %add3A_523, %max3A_525 : vector<16xf32>
        %swap3A_527 = arith.index_cast %scan3A_479 : i32 to index
        %swap3A_528 = arith.constant 48 : index
        %swap3A_529 = tpu.vector_load %arg23[%swap3A_527, %swap3A_528] {strides = array<i32>} : memref<80x128xf32, #tpu.memory_space<vmem>>, vector<16xf32>,
        tpu.vector_store %arg23[%swap3A_527, %swap3A_528], %max3A_526 {strides = array<i32>} : memref<80x128xf32, #tpu.memory_space<vmem>>, vector<16xf32>,
        %get3A_530 = arith.index_cast %scan3A_479 : i32 to index
        %get3A_531 = arith.constant 64 : index
        %get3A_532 = tpu.vector_load %arg23[%get3A_530, %get3A_531] {strides = array<i32>} : memref<80x128xf32, #tpu.memory_space<vmem>>, vector<16xf32>,
        %get3A_533 = arith.index_cast %scan3A_479 : i32 to index
        %get3A_534 = arith.constant 64 : index
        %get3A_535 = tpu.vector_load %arg25[%get3A_533, %get3A_534] {strides = array<i32>} : memref<80x128xf32, #tpu.memory_space<vmem>>, vector<16xf32>,
        %add3A_536 = arith.addf %get3A_532, %get3A_535 : vector<16xf32>
        %max3A_537 = arith.constant 0.000000e+00 : f32
        %max3A_538 = vector.broadcast %max3A_537 : f32 to vector<16xf32>
        %max3A_539 = arith.maximumf %add3A_536, %max3A_538 : vector<16xf32>
        %swap3A_540 = arith.index_cast %scan3A_479 : i32 to index
        %swap3A_541 = arith.constant 64 : index
        %swap3A_542 = tpu.vector_load %arg23[%swap3A_540, %swap3A_541] {strides = array<i32>} : memref<80x128xf32, #tpu.memory_space<vmem>>, vector<16xf32>,
        tpu.vector_store %arg23[%swap3A_540, %swap3A_541], %max3A_539 {strides = array<i32>} : memref<80x128xf32, #tpu.memory_space<vmem>>, vector<16xf32>,
        %get3A_543 = arith.index_cast %scan3A_479 : i32 to index
        %get3A_544 = arith.constant 80 : index
        %get3A_545 = tpu.vector_load %arg23[%get3A_543, %get3A_544] {strides = array<i32>} : memref<80x128xf32, #tpu.memory_space<vmem>>, vector<16xf32>,
        %get3A_546 = arith.index_cast %scan3A_479 : i32 to index
        %get3A_547 = arith.constant 80 : index
        %get3A_548 = tpu.vector_load %arg25[%get3A_546, %get3A_547] {strides = array<i32>} : memref<80x128xf32, #tpu.memory_space<vmem>>, vector<16xf32>,
        %add3A_549 = arith.addf %get3A_545, %get3A_548 : vector<16xf32>
        %max3A_550 = arith.constant 0.000000e+00 : f32
        %max3A_551 = vector.broadcast %max3A_550 : f32 to vector<16xf32>
        %max3A_552 = arith.maximumf %add3A_549, %max3A_551 : vector<16xf32>
        %swap3A_553 = arith.index_cast %scan3A_479 : i32 to index
        %swap3A_554 = arith.constant 80 : index
        %swap3A_555 = tpu.vector_load %arg23[%swap3A_553, %swap3A_554] {strides = array<i32>} : memref<80x128xf32, #tpu.memory_space<vmem>>, vector<16xf32>,
        tpu.vector_store %arg23[%swap3A_553, %swap3A_554], %max3A_552 {strides = array<i32>} : memref<80x128xf32, #tpu.memory_space<vmem>>, vector<16xf32>,
        %get3A_556 = arith.index_cast %scan3A_479 : i32 to index
        %get3A_557 = arith.constant 96 : index
        %get3A_558 = tpu.vector_load %arg23[%get3A_556, %get3A_557] {strides = array<i32>} : memref<80x128xf32, #tpu.memory_space<vmem>>, vector<16xf32>,
        %get3A_559 = arith.index_cast %scan3A_479 : i32 to index
        %get3A_560 = arith.constant 96 : index
        %get3A_561 = tpu.vector_load %arg25[%get3A_559, %get3A_560] {strides = array<i32>} : memref<80x128xf32, #tpu.memory_space<vmem>>, vector<16xf32>,
        %add3A_562 = arith.addf %get3A_558, %get3A_561 : vector<16xf32>
        %max3A_563 = arith.constant 0.000000e+00 : f32
        %max3A_564 = vector.broadcast %max3A_563 : f32 to vector<16xf32>
        %max3A_565 = arith.maximumf %add3A_562, %max3A_564 : vector<16xf32>
        %swap3A_566 = arith.index_cast %scan3A_479 : i32 to index
        %swap3A_567 = arith.constant 96 : index
        %swap3A_568 = tpu.vector_load %arg23[%swap3A_566, %swap3A_567] {strides = array<i32>} : memref<80x128xf32, #tpu.memory_space<vmem>>, vector<16xf32>,
        tpu.vector_store %arg23[%swap3A_566, %swap3A_567], %max3A_565 {strides = array<i32>} : memref<80x128xf32, #tpu.memory_space<vmem>>, vector<16xf32>,
        %get3A_569 = arith.index_cast %scan3A_479 : i32 to index
        %get3A_570 = arith.constant 112 : index
        %get3A_571 = tpu.vector_load %arg23[%get3A_569, %get3A_570] {strides = array<i32>} : memref<80x128xf32, #tpu.memory_space<vmem>>, vector<16xf32>,
        %get3A_572 = arith.index_cast %scan3A_479 : i32 to index
        %get3A_573 = arith.constant 112 : index
        %get3A_574 = tpu.vector_load %arg25[%get3A_572, %get3A_573] {strides = array<i32>} : memref<80x128xf32, #tpu.memory_space<vmem>>, vector<16xf32>,
        %add3A_575 = arith.addf %get3A_571, %get3A_574 : vector<16xf32>
        %max3A_576 = arith.constant 0.000000e+00 : f32
        %max3A_577 = vector.broadcast %max3A_576 : f32 to vector<16xf32>
        %max3A_578 = arith.maximumf %add3A_575, %max3A_577 : vector<16xf32>
        %swap3A_579 = arith.index_cast %scan3A_479 : i32 to index
        %swap3A_580 = arith.constant 112 : index
        %swap3A_581 = tpu.vector_load %arg23[%swap3A_579, %swap3A_580] {strides = array<i32>} : memref<80x128xf32, #tpu.memory_space<vmem>>, vector<16xf32>,
        tpu.vector_store %arg23[%swap3A_579, %swap3A_580], %max3A_578 {strides = array<i32>} : memref<80x128xf32, #tpu.memory_space<vmem>>, vector<16xf32>,
        %scan3A_582 = arith.constant 0 : i32
        scf.yield %scan3A_582 : i32
      }
      %scan3A_331 = arith.constant 40 : i32
      "tpu.region"() ({
        %run_scoped3A = tpu.sem_alloc : memref<!tpu.dma_semaphore, #tpu.memory_space<semaphore_mem>>
        %dma_start3A_479 = arith.constant 0 : i32
        %dma_start3A_480 = arith.constant 0 : i32
        %dma_start3A_481 = tpu.memref_slice %arg23[%dma_start3A_479, %dma_start3A_480] : memref<80x128xf32, #tpu.memory_space<vmem>> -> memref<40x128xf32, #tpu.memory_space<vmem>>
        %dma_start3A_482 = arith.constant 0 : i32
        %dma_start3A_483 = arith.constant 0 : i32
        %dma_start3A_484 = tpu.memref_slice %arg21[%dma_start3A_482, %dma_start3A_483] : memref<10016x128xf32, #tpu.memory_space<vmem_shared>> -> memref<10016x128xf32, #tpu.memory_space<vmem_shared>>
        tpu.enqueue_indirect_dma source(%dma_start3A_481 : memref<40x128xf32, #tpu.memory_space<vmem>>) target(%dma_start3A_484 : memref<10016x128xf32, #tpu.memory_space<vmem_shared>>) offsets(%arg42 : memref<40xi32, #tpu.memory_space<vmem>>) semaphore(%run_scoped3A : memref<!tpu.dma_semaphore, #tpu.memory_space<semaphore_mem>>) {add = true}
        %dma_wait3A_485 = arith.constant 0 : i32
        %dma_wait3A_486 = arith.constant 0 : i32
        %dma_wait3A_487 = tpu.memref_slice %arg23[%dma_wait3A_485, %dma_wait3A_486] : memref<80x128xf32, #tpu.memory_space<vmem>> -> memref<40x128xf32, #tpu.memory_space<vmem>>
        %dma_wait3A_488 = arith.constant 0 : i32
        %dma_wait3A_489 = arith.constant 0 : i32
        %dma_wait3A_490 = tpu.memref_slice %arg21[%dma_wait3A_488, %dma_wait3A_489] : memref<10016x128xf32, #tpu.memory_space<vmem_shared>> -> memref<10016x128xf32, #tpu.memory_space<vmem_shared>>
        tpu.wait_indirect_dma semaphore(%run_scoped3A : memref<!tpu.dma_semaphore, #tpu.memory_space<semaphore_mem>>) src(%dma_wait3A_487 : memref<40x128xf32, #tpu.memory_space<vmem>>) dst(%dma_wait3A_490 : memref<10016x128xf32, #tpu.memory_space<vmem_shared>>)
        tpu.yield
      }) : () -> ()
      %dma_start3A_332 = arith.constant 0 : i32
      %dma_start3A_333 = arith.constant 0 : i32
      %dma_start3A_334 = tpu.memref_slice %arg23[%dma_start3A_332, %dma_start3A_333] : memref<80x128xf32, #tpu.memory_space<vmem>> -> memref<40x128xf32, #tpu.memory_space<vmem>>
      %dma_start3A_335 = arith.constant 0 : i32
      %dma_start3A_336 = arith.constant 0 : i32
      %dma_start3A_337 = tpu.memref_slice %arg13[%dma_start3A_335, %dma_start3A_336] : memref<2000x128xf32, #tpu.memory_space<hbm>> -> memref<2000x128xf32, #tpu.memory_space<hbm>>
      tpu.enqueue_indirect_dma source(%dma_start3A_337 : memref<2000x128xf32, #tpu.memory_space<hbm>>) target(%dma_start3A_334 : memref<40x128xf32, #tpu.memory_space<vmem>>) offsets(%arg39 : memref<40xi32, #tpu.memory_space<vmem>>) semaphore(%arg50 : memref<!tpu.dma_semaphore, #tpu.memory_space<semaphore_mem>>)
      %add3A_338 = arith.constant 80 : i32
      %add3A_339 = arith.addi %multiple_of3A, %add3A_338 : i32
      %dma_start3A_340 = arith.constant 0 : i32
      %dma_start3A_341 = arith.constant 0 : i32
      %dma_start3A_342 = tpu.memref_slice %arg25[%dma_start3A_340, %dma_start3A_341] : memref<80x128xf32, #tpu.memory_space<vmem>> -> memref<40x128xf32, #tpu.memory_space<vmem>>
      %dma_start3A_343 = arith.constant 0 : i32
      %dma_start3A_344 = tpu.memref_slice %arg7[%add3A_339, %dma_start3A_343] : memref<32000x128xf32, #tpu.memory_space<hbm>> -> memref<40x128xf32, #tpu.memory_space<hbm>>
      %dma_start3A_345 = arith.constant 0 : i32
      %dma_start3A_346 = arith.constant 0 : i32
      %dma_start3A_347 = tpu.memref_slice %arg25[%dma_start3A_345, %dma_start3A_346] : memref<80x128xf32, #tpu.memory_space<vmem>> -> memref<40x128xf32, #tpu.memory_space<vmem>>
      %dma_start3A_348 = arith.constant 0 : i32
      %dma_start3A_349 = tpu.memref_slice %arg7[%add3A_339, %dma_start3A_348] : memref<32000x128xf32, #tpu.memory_space<hbm>> -> memref<40x128xf32, #tpu.memory_space<hbm>>
      tpu.enqueue_dma source(%dma_start3A_349 : memref<40x128xf32, #tpu.memory_space<hbm>>) target(%dma_start3A_347 : memref<40x128xf32, #tpu.memory_space<vmem>>) target_semaphore(%arg52 : memref<!tpu.dma_semaphore, #tpu.memory_space<semaphore_mem>>)
      %dma_wait3A_350 = arith.constant 0 : i32
      %dma_wait3A_351 = arith.constant 0 : i32
      %dma_wait3A_352 = tpu.memref_slice %arg24[%dma_wait3A_350, %dma_wait3A_351] : memref<80x128xf32, #tpu.memory_space<vmem>> -> memref<40x128xf32, #tpu.memory_space<vmem>>
      %dma_wait3A_353 = arith.constant 0 : i32
      %dma_wait3A_354 = arith.constant 0 : i32
      %dma_wait3A_355 = tpu.memref_slice %arg13[%dma_wait3A_353, %dma_wait3A_354] : memref<2000x128xf32, #tpu.memory_space<hbm>> -> memref<2000x128xf32, #tpu.memory_space<hbm>>
      tpu.wait_indirect_dma semaphore(%arg51 : memref<!tpu.dma_semaphore, #tpu.memory_space<semaphore_mem>>) src(%dma_wait3A_355 : memref<2000x128xf32, #tpu.memory_space<hbm>>) dst(%dma_wait3A_352 : memref<40x128xf32, #tpu.memory_space<vmem>>)
      %dma_wait3A_356 = arith.constant 0 : i32
      %dma_wait3A_357 = arith.constant 0 : i32
      %dma_wait3A_358 = tpu.memref_slice %arg26[%dma_wait3A_356, %dma_wait3A_357] : memref<80x128xf32, #tpu.memory_space<vmem>> -> memref<40x128xf32, #tpu.memory_space<vmem>>
      %dma_wait3A_359 = arith.constant 0 : i32
      %dma_wait3A_360 = tpu.memref_slice %arg7[%add3A_298, %dma_wait3A_359] : memref<32000x128xf32, #tpu.memory_space<hbm>> -> memref<40x128xf32, #tpu.memory_space<hbm>>
      %dma_wait3A_361 = arith.constant 0 : i32
      %dma_wait3A_362 = arith.constant 0 : i32
      %dma_wait3A_363 = tpu.memref_slice %arg26[%dma_wait3A_361, %dma_wait3A_362] : memref<80x128xf32, #tpu.memory_space<vmem>> -> memref<40x128xf32, #tpu.memory_space<vmem>>
      %dma_wait3A_364 = arith.constant 0 : i32
      %dma_wait3A_365 = tpu.memref_slice %arg7[%add3A_298, %dma_wait3A_364] : memref<32000x128xf32, #tpu.memory_space<hbm>> -> memref<40x128xf32, #tpu.memory_space<hbm>>
      tpu.wait_dma2 semaphore(%arg53 : memref<!tpu.dma_semaphore, #tpu.memory_space<semaphore_mem>>) src(%dma_wait3A_365 : memref<40x128xf32, #tpu.memory_space<hbm>>) dst(%dma_wait3A_363 : memref<40x128xf32, #tpu.memory_space<vmem>>)
      %scan3A_366 = arith.constant 0 : i32
      %scan3A_367 = arith.constant 0 : i32
      %scan3A_368 = arith.constant 40 : i32
      %scan3A_369 = arith.addi %scan3A_367, %scan3A_368 : i32
      %scan3A_370 = arith.constant 1 : i32
      %scan3A_371 = scf.for %scan3A_479 = %scan3A_367 to %scan3A_369 step %scan3A_370 iter_args(%scan3A_480 = %scan3A_366) -> (i32)  : i32 {
        %get3A = arith.index_cast %scan3A_479 : i32 to index
        %get3A_481 = arith.constant 0 : index
        %get3A_482 = tpu.vector_load %arg24[%get3A, %get3A_481] {strides = array<i32>} : memref<80x128xf32, #tpu.memory_space<vmem>>, vector<16xf32>,
        %get3A_483 = arith.index_cast %scan3A_479 : i32 to index
        %get3A_484 = arith.constant 0 : index
        %get3A_485 = tpu.vector_load %arg26[%get3A_483, %get3A_484] {strides = array<i32>} : memref<80x128xf32, #tpu.memory_space<vmem>>, vector<16xf32>,
        %add3A_486 = arith.addf %get3A_482, %get3A_485 : vector<16xf32>
        %max3A = arith.constant 0.000000e+00 : f32
        %max3A_487 = vector.broadcast %max3A : f32 to vector<16xf32>
        %max3A_488 = arith.maximumf %add3A_486, %max3A_487 : vector<16xf32>
        %swap3A = arith.index_cast %scan3A_479 : i32 to index
        %swap3A_489 = arith.constant 0 : index
        %swap3A_490 = tpu.vector_load %arg24[%swap3A, %swap3A_489] {strides = array<i32>} : memref<80x128xf32, #tpu.memory_space<vmem>>, vector<16xf32>,
        tpu.vector_store %arg24[%swap3A, %swap3A_489], %max3A_488 {strides = array<i32>} : memref<80x128xf32, #tpu.memory_space<vmem>>, vector<16xf32>,
        %get3A_491 = arith.index_cast %scan3A_479 : i32 to index
        %get3A_492 = arith.constant 16 : index
        %get3A_493 = tpu.vector_load %arg24[%get3A_491, %get3A_492] {strides = array<i32>} : memref<80x128xf32, #tpu.memory_space<vmem>>, vector<16xf32>,
        %get3A_494 = arith.index_cast %scan3A_479 : i32 to index
        %get3A_495 = arith.constant 16 : index
        %get3A_496 = tpu.vector_load %arg26[%get3A_494, %get3A_495] {strides = array<i32>} : memref<80x128xf32, #tpu.memory_space<vmem>>, vector<16xf32>,
        %add3A_497 = arith.addf %get3A_493, %get3A_496 : vector<16xf32>
        %max3A_498 = arith.constant 0.000000e+00 : f32
        %max3A_499 = vector.broadcast %max3A_498 : f32 to vector<16xf32>
        %max3A_500 = arith.maximumf %add3A_497, %max3A_499 : vector<16xf32>
        %swap3A_501 = arith.index_cast %scan3A_479 : i32 to index
        %swap3A_502 = arith.constant 16 : index
        %swap3A_503 = tpu.vector_load %arg24[%swap3A_501, %swap3A_502] {strides = array<i32>} : memref<80x128xf32, #tpu.memory_space<vmem>>, vector<16xf32>,
        tpu.vector_store %arg24[%swap3A_501, %swap3A_502], %max3A_500 {strides = array<i32>} : memref<80x128xf32, #tpu.memory_space<vmem>>, vector<16xf32>,
        %get3A_504 = arith.index_cast %scan3A_479 : i32 to index
        %get3A_505 = arith.constant 32 : index
        %get3A_506 = tpu.vector_load %arg24[%get3A_504, %get3A_505] {strides = array<i32>} : memref<80x128xf32, #tpu.memory_space<vmem>>, vector<16xf32>,
        %get3A_507 = arith.index_cast %scan3A_479 : i32 to index
        %get3A_508 = arith.constant 32 : index
        %get3A_509 = tpu.vector_load %arg26[%get3A_507, %get3A_508] {strides = array<i32>} : memref<80x128xf32, #tpu.memory_space<vmem>>, vector<16xf32>,
        %add3A_510 = arith.addf %get3A_506, %get3A_509 : vector<16xf32>
        %max3A_511 = arith.constant 0.000000e+00 : f32
        %max3A_512 = vector.broadcast %max3A_511 : f32 to vector<16xf32>
        %max3A_513 = arith.maximumf %add3A_510, %max3A_512 : vector<16xf32>
        %swap3A_514 = arith.index_cast %scan3A_479 : i32 to index
        %swap3A_515 = arith.constant 32 : index
        %swap3A_516 = tpu.vector_load %arg24[%swap3A_514, %swap3A_515] {strides = array<i32>} : memref<80x128xf32, #tpu.memory_space<vmem>>, vector<16xf32>,
        tpu.vector_store %arg24[%swap3A_514, %swap3A_515], %max3A_513 {strides = array<i32>} : memref<80x128xf32, #tpu.memory_space<vmem>>, vector<16xf32>,
        %get3A_517 = arith.index_cast %scan3A_479 : i32 to index
        %get3A_518 = arith.constant 48 : index
        %get3A_519 = tpu.vector_load %arg24[%get3A_517, %get3A_518] {strides = array<i32>} : memref<80x128xf32, #tpu.memory_space<vmem>>, vector<16xf32>,
        %get3A_520 = arith.index_cast %scan3A_479 : i32 to index
        %get3A_521 = arith.constant 48 : index
        %get3A_522 = tpu.vector_load %arg26[%get3A_520, %get3A_521] {strides = array<i32>} : memref<80x128xf32, #tpu.memory_space<vmem>>, vector<16xf32>,
        %add3A_523 = arith.addf %get3A_519, %get3A_522 : vector<16xf32>
        %max3A_524 = arith.constant 0.000000e+00 : f32
        %max3A_525 = vector.broadcast %max3A_524 : f32 to vector<16xf32>
        %max3A_526 = arith.maximumf %add3A_523, %max3A_525 : vector<16xf32>
        %swap3A_527 = arith.index_cast %scan3A_479 : i32 to index
        %swap3A_528 = arith.constant 48 : index
        %swap3A_529 = tpu.vector_load %arg24[%swap3A_527, %swap3A_528] {strides = array<i32>} : memref<80x128xf32, #tpu.memory_space<vmem>>, vector<16xf32>,
        tpu.vector_store %arg24[%swap3A_527, %swap3A_528], %max3A_526 {strides = array<i32>} : memref<80x128xf32, #tpu.memory_space<vmem>>, vector<16xf32>,
        %get3A_530 = arith.index_cast %scan3A_479 : i32 to index
        %get3A_531 = arith.constant 64 : index
        %get3A_532 = tpu.vector_load %arg24[%get3A_530, %get3A_531] {strides = array<i32>} : memref<80x128xf32, #tpu.memory_space<vmem>>, vector<16xf32>,
        %get3A_533 = arith.index_cast %scan3A_479 : i32 to index
        %get3A_534 = arith.constant 64 : index
        %get3A_535 = tpu.vector_load %arg26[%get3A_533, %get3A_534] {strides = array<i32>} : memref<80x128xf32, #tpu.memory_space<vmem>>, vector<16xf32>,
        %add3A_536 = arith.addf %get3A_532, %get3A_535 : vector<16xf32>
        %max3A_537 = arith.constant 0.000000e+00 : f32
        %max3A_538 = vector.broadcast %max3A_537 : f32 to vector<16xf32>
        %max3A_539 = arith.maximumf %add3A_536, %max3A_538 : vector<16xf32>
        %swap3A_540 = arith.index_cast %scan3A_479 : i32 to index
        %swap3A_541 = arith.constant 64 : index
        %swap3A_542 = tpu.vector_load %arg24[%swap3A_540, %swap3A_541] {strides = array<i32>} : memref<80x128xf32, #tpu.memory_space<vmem>>, vector<16xf32>,
        tpu.vector_store %arg24[%swap3A_540, %swap3A_541], %max3A_539 {strides = array<i32>} : memref<80x128xf32, #tpu.memory_space<vmem>>, vector<16xf32>,
        %get3A_543 = arith.index_cast %scan3A_479 : i32 to index
        %get3A_544 = arith.constant 80 : index
        %get3A_545 = tpu.vector_load %arg24[%get3A_543, %get3A_544] {strides = array<i32>} : memref<80x128xf32, #tpu.memory_space<vmem>>, vector<16xf32>,
        %get3A_546 = arith.index_cast %scan3A_479 : i32 to index
        %get3A_547 = arith.constant 80 : index
        %get3A_548 = tpu.vector_load %arg26[%get3A_546, %get3A_547] {strides = array<i32>} : memref<80x128xf32, #tpu.memory_space<vmem>>, vector<16xf32>,
        %add3A_549 = arith.addf %get3A_545, %get3A_548 : vector<16xf32>
        %max3A_550 = arith.constant 0.000000e+00 : f32
        %max3A_551 = vector.broadcast %max3A_550 : f32 to vector<16xf32>
        %max3A_552 = arith.maximumf %add3A_549, %max3A_551 : vector<16xf32>
        %swap3A_553 = arith.index_cast %scan3A_479 : i32 to index
        %swap3A_554 = arith.constant 80 : index
        %swap3A_555 = tpu.vector_load %arg24[%swap3A_553, %swap3A_554] {strides = array<i32>} : memref<80x128xf32, #tpu.memory_space<vmem>>, vector<16xf32>,
        tpu.vector_store %arg24[%swap3A_553, %swap3A_554], %max3A_552 {strides = array<i32>} : memref<80x128xf32, #tpu.memory_space<vmem>>, vector<16xf32>,
        %get3A_556 = arith.index_cast %scan3A_479 : i32 to index
        %get3A_557 = arith.constant 96 : index
        %get3A_558 = tpu.vector_load %arg24[%get3A_556, %get3A_557] {strides = array<i32>} : memref<80x128xf32, #tpu.memory_space<vmem>>, vector<16xf32>,
        %get3A_559 = arith.index_cast %scan3A_479 : i32 to index
        %get3A_560 = arith.constant 96 : index
        %get3A_561 = tpu.vector_load %arg26[%get3A_559, %get3A_560] {strides = array<i32>} : memref<80x128xf32, #tpu.memory_space<vmem>>, vector<16xf32>,
        %add3A_562 = arith.addf %get3A_558, %get3A_561 : vector<16xf32>
        %max3A_563 = arith.constant 0.000000e+00 : f32
        %max3A_564 = vector.broadcast %max3A_563 : f32 to vector<16xf32>
        %max3A_565 = arith.maximumf %add3A_562, %max3A_564 : vector<16xf32>
        %swap3A_566 = arith.index_cast %scan3A_479 : i32 to index
        %swap3A_567 = arith.constant 96 : index
        %swap3A_568 = tpu.vector_load %arg24[%swap3A_566, %swap3A_567] {strides = array<i32>} : memref<80x128xf32, #tpu.memory_space<vmem>>, vector<16xf32>,
        tpu.vector_store %arg24[%swap3A_566, %swap3A_567], %max3A_565 {strides = array<i32>} : memref<80x128xf32, #tpu.memory_space<vmem>>, vector<16xf32>,
        %get3A_569 = arith.index_cast %scan3A_479 : i32 to index
        %get3A_570 = arith.constant 112 : index
        %get3A_571 = tpu.vector_load %arg24[%get3A_569, %get3A_570] {strides = array<i32>} : memref<80x128xf32, #tpu.memory_space<vmem>>, vector<16xf32>,
        %get3A_572 = arith.index_cast %scan3A_479 : i32 to index
        %get3A_573 = arith.constant 112 : index
        %get3A_574 = tpu.vector_load %arg26[%get3A_572, %get3A_573] {strides = array<i32>} : memref<80x128xf32, #tpu.memory_space<vmem>>, vector<16xf32>,
        %add3A_575 = arith.addf %get3A_571, %get3A_574 : vector<16xf32>
        %max3A_576 = arith.constant 0.000000e+00 : f32
        %max3A_577 = vector.broadcast %max3A_576 : f32 to vector<16xf32>
        %max3A_578 = arith.maximumf %add3A_575, %max3A_577 : vector<16xf32>
        %swap3A_579 = arith.index_cast %scan3A_479 : i32 to index
        %swap3A_580 = arith.constant 112 : index
        %swap3A_581 = tpu.vector_load %arg24[%swap3A_579, %swap3A_580] {strides = array<i32>} : memref<80x128xf32, #tpu.memory_space<vmem>>, vector<16xf32>,
        tpu.vector_store %arg24[%swap3A_579, %swap3A_580], %max3A_578 {strides = array<i32>} : memref<80x128xf32, #tpu.memory_space<vmem>>, vector<16xf32>,
        %scan3A_582 = arith.constant 0 : i32
        scf.yield %scan3A_582 : i32
      }
      %scan3A_372 = arith.constant 40 : i32
      "tpu.region"() ({
        %run_scoped3A = tpu.sem_alloc : memref<!tpu.dma_semaphore, #tpu.memory_space<semaphore_mem>>
        %dma_start3A_479 = arith.constant 0 : i32
        %dma_start3A_480 = arith.constant 0 : i32
        %dma_start3A_481 = tpu.memref_slice %arg24[%dma_start3A_479, %dma_start3A_480] : memref<80x128xf32, #tpu.memory_space<vmem>> -> memref<40x128xf32, #tpu.memory_space<vmem>>
        %dma_start3A_482 = arith.constant 0 : i32
        %dma_start3A_483 = arith.constant 0 : i32
        %dma_start3A_484 = tpu.memref_slice %arg21[%dma_start3A_482, %dma_start3A_483] : memref<10016x128xf32, #tpu.memory_space<vmem_shared>> -> memref<10016x128xf32, #tpu.memory_space<vmem_shared>>
        tpu.enqueue_indirect_dma source(%dma_start3A_481 : memref<40x128xf32, #tpu.memory_space<vmem>>) target(%dma_start3A_484 : memref<10016x128xf32, #tpu.memory_space<vmem_shared>>) offsets(%arg43 : memref<40xi32, #tpu.memory_space<vmem>>) semaphore(%run_scoped3A : memref<!tpu.dma_semaphore, #tpu.memory_space<semaphore_mem>>) {add = true}
        %dma_wait3A_485 = arith.constant 0 : i32
        %dma_wait3A_486 = arith.constant 0 : i32
        %dma_wait3A_487 = tpu.memref_slice %arg24[%dma_wait3A_485, %dma_wait3A_486] : memref<80x128xf32, #tpu.memory_space<vmem>> -> memref<40x128xf32, #tpu.memory_space<vmem>>
        %dma_wait3A_488 = arith.constant 0 : i32
        %dma_wait3A_489 = arith.constant 0 : i32
        %dma_wait3A_490 = tpu.memref_slice %arg21[%dma_wait3A_488, %dma_wait3A_489] : memref<10016x128xf32, #tpu.memory_space<vmem_shared>> -> memref<10016x128xf32, #tpu.memory_space<vmem_shared>>
        tpu.wait_indirect_dma semaphore(%run_scoped3A : memref<!tpu.dma_semaphore, #tpu.memory_space<semaphore_mem>>) src(%dma_wait3A_487 : memref<40x128xf32, #tpu.memory_space<vmem>>) dst(%dma_wait3A_490 : memref<10016x128xf32, #tpu.memory_space<vmem_shared>>)
        tpu.yield
      }) : () -> ()
      %dma_start3A_373 = arith.constant 0 : i32
      %dma_start3A_374 = arith.constant 0 : i32
      %dma_start3A_375 = tpu.memref_slice %arg24[%dma_start3A_373, %dma_start3A_374] : memref<80x128xf32, #tpu.memory_space<vmem>> -> memref<40x128xf32, #tpu.memory_space<vmem>>
      %dma_start3A_376 = arith.constant 0 : i32
      %dma_start3A_377 = arith.constant 0 : i32
      %dma_start3A_378 = tpu.memref_slice %arg13[%dma_start3A_376, %dma_start3A_377] : memref<2000x128xf32, #tpu.memory_space<hbm>> -> memref<2000x128xf32, #tpu.memory_space<hbm>>
      tpu.enqueue_indirect_dma source(%dma_start3A_378 : memref<2000x128xf32, #tpu.memory_space<hbm>>) target(%dma_start3A_375 : memref<40x128xf32, #tpu.memory_space<vmem>>) offsets(%arg40 : memref<40xi32, #tpu.memory_space<vmem>>) semaphore(%arg51 : memref<!tpu.dma_semaphore, #tpu.memory_space<semaphore_mem>>)
      %add3A_379 = arith.constant 120 : i32
      %add3A_380 = arith.addi %multiple_of3A, %add3A_379 : i32
      %dma_start3A_381 = arith.constant 0 : i32
      %dma_start3A_382 = arith.constant 0 : i32
      %dma_start3A_383 = tpu.memref_slice %arg26[%dma_start3A_381, %dma_start3A_382] : memref<80x128xf32, #tpu.memory_space<vmem>> -> memref<40x128xf32, #tpu.memory_space<vmem>>
      %dma_start3A_384 = arith.constant 0 : i32
      %dma_start3A_385 = tpu.memref_slice %arg7[%add3A_380, %dma_start3A_384] : memref<32000x128xf32, #tpu.memory_space<hbm>> -> memref<40x128xf32, #tpu.memory_space<hbm>>
      %dma_start3A_386 = arith.constant 0 : i32
      %dma_start3A_387 = arith.constant 0 : i32
      %dma_start3A_388 = tpu.memref_slice %arg26[%dma_start3A_386, %dma_start3A_387] : memref<80x128xf32, #tpu.memory_space<vmem>> -> memref<40x128xf32, #tpu.memory_space<vmem>>
      %dma_start3A_389 = arith.constant 0 : i32
      %dma_start3A_390 = tpu.memref_slice %arg7[%add3A_380, %dma_start3A_389] : memref<32000x128xf32, #tpu.memory_space<hbm>> -> memref<40x128xf32, #tpu.memory_space<hbm>>
      tpu.enqueue_dma source(%dma_start3A_390 : memref<40x128xf32, #tpu.memory_space<hbm>>) target(%dma_start3A_388 : memref<40x128xf32, #tpu.memory_space<vmem>>) target_semaphore(%arg53 : memref<!tpu.dma_semaphore, #tpu.memory_space<semaphore_mem>>)
      %dma_wait3A_391 = arith.constant 0 : i32
      %dma_wait3A_392 = arith.constant 0 : i32
      %dma_wait3A_393 = tpu.memref_slice %arg23[%dma_wait3A_391, %dma_wait3A_392] : memref<80x128xf32, #tpu.memory_space<vmem>> -> memref<40x128xf32, #tpu.memory_space<vmem>>
      %dma_wait3A_394 = arith.constant 0 : i32
      %dma_wait3A_395 = arith.constant 0 : i32
      %dma_wait3A_396 = tpu.memref_slice %arg13[%dma_wait3A_394, %dma_wait3A_395] : memref<2000x128xf32, #tpu.memory_space<hbm>> -> memref<2000x128xf32, #tpu.memory_space<hbm>>
      tpu.wait_indirect_dma semaphore(%arg50 : memref<!tpu.dma_semaphore, #tpu.memory_space<semaphore_mem>>) src(%dma_wait3A_396 : memref<2000x128xf32, #tpu.memory_space<hbm>>) dst(%dma_wait3A_393 : memref<40x128xf32, #tpu.memory_space<vmem>>)
      %dma_wait3A_397 = arith.constant 0 : i32
      %dma_wait3A_398 = arith.constant 0 : i32
      %dma_wait3A_399 = tpu.memref_slice %arg25[%dma_wait3A_397, %dma_wait3A_398] : memref<80x128xf32, #tpu.memory_space<vmem>> -> memref<40x128xf32, #tpu.memory_space<vmem>>
      %dma_wait3A_400 = arith.constant 0 : i32
      %dma_wait3A_401 = tpu.memref_slice %arg7[%add3A_339, %dma_wait3A_400] : memref<32000x128xf32, #tpu.memory_space<hbm>> -> memref<40x128xf32, #tpu.memory_space<hbm>>
      %dma_wait3A_402 = arith.constant 0 : i32
      %dma_wait3A_403 = arith.constant 0 : i32
      %dma_wait3A_404 = tpu.memref_slice %arg25[%dma_wait3A_402, %dma_wait3A_403] : memref<80x128xf32, #tpu.memory_space<vmem>> -> memref<40x128xf32, #tpu.memory_space<vmem>>
      %dma_wait3A_405 = arith.constant 0 : i32
      %dma_wait3A_406 = tpu.memref_slice %arg7[%add3A_339, %dma_wait3A_405] : memref<32000x128xf32, #tpu.memory_space<hbm>> -> memref<40x128xf32, #tpu.memory_space<hbm>>
      tpu.wait_dma2 semaphore(%arg52 : memref<!tpu.dma_semaphore, #tpu.memory_space<semaphore_mem>>) src(%dma_wait3A_406 : memref<40x128xf32, #tpu.memory_space<hbm>>) dst(%dma_wait3A_404 : memref<40x128xf32, #tpu.memory_space<vmem>>)
      %scan3A_407 = arith.constant 0 : i32
      %scan3A_408 = arith.constant 0 : i32
      %scan3A_409 = arith.constant 40 : i32
      %scan3A_410 = arith.addi %scan3A_408, %scan3A_409 : i32
      %scan3A_411 = arith.constant 1 : i32
      %scan3A_412 = scf.for %scan3A_479 = %scan3A_408 to %scan3A_410 step %scan3A_411 iter_args(%scan3A_480 = %scan3A_407) -> (i32)  : i32 {
        %get3A = arith.index_cast %scan3A_479 : i32 to index
        %get3A_481 = arith.constant 0 : index
        %get3A_482 = tpu.vector_load %arg23[%get3A, %get3A_481] {strides = array<i32>} : memref<80x128xf32, #tpu.memory_space<vmem>>, vector<16xf32>,
        %get3A_483 = arith.index_cast %scan3A_479 : i32 to index
        %get3A_484 = arith.constant 0 : index
        %get3A_485 = tpu.vector_load %arg25[%get3A_483, %get3A_484] {strides = array<i32>} : memref<80x128xf32, #tpu.memory_space<vmem>>, vector<16xf32>,
        %add3A_486 = arith.addf %get3A_482, %get3A_485 : vector<16xf32>
        %max3A = arith.constant 0.000000e+00 : f32
        %max3A_487 = vector.broadcast %max3A : f32 to vector<16xf32>
        %max3A_488 = arith.maximumf %add3A_486, %max3A_487 : vector<16xf32>
        %swap3A = arith.index_cast %scan3A_479 : i32 to index
        %swap3A_489 = arith.constant 0 : index
        %swap3A_490 = tpu.vector_load %arg23[%swap3A, %swap3A_489] {strides = array<i32>} : memref<80x128xf32, #tpu.memory_space<vmem>>, vector<16xf32>,
        tpu.vector_store %arg23[%swap3A, %swap3A_489], %max3A_488 {strides = array<i32>} : memref<80x128xf32, #tpu.memory_space<vmem>>, vector<16xf32>,
        %get3A_491 = arith.index_cast %scan3A_479 : i32 to index
        %get3A_492 = arith.constant 16 : index
        %get3A_493 = tpu.vector_load %arg23[%get3A_491, %get3A_492] {strides = array<i32>} : memref<80x128xf32, #tpu.memory_space<vmem>>, vector<16xf32>,
        %get3A_494 = arith.index_cast %scan3A_479 : i32 to index
        %get3A_495 = arith.constant 16 : index
        %get3A_496 = tpu.vector_load %arg25[%get3A_494, %get3A_495] {strides = array<i32>} : memref<80x128xf32, #tpu.memory_space<vmem>>, vector<16xf32>,
        %add3A_497 = arith.addf %get3A_493, %get3A_496 : vector<16xf32>
        %max3A_498 = arith.constant 0.000000e+00 : f32
        %max3A_499 = vector.broadcast %max3A_498 : f32 to vector<16xf32>
        %max3A_500 = arith.maximumf %add3A_497, %max3A_499 : vector<16xf32>
        %swap3A_501 = arith.index_cast %scan3A_479 : i32 to index
        %swap3A_502 = arith.constant 16 : index
        %swap3A_503 = tpu.vector_load %arg23[%swap3A_501, %swap3A_502] {strides = array<i32>} : memref<80x128xf32, #tpu.memory_space<vmem>>, vector<16xf32>,
        tpu.vector_store %arg23[%swap3A_501, %swap3A_502], %max3A_500 {strides = array<i32>} : memref<80x128xf32, #tpu.memory_space<vmem>>, vector<16xf32>,
        %get3A_504 = arith.index_cast %scan3A_479 : i32 to index
        %get3A_505 = arith.constant 32 : index
        %get3A_506 = tpu.vector_load %arg23[%get3A_504, %get3A_505] {strides = array<i32>} : memref<80x128xf32, #tpu.memory_space<vmem>>, vector<16xf32>,
        %get3A_507 = arith.index_cast %scan3A_479 : i32 to index
        %get3A_508 = arith.constant 32 : index
        %get3A_509 = tpu.vector_load %arg25[%get3A_507, %get3A_508] {strides = array<i32>} : memref<80x128xf32, #tpu.memory_space<vmem>>, vector<16xf32>,
        %add3A_510 = arith.addf %get3A_506, %get3A_509 : vector<16xf32>
        %max3A_511 = arith.constant 0.000000e+00 : f32
        %max3A_512 = vector.broadcast %max3A_511 : f32 to vector<16xf32>
        %max3A_513 = arith.maximumf %add3A_510, %max3A_512 : vector<16xf32>
        %swap3A_514 = arith.index_cast %scan3A_479 : i32 to index
        %swap3A_515 = arith.constant 32 : index
        %swap3A_516 = tpu.vector_load %arg23[%swap3A_514, %swap3A_515] {strides = array<i32>} : memref<80x128xf32, #tpu.memory_space<vmem>>, vector<16xf32>,
        tpu.vector_store %arg23[%swap3A_514, %swap3A_515], %max3A_513 {strides = array<i32>} : memref<80x128xf32, #tpu.memory_space<vmem>>, vector<16xf32>,
        %get3A_517 = arith.index_cast %scan3A_479 : i32 to index
        %get3A_518 = arith.constant 48 : index
        %get3A_519 = tpu.vector_load %arg23[%get3A_517, %get3A_518] {strides = array<i32>} : memref<80x128xf32, #tpu.memory_space<vmem>>, vector<16xf32>,
        %get3A_520 = arith.index_cast %scan3A_479 : i32 to index
        %get3A_521 = arith.constant 48 : index
        %get3A_522 = tpu.vector_load %arg25[%get3A_520, %get3A_521] {strides = array<i32>} : memref<80x128xf32, #tpu.memory_space<vmem>>, vector<16xf32>,
        %add3A_523 = arith.addf %get3A_519, %get3A_522 : vector<16xf32>
        %max3A_524 = arith.constant 0.000000e+00 : f32
        %max3A_525 = vector.broadcast %max3A_524 : f32 to vector<16xf32>
        %max3A_526 = arith.maximumf %add3A_523, %max3A_525 : vector<16xf32>
        %swap3A_527 = arith.index_cast %scan3A_479 : i32 to index
        %swap3A_528 = arith.constant 48 : index
        %swap3A_529 = tpu.vector_load %arg23[%swap3A_527, %swap3A_528] {strides = array<i32>} : memref<80x128xf32, #tpu.memory_space<vmem>>, vector<16xf32>,
        tpu.vector_store %arg23[%swap3A_527, %swap3A_528], %max3A_526 {strides = array<i32>} : memref<80x128xf32, #tpu.memory_space<vmem>>, vector<16xf32>,
        %get3A_530 = arith.index_cast %scan3A_479 : i32 to index
        %get3A_531 = arith.constant 64 : index
        %get3A_532 = tpu.vector_load %arg23[%get3A_530, %get3A_531] {strides = array<i32>} : memref<80x128xf32, #tpu.memory_space<vmem>>, vector<16xf32>,
        %get3A_533 = arith.index_cast %scan3A_479 : i32 to index
        %get3A_534 = arith.constant 64 : index
        %get3A_535 = tpu.vector_load %arg25[%get3A_533, %get3A_534] {strides = array<i32>} : memref<80x128xf32, #tpu.memory_space<vmem>>, vector<16xf32>,
        %add3A_536 = arith.addf %get3A_532, %get3A_535 : vector<16xf32>
        %max3A_537 = arith.constant 0.000000e+00 : f32
        %max3A_538 = vector.broadcast %max3A_537 : f32 to vector<16xf32>
        %max3A_539 = arith.maximumf %add3A_536, %max3A_538 : vector<16xf32>
        %swap3A_540 = arith.index_cast %scan3A_479 : i32 to index
        %swap3A_541 = arith.constant 64 : index
        %swap3A_542 = tpu.vector_load %arg23[%swap3A_540, %swap3A_541] {strides = array<i32>} : memref<80x128xf32, #tpu.memory_space<vmem>>, vector<16xf32>,
        tpu.vector_store %arg23[%swap3A_540, %swap3A_541], %max3A_539 {strides = array<i32>} : memref<80x128xf32, #tpu.memory_space<vmem>>, vector<16xf32>,
        %get3A_543 = arith.index_cast %scan3A_479 : i32 to index
        %get3A_544 = arith.constant 80 : index
        %get3A_545 = tpu.vector_load %arg23[%get3A_543, %get3A_544] {strides = array<i32>} : memref<80x128xf32, #tpu.memory_space<vmem>>, vector<16xf32>,
        %get3A_546 = arith.index_cast %scan3A_479 : i32 to index
        %get3A_547 = arith.constant 80 : index
        %get3A_548 = tpu.vector_load %arg25[%get3A_546, %get3A_547] {strides = array<i32>} : memref<80x128xf32, #tpu.memory_space<vmem>>, vector<16xf32>,
        %add3A_549 = arith.addf %get3A_545, %get3A_548 : vector<16xf32>
        %max3A_550 = arith.constant 0.000000e+00 : f32
        %max3A_551 = vector.broadcast %max3A_550 : f32 to vector<16xf32>
        %max3A_552 = arith.maximumf %add3A_549, %max3A_551 : vector<16xf32>
        %swap3A_553 = arith.index_cast %scan3A_479 : i32 to index
        %swap3A_554 = arith.constant 80 : index
        %swap3A_555 = tpu.vector_load %arg23[%swap3A_553, %swap3A_554] {strides = array<i32>} : memref<80x128xf32, #tpu.memory_space<vmem>>, vector<16xf32>,
        tpu.vector_store %arg23[%swap3A_553, %swap3A_554], %max3A_552 {strides = array<i32>} : memref<80x128xf32, #tpu.memory_space<vmem>>, vector<16xf32>,
        %get3A_556 = arith.index_cast %scan3A_479 : i32 to index
        %get3A_557 = arith.constant 96 : index
        %get3A_558 = tpu.vector_load %arg23[%get3A_556, %get3A_557] {strides = array<i32>} : memref<80x128xf32, #tpu.memory_space<vmem>>, vector<16xf32>,
        %get3A_559 = arith.index_cast %scan3A_479 : i32 to index
        %get3A_560 = arith.constant 96 : index
        %get3A_561 = tpu.vector_load %arg25[%get3A_559, %get3A_560] {strides = array<i32>} : memref<80x128xf32, #tpu.memory_space<vmem>>, vector<16xf32>,
        %add3A_562 = arith.addf %get3A_558, %get3A_561 : vector<16xf32>
        %max3A_563 = arith.constant 0.000000e+00 : f32
        %max3A_564 = vector.broadcast %max3A_563 : f32 to vector<16xf32>
        %max3A_565 = arith.maximumf %add3A_562, %max3A_564 : vector<16xf32>
        %swap3A_566 = arith.index_cast %scan3A_479 : i32 to index
        %swap3A_567 = arith.constant 96 : index
        %swap3A_568 = tpu.vector_load %arg23[%swap3A_566, %swap3A_567] {strides = array<i32>} : memref<80x128xf32, #tpu.memory_space<vmem>>, vector<16xf32>,
        tpu.vector_store %arg23[%swap3A_566, %swap3A_567], %max3A_565 {strides = array<i32>} : memref<80x128xf32, #tpu.memory_space<vmem>>, vector<16xf32>,
        %get3A_569 = arith.index_cast %scan3A_479 : i32 to index
        %get3A_570 = arith.constant 112 : index
        %get3A_571 = tpu.vector_load %arg23[%get3A_569, %get3A_570] {strides = array<i32>} : memref<80x128xf32, #tpu.memory_space<vmem>>, vector<16xf32>,
        %get3A_572 = arith.index_cast %scan3A_479 : i32 to index
        %get3A_573 = arith.constant 112 : index
        %get3A_574 = tpu.vector_load %arg25[%get3A_572, %get3A_573] {strides = array<i32>} : memref<80x128xf32, #tpu.memory_space<vmem>>, vector<16xf32>,
        %add3A_575 = arith.addf %get3A_571, %get3A_574 : vector<16xf32>
        %max3A_576 = arith.constant 0.000000e+00 : f32
        %max3A_577 = vector.broadcast %max3A_576 : f32 to vector<16xf32>
        %max3A_578 = arith.maximumf %add3A_575, %max3A_577 : vector<16xf32>
        %swap3A_579 = arith.index_cast %scan3A_479 : i32 to index
        %swap3A_580 = arith.constant 112 : index
        %swap3A_581 = tpu.vector_load %arg23[%swap3A_579, %swap3A_580] {strides = array<i32>} : memref<80x128xf32, #tpu.memory_space<vmem>>, vector<16xf32>,
        tpu.vector_store %arg23[%swap3A_579, %swap3A_580], %max3A_578 {strides = array<i32>} : memref<80x128xf32, #tpu.memory_space<vmem>>, vector<16xf32>,
        %scan3A_582 = arith.constant 0 : i32
        scf.yield %scan3A_582 : i32
      }
      %scan3A_413 = arith.constant 40 : i32
      "tpu.region"() ({
        %run_scoped3A = tpu.sem_alloc : memref<!tpu.dma_semaphore, #tpu.memory_space<semaphore_mem>>
        %dma_start3A_479 = arith.constant 0 : i32
        %dma_start3A_480 = arith.constant 0 : i32
        %dma_start3A_481 = tpu.memref_slice %arg23[%dma_start3A_479, %dma_start3A_480] : memref<80x128xf32, #tpu.memory_space<vmem>> -> memref<40x128xf32, #tpu.memory_space<vmem>>
        %dma_start3A_482 = arith.constant 0 : i32
        %dma_start3A_483 = arith.constant 0 : i32
        %dma_start3A_484 = tpu.memref_slice %arg21[%dma_start3A_482, %dma_start3A_483] : memref<10016x128xf32, #tpu.memory_space<vmem_shared>> -> memref<10016x128xf32, #tpu.memory_space<vmem_shared>>
        tpu.enqueue_indirect_dma source(%dma_start3A_481 : memref<40x128xf32, #tpu.memory_space<vmem>>) target(%dma_start3A_484 : memref<10016x128xf32, #tpu.memory_space<vmem_shared>>) offsets(%arg44 : memref<40xi32, #tpu.memory_space<vmem>>) semaphore(%run_scoped3A : memref<!tpu.dma_semaphore, #tpu.memory_space<semaphore_mem>>) {add = true}
        %dma_wait3A_485 = arith.constant 0 : i32
        %dma_wait3A_486 = arith.constant 0 : i32
        %dma_wait3A_487 = tpu.memref_slice %arg23[%dma_wait3A_485, %dma_wait3A_486] : memref<80x128xf32, #tpu.memory_space<vmem>> -> memref<40x128xf32, #tpu.memory_space<vmem>>
        %dma_wait3A_488 = arith.constant 0 : i32
        %dma_wait3A_489 = arith.constant 0 : i32
        %dma_wait3A_490 = tpu.memref_slice %arg21[%dma_wait3A_488, %dma_wait3A_489] : memref<10016x128xf32, #tpu.memory_space<vmem_shared>> -> memref<10016x128xf32, #tpu.memory_space<vmem_shared>>
        tpu.wait_indirect_dma semaphore(%run_scoped3A : memref<!tpu.dma_semaphore, #tpu.memory_space<semaphore_mem>>) src(%dma_wait3A_487 : memref<40x128xf32, #tpu.memory_space<vmem>>) dst(%dma_wait3A_490 : memref<10016x128xf32, #tpu.memory_space<vmem_shared>>)
        tpu.yield
      }) : () -> ()
      %dma_start3A_414 = arith.constant 0 : i32
      %dma_start3A_415 = arith.constant 0 : i32
      %dma_start3A_416 = tpu.memref_slice %arg23[%dma_start3A_414, %dma_start3A_415] : memref<80x128xf32, #tpu.memory_space<vmem>> -> memref<40x128xf32, #tpu.memory_space<vmem>>
      %dma_start3A_417 = arith.constant 0 : i32
      %dma_start3A_418 = arith.constant 0 : i32
      %dma_start3A_419 = tpu.memref_slice %arg13[%dma_start3A_417, %dma_start3A_418] : memref<2000x128xf32, #tpu.memory_space<hbm>> -> memref<2000x128xf32, #tpu.memory_space<hbm>>
      tpu.enqueue_indirect_dma source(%dma_start3A_419 : memref<2000x128xf32, #tpu.memory_space<hbm>>) target(%dma_start3A_416 : memref<40x128xf32, #tpu.memory_space<vmem>>) offsets(%arg41 : memref<40xi32, #tpu.memory_space<vmem>>) semaphore(%arg50 : memref<!tpu.dma_semaphore, #tpu.memory_space<semaphore_mem>>)
      %add3A_420 = arith.constant 160 : i32
      %add3A_421 = arith.addi %multiple_of3A, %add3A_420 : i32
      %dma_start3A_422 = arith.constant 0 : i32
      %dma_start3A_423 = arith.constant 0 : i32
      %dma_start3A_424 = tpu.memref_slice %arg25[%dma_start3A_422, %dma_start3A_423] : memref<80x128xf32, #tpu.memory_space<vmem>> -> memref<40x128xf32, #tpu.memory_space<vmem>>
      %dma_start3A_425 = arith.constant 0 : i32
      %dma_start3A_426 = tpu.memref_slice %arg7[%add3A_421, %dma_start3A_425] : memref<32000x128xf32, #tpu.memory_space<hbm>> -> memref<40x128xf32, #tpu.memory_space<hbm>>
      %dma_start3A_427 = arith.constant 0 : i32
      %dma_start3A_428 = arith.constant 0 : i32
      %dma_start3A_429 = tpu.memref_slice %arg25[%dma_start3A_427, %dma_start3A_428] : memref<80x128xf32, #tpu.memory_space<vmem>> -> memref<40x128xf32, #tpu.memory_space<vmem>>
      %dma_start3A_430 = arith.constant 0 : i32
      %dma_start3A_431 = tpu.memref_slice %arg7[%add3A_421, %dma_start3A_430] : memref<32000x128xf32, #tpu.memory_space<hbm>> -> memref<40x128xf32, #tpu.memory_space<hbm>>
      tpu.enqueue_dma source(%dma_start3A_431 : memref<40x128xf32, #tpu.memory_space<hbm>>) target(%dma_start3A_429 : memref<40x128xf32, #tpu.memory_space<vmem>>) target_semaphore(%arg52 : memref<!tpu.dma_semaphore, #tpu.memory_space<semaphore_mem>>)
      %dma_wait3A_432 = arith.constant 0 : i32
      %dma_wait3A_433 = arith.constant 0 : i32
      %dma_wait3A_434 = tpu.memref_slice %arg24[%dma_wait3A_432, %dma_wait3A_433] : memref<80x128xf32, #tpu.memory_space<vmem>> -> memref<40x128xf32, #tpu.memory_space<vmem>>
      %dma_wait3A_435 = arith.constant 0 : i32
      %dma_wait3A_436 = arith.constant 0 : i32
      %dma_wait3A_437 = tpu.memref_slice %arg13[%dma_wait3A_435, %dma_wait3A_436] : memref<2000x128xf32, #tpu.memory_space<hbm>> -> memref<2000x128xf32, #tpu.memory_space<hbm>>
      tpu.wait_indirect_dma semaphore(%arg51 : memref<!tpu.dma_semaphore, #tpu.memory_space<semaphore_mem>>) src(%dma_wait3A_437 : memref<2000x128xf32, #tpu.memory_space<hbm>>) dst(%dma_wait3A_434 : memref<40x128xf32, #tpu.memory_space<vmem>>)
      %dma_wait3A_438 = arith.constant 0 : i32
      %dma_wait3A_439 = arith.constant 0 : i32
      %dma_wait3A_440 = tpu.memref_slice %arg26[%dma_wait3A_438, %dma_wait3A_439] : memref<80x128xf32, #tpu.memory_space<vmem>> -> memref<40x128xf32, #tpu.memory_space<vmem>>
      %dma_wait3A_441 = arith.constant 0 : i32
      %dma_wait3A_442 = tpu.memref_slice %arg7[%add3A_380, %dma_wait3A_441] : memref<32000x128xf32, #tpu.memory_space<hbm>> -> memref<40x128xf32, #tpu.memory_space<hbm>>
      %dma_wait3A_443 = arith.constant 0 : i32
      %dma_wait3A_444 = arith.constant 0 : i32
      %dma_wait3A_445 = tpu.memref_slice %arg26[%dma_wait3A_443, %dma_wait3A_444] : memref<80x128xf32, #tpu.memory_space<vmem>> -> memref<40x128xf32, #tpu.memory_space<vmem>>
      %dma_wait3A_446 = arith.constant 0 : i32
      %dma_wait3A_447 = tpu.memref_slice %arg7[%add3A_380, %dma_wait3A_446] : memref<32000x128xf32, #tpu.memory_space<hbm>> -> memref<40x128xf32, #tpu.memory_space<hbm>>
      tpu.wait_dma2 semaphore(%arg53 : memref<!tpu.dma_semaphore, #tpu.memory_space<semaphore_mem>>) src(%dma_wait3A_447 : memref<40x128xf32, #tpu.memory_space<hbm>>) dst(%dma_wait3A_445 : memref<40x128xf32, #tpu.memory_space<vmem>>)
      %scan3A_448 = arith.constant 0 : i32
      %scan3A_449 = arith.constant 0 : i32
      %scan3A_450 = arith.constant 40 : i32
      %scan3A_451 = arith.addi %scan3A_449, %scan3A_450 : i32
      %scan3A_452 = arith.constant 1 : i32
      %scan3A_453 = scf.for %scan3A_479 = %scan3A_449 to %scan3A_451 step %scan3A_452 iter_args(%scan3A_480 = %scan3A_448) -> (i32)  : i32 {
        %get3A = arith.index_cast %scan3A_479 : i32 to index
        %get3A_481 = arith.constant 0 : index
        %get3A_482 = tpu.vector_load %arg24[%get3A, %get3A_481] {strides = array<i32>} : memref<80x128xf32, #tpu.memory_space<vmem>>, vector<16xf32>,
        %get3A_483 = arith.index_cast %scan3A_479 : i32 to index
        %get3A_484 = arith.constant 0 : index
        %get3A_485 = tpu.vector_load %arg26[%get3A_483, %get3A_484] {strides = array<i32>} : memref<80x128xf32, #tpu.memory_space<vmem>>, vector<16xf32>,
        %add3A_486 = arith.addf %get3A_482, %get3A_485 : vector<16xf32>
        %max3A = arith.constant 0.000000e+00 : f32
        %max3A_487 = vector.broadcast %max3A : f32 to vector<16xf32>
        %max3A_488 = arith.maximumf %add3A_486, %max3A_487 : vector<16xf32>
        %swap3A = arith.index_cast %scan3A_479 : i32 to index
        %swap3A_489 = arith.constant 0 : index
        %swap3A_490 = tpu.vector_load %arg24[%swap3A, %swap3A_489] {strides = array<i32>} : memref<80x128xf32, #tpu.memory_space<vmem>>, vector<16xf32>,
        tpu.vector_store %arg24[%swap3A, %swap3A_489], %max3A_488 {strides = array<i32>} : memref<80x128xf32, #tpu.memory_space<vmem>>, vector<16xf32>,
        %get3A_491 = arith.index_cast %scan3A_479 : i32 to index
        %get3A_492 = arith.constant 16 : index
        %get3A_493 = tpu.vector_load %arg24[%get3A_491, %get3A_492] {strides = array<i32>} : memref<80x128xf32, #tpu.memory_space<vmem>>, vector<16xf32>,
        %get3A_494 = arith.index_cast %scan3A_479 : i32 to index
        %get3A_495 = arith.constant 16 : index
        %get3A_496 = tpu.vector_load %arg26[%get3A_494, %get3A_495] {strides = array<i32>} : memref<80x128xf32, #tpu.memory_space<vmem>>, vector<16xf32>,
        %add3A_497 = arith.addf %get3A_493, %get3A_496 : vector<16xf32>
        %max3A_498 = arith.constant 0.000000e+00 : f32
        %max3A_499 = vector.broadcast %max3A_498 : f32 to vector<16xf32>
        %max3A_500 = arith.maximumf %add3A_497, %max3A_499 : vector<16xf32>
        %swap3A_501 = arith.index_cast %scan3A_479 : i32 to index
        %swap3A_502 = arith.constant 16 : index
        %swap3A_503 = tpu.vector_load %arg24[%swap3A_501, %swap3A_502] {strides = array<i32>} : memref<80x128xf32, #tpu.memory_space<vmem>>, vector<16xf32>,
        tpu.vector_store %arg24[%swap3A_501, %swap3A_502], %max3A_500 {strides = array<i32>} : memref<80x128xf32, #tpu.memory_space<vmem>>, vector<16xf32>,
        %get3A_504 = arith.index_cast %scan3A_479 : i32 to index
        %get3A_505 = arith.constant 32 : index
        %get3A_506 = tpu.vector_load %arg24[%get3A_504, %get3A_505] {strides = array<i32>} : memref<80x128xf32, #tpu.memory_space<vmem>>, vector<16xf32>,
        %get3A_507 = arith.index_cast %scan3A_479 : i32 to index
        %get3A_508 = arith.constant 32 : index
        %get3A_509 = tpu.vector_load %arg26[%get3A_507, %get3A_508] {strides = array<i32>} : memref<80x128xf32, #tpu.memory_space<vmem>>, vector<16xf32>,
        %add3A_510 = arith.addf %get3A_506, %get3A_509 : vector<16xf32>
        %max3A_511 = arith.constant 0.000000e+00 : f32
        %max3A_512 = vector.broadcast %max3A_511 : f32 to vector<16xf32>
        %max3A_513 = arith.maximumf %add3A_510, %max3A_512 : vector<16xf32>
        %swap3A_514 = arith.index_cast %scan3A_479 : i32 to index
        %swap3A_515 = arith.constant 32 : index
        %swap3A_516 = tpu.vector_load %arg24[%swap3A_514, %swap3A_515] {strides = array<i32>} : memref<80x128xf32, #tpu.memory_space<vmem>>, vector<16xf32>,
        tpu.vector_store %arg24[%swap3A_514, %swap3A_515], %max3A_513 {strides = array<i32>} : memref<80x128xf32, #tpu.memory_space<vmem>>, vector<16xf32>,
        %get3A_517 = arith.index_cast %scan3A_479 : i32 to index
        %get3A_518 = arith.constant 48 : index
        %get3A_519 = tpu.vector_load %arg24[%get3A_517, %get3A_518] {strides = array<i32>} : memref<80x128xf32, #tpu.memory_space<vmem>>, vector<16xf32>,
        %get3A_520 = arith.index_cast %scan3A_479 : i32 to index
        %get3A_521 = arith.constant 48 : index
        %get3A_522 = tpu.vector_load %arg26[%get3A_520, %get3A_521] {strides = array<i32>} : memref<80x128xf32, #tpu.memory_space<vmem>>, vector<16xf32>,
        %add3A_523 = arith.addf %get3A_519, %get3A_522 : vector<16xf32>
        %max3A_524 = arith.constant 0.000000e+00 : f32
        %max3A_525 = vector.broadcast %max3A_524 : f32 to vector<16xf32>
        %max3A_526 = arith.maximumf %add3A_523, %max3A_525 : vector<16xf32>
        %swap3A_527 = arith.index_cast %scan3A_479 : i32 to index
        %swap3A_528 = arith.constant 48 : index
        %swap3A_529 = tpu.vector_load %arg24[%swap3A_527, %swap3A_528] {strides = array<i32>} : memref<80x128xf32, #tpu.memory_space<vmem>>, vector<16xf32>,
        tpu.vector_store %arg24[%swap3A_527, %swap3A_528], %max3A_526 {strides = array<i32>} : memref<80x128xf32, #tpu.memory_space<vmem>>, vector<16xf32>,
        %get3A_530 = arith.index_cast %scan3A_479 : i32 to index
        %get3A_531 = arith.constant 64 : index
        %get3A_532 = tpu.vector_load %arg24[%get3A_530, %get3A_531] {strides = array<i32>} : memref<80x128xf32, #tpu.memory_space<vmem>>, vector<16xf32>,
        %get3A_533 = arith.index_cast %scan3A_479 : i32 to index
        %get3A_534 = arith.constant 64 : index
        %get3A_535 = tpu.vector_load %arg26[%get3A_533, %get3A_534] {strides = array<i32>} : memref<80x128xf32, #tpu.memory_space<vmem>>, vector<16xf32>,
        %add3A_536 = arith.addf %get3A_532, %get3A_535 : vector<16xf32>
        %max3A_537 = arith.constant 0.000000e+00 : f32
        %max3A_538 = vector.broadcast %max3A_537 : f32 to vector<16xf32>
        %max3A_539 = arith.maximumf %add3A_536, %max3A_538 : vector<16xf32>
        %swap3A_540 = arith.index_cast %scan3A_479 : i32 to index
        %swap3A_541 = arith.constant 64 : index
        %swap3A_542 = tpu.vector_load %arg24[%swap3A_540, %swap3A_541] {strides = array<i32>} : memref<80x128xf32, #tpu.memory_space<vmem>>, vector<16xf32>,
        tpu.vector_store %arg24[%swap3A_540, %swap3A_541], %max3A_539 {strides = array<i32>} : memref<80x128xf32, #tpu.memory_space<vmem>>, vector<16xf32>,
        %get3A_543 = arith.index_cast %scan3A_479 : i32 to index
        %get3A_544 = arith.constant 80 : index
        %get3A_545 = tpu.vector_load %arg24[%get3A_543, %get3A_544] {strides = array<i32>} : memref<80x128xf32, #tpu.memory_space<vmem>>, vector<16xf32>,
        %get3A_546 = arith.index_cast %scan3A_479 : i32 to index
        %get3A_547 = arith.constant 80 : index
        %get3A_548 = tpu.vector_load %arg26[%get3A_546, %get3A_547] {strides = array<i32>} : memref<80x128xf32, #tpu.memory_space<vmem>>, vector<16xf32>,
        %add3A_549 = arith.addf %get3A_545, %get3A_548 : vector<16xf32>
        %max3A_550 = arith.constant 0.000000e+00 : f32
        %max3A_551 = vector.broadcast %max3A_550 : f32 to vector<16xf32>
        %max3A_552 = arith.maximumf %add3A_549, %max3A_551 : vector<16xf32>
        %swap3A_553 = arith.index_cast %scan3A_479 : i32 to index
        %swap3A_554 = arith.constant 80 : index
        %swap3A_555 = tpu.vector_load %arg24[%swap3A_553, %swap3A_554] {strides = array<i32>} : memref<80x128xf32, #tpu.memory_space<vmem>>, vector<16xf32>,
        tpu.vector_store %arg24[%swap3A_553, %swap3A_554], %max3A_552 {strides = array<i32>} : memref<80x128xf32, #tpu.memory_space<vmem>>, vector<16xf32>,
        %get3A_556 = arith.index_cast %scan3A_479 : i32 to index
        %get3A_557 = arith.constant 96 : index
        %get3A_558 = tpu.vector_load %arg24[%get3A_556, %get3A_557] {strides = array<i32>} : memref<80x128xf32, #tpu.memory_space<vmem>>, vector<16xf32>,
        %get3A_559 = arith.index_cast %scan3A_479 : i32 to index
        %get3A_560 = arith.constant 96 : index
        %get3A_561 = tpu.vector_load %arg26[%get3A_559, %get3A_560] {strides = array<i32>} : memref<80x128xf32, #tpu.memory_space<vmem>>, vector<16xf32>,
        %add3A_562 = arith.addf %get3A_558, %get3A_561 : vector<16xf32>
        %max3A_563 = arith.constant 0.000000e+00 : f32
        %max3A_564 = vector.broadcast %max3A_563 : f32 to vector<16xf32>
        %max3A_565 = arith.maximumf %add3A_562, %max3A_564 : vector<16xf32>
        %swap3A_566 = arith.index_cast %scan3A_479 : i32 to index
        %swap3A_567 = arith.constant 96 : index
        %swap3A_568 = tpu.vector_load %arg24[%swap3A_566, %swap3A_567] {strides = array<i32>} : memref<80x128xf32, #tpu.memory_space<vmem>>, vector<16xf32>,
        tpu.vector_store %arg24[%swap3A_566, %swap3A_567], %max3A_565 {strides = array<i32>} : memref<80x128xf32, #tpu.memory_space<vmem>>, vector<16xf32>,
        %get3A_569 = arith.index_cast %scan3A_479 : i32 to index
        %get3A_570 = arith.constant 112 : index
        %get3A_571 = tpu.vector_load %arg24[%get3A_569, %get3A_570] {strides = array<i32>} : memref<80x128xf32, #tpu.memory_space<vmem>>, vector<16xf32>,
        %get3A_572 = arith.index_cast %scan3A_479 : i32 to index
        %get3A_573 = arith.constant 112 : index
        %get3A_574 = tpu.vector_load %arg26[%get3A_572, %get3A_573] {strides = array<i32>} : memref<80x128xf32, #tpu.memory_space<vmem>>, vector<16xf32>,
        %add3A_575 = arith.addf %get3A_571, %get3A_574 : vector<16xf32>
        %max3A_576 = arith.constant 0.000000e+00 : f32
        %max3A_577 = vector.broadcast %max3A_576 : f32 to vector<16xf32>
        %max3A_578 = arith.maximumf %add3A_575, %max3A_577 : vector<16xf32>
        %swap3A_579 = arith.index_cast %scan3A_479 : i32 to index
        %swap3A_580 = arith.constant 112 : index
        %swap3A_581 = tpu.vector_load %arg24[%swap3A_579, %swap3A_580] {strides = array<i32>} : memref<80x128xf32, #tpu.memory_space<vmem>>, vector<16xf32>,
        tpu.vector_store %arg24[%swap3A_579, %swap3A_580], %max3A_578 {strides = array<i32>} : memref<80x128xf32, #tpu.memory_space<vmem>>, vector<16xf32>,
        %scan3A_582 = arith.constant 0 : i32
        scf.yield %scan3A_582 : i32
      }
      %scan3A_454 = arith.constant 40 : i32
      "tpu.region"() ({
        %run_scoped3A = tpu.sem_alloc : memref<!tpu.dma_semaphore, #tpu.memory_space<semaphore_mem>>
        %dma_start3A_479 = arith.constant 0 : i32
        %dma_start3A_480 = arith.constant 0 : i32
        %dma_start3A_481 = tpu.memref_slice %arg24[%dma_start3A_479, %dma_start3A_480] : memref<80x128xf32, #tpu.memory_space<vmem>> -> memref<40x128xf32, #tpu.memory_space<vmem>>
        %dma_start3A_482 = arith.constant 0 : i32
        %dma_start3A_483 = arith.constant 0 : i32
        %dma_start3A_484 = tpu.memref_slice %arg21[%dma_start3A_482, %dma_start3A_483] : memref<10016x128xf32, #tpu.memory_space<vmem_shared>> -> memref<10016x128xf32, #tpu.memory_space<vmem_shared>>
        tpu.enqueue_indirect_dma source(%dma_start3A_481 : memref<40x128xf32, #tpu.memory_space<vmem>>) target(%dma_start3A_484 : memref<10016x128xf32, #tpu.memory_space<vmem_shared>>) offsets(%arg45 : memref<40xi32, #tpu.memory_space<vmem>>) semaphore(%run_scoped3A : memref<!tpu.dma_semaphore, #tpu.memory_space<semaphore_mem>>) {add = true}
        %dma_wait3A_485 = arith.constant 0 : i32
        %dma_wait3A_486 = arith.constant 0 : i32
        %dma_wait3A_487 = tpu.memref_slice %arg24[%dma_wait3A_485, %dma_wait3A_486] : memref<80x128xf32, #tpu.memory_space<vmem>> -> memref<40x128xf32, #tpu.memory_space<vmem>>
        %dma_wait3A_488 = arith.constant 0 : i32
        %dma_wait3A_489 = arith.constant 0 : i32
        %dma_wait3A_490 = tpu.memref_slice %arg21[%dma_wait3A_488, %dma_wait3A_489] : memref<10016x128xf32, #tpu.memory_space<vmem_shared>> -> memref<10016x128xf32, #tpu.memory_space<vmem_shared>>
        tpu.wait_indirect_dma semaphore(%run_scoped3A : memref<!tpu.dma_semaphore, #tpu.memory_space<semaphore_mem>>) src(%dma_wait3A_487 : memref<40x128xf32, #tpu.memory_space<vmem>>) dst(%dma_wait3A_490 : memref<10016x128xf32, #tpu.memory_space<vmem_shared>>)
        tpu.yield
      }) : () -> ()
      %dma_wait3A_455 = arith.constant 0 : i32
      %dma_wait3A_456 = arith.constant 0 : i32
      %dma_wait3A_457 = tpu.memref_slice %arg23[%dma_wait3A_455, %dma_wait3A_456] : memref<80x128xf32, #tpu.memory_space<vmem>> -> memref<40x128xf32, #tpu.memory_space<vmem>>
      %dma_wait3A_458 = arith.constant 0 : i32
      %dma_wait3A_459 = arith.constant 0 : i32
      %dma_wait3A_460 = tpu.memref_slice %arg13[%dma_wait3A_458, %dma_wait3A_459] : memref<2000x128xf32, #tpu.memory_space<hbm>> -> memref<2000x128xf32, #tpu.memory_space<hbm>>
      tpu.wait_indirect_dma semaphore(%arg50 : memref<!tpu.dma_semaphore, #tpu.memory_space<semaphore_mem>>) src(%dma_wait3A_460 : memref<2000x128xf32, #tpu.memory_space<hbm>>) dst(%dma_wait3A_457 : memref<40x128xf32, #tpu.memory_space<vmem>>)
      %dma_wait3A_461 = arith.constant 0 : i32
      %dma_wait3A_462 = arith.constant 0 : i32
      %dma_wait3A_463 = tpu.memref_slice %arg25[%dma_wait3A_461, %dma_wait3A_462] : memref<80x128xf32, #tpu.memory_space<vmem>> -> memref<40x128xf32, #tpu.memory_space<vmem>>
      %dma_wait3A_464 = arith.constant 0 : i32
      %dma_wait3A_465 = tpu.memref_slice %arg7[%add3A_421, %dma_wait3A_464] : memref<32000x128xf32, #tpu.memory_space<hbm>> -> memref<40x128xf32, #tpu.memory_space<hbm>>
      %dma_wait3A_466 = arith.constant 0 : i32
      %dma_wait3A_467 = arith.constant 0 : i32
      %dma_wait3A_468 = tpu.memref_slice %arg25[%dma_wait3A_466, %dma_wait3A_467] : memref<80x128xf32, #tpu.memory_space<vmem>> -> memref<40x128xf32, #tpu.memory_space<vmem>>
      %dma_wait3A_469 = arith.constant 0 : i32
      %dma_wait3A_470 = tpu.memref_slice %arg7[%add3A_421, %dma_wait3A_469] : memref<32000x128xf32, #tpu.memory_space<hbm>> -> memref<40x128xf32, #tpu.memory_space<hbm>>
      tpu.wait_dma2 semaphore(%arg52 : memref<!tpu.dma_semaphore, #tpu.memory_space<semaphore_mem>>) src(%dma_wait3A_470 : memref<40x128xf32, #tpu.memory_space<hbm>>) dst(%dma_wait3A_468 : memref<40x128xf32, #tpu.memory_space<vmem>>)
      %scan3A_471 = arith.constant 0 : i32
      %scan3A_472 = arith.constant 0 : i32
      %scan3A_473 = arith.constant 40 : i32
      %scan3A_474 = arith.addi %scan3A_472, %scan3A_473 : i32
      %scan3A_475 = arith.constant 1 : i32
      %scan3A_476 = scf.for %scan3A_479 = %scan3A_472 to %scan3A_474 step %scan3A_475 iter_args(%scan3A_480 = %scan3A_471) -> (i32)  : i32 {
        %get3A = arith.index_cast %scan3A_479 : i32 to index
        %get3A_481 = arith.constant 0 : index
        %get3A_482 = tpu.vector_load %arg23[%get3A, %get3A_481] {strides = array<i32>} : memref<80x128xf32, #tpu.memory_space<vmem>>, vector<16xf32>,
        %get3A_483 = arith.index_cast %scan3A_479 : i32 to index
        %get3A_484 = arith.constant 0 : index
        %get3A_485 = tpu.vector_load %arg25[%get3A_483, %get3A_484] {strides = array<i32>} : memref<80x128xf32, #tpu.memory_space<vmem>>, vector<16xf32>,
        %add3A_486 = arith.addf %get3A_482, %get3A_485 : vector<16xf32>
        %max3A = arith.constant 0.000000e+00 : f32
        %max3A_487 = vector.broadcast %max3A : f32 to vector<16xf32>
        %max3A_488 = arith.maximumf %add3A_486, %max3A_487 : vector<16xf32>
        %swap3A = arith.index_cast %scan3A_479 : i32 to index
        %swap3A_489 = arith.constant 0 : index
        %swap3A_490 = tpu.vector_load %arg23[%swap3A, %swap3A_489] {strides = array<i32>} : memref<80x128xf32, #tpu.memory_space<vmem>>, vector<16xf32>,
        tpu.vector_store %arg23[%swap3A, %swap3A_489], %max3A_488 {strides = array<i32>} : memref<80x128xf32, #tpu.memory_space<vmem>>, vector<16xf32>,
        %get3A_491 = arith.index_cast %scan3A_479 : i32 to index
        %get3A_492 = arith.constant 16 : index
        %get3A_493 = tpu.vector_load %arg23[%get3A_491, %get3A_492] {strides = array<i32>} : memref<80x128xf32, #tpu.memory_space<vmem>>, vector<16xf32>,
        %get3A_494 = arith.index_cast %scan3A_479 : i32 to index
        %get3A_495 = arith.constant 16 : index
        %get3A_496 = tpu.vector_load %arg25[%get3A_494, %get3A_495] {strides = array<i32>} : memref<80x128xf32, #tpu.memory_space<vmem>>, vector<16xf32>,
        %add3A_497 = arith.addf %get3A_493, %get3A_496 : vector<16xf32>
        %max3A_498 = arith.constant 0.000000e+00 : f32
        %max3A_499 = vector.broadcast %max3A_498 : f32 to vector<16xf32>
        %max3A_500 = arith.maximumf %add3A_497, %max3A_499 : vector<16xf32>
        %swap3A_501 = arith.index_cast %scan3A_479 : i32 to index
        %swap3A_502 = arith.constant 16 : index
        %swap3A_503 = tpu.vector_load %arg23[%swap3A_501, %swap3A_502] {strides = array<i32>} : memref<80x128xf32, #tpu.memory_space<vmem>>, vector<16xf32>,
        tpu.vector_store %arg23[%swap3A_501, %swap3A_502], %max3A_500 {strides = array<i32>} : memref<80x128xf32, #tpu.memory_space<vmem>>, vector<16xf32>,
        %get3A_504 = arith.index_cast %scan3A_479 : i32 to index
        %get3A_505 = arith.constant 32 : index
        %get3A_506 = tpu.vector_load %arg23[%get3A_504, %get3A_505] {strides = array<i32>} : memref<80x128xf32, #tpu.memory_space<vmem>>, vector<16xf32>,
        %get3A_507 = arith.index_cast %scan3A_479 : i32 to index
        %get3A_508 = arith.constant 32 : index
        %get3A_509 = tpu.vector_load %arg25[%get3A_507, %get3A_508] {strides = array<i32>} : memref<80x128xf32, #tpu.memory_space<vmem>>, vector<16xf32>,
        %add3A_510 = arith.addf %get3A_506, %get3A_509 : vector<16xf32>
        %max3A_511 = arith.constant 0.000000e+00 : f32
        %max3A_512 = vector.broadcast %max3A_511 : f32 to vector<16xf32>
        %max3A_513 = arith.maximumf %add3A_510, %max3A_512 : vector<16xf32>
        %swap3A_514 = arith.index_cast %scan3A_479 : i32 to index
        %swap3A_515 = arith.constant 32 : index
        %swap3A_516 = tpu.vector_load %arg23[%swap3A_514, %swap3A_515] {strides = array<i32>} : memref<80x128xf32, #tpu.memory_space<vmem>>, vector<16xf32>,
        tpu.vector_store %arg23[%swap3A_514, %swap3A_515], %max3A_513 {strides = array<i32>} : memref<80x128xf32, #tpu.memory_space<vmem>>, vector<16xf32>,
        %get3A_517 = arith.index_cast %scan3A_479 : i32 to index
        %get3A_518 = arith.constant 48 : index
        %get3A_519 = tpu.vector_load %arg23[%get3A_517, %get3A_518] {strides = array<i32>} : memref<80x128xf32, #tpu.memory_space<vmem>>, vector<16xf32>,
        %get3A_520 = arith.index_cast %scan3A_479 : i32 to index
        %get3A_521 = arith.constant 48 : index
        %get3A_522 = tpu.vector_load %arg25[%get3A_520, %get3A_521] {strides = array<i32>} : memref<80x128xf32, #tpu.memory_space<vmem>>, vector<16xf32>,
        %add3A_523 = arith.addf %get3A_519, %get3A_522 : vector<16xf32>
        %max3A_524 = arith.constant 0.000000e+00 : f32
        %max3A_525 = vector.broadcast %max3A_524 : f32 to vector<16xf32>
        %max3A_526 = arith.maximumf %add3A_523, %max3A_525 : vector<16xf32>
        %swap3A_527 = arith.index_cast %scan3A_479 : i32 to index
        %swap3A_528 = arith.constant 48 : index
        %swap3A_529 = tpu.vector_load %arg23[%swap3A_527, %swap3A_528] {strides = array<i32>} : memref<80x128xf32, #tpu.memory_space<vmem>>, vector<16xf32>,
        tpu.vector_store %arg23[%swap3A_527, %swap3A_528], %max3A_526 {strides = array<i32>} : memref<80x128xf32, #tpu.memory_space<vmem>>, vector<16xf32>,
        %get3A_530 = arith.index_cast %scan3A_479 : i32 to index
        %get3A_531 = arith.constant 64 : index
        %get3A_532 = tpu.vector_load %arg23[%get3A_530, %get3A_531] {strides = array<i32>} : memref<80x128xf32, #tpu.memory_space<vmem>>, vector<16xf32>,
        %get3A_533 = arith.index_cast %scan3A_479 : i32 to index
        %get3A_534 = arith.constant 64 : index
        %get3A_535 = tpu.vector_load %arg25[%get3A_533, %get3A_534] {strides = array<i32>} : memref<80x128xf32, #tpu.memory_space<vmem>>, vector<16xf32>,
        %add3A_536 = arith.addf %get3A_532, %get3A_535 : vector<16xf32>
        %max3A_537 = arith.constant 0.000000e+00 : f32
        %max3A_538 = vector.broadcast %max3A_537 : f32 to vector<16xf32>
        %max3A_539 = arith.maximumf %add3A_536, %max3A_538 : vector<16xf32>
        %swap3A_540 = arith.index_cast %scan3A_479 : i32 to index
        %swap3A_541 = arith.constant 64 : index
        %swap3A_542 = tpu.vector_load %arg23[%swap3A_540, %swap3A_541] {strides = array<i32>} : memref<80x128xf32, #tpu.memory_space<vmem>>, vector<16xf32>,
        tpu.vector_store %arg23[%swap3A_540, %swap3A_541], %max3A_539 {strides = array<i32>} : memref<80x128xf32, #tpu.memory_space<vmem>>, vector<16xf32>,
        %get3A_543 = arith.index_cast %scan3A_479 : i32 to index
        %get3A_544 = arith.constant 80 : index
        %get3A_545 = tpu.vector_load %arg23[%get3A_543, %get3A_544] {strides = array<i32>} : memref<80x128xf32, #tpu.memory_space<vmem>>, vector<16xf32>,
        %get3A_546 = arith.index_cast %scan3A_479 : i32 to index
        %get3A_547 = arith.constant 80 : index
        %get3A_548 = tpu.vector_load %arg25[%get3A_546, %get3A_547] {strides = array<i32>} : memref<80x128xf32, #tpu.memory_space<vmem>>, vector<16xf32>,
        %add3A_549 = arith.addf %get3A_545, %get3A_548 : vector<16xf32>
        %max3A_550 = arith.constant 0.000000e+00 : f32
        %max3A_551 = vector.broadcast %max3A_550 : f32 to vector<16xf32>
        %max3A_552 = arith.maximumf %add3A_549, %max3A_551 : vector<16xf32>
        %swap3A_553 = arith.index_cast %scan3A_479 : i32 to index
        %swap3A_554 = arith.constant 80 : index
        %swap3A_555 = tpu.vector_load %arg23[%swap3A_553, %swap3A_554] {strides = array<i32>} : memref<80x128xf32, #tpu.memory_space<vmem>>, vector<16xf32>,
        tpu.vector_store %arg23[%swap3A_553, %swap3A_554], %max3A_552 {strides = array<i32>} : memref<80x128xf32, #tpu.memory_space<vmem>>, vector<16xf32>,
        %get3A_556 = arith.index_cast %scan3A_479 : i32 to index
        %get3A_557 = arith.constant 96 : index
        %get3A_558 = tpu.vector_load %arg23[%get3A_556, %get3A_557] {strides = array<i32>} : memref<80x128xf32, #tpu.memory_space<vmem>>, vector<16xf32>,
        %get3A_559 = arith.index_cast %scan3A_479 : i32 to index
        %get3A_560 = arith.constant 96 : index
        %get3A_561 = tpu.vector_load %arg25[%get3A_559, %get3A_560] {strides = array<i32>} : memref<80x128xf32, #tpu.memory_space<vmem>>, vector<16xf32>,
        %add3A_562 = arith.addf %get3A_558, %get3A_561 : vector<16xf32>
        %max3A_563 = arith.constant 0.000000e+00 : f32
        %max3A_564 = vector.broadcast %max3A_563 : f32 to vector<16xf32>
        %max3A_565 = arith.maximumf %add3A_562, %max3A_564 : vector<16xf32>
        %swap3A_566 = arith.index_cast %scan3A_479 : i32 to index
        %swap3A_567 = arith.constant 96 : index
        %swap3A_568 = tpu.vector_load %arg23[%swap3A_566, %swap3A_567] {strides = array<i32>} : memref<80x128xf32, #tpu.memory_space<vmem>>, vector<16xf32>,
        tpu.vector_store %arg23[%swap3A_566, %swap3A_567], %max3A_565 {strides = array<i32>} : memref<80x128xf32, #tpu.memory_space<vmem>>, vector<16xf32>,
        %get3A_569 = arith.index_cast %scan3A_479 : i32 to index
        %get3A_570 = arith.constant 112 : index
        %get3A_571 = tpu.vector_load %arg23[%get3A_569, %get3A_570] {strides = array<i32>} : memref<80x128xf32, #tpu.memory_space<vmem>>, vector<16xf32>,
        %get3A_572 = arith.index_cast %scan3A_479 : i32 to index
        %get3A_573 = arith.constant 112 : index
        %get3A_574 = tpu.vector_load %arg25[%get3A_572, %get3A_573] {strides = array<i32>} : memref<80x128xf32, #tpu.memory_space<vmem>>, vector<16xf32>,
        %add3A_575 = arith.addf %get3A_571, %get3A_574 : vector<16xf32>
        %max3A_576 = arith.constant 0.000000e+00 : f32
        %max3A_577 = vector.broadcast %max3A_576 : f32 to vector<16xf32>
        %max3A_578 = arith.maximumf %add3A_575, %max3A_577 : vector<16xf32>
        %swap3A_579 = arith.index_cast %scan3A_479 : i32 to index
        %swap3A_580 = arith.constant 112 : index
        %swap3A_581 = tpu.vector_load %arg23[%swap3A_579, %swap3A_580] {strides = array<i32>} : memref<80x128xf32, #tpu.memory_space<vmem>>, vector<16xf32>,
        tpu.vector_store %arg23[%swap3A_579, %swap3A_580], %max3A_578 {strides = array<i32>} : memref<80x128xf32, #tpu.memory_space<vmem>>, vector<16xf32>,
        %scan3A_582 = arith.constant 0 : i32
        scf.yield %scan3A_582 : i32
      }
      %scan3A_477 = arith.constant 40 : i32
      "tpu.region"() ({
        %run_scoped3A = tpu.sem_alloc : memref<!tpu.dma_semaphore, #tpu.memory_space<semaphore_mem>>
        %dma_start3A_479 = arith.constant 0 : i32
        %dma_start3A_480 = arith.constant 0 : i32
        %dma_start3A_481 = tpu.memref_slice %arg23[%dma_start3A_479, %dma_start3A_480] : memref<80x128xf32, #tpu.memory_space<vmem>> -> memref<40x128xf32, #tpu.memory_space<vmem>>
        %dma_start3A_482 = arith.constant 0 : i32
        %dma_start3A_483 = arith.constant 0 : i32
        %dma_start3A_484 = tpu.memref_slice %arg21[%dma_start3A_482, %dma_start3A_483] : memref<10016x128xf32, #tpu.memory_space<vmem_shared>> -> memref<10016x128xf32, #tpu.memory_space<vmem_shared>>
        tpu.enqueue_indirect_dma source(%dma_start3A_481 : memref<40x128xf32, #tpu.memory_space<vmem>>) target(%dma_start3A_484 : memref<10016x128xf32, #tpu.memory_space<vmem_shared>>) offsets(%arg46 : memref<40xi32, #tpu.memory_space<vmem>>) semaphore(%run_scoped3A : memref<!tpu.dma_semaphore, #tpu.memory_space<semaphore_mem>>) {add = true}
        %dma_wait3A_485 = arith.constant 0 : i32
        %dma_wait3A_486 = arith.constant 0 : i32
        %dma_wait3A_487 = tpu.memref_slice %arg23[%dma_wait3A_485, %dma_wait3A_486] : memref<80x128xf32, #tpu.memory_space<vmem>> -> memref<40x128xf32, #tpu.memory_space<vmem>>
        %dma_wait3A_488 = arith.constant 0 : i32
        %dma_wait3A_489 = arith.constant 0 : i32
        %dma_wait3A_490 = tpu.memref_slice %arg21[%dma_wait3A_488, %dma_wait3A_489] : memref<10016x128xf32, #tpu.memory_space<vmem_shared>> -> memref<10016x128xf32, #tpu.memory_space<vmem_shared>>
        tpu.wait_indirect_dma semaphore(%run_scoped3A : memref<!tpu.dma_semaphore, #tpu.memory_space<semaphore_mem>>) src(%dma_wait3A_487 : memref<40x128xf32, #tpu.memory_space<vmem>>) dst(%dma_wait3A_490 : memref<10016x128xf32, #tpu.memory_space<vmem_shared>>)
        tpu.yield
      }) : () -> ()
      %scan3A_478 = arith.constant 0 : i32
      scf.yield %scan3A_478 : i32
    }
    %scan3A_169 = arith.constant 5 : i32
    %barrier3A_170 = arith.constant 0 : index
    tpu.barrier barrier_id(%barrier3A_170)
    %mul3A_171 = arith.constant 128 : i32
    %mul3A_172 = arith.muli %arg1, %mul3A_171 : i32
    %add3A_173 = arith.constant 0 : i32
    %add3A_174 = arith.addi %add3A_173, %mul3A_172 : i32
    %mul3A_175 = arith.constant 128 : i32
    %mul3A_176 = arith.muli %arg1, %mul3A_175 : i32
    "tpu.region"() ({
      %run_scoped3A = tpu.sem_alloc : memref<!tpu.dma_semaphore, #tpu.memory_space<semaphore_mem>>
      %dma_start3A = arith.constant 0 : i32
      %dma_start3A_215 = tpu.memref_slice %arg18[%arg0, %mul3A_176, %dma_start3A] : memref<2x2048x128xf32, #tpu.memory_space<hbm>> -> memref<1x128x128xf32, #tpu.memory_space<hbm>>
      %dma_start3A_216 = tpu.memref_squeeze %dma_start3A_215 : memref<1x128x128xf32, #tpu.memory_space<hbm>> -> memref<128x128xf32, #tpu.memory_space<hbm>>
      %dma_start3A_217 = arith.constant 0 : i32
      %dma_start3A_218 = tpu.memref_slice %arg21[%add3A_174, %dma_start3A_217] : memref<10016x128xf32, #tpu.memory_space<vmem_shared>> -> memref<128x128xf32, #tpu.memory_space<vmem_shared>>
      tpu.enqueue_dma source(%dma_start3A_218 : memref<128x128xf32, #tpu.memory_space<vmem_shared>>) target(%dma_start3A_216 : memref<128x128xf32, #tpu.memory_space<hbm>>) target_semaphore(%run_scoped3A : memref<!tpu.dma_semaphore, #tpu.memory_space<semaphore_mem>>)
      %dma_wait3A = arith.constant 0 : i32
      %dma_wait3A_219 = tpu.memref_slice %arg18[%arg0, %mul3A_176, %dma_wait3A] : memref<2x2048x128xf32, #tpu.memory_space<hbm>> -> memref<1x128x128xf32, #tpu.memory_space<hbm>>
      %dma_wait3A_220 = tpu.memref_squeeze %dma_wait3A_219 : memref<1x128x128xf32, #tpu.memory_space<hbm>> -> memref<128x128xf32, #tpu.memory_space<hbm>>
      %dma_wait3A_221 = arith.constant 0 : i32
      %dma_wait3A_222 = tpu.memref_slice %arg21[%add3A_174, %dma_wait3A_221] : memref<10016x128xf32, #tpu.memory_space<vmem_shared>> -> memref<128x128xf32, #tpu.memory_space<vmem_shared>>
      tpu.wait_dma2 semaphore(%run_scoped3A : memref<!tpu.dma_semaphore, #tpu.memory_space<semaphore_mem>>) src(%dma_wait3A_222 : memref<128x128xf32, #tpu.memory_space<vmem_shared>>) dst(%dma_wait3A_220 : memref<128x128xf32, #tpu.memory_space<hbm>>)
      tpu.yield
    }) : () -> ()
    %barrier3A_177 = arith.constant 0 : index
    tpu.barrier barrier_id(%barrier3A_177)
    "tpu.region"() ({
      %run_scoped3A = tpu.sem_alloc : memref<!tpu.dma_semaphore, #tpu.memory_space<semaphore_mem>>
      %dma_start3A = arith.constant 0 : i32
      %dma_start3A_215 = arith.constant 0 : i32
      %dma_start3A_216 = tpu.memref_slice %arg14[%dma_start3A, %dma_start3A_215] : memref<80x128xf32, #tpu.memory_space<hbm>> -> memref<80x128xf32, #tpu.memory_space<hbm>>
      %dma_start3A_217 = arith.constant 0 : i32
      %dma_start3A_218 = arith.constant 0 : i32
      %dma_start3A_219 = tpu.memref_slice %arg14[%dma_start3A_217, %dma_start3A_218] : memref<80x128xf32, #tpu.memory_space<hbm>> -> memref<80x128xf32, #tpu.memory_space<hbm>>
      tpu.enqueue_dma source(%dma_start3A_219 : memref<80x128xf32, #tpu.memory_space<hbm>>) target(%arg23 : memref<80x128xf32, #tpu.memory_space<vmem>>) target_semaphore(%run_scoped3A : memref<!tpu.dma_semaphore, #tpu.memory_space<semaphore_mem>>)
      %dma_wait3A = arith.constant 0 : i32
      %dma_wait3A_220 = arith.constant 0 : i32
      %dma_wait3A_221 = tpu.memref_slice %arg14[%dma_wait3A, %dma_wait3A_220] : memref<80x128xf32, #tpu.memory_space<hbm>> -> memref<80x128xf32, #tpu.memory_space<hbm>>
      %dma_wait3A_222 = arith.constant 0 : i32
      %dma_wait3A_223 = arith.constant 0 : i32
      %dma_wait3A_224 = tpu.memref_slice %arg14[%dma_wait3A_222, %dma_wait3A_223] : memref<80x128xf32, #tpu.memory_space<hbm>> -> memref<80x128xf32, #tpu.memory_space<hbm>>
      tpu.wait_dma2 semaphore(%run_scoped3A : memref<!tpu.dma_semaphore, #tpu.memory_space<semaphore_mem>>) src(%dma_wait3A_224 : memref<80x128xf32, #tpu.memory_space<hbm>>) dst(%arg23 : memref<80x128xf32, #tpu.memory_space<vmem>>)
      tpu.yield
    }) : () -> ()
    %mul3A_178 = arith.constant 256 : i32
    %mul3A_179 = arith.muli %arg1, %mul3A_178 : i32
    %add3A_180 = arith.constant 0 : i32
    %add3A_181 = arith.addi %mul3A_179, %add3A_180 : i32
    "tpu.region"() ({
      %run_scoped3A = tpu.sem_alloc : memref<!tpu.dma_semaphore, #tpu.memory_space<semaphore_mem>>
      %dma_start3A = arith.constant 0 : i32
      %dma_start3A_215 = tpu.memref_slice %arg21[%add3A_181, %dma_start3A] : memref<10016x128xf32, #tpu.memory_space<vmem_shared>> -> memref<80x128xf32, #tpu.memory_space<vmem_shared>>
      %dma_start3A_216 = arith.constant 0 : i32
      %dma_start3A_217 = tpu.memref_slice %arg21[%add3A_181, %dma_start3A_216] : memref<10016x128xf32, #tpu.memory_space<vmem_shared>> -> memref<80x128xf32, #tpu.memory_space<vmem_shared>>
      tpu.enqueue_dma source(%arg23 : memref<80x128xf32, #tpu.memory_space<vmem>>) target(%dma_start3A_217 : memref<80x128xf32, #tpu.memory_space<vmem_shared>>) target_semaphore(%run_scoped3A : memref<!tpu.dma_semaphore, #tpu.memory_space<semaphore_mem>>)
      %dma_wait3A = arith.constant 0 : i32
      %dma_wait3A_218 = tpu.memref_slice %arg21[%add3A_181, %dma_wait3A] : memref<10016x128xf32, #tpu.memory_space<vmem_shared>> -> memref<80x128xf32, #tpu.memory_space<vmem_shared>>
      %dma_wait3A_219 = arith.constant 0 : i32
      %dma_wait3A_220 = tpu.memref_slice %arg21[%add3A_181, %dma_wait3A_219] : memref<10016x128xf32, #tpu.memory_space<vmem_shared>> -> memref<80x128xf32, #tpu.memory_space<vmem_shared>>
      tpu.wait_dma2 semaphore(%run_scoped3A : memref<!tpu.dma_semaphore, #tpu.memory_space<semaphore_mem>>) src(%arg23 : memref<80x128xf32, #tpu.memory_space<vmem>>) dst(%dma_wait3A_220 : memref<80x128xf32, #tpu.memory_space<vmem_shared>>)
      tpu.yield
    }) : () -> ()
    %mul3A_182 = arith.constant 256 : i32
    %mul3A_183 = arith.muli %arg1, %mul3A_182 : i32
    %add3A_184 = arith.constant 80 : i32
    %add3A_185 = arith.addi %mul3A_183, %add3A_184 : i32
    "tpu.region"() ({
      %run_scoped3A = tpu.sem_alloc : memref<!tpu.dma_semaphore, #tpu.memory_space<semaphore_mem>>
      %dma_start3A = arith.constant 0 : i32
      %dma_start3A_215 = tpu.memref_slice %arg21[%add3A_185, %dma_start3A] : memref<10016x128xf32, #tpu.memory_space<vmem_shared>> -> memref<80x128xf32, #tpu.memory_space<vmem_shared>>
      %dma_start3A_216 = arith.constant 0 : i32
      %dma_start3A_217 = tpu.memref_slice %arg21[%add3A_185, %dma_start3A_216] : memref<10016x128xf32, #tpu.memory_space<vmem_shared>> -> memref<80x128xf32, #tpu.memory_space<vmem_shared>>
      tpu.enqueue_dma source(%arg23 : memref<80x128xf32, #tpu.memory_space<vmem>>) target(%dma_start3A_217 : memref<80x128xf32, #tpu.memory_space<vmem_shared>>) target_semaphore(%run_scoped3A : memref<!tpu.dma_semaphore, #tpu.memory_space<semaphore_mem>>)
      %dma_wait3A = arith.constant 0 : i32
      %dma_wait3A_218 = tpu.memref_slice %arg21[%add3A_185, %dma_wait3A] : memref<10016x128xf32, #tpu.memory_space<vmem_shared>> -> memref<80x128xf32, #tpu.memory_space<vmem_shared>>
      %dma_wait3A_219 = arith.constant 0 : i32
      %dma_wait3A_220 = tpu.memref_slice %arg21[%add3A_185, %dma_wait3A_219] : memref<10016x128xf32, #tpu.memory_space<vmem_shared>> -> memref<80x128xf32, #tpu.memory_space<vmem_shared>>
      tpu.wait_dma2 semaphore(%run_scoped3A : memref<!tpu.dma_semaphore, #tpu.memory_space<semaphore_mem>>) src(%arg23 : memref<80x128xf32, #tpu.memory_space<vmem>>) dst(%dma_wait3A_220 : memref<80x128xf32, #tpu.memory_space<vmem_shared>>)
      tpu.yield
    }) : () -> ()
    %mul3A_186 = arith.constant 256 : i32
    %mul3A_187 = arith.muli %arg1, %mul3A_186 : i32
    %add3A_188 = arith.constant 160 : i32
    %add3A_189 = arith.addi %mul3A_187, %add3A_188 : i32
    "tpu.region"() ({
      %run_scoped3A = tpu.sem_alloc : memref<!tpu.dma_semaphore, #tpu.memory_space<semaphore_mem>>
      %dma_start3A = arith.constant 0 : i32
      %dma_start3A_215 = tpu.memref_slice %arg21[%add3A_189, %dma_start3A] : memref<10016x128xf32, #tpu.memory_space<vmem_shared>> -> memref<80x128xf32, #tpu.memory_space<vmem_shared>>
      %dma_start3A_216 = arith.constant 0 : i32
      %dma_start3A_217 = tpu.memref_slice %arg21[%add3A_189, %dma_start3A_216] : memref<10016x128xf32, #tpu.memory_space<vmem_shared>> -> memref<80x128xf32, #tpu.memory_space<vmem_shared>>
      tpu.enqueue_dma source(%arg23 : memref<80x128xf32, #tpu.memory_space<vmem>>) target(%dma_start3A_217 : memref<80x128xf32, #tpu.memory_space<vmem_shared>>) target_semaphore(%run_scoped3A : memref<!tpu.dma_semaphore, #tpu.memory_space<semaphore_mem>>)
      %dma_wait3A = arith.constant 0 : i32
      %dma_wait3A_218 = tpu.memref_slice %arg21[%add3A_189, %dma_wait3A] : memref<10016x128xf32, #tpu.memory_space<vmem_shared>> -> memref<80x128xf32, #tpu.memory_space<vmem_shared>>
      %dma_wait3A_219 = arith.constant 0 : i32
      %dma_wait3A_220 = tpu.memref_slice %arg21[%add3A_189, %dma_wait3A_219] : memref<10016x128xf32, #tpu.memory_space<vmem_shared>> -> memref<80x128xf32, #tpu.memory_space<vmem_shared>>
      tpu.wait_dma2 semaphore(%run_scoped3A : memref<!tpu.dma_semaphore, #tpu.memory_space<semaphore_mem>>) src(%arg23 : memref<80x128xf32, #tpu.memory_space<vmem>>) dst(%dma_wait3A_220 : memref<80x128xf32, #tpu.memory_space<vmem_shared>>)
      tpu.yield
    }) : () -> ()
    %mul3A_190 = arith.constant 256 : i32
    %mul3A_191 = arith.muli %arg1, %mul3A_190 : i32
    %add3A_192 = arith.constant 240 : i32
    %add3A_193 = arith.addi %mul3A_191, %add3A_192 : i32
    "tpu.region"() ({
      %run_scoped3A = tpu.sem_alloc : memref<!tpu.dma_semaphore, #tpu.memory_space<semaphore_mem>>
      %dma_start3A = arith.constant 0 : i32
      %dma_start3A_215 = arith.constant 0 : i32
      %dma_start3A_216 = tpu.memref_slice %arg23[%dma_start3A, %dma_start3A_215] : memref<80x128xf32, #tpu.memory_space<vmem>> -> memref<16x128xf32, #tpu.memory_space<vmem>>
      %dma_start3A_217 = arith.constant 0 : i32
      %dma_start3A_218 = tpu.memref_slice %arg21[%add3A_193, %dma_start3A_217] : memref<10016x128xf32, #tpu.memory_space<vmem_shared>> -> memref<16x128xf32, #tpu.memory_space<vmem_shared>>
      %dma_start3A_219 = arith.constant 0 : i32
      %dma_start3A_220 = tpu.memref_slice %arg21[%add3A_193, %dma_start3A_219] : memref<10016x128xf32, #tpu.memory_space<vmem_shared>> -> memref<16x128xf32, #tpu.memory_space<vmem_shared>>
      %dma_start3A_221 = arith.constant 0 : i32
      %dma_start3A_222 = arith.constant 0 : i32
      %dma_start3A_223 = tpu.memref_slice %arg23[%dma_start3A_221, %dma_start3A_222] : memref<80x128xf32, #tpu.memory_space<vmem>> -> memref<16x128xf32, #tpu.memory_space<vmem>>
      tpu.enqueue_dma source(%dma_start3A_223 : memref<16x128xf32, #tpu.memory_space<vmem>>) target(%dma_start3A_220 : memref<16x128xf32, #tpu.memory_space<vmem_shared>>) target_semaphore(%run_scoped3A : memref<!tpu.dma_semaphore, #tpu.memory_space<semaphore_mem>>)
      %dma_wait3A = arith.constant 0 : i32
      %dma_wait3A_224 = arith.constant 0 : i32
      %dma_wait3A_225 = tpu.memref_slice %arg23[%dma_wait3A, %dma_wait3A_224] : memref<80x128xf32, #tpu.memory_space<vmem>> -> memref<16x128xf32, #tpu.memory_space<vmem>>
      %dma_wait3A_226 = arith.constant 0 : i32
      %dma_wait3A_227 = tpu.memref_slice %arg21[%add3A_193, %dma_wait3A_226] : memref<10016x128xf32, #tpu.memory_space<vmem_shared>> -> memref<16x128xf32, #tpu.memory_space<vmem_shared>>
      %dma_wait3A_228 = arith.constant 0 : i32
      %dma_wait3A_229 = tpu.memref_slice %arg21[%add3A_193, %dma_wait3A_228] : memref<10016x128xf32, #tpu.memory_space<vmem_shared>> -> memref<16x128xf32, #tpu.memory_space<vmem_shared>>
      %dma_wait3A_230 = arith.constant 0 : i32
      %dma_wait3A_231 = arith.constant 0 : i32
      %dma_wait3A_232 = tpu.memref_slice %arg23[%dma_wait3A_230, %dma_wait3A_231] : memref<80x128xf32, #tpu.memory_space<vmem>> -> memref<16x128xf32, #tpu.memory_space<vmem>>
      tpu.wait_dma2 semaphore(%run_scoped3A : memref<!tpu.dma_semaphore, #tpu.memory_space<semaphore_mem>>) src(%dma_wait3A_232 : memref<16x128xf32, #tpu.memory_space<vmem>>) dst(%dma_wait3A_229 : memref<16x128xf32, #tpu.memory_space<vmem_shared>>)
      tpu.yield
    }) : () -> ()
    %barrier3A_194 = arith.constant 0 : index
    tpu.barrier barrier_id(%barrier3A_194)
    %scan3A_195 = arith.constant 0 : i32
    %scan3A_196 = arith.constant 0 : i32
    %scan3A_197 = arith.constant 8 : i32
    %scan3A_198 = arith.addi %scan3A_196, %scan3A_197 : i32
    %scan3A_199 = arith.constant 1 : i32
    %scan3A_200 = scf.for %scan3A_215 = %scan3A_196 to %scan3A_198 step %scan3A_199 iter_args(%scan3A_216 = %scan3A_195) -> (i32)  : i32 {
      %mul3A_217 = arith.constant 320 : i32
      %mul3A_218 = arith.muli %add3A, %mul3A_217 : i32
      %mul3A_219 = arith.constant 40 : i32
      %mul3A_220 = arith.muli %scan3A_215, %mul3A_219 : i32
      %add3A_221 = arith.addi %mul3A_218, %mul3A_220 : i32
      %multiple_of3A = tpu.assume_multiple %add3A_221, 8 : i32
      "tpu.region"() ({
        %run_scoped3A = tpu.sem_alloc : memref<!tpu.dma_semaphore, #tpu.memory_space<semaphore_mem>>
        %dma_start3A_252 = tpu.memref_slice %arg8[%multiple_of3A] : memref<10240xi32, #tpu.memory_space<hbm>> -> memref<40xi32, #tpu.memory_space<hbm>>
        %dma_start3A_253 = tpu.memref_slice %arg8[%multiple_of3A] : memref<10240xi32, #tpu.memory_space<hbm>> -> memref<40xi32, #tpu.memory_space<hbm>>
        tpu.enqueue_dma source(%dma_start3A_253 : memref<40xi32, #tpu.memory_space<hbm>>) target(%arg48 : memref<40xi32, #tpu.memory_space<vmem>>) target_semaphore(%run_scoped3A : memref<!tpu.dma_semaphore, #tpu.memory_space<semaphore_mem>>)
        %dma_wait3A_254 = tpu.memref_slice %arg8[%multiple_of3A] : memref<10240xi32, #tpu.memory_space<hbm>> -> memref<40xi32, #tpu.memory_space<hbm>>
        %dma_wait3A_255 = tpu.memref_slice %arg8[%multiple_of3A] : memref<10240xi32, #tpu.memory_space<hbm>> -> memref<40xi32, #tpu.memory_space<hbm>>
        tpu.wait_dma2 semaphore(%run_scoped3A : memref<!tpu.dma_semaphore, #tpu.memory_space<semaphore_mem>>) src(%dma_wait3A_255 : memref<40xi32, #tpu.memory_space<hbm>>) dst(%arg48 : memref<40xi32, #tpu.memory_space<vmem>>)
        tpu.yield
      }) : () -> ()
      %dma_start3A = arith.constant 0 : i32
      %dma_start3A_222 = arith.constant 0 : i32
      %dma_start3A_223 = tpu.memref_slice %arg23[%dma_start3A, %dma_start3A_222] : memref<80x128xf32, #tpu.memory_space<vmem>> -> memref<40x128xf32, #tpu.memory_space<vmem>>
      %dma_start3A_224 = arith.constant 0 : i32
      %dma_start3A_225 = arith.constant 0 : i32
      %dma_start3A_226 = tpu.memref_slice %arg12[%dma_start3A_224, %dma_start3A_225] : memref<10000x128xf32, #tpu.memory_space<hbm>> -> memref<10000x128xf32, #tpu.memory_space<hbm>>
      tpu.enqueue_indirect_dma source(%dma_start3A_226 : memref<10000x128xf32, #tpu.memory_space<hbm>>) target(%dma_start3A_223 : memref<40x128xf32, #tpu.memory_space<vmem>>) offsets(%arg48 : memref<40xi32, #tpu.memory_space<vmem>>) semaphore(%arg50 : memref<!tpu.dma_semaphore, #tpu.memory_space<semaphore_mem>>)
      "tpu.region"() ({
        %run_scoped3A = tpu.sem_alloc : memref<!tpu.dma_semaphore, #tpu.memory_space<semaphore_mem>>
        %dma_start3A_252 = tpu.memref_slice %arg9[%multiple_of3A] : memref<10240xi32, #tpu.memory_space<hbm>> -> memref<40xi32, #tpu.memory_space<hbm>>
        %dma_start3A_253 = tpu.memref_slice %arg9[%multiple_of3A] : memref<10240xi32, #tpu.memory_space<hbm>> -> memref<40xi32, #tpu.memory_space<hbm>>
        tpu.enqueue_dma source(%dma_start3A_253 : memref<40xi32, #tpu.memory_space<hbm>>) target(%arg47 : memref<40xi32, #tpu.memory_space<vmem>>) target_semaphore(%run_scoped3A : memref<!tpu.dma_semaphore, #tpu.memory_space<semaphore_mem>>)
        %dma_wait3A_254 = tpu.memref_slice %arg9[%multiple_of3A] : memref<10240xi32, #tpu.memory_space<hbm>> -> memref<40xi32, #tpu.memory_space<hbm>>
        %dma_wait3A_255 = tpu.memref_slice %arg9[%multiple_of3A] : memref<10240xi32, #tpu.memory_space<hbm>> -> memref<40xi32, #tpu.memory_space<hbm>>
        tpu.wait_dma2 semaphore(%run_scoped3A : memref<!tpu.dma_semaphore, #tpu.memory_space<semaphore_mem>>) src(%dma_wait3A_255 : memref<40xi32, #tpu.memory_space<hbm>>) dst(%arg47 : memref<40xi32, #tpu.memory_space<vmem>>)
        tpu.yield
      }) : () -> ()
      %get3A = arith.constant 0 : index
      %get3A_227 = tpu.vector_load %arg47[%get3A] {strides = array<i32>} : memref<40xi32, #tpu.memory_space<vmem>>, vector<16xi32>,
      %add3A_228 = arith.constant 2048 : i32
      %add3A_229 = vector.broadcast %add3A_228 : i32 to vector<16xi32>
      %add3A_230 = arith.addi %get3A_227, %add3A_229 : vector<16xi32>
      %swap3A = arith.constant 0 : index
      %swap3A_231 = tpu.vector_load %arg49[%swap3A] {strides = array<i32>} : memref<40xi32, #tpu.memory_space<vmem>>, vector<16xi32>,
      tpu.vector_store %arg49[%swap3A], %add3A_230 {strides = array<i32>} : memref<40xi32, #tpu.memory_space<vmem>>, vector<16xi32>,
      %get3A_232 = arith.constant 16 : index
      %get3A_233 = tpu.vector_load %arg47[%get3A_232] {strides = array<i32>} : memref<40xi32, #tpu.memory_space<vmem>>, vector<16xi32>,
      %add3A_234 = arith.constant 2048 : i32
      %add3A_235 = vector.broadcast %add3A_234 : i32 to vector<16xi32>
      %add3A_236 = arith.addi %get3A_233, %add3A_235 : vector<16xi32>
      %swap3A_237 = arith.constant 16 : index
      %swap3A_238 = tpu.vector_load %arg49[%swap3A_237] {strides = array<i32>} : memref<40xi32, #tpu.memory_space<vmem>>, vector<16xi32>,
      tpu.vector_store %arg49[%swap3A_237], %add3A_236 {strides = array<i32>} : memref<40xi32, #tpu.memory_space<vmem>>, vector<16xi32>,
      %get3A_239 = arith.constant 24 : index
      %get3A_240 = tpu.vector_load %arg47[%get3A_239] {strides = array<i32>} : memref<40xi32, #tpu.memory_space<vmem>>, vector<16xi32>,
      %add3A_241 = arith.constant 2048 : i32
      %add3A_242 = vector.broadcast %add3A_241 : i32 to vector<16xi32>
      %add3A_243 = arith.addi %get3A_240, %add3A_242 : vector<16xi32>
      %swap3A_244 = arith.constant 24 : index
      %swap3A_245 = tpu.vector_load %arg49[%swap3A_244] {strides = array<i32>} : memref<40xi32, #tpu.memory_space<vmem>>, vector<16xi32>,
      tpu.vector_store %arg49[%swap3A_244], %add3A_243 {strides = array<i32>} : memref<40xi32, #tpu.memory_space<vmem>>, vector<16xi32>,
      "tpu.region"() ({
        %run_scoped3A = tpu.sem_alloc : memref<!tpu.dma_semaphore, #tpu.memory_space<semaphore_mem>>
        %dma_start3A_252 = arith.constant 0 : i32
        %dma_start3A_253 = arith.constant 0 : i32
        %dma_start3A_254 = tpu.memref_slice %arg21[%dma_start3A_252, %dma_start3A_253] : memref<10016x128xf32, #tpu.memory_space<vmem_shared>> -> memref<10016x128xf32, #tpu.memory_space<vmem_shared>>
        tpu.enqueue_indirect_dma source(%arg22 : memref<40x128xf32, #tpu.memory_space<vmem>>) target(%dma_start3A_254 : memref<10016x128xf32, #tpu.memory_space<vmem_shared>>) offsets(%arg49 : memref<40xi32, #tpu.memory_space<vmem>>) semaphore(%run_scoped3A : memref<!tpu.dma_semaphore, #tpu.memory_space<semaphore_mem>>) {add = true}
        %dma_wait3A_255 = arith.constant 0 : i32
        %dma_wait3A_256 = arith.constant 0 : i32
        %dma_wait3A_257 = tpu.memref_slice %arg21[%dma_wait3A_255, %dma_wait3A_256] : memref<10016x128xf32, #tpu.memory_space<vmem_shared>> -> memref<10016x128xf32, #tpu.memory_space<vmem_shared>>
        tpu.wait_indirect_dma semaphore(%run_scoped3A : memref<!tpu.dma_semaphore, #tpu.memory_space<semaphore_mem>>) src(%arg22 : memref<40x128xf32, #tpu.memory_space<vmem>>) dst(%dma_wait3A_257 : memref<10016x128xf32, #tpu.memory_space<vmem_shared>>)
        tpu.yield
      }) : () -> ()
      %dma_wait3A = arith.constant 0 : i32
      %dma_wait3A_246 = arith.constant 0 : i32
      %dma_wait3A_247 = tpu.memref_slice %arg23[%dma_wait3A, %dma_wait3A_246] : memref<80x128xf32, #tpu.memory_space<vmem>> -> memref<40x128xf32, #tpu.memory_space<vmem>>
      %dma_wait3A_248 = arith.constant 0 : i32
      %dma_wait3A_249 = arith.constant 0 : i32
      %dma_wait3A_250 = tpu.memref_slice %arg12[%dma_wait3A_248, %dma_wait3A_249] : memref<10000x128xf32, #tpu.memory_space<hbm>> -> memref<10000x128xf32, #tpu.memory_space<hbm>>
      tpu.wait_indirect_dma semaphore(%arg50 : memref<!tpu.dma_semaphore, #tpu.memory_space<semaphore_mem>>) src(%dma_wait3A_250 : memref<10000x128xf32, #tpu.memory_space<hbm>>) dst(%dma_wait3A_247 : memref<40x128xf32, #tpu.memory_space<vmem>>)
      "tpu.region"() ({
        %run_scoped3A = tpu.sem_alloc : memref<!tpu.dma_semaphore, #tpu.memory_space<semaphore_mem>>
        %dma_start3A_252 = arith.constant 0 : i32
        %dma_start3A_253 = arith.constant 0 : i32
        %dma_start3A_254 = tpu.memref_slice %arg23[%dma_start3A_252, %dma_start3A_253] : memref<80x128xf32, #tpu.memory_space<vmem>> -> memref<40x128xf32, #tpu.memory_space<vmem>>
        %dma_start3A_255 = arith.constant 0 : i32
        %dma_start3A_256 = arith.constant 0 : i32
        %dma_start3A_257 = tpu.memref_slice %arg21[%dma_start3A_255, %dma_start3A_256] : memref<10016x128xf32, #tpu.memory_space<vmem_shared>> -> memref<10016x128xf32, #tpu.memory_space<vmem_shared>>
        tpu.enqueue_indirect_dma source(%dma_start3A_254 : memref<40x128xf32, #tpu.memory_space<vmem>>) target(%dma_start3A_257 : memref<10016x128xf32, #tpu.memory_space<vmem_shared>>) offsets(%arg47 : memref<40xi32, #tpu.memory_space<vmem>>) semaphore(%run_scoped3A : memref<!tpu.dma_semaphore, #tpu.memory_space<semaphore_mem>>) {add = true}
        %dma_wait3A_258 = arith.constant 0 : i32
        %dma_wait3A_259 = arith.constant 0 : i32
        %dma_wait3A_260 = tpu.memref_slice %arg23[%dma_wait3A_258, %dma_wait3A_259] : memref<80x128xf32, #tpu.memory_space<vmem>> -> memref<40x128xf32, #tpu.memory_space<vmem>>
        %dma_wait3A_261 = arith.constant 0 : i32
        %dma_wait3A_262 = arith.constant 0 : i32
        %dma_wait3A_263 = tpu.memref_slice %arg21[%dma_wait3A_261, %dma_wait3A_262] : memref<10016x128xf32, #tpu.memory_space<vmem_shared>> -> memref<10016x128xf32, #tpu.memory_space<vmem_shared>>
        tpu.wait_indirect_dma semaphore(%run_scoped3A : memref<!tpu.dma_semaphore, #tpu.memory_space<semaphore_mem>>) src(%dma_wait3A_260 : memref<40x128xf32, #tpu.memory_space<vmem>>) dst(%dma_wait3A_263 : memref<10016x128xf32, #tpu.memory_space<vmem_shared>>)
        tpu.yield
      }) : () -> ()
      %scan3A_251 = arith.constant 0 : i32
      scf.yield %scan3A_251 : i32
    }
    %scan3A_201 = arith.constant 8 : i32
    %barrier3A_202 = arith.constant 0 : index
    tpu.barrier barrier_id(%barrier3A_202)
    %mul3A_203 = arith.constant 128 : i32
    %mul3A_204 = arith.muli %arg1, %mul3A_203 : i32
    %add3A_205 = arith.constant 0 : i32
    %add3A_206 = arith.addi %add3A_205, %mul3A_204 : i32
    %mul3A_207 = arith.constant 128 : i32
    %mul3A_208 = arith.muli %arg1, %mul3A_207 : i32
    "tpu.region"() ({
      %run_scoped3A = tpu.sem_alloc : memref<!tpu.dma_semaphore, #tpu.memory_space<semaphore_mem>>
      %dma_start3A = arith.constant 0 : i32
      %dma_start3A_215 = tpu.memref_slice %arg19[%arg0, %mul3A_208, %dma_start3A] : memref<2x2048x128xf32, #tpu.memory_space<hbm>> -> memref<1x128x128xf32, #tpu.memory_space<hbm>>
      %dma_start3A_216 = tpu.memref_squeeze %dma_start3A_215 : memref<1x128x128xf32, #tpu.memory_space<hbm>> -> memref<128x128xf32, #tpu.memory_space<hbm>>
      %dma_start3A_217 = arith.constant 0 : i32
      %dma_start3A_218 = tpu.memref_slice %arg21[%add3A_206, %dma_start3A_217] : memref<10016x128xf32, #tpu.memory_space<vmem_shared>> -> memref<128x128xf32, #tpu.memory_space<vmem_shared>>
      tpu.enqueue_dma source(%dma_start3A_218 : memref<128x128xf32, #tpu.memory_space<vmem_shared>>) target(%dma_start3A_216 : memref<128x128xf32, #tpu.memory_space<hbm>>) target_semaphore(%run_scoped3A : memref<!tpu.dma_semaphore, #tpu.memory_space<semaphore_mem>>)
      %dma_wait3A = arith.constant 0 : i32
      %dma_wait3A_219 = tpu.memref_slice %arg19[%arg0, %mul3A_208, %dma_wait3A] : memref<2x2048x128xf32, #tpu.memory_space<hbm>> -> memref<1x128x128xf32, #tpu.memory_space<hbm>>
      %dma_wait3A_220 = tpu.memref_squeeze %dma_wait3A_219 : memref<1x128x128xf32, #tpu.memory_space<hbm>> -> memref<128x128xf32, #tpu.memory_space<hbm>>
      %dma_wait3A_221 = arith.constant 0 : i32
      %dma_wait3A_222 = tpu.memref_slice %arg21[%add3A_206, %dma_wait3A_221] : memref<10016x128xf32, #tpu.memory_space<vmem_shared>> -> memref<128x128xf32, #tpu.memory_space<vmem_shared>>
      tpu.wait_dma2 semaphore(%run_scoped3A : memref<!tpu.dma_semaphore, #tpu.memory_space<semaphore_mem>>) src(%dma_wait3A_222 : memref<128x128xf32, #tpu.memory_space<vmem_shared>>) dst(%dma_wait3A_220 : memref<128x128xf32, #tpu.memory_space<hbm>>)
      tpu.yield
    }) : () -> ()
    %mul3A_209 = arith.constant 128 : i32
    %mul3A_210 = arith.muli %arg1, %mul3A_209 : i32
    %add3A_211 = arith.constant 2048 : i32
    %add3A_212 = arith.addi %add3A_211, %mul3A_210 : i32
    %mul3A_213 = arith.constant 128 : i32
    %mul3A_214 = arith.muli %arg1, %mul3A_213 : i32
    "tpu.region"() ({
      %run_scoped3A = tpu.sem_alloc : memref<!tpu.dma_semaphore, #tpu.memory_space<semaphore_mem>>
      %dma_start3A = arith.constant 0 : i32
      %dma_start3A_215 = tpu.memref_slice %arg20[%arg0, %mul3A_214, %dma_start3A] : memref<2x2048x128xf32, #tpu.memory_space<hbm>> -> memref<1x128x128xf32, #tpu.memory_space<hbm>>
      %dma_start3A_216 = tpu.memref_squeeze %dma_start3A_215 : memref<1x128x128xf32, #tpu.memory_space<hbm>> -> memref<128x128xf32, #tpu.memory_space<hbm>>
      %dma_start3A_217 = arith.constant 0 : i32
      %dma_start3A_218 = tpu.memref_slice %arg21[%add3A_212, %dma_start3A_217] : memref<10016x128xf32, #tpu.memory_space<vmem_shared>> -> memref<128x128xf32, #tpu.memory_space<vmem_shared>>
      tpu.enqueue_dma source(%dma_start3A_218 : memref<128x128xf32, #tpu.memory_space<vmem_shared>>) target(%dma_start3A_216 : memref<128x128xf32, #tpu.memory_space<hbm>>) target_semaphore(%run_scoped3A : memref<!tpu.dma_semaphore, #tpu.memory_space<semaphore_mem>>)
      %dma_wait3A = arith.constant 0 : i32
      %dma_wait3A_219 = tpu.memref_slice %arg20[%arg0, %mul3A_214, %dma_wait3A] : memref<2x2048x128xf32, #tpu.memory_space<hbm>> -> memref<1x128x128xf32, #tpu.memory_space<hbm>>
      %dma_wait3A_220 = tpu.memref_squeeze %dma_wait3A_219 : memref<1x128x128xf32, #tpu.memory_space<hbm>> -> memref<128x128xf32, #tpu.memory_space<hbm>>
      %dma_wait3A_221 = arith.constant 0 : i32
      %dma_wait3A_222 = tpu.memref_slice %arg21[%add3A_212, %dma_wait3A_221] : memref<10016x128xf32, #tpu.memory_space<vmem_shared>> -> memref<128x128xf32, #tpu.memory_space<vmem_shared>>
      tpu.wait_dma2 semaphore(%run_scoped3A : memref<!tpu.dma_semaphore, #tpu.memory_space<semaphore_mem>>) src(%dma_wait3A_222 : memref<128x128xf32, #tpu.memory_space<vmem_shared>>) dst(%dma_wait3A_220 : memref<128x128xf32, #tpu.memory_space<hbm>>)
      tpu.yield
    }) : () -> ()
    return
  }
}

module attributes {stable_mosaic.version = 14 : i64} {
  func.func @_tc_body(%arg0: memref<10000x128xf32, #tpu.memory_space<vmem>>, %arg1: memref<2000x128xf32, #tpu.memory_space<vmem>>, %arg2: memref<2x10016x128xf32, #tpu.memory_space<vmem>>, %arg3: memref<2x10016x128xf32, #tpu.memory_space<vmem>>, %arg4: memref<2x10016x128xf32, #tpu.memory_space<vmem>>, %arg5: memref<2x2048x128xf32, #tpu.memory_space<vmem>>, %arg6: memref<2x2048x128xf32, #tpu.memory_space<vmem>>, %arg7: memref<2x2048x128xf32, #tpu.memory_space<vmem>>, %arg8: memref<1x1xf32, #tpu.memory_space<vmem>>, %arg9: memref<128x128xf32, #tpu.memory_space<vmem>>, %arg10: memref<1x128xf32, #tpu.memory_space<vmem>>, %arg11: memref<1x128xf32, #tpu.memory_space<vmem>>, %arg12: memref<1x128xf32, #tpu.memory_space<vmem>>, %arg13: memref<1x1xf32, #tpu.memory_space<vmem>>, %arg14: memref<128x128xf32, #tpu.memory_space<vmem>>, %arg15: memref<1x128xf32, #tpu.memory_space<vmem>>, %arg16: memref<1x128xf32, #tpu.memory_space<vmem>>, %arg17: memref<1x128xf32, #tpu.memory_space<vmem>>, %arg18: memref<128x128xf32, #tpu.memory_space<vmem>>, %arg19: memref<1x128xf32, #tpu.memory_space<vmem>>, %arg20: memref<128x128xf32, #tpu.memory_space<vmem>>, %arg21: memref<128x128xf32, #tpu.memory_space<vmem>>, %arg22: memref<1x128xf32, #tpu.memory_space<vmem>>, %arg23: memref<128x128xf32, #tpu.memory_space<vmem>>, %arg24: memref<128x128xf32, #tpu.memory_space<vmem>>, %arg25: memref<1x128xf32, #tpu.memory_space<vmem>>, %arg26: memref<128x128xf32, #tpu.memory_space<vmem>>, %arg27: memref<1x128xf32, #tpu.memory_space<vmem>>, %arg28: memref<10000x128xf32, #tpu.memory_space<vmem>>, %arg29: memref<2000x128xf32, #tpu.memory_space<vmem>>) attributes {dimension_semantics = [], scalar_prefetch = 0 : i64, scratch_operands = 0 : i64, tpu.core_type = #tpu.core_type<tc>} {
    %get3A = arith.constant 0 : index
    %get3A_0 = arith.constant 0 : index
    %get3A_1 = vector.load %arg0[%get3A, %get3A_0] : memref<10000x128xf32, #tpu.memory_space<vmem>>, vector<10000x128xf32>
    %get3A_2 = arith.constant 0 : index
    %get3A_3 = arith.constant 0 : index
    %get3A_4 = vector.load %arg1[%get3A_2, %get3A_3] : memref<2000x128xf32, #tpu.memory_space<vmem>>, vector<2000x128xf32>
    %get3A_5 = arith.constant 0 : index
    %get3A_6 = arith.constant 0 : index
    %get3A_7 = arith.constant 0 : index
    %get3A_8 = vector.load %arg2[%get3A_5, %get3A_6, %get3A_7] : memref<2x10016x128xf32, #tpu.memory_space<vmem>>, vector<1x10000x128xf32>
    %get3A_9 = vector.shape_cast %get3A_8 : vector<1x10000x128xf32> to vector<10000x128xf32>
    %get3A_10 = arith.constant 1 : index
    %get3A_11 = arith.constant 0 : index
    %get3A_12 = arith.constant 0 : index
    %get3A_13 = vector.load %arg2[%get3A_10, %get3A_11, %get3A_12] : memref<2x10016x128xf32, #tpu.memory_space<vmem>>, vector<1x10000x128xf32>
    %get3A_14 = vector.shape_cast %get3A_13 : vector<1x10000x128xf32> to vector<10000x128xf32>
    %add3A = arith.addf %get3A_9, %get3A_14 : vector<10000x128xf32>
    %get3A_15 = arith.constant 0 : index
    %get3A_16 = arith.constant 0 : index
    %get3A_17 = vector.load %arg8[%get3A_15, %get3A_16] : memref<1x1xf32, #tpu.memory_space<vmem>>, vector<1x1xf32>
    %get3A_18 = vector.extract %get3A_17[0, 0] : f32 from vector<1x1xf32>
    %add3A_19 = arith.constant 1.000000e+00 : f32
    %add3A_20 = arith.addf %add3A_19, %get3A_18 : f32
    %mul3A = vector.broadcast %add3A_20 : f32 to vector<10000x128xf32>
    %mul3A_21 = arith.mulf %mul3A, %get3A_1 : vector<10000x128xf32>
    %add3A_22 = arith.addf %mul3A_21, %add3A : vector<10000x128xf32>
    %get3A_23 = arith.constant 0 : index
    %get3A_24 = arith.constant 0 : index
    %get3A_25 = vector.load %arg9[%get3A_23, %get3A_24] : memref<128x128xf32, #tpu.memory_space<vmem>>, vector<128x128xf32>
    %get3A_26 = arith.constant 0 : index
    %get3A_27 = arith.constant 0 : index
    %get3A_28 = vector.load %arg10[%get3A_26, %get3A_27] : memref<1x128xf32, #tpu.memory_space<vmem>>, vector<1x128xf32>
    %get3A_29 = arith.constant 0 : index
    %get3A_30 = arith.constant 0 : index
    %get3A_31 = vector.load %arg11[%get3A_29, %get3A_30] : memref<1x128xf32, #tpu.memory_space<vmem>>, vector<1x128xf32>
    %get3A_32 = arith.constant 0 : index
    %get3A_33 = arith.constant 0 : index
    %get3A_34 = vector.load %arg12[%get3A_32, %get3A_33] : memref<1x128xf32, #tpu.memory_space<vmem>>, vector<1x128xf32>
    %dot_general3A = arith.constant dense<0.000000e+00> : vector<10000x128xf32>
    %dot_general3A_35 = tpu.matmul %add3A_22, %get3A_25, %dot_general3A {dimension_numbers = #tpu.dot_dimension_numbers<[1], [1], [0], [0], [0, 0, 1, 0], [], []>, transpose_lhs_hint = false} : vector<10000x128xf32>, vector<128x128xf32>, vector<10000x128xf32> -> vector<10000x128xf32>
    %add3A_36 = vector.broadcast %get3A_28 : vector<1x128xf32> to vector<10000x128xf32>
    %add3A_37 = arith.addf %dot_general3A_35, %add3A_36 : vector<10000x128xf32>
    %reduce_sum3A = arith.constant dense<0.000000e+00> : vector<128xf32>
    %reduce_sum3A_38 = vector.multi_reduction <add>, %add3A_37, %reduce_sum3A [0] : vector<10000x128xf32> to vector<128xf32>
    %broadcast_in_dim3A = vector.shape_cast %reduce_sum3A_38 : vector<128xf32> to vector<1x128xf32>
    %div3A = arith.constant 1.000000e+04 : f32
    %div3A_39 = vector.broadcast %div3A : f32 to vector<1x128xf32>
    %div3A_40 = arith.divf %broadcast_in_dim3A, %div3A_39 : vector<1x128xf32>
    %sub3A = vector.broadcast %div3A_40 : vector<1x128xf32> to vector<10000x128xf32>
    %sub3A_41 = arith.subf %add3A_37, %sub3A : vector<10000x128xf32>
    %mul3A_42 = arith.mulf %sub3A_41, %sub3A_41 : vector<10000x128xf32>
    %reduce_sum3A_43 = arith.constant dense<0.000000e+00> : vector<128xf32>
    %reduce_sum3A_44 = vector.multi_reduction <add>, %mul3A_42, %reduce_sum3A_43 [0] : vector<10000x128xf32> to vector<128xf32>
    %broadcast_in_dim3A_45 = vector.shape_cast %reduce_sum3A_44 : vector<128xf32> to vector<1x128xf32>
    %div3A_46 = arith.constant 1.000000e+04 : f32
    %div3A_47 = vector.broadcast %div3A_46 : f32 to vector<1x128xf32>
    %div3A_48 = arith.divf %broadcast_in_dim3A_45, %div3A_47 : vector<1x128xf32>
    %add3A_49 = arith.constant 9.99999974E-6 : f32
    %add3A_50 = vector.broadcast %add3A_49 : f32 to vector<1x128xf32>
    %add3A_51 = arith.addf %div3A_48, %add3A_50 : vector<1x128xf32>
    %rsqrt3A = math.rsqrt %add3A_51 : vector<1x128xf32>
    %mul3A_52 = vector.broadcast %rsqrt3A : vector<1x128xf32> to vector<10000x128xf32>
    %mul3A_53 = arith.mulf %sub3A_41, %mul3A_52 : vector<10000x128xf32>
    %mul3A_54 = vector.broadcast %get3A_31 : vector<1x128xf32> to vector<10000x128xf32>
    %mul3A_55 = arith.mulf %mul3A_54, %mul3A_53 : vector<10000x128xf32>
    %add3A_56 = vector.broadcast %get3A_34 : vector<1x128xf32> to vector<10000x128xf32>
    %add3A_57 = arith.addf %mul3A_55, %add3A_56 : vector<10000x128xf32>
    %max3A = arith.constant 0.000000e+00 : f32
    %max3A_58 = vector.broadcast %max3A : f32 to vector<10000x128xf32>
    %max3A_59 = arith.maximumf %add3A_57, %max3A_58 : vector<10000x128xf32>
    %get3A_60 = arith.constant 0 : index
    %get3A_61 = arith.constant 0 : index
    %get3A_62 = arith.constant 0 : index
    %get3A_63 = vector.load %arg5[%get3A_60, %get3A_61, %get3A_62] : memref<2x2048x128xf32, #tpu.memory_space<vmem>>, vector<1x2000x128xf32>
    %get3A_64 = vector.shape_cast %get3A_63 : vector<1x2000x128xf32> to vector<2000x128xf32>
    %get3A_65 = arith.constant 1 : index
    %get3A_66 = arith.constant 0 : index
    %get3A_67 = arith.constant 0 : index
    %get3A_68 = vector.load %arg5[%get3A_65, %get3A_66, %get3A_67] : memref<2x2048x128xf32, #tpu.memory_space<vmem>>, vector<1x2000x128xf32>
    %get3A_69 = vector.shape_cast %get3A_68 : vector<1x2000x128xf32> to vector<2000x128xf32>
    %add3A_70 = arith.addf %get3A_64, %get3A_69 : vector<2000x128xf32>
    %get3A_71 = arith.constant 0 : index
    %get3A_72 = arith.constant 0 : index
    %get3A_73 = vector.load %arg13[%get3A_71, %get3A_72] : memref<1x1xf32, #tpu.memory_space<vmem>>, vector<1x1xf32>
    %get3A_74 = vector.extract %get3A_73[0, 0] : f32 from vector<1x1xf32>
    %add3A_75 = arith.constant 1.000000e+00 : f32
    %add3A_76 = arith.addf %add3A_75, %get3A_74 : f32
    %mul3A_77 = vector.broadcast %add3A_76 : f32 to vector<2000x128xf32>
    %mul3A_78 = arith.mulf %mul3A_77, %get3A_4 : vector<2000x128xf32>
    %add3A_79 = arith.addf %mul3A_78, %add3A_70 : vector<2000x128xf32>
    %get3A_80 = arith.constant 0 : index
    %get3A_81 = arith.constant 0 : index
    %get3A_82 = vector.load %arg14[%get3A_80, %get3A_81] : memref<128x128xf32, #tpu.memory_space<vmem>>, vector<128x128xf32>
    %get3A_83 = arith.constant 0 : index
    %get3A_84 = arith.constant 0 : index
    %get3A_85 = vector.load %arg15[%get3A_83, %get3A_84] : memref<1x128xf32, #tpu.memory_space<vmem>>, vector<1x128xf32>
    %get3A_86 = arith.constant 0 : index
    %get3A_87 = arith.constant 0 : index
    %get3A_88 = vector.load %arg16[%get3A_86, %get3A_87] : memref<1x128xf32, #tpu.memory_space<vmem>>, vector<1x128xf32>
    %get3A_89 = arith.constant 0 : index
    %get3A_90 = arith.constant 0 : index
    %get3A_91 = vector.load %arg17[%get3A_89, %get3A_90] : memref<1x128xf32, #tpu.memory_space<vmem>>, vector<1x128xf32>
    %dot_general3A_92 = arith.constant dense<0.000000e+00> : vector<2000x128xf32>
    %dot_general3A_93 = tpu.matmul %add3A_79, %get3A_82, %dot_general3A_92 {dimension_numbers = #tpu.dot_dimension_numbers<[1], [1], [0], [0], [0, 0, 1, 0], [], []>, transpose_lhs_hint = false} : vector<2000x128xf32>, vector<128x128xf32>, vector<2000x128xf32> -> vector<2000x128xf32>
    %add3A_94 = vector.broadcast %get3A_85 : vector<1x128xf32> to vector<2000x128xf32>
    %add3A_95 = arith.addf %dot_general3A_93, %add3A_94 : vector<2000x128xf32>
    %reduce_sum3A_96 = arith.constant dense<0.000000e+00> : vector<128xf32>
    %reduce_sum3A_97 = vector.multi_reduction <add>, %add3A_95, %reduce_sum3A_96 [0] : vector<2000x128xf32> to vector<128xf32>
    %broadcast_in_dim3A_98 = vector.shape_cast %reduce_sum3A_97 : vector<128xf32> to vector<1x128xf32>
    %div3A_99 = arith.constant 2.000000e+03 : f32
    %div3A_100 = vector.broadcast %div3A_99 : f32 to vector<1x128xf32>
    %div3A_101 = arith.divf %broadcast_in_dim3A_98, %div3A_100 : vector<1x128xf32>
    %sub3A_102 = vector.broadcast %div3A_101 : vector<1x128xf32> to vector<2000x128xf32>
    %sub3A_103 = arith.subf %add3A_95, %sub3A_102 : vector<2000x128xf32>
    %mul3A_104 = arith.mulf %sub3A_103, %sub3A_103 : vector<2000x128xf32>
    %reduce_sum3A_105 = arith.constant dense<0.000000e+00> : vector<128xf32>
    %reduce_sum3A_106 = vector.multi_reduction <add>, %mul3A_104, %reduce_sum3A_105 [0] : vector<2000x128xf32> to vector<128xf32>
    %broadcast_in_dim3A_107 = vector.shape_cast %reduce_sum3A_106 : vector<128xf32> to vector<1x128xf32>
    %div3A_108 = arith.constant 2.000000e+03 : f32
    %div3A_109 = vector.broadcast %div3A_108 : f32 to vector<1x128xf32>
    %div3A_110 = arith.divf %broadcast_in_dim3A_107, %div3A_109 : vector<1x128xf32>
    %add3A_111 = arith.constant 9.99999974E-6 : f32
    %add3A_112 = vector.broadcast %add3A_111 : f32 to vector<1x128xf32>
    %add3A_113 = arith.addf %div3A_110, %add3A_112 : vector<1x128xf32>
    %rsqrt3A_114 = math.rsqrt %add3A_113 : vector<1x128xf32>
    %mul3A_115 = vector.broadcast %rsqrt3A_114 : vector<1x128xf32> to vector<2000x128xf32>
    %mul3A_116 = arith.mulf %sub3A_103, %mul3A_115 : vector<2000x128xf32>
    %mul3A_117 = vector.broadcast %get3A_88 : vector<1x128xf32> to vector<2000x128xf32>
    %mul3A_118 = arith.mulf %mul3A_117, %mul3A_116 : vector<2000x128xf32>
    %add3A_119 = vector.broadcast %get3A_91 : vector<1x128xf32> to vector<2000x128xf32>
    %add3A_120 = arith.addf %mul3A_118, %add3A_119 : vector<2000x128xf32>
    %max3A_121 = arith.constant 0.000000e+00 : f32
    %max3A_122 = vector.broadcast %max3A_121 : f32 to vector<2000x128xf32>
    %max3A_123 = arith.maximumf %add3A_120, %max3A_122 : vector<2000x128xf32>
    %get3A_124 = arith.constant 0 : index
    %get3A_125 = arith.constant 0 : index
    %get3A_126 = arith.constant 0 : index
    %get3A_127 = vector.load %arg4[%get3A_124, %get3A_125, %get3A_126] : memref<2x10016x128xf32, #tpu.memory_space<vmem>>, vector<1x10000x1xf32>
    %get3A_128 = vector.shape_cast %get3A_127 : vector<1x10000x1xf32> to vector<10000x1xf32>
    %get3A_129 = arith.constant 1 : index
    %get3A_130 = arith.constant 0 : index
    %get3A_131 = arith.constant 0 : index
    %get3A_132 = vector.load %arg4[%get3A_129, %get3A_130, %get3A_131] : memref<2x10016x128xf32, #tpu.memory_space<vmem>>, vector<1x10000x1xf32>
    %get3A_133 = vector.shape_cast %get3A_132 : vector<1x10000x1xf32> to vector<10000x1xf32>
    %add3A_134 = arith.addf %get3A_128, %get3A_133 : vector<10000x1xf32>
    %get3A_135 = arith.constant 0 : index
    %get3A_136 = arith.constant 0 : index
    %get3A_137 = arith.constant 0 : index
    %get3A_138 = vector.load %arg3[%get3A_135, %get3A_136, %get3A_137] : memref<2x10016x128xf32, #tpu.memory_space<vmem>>, vector<1x10000x128xf32>
    %get3A_139 = vector.shape_cast %get3A_138 : vector<1x10000x128xf32> to vector<10000x128xf32>
    %get3A_140 = arith.constant 1 : index
    %get3A_141 = arith.constant 0 : index
    %get3A_142 = arith.constant 0 : index
    %get3A_143 = vector.load %arg3[%get3A_140, %get3A_141, %get3A_142] : memref<2x10016x128xf32, #tpu.memory_space<vmem>>, vector<1x10000x128xf32>
    %get3A_144 = vector.shape_cast %get3A_143 : vector<1x10000x128xf32> to vector<10000x128xf32>
    %add3A_145 = arith.addf %get3A_139, %get3A_144 : vector<10000x128xf32>
    %max3A_146 = arith.constant 1.000000e+00 : f32
    %max3A_147 = vector.broadcast %max3A_146 : f32 to vector<10000x1xf32>
    %max3A_148 = arith.maximumf %add3A_134, %max3A_147 : vector<10000x1xf32>
    %div3A_149 = vector.broadcast %max3A_148 : vector<10000x1xf32> to vector<10000x128xf32>
    %div3A_150 = arith.divf %add3A_145, %div3A_149 : vector<10000x128xf32>
    %get3A_151 = arith.constant 0 : index
    %get3A_152 = arith.constant 0 : index
    %get3A_153 = vector.load %arg21[%get3A_151, %get3A_152] : memref<128x128xf32, #tpu.memory_space<vmem>>, vector<128x128xf32>
    %dot_general3A_154 = arith.constant dense<0.000000e+00> : vector<10000x128xf32>
    %dot_general3A_155 = tpu.matmul %div3A_150, %get3A_153, %dot_general3A_154 {dimension_numbers = #tpu.dot_dimension_numbers<[1], [1], [0], [0], [0, 0, 1, 0], [], []>, transpose_lhs_hint = false} : vector<10000x128xf32>, vector<128x128xf32>, vector<10000x128xf32> -> vector<10000x128xf32>
    %get3A_156 = arith.constant 0 : index
    %get3A_157 = arith.constant 0 : index
    %get3A_158 = vector.load %arg22[%get3A_156, %get3A_157] : memref<1x128xf32, #tpu.memory_space<vmem>>, vector<1x128xf32>
    %add3A_159 = vector.broadcast %get3A_158 : vector<1x128xf32> to vector<10000x128xf32>
    %add3A_160 = arith.addf %dot_general3A_155, %add3A_159 : vector<10000x128xf32>
    %get3A_161 = arith.constant 0 : index
    %get3A_162 = arith.constant 0 : index
    %get3A_163 = vector.load %arg23[%get3A_161, %get3A_162] : memref<128x128xf32, #tpu.memory_space<vmem>>, vector<128x128xf32>
    %dot_general3A_164 = arith.constant dense<0.000000e+00> : vector<10000x128xf32>
    %dot_general3A_165 = tpu.matmul %get3A_1, %get3A_163, %dot_general3A_164 {dimension_numbers = #tpu.dot_dimension_numbers<[1], [1], [0], [0], [0, 0, 1, 0], [], []>, transpose_lhs_hint = false} : vector<10000x128xf32>, vector<128x128xf32>, vector<10000x128xf32> -> vector<10000x128xf32>
    %add3A_166 = arith.addf %add3A_160, %dot_general3A_165 : vector<10000x128xf32>
    %get3A_167 = arith.constant 0 : index
    %get3A_168 = arith.constant 0 : index
    %get3A_169 = arith.constant 0 : index
    %get3A_170 = vector.load %arg7[%get3A_167, %get3A_168, %get3A_169] : memref<2x2048x128xf32, #tpu.memory_space<vmem>>, vector<1x2000x1xf32>
    %get3A_171 = vector.shape_cast %get3A_170 : vector<1x2000x1xf32> to vector<2000x1xf32>
    %get3A_172 = arith.constant 1 : index
    %get3A_173 = arith.constant 0 : index
    %get3A_174 = arith.constant 0 : index
    %get3A_175 = vector.load %arg7[%get3A_172, %get3A_173, %get3A_174] : memref<2x2048x128xf32, #tpu.memory_space<vmem>>, vector<1x2000x1xf32>
    %get3A_176 = vector.shape_cast %get3A_175 : vector<1x2000x1xf32> to vector<2000x1xf32>
    %add3A_177 = arith.addf %get3A_171, %get3A_176 : vector<2000x1xf32>
    %get3A_178 = arith.constant 0 : index
    %get3A_179 = arith.constant 0 : index
    %get3A_180 = arith.constant 0 : index
    %get3A_181 = vector.load %arg6[%get3A_178, %get3A_179, %get3A_180] : memref<2x2048x128xf32, #tpu.memory_space<vmem>>, vector<1x2000x128xf32>
    %get3A_182 = vector.shape_cast %get3A_181 : vector<1x2000x128xf32> to vector<2000x128xf32>
    %get3A_183 = arith.constant 1 : index
    %get3A_184 = arith.constant 0 : index
    %get3A_185 = arith.constant 0 : index
    %get3A_186 = vector.load %arg6[%get3A_183, %get3A_184, %get3A_185] : memref<2x2048x128xf32, #tpu.memory_space<vmem>>, vector<1x2000x128xf32>
    %get3A_187 = vector.shape_cast %get3A_186 : vector<1x2000x128xf32> to vector<2000x128xf32>
    %add3A_188 = arith.addf %get3A_182, %get3A_187 : vector<2000x128xf32>
    %max3A_189 = arith.constant 1.000000e+00 : f32
    %max3A_190 = vector.broadcast %max3A_189 : f32 to vector<2000x1xf32>
    %max3A_191 = arith.maximumf %add3A_177, %max3A_190 : vector<2000x1xf32>
    %div3A_192 = vector.broadcast %max3A_191 : vector<2000x1xf32> to vector<2000x128xf32>
    %div3A_193 = arith.divf %add3A_188, %div3A_192 : vector<2000x128xf32>
    %get3A_194 = arith.constant 0 : index
    %get3A_195 = arith.constant 0 : index
    %get3A_196 = vector.load %arg18[%get3A_194, %get3A_195] : memref<128x128xf32, #tpu.memory_space<vmem>>, vector<128x128xf32>
    %dot_general3A_197 = arith.constant dense<0.000000e+00> : vector<2000x128xf32>
    %dot_general3A_198 = tpu.matmul %div3A_193, %get3A_196, %dot_general3A_197 {dimension_numbers = #tpu.dot_dimension_numbers<[1], [1], [0], [0], [0, 0, 1, 0], [], []>, transpose_lhs_hint = false} : vector<2000x128xf32>, vector<128x128xf32>, vector<2000x128xf32> -> vector<2000x128xf32>
    %get3A_199 = arith.constant 0 : index
    %get3A_200 = arith.constant 0 : index
    %get3A_201 = vector.load %arg19[%get3A_199, %get3A_200] : memref<1x128xf32, #tpu.memory_space<vmem>>, vector<1x128xf32>
    %add3A_202 = vector.broadcast %get3A_201 : vector<1x128xf32> to vector<2000x128xf32>
    %add3A_203 = arith.addf %dot_general3A_198, %add3A_202 : vector<2000x128xf32>
    %get3A_204 = arith.constant 0 : index
    %get3A_205 = arith.constant 0 : index
    %get3A_206 = vector.load %arg20[%get3A_204, %get3A_205] : memref<128x128xf32, #tpu.memory_space<vmem>>, vector<128x128xf32>
    %dot_general3A_207 = arith.constant dense<0.000000e+00> : vector<2000x128xf32>
    %dot_general3A_208 = tpu.matmul %get3A_4, %get3A_206, %dot_general3A_207 {dimension_numbers = #tpu.dot_dimension_numbers<[1], [1], [0], [0], [0, 0, 1, 0], [], []>, transpose_lhs_hint = false} : vector<2000x128xf32>, vector<128x128xf32>, vector<2000x128xf32> -> vector<2000x128xf32>
    %add3A_209 = arith.addf %add3A_203, %dot_general3A_208 : vector<2000x128xf32>
    %add3A_210 = arith.addf %max3A_59, %add3A_166 : vector<10000x128xf32>
    %get3A_211 = arith.constant 0 : index
    %get3A_212 = arith.constant 0 : index
    %get3A_213 = vector.load %arg24[%get3A_211, %get3A_212] : memref<128x128xf32, #tpu.memory_space<vmem>>, vector<128x128xf32>
    %dot_general3A_214 = arith.constant dense<0.000000e+00> : vector<10000x128xf32>
    %dot_general3A_215 = tpu.matmul %add3A_210, %get3A_213, %dot_general3A_214 {dimension_numbers = #tpu.dot_dimension_numbers<[1], [1], [0], [0], [0, 0, 1, 0], [], []>, transpose_lhs_hint = false} : vector<10000x128xf32>, vector<128x128xf32>, vector<10000x128xf32> -> vector<10000x128xf32>
    %get3A_216 = arith.constant 0 : index
    %get3A_217 = arith.constant 0 : index
    %get3A_218 = vector.load %arg25[%get3A_216, %get3A_217] : memref<1x128xf32, #tpu.memory_space<vmem>>, vector<1x128xf32>
    %add3A_219 = vector.broadcast %get3A_218 : vector<1x128xf32> to vector<10000x128xf32>
    %add3A_220 = arith.addf %dot_general3A_215, %add3A_219 : vector<10000x128xf32>
    %swap3A = arith.constant 0 : index
    %swap3A_221 = arith.constant 0 : index
    %swap3A_222 = vector.load %arg28[%swap3A, %swap3A_221] : memref<10000x128xf32, #tpu.memory_space<vmem>>, vector<10000x128xf32>
    tpu.vector_store %arg28[%swap3A, %swap3A_221], %add3A_220 {strides = array<i32>} : memref<10000x128xf32, #tpu.memory_space<vmem>>, vector<10000x128xf32>,
    %add3A_223 = arith.addf %max3A_123, %add3A_209 : vector<2000x128xf32>
    %get3A_224 = arith.constant 0 : index
    %get3A_225 = arith.constant 0 : index
    %get3A_226 = vector.load %arg26[%get3A_224, %get3A_225] : memref<128x128xf32, #tpu.memory_space<vmem>>, vector<128x128xf32>
    %dot_general3A_227 = arith.constant dense<0.000000e+00> : vector<2000x128xf32>
    %dot_general3A_228 = tpu.matmul %add3A_223, %get3A_226, %dot_general3A_227 {dimension_numbers = #tpu.dot_dimension_numbers<[1], [1], [0], [0], [0, 0, 1, 0], [], []>, transpose_lhs_hint = false} : vector<2000x128xf32>, vector<128x128xf32>, vector<2000x128xf32> -> vector<2000x128xf32>
    %get3A_229 = arith.constant 0 : index
    %get3A_230 = arith.constant 0 : index
    %get3A_231 = vector.load %arg27[%get3A_229, %get3A_230] : memref<1x128xf32, #tpu.memory_space<vmem>>, vector<1x128xf32>
    %add3A_232 = vector.broadcast %get3A_231 : vector<1x128xf32> to vector<2000x128xf32>
    %add3A_233 = arith.addf %dot_general3A_228, %add3A_232 : vector<2000x128xf32>
    %swap3A_234 = arith.constant 0 : index
    %swap3A_235 = arith.constant 0 : index
    %swap3A_236 = vector.load %arg29[%swap3A_234, %swap3A_235] : memref<2000x128xf32, #tpu.memory_space<vmem>>, vector<2000x128xf32>
    tpu.vector_store %arg29[%swap3A_234, %swap3A_235], %add3A_233 {strides = array<i32>} : memref<2000x128xf32, #tpu.memory_space<vmem>>, vector<2000x128xf32>,
    return
  }
}

</mosaic_0001>

<sc_bundles>
// kernel: kernel.4.cloned.1.call-start
scs
__scs_entry_jumppad:
0x0: {  	(pc) =	sbr.rel $0x88, $3  }
0x1: {  	(tag) =	ssettag $0x0;
	lr =	simm.s32 $0x1  }
0x2: {  	[smem:$0x3F85] =	sst lr;
	_ =	strace $0xD0000000  }
0x3: {  	_ = 	snop  }
0x4: {  	_ = 	snop  }
0x5: {  	_ = 	snop  }
0x6: {  	_ = 	snop  }
0x7: {  	_ = 	snop  }
__scs_overlays_trampoline_lowered:
0x8: {  	[smem:$0x3F94] =	sst s0  }
0x9: {  	[smem:$0x3F95] =	sst s1  }
0xa: {  	[smem:$0x3F96] =	sst s2  }
0xb: {  	[smem:$0x3F97] =	sst s3  }
0xc: {  	[smem:$0x3F98] =	sst s4  }
0xd: {  	[smem:$0x3F99] =	sst s5  }
0xe: {  	[smem:$0x3F9A] =	sst s6  }
0xf: {  	[smem:$0x3F9B] =	sst s7  }
0x10: {  	[smem:$0x3F9C] =	sst s8  }
0x11: {  	[smem:$0x3F9D] =	sst s9;
	s0 =	simm.s32 @!p0 $0x0  }
0x12: {  	s1 =	sld [smem:$0x3F83];
	s0 =	simm.s32 @p0 $0x1  }
0x13: {  	[smem:$0x3F9E] =	sst s0;
	s0 =	simm.s32 @!p1 $0x0  }
0x14: {  	s2 =	sld [smem:$0x3F82];
	s0 =	simm.s32 @p1 $0x1  }
0x15: {  	[smem:$0x3F9F] =	sst s0;
	s0 =	simm.s32 @!p2 $0x0  }
0x16: {  	s3 =	sld [smem:$0x3FDB];
	s0 =	simm.s32 @p2 $0x1  }
0x17: {  	s4 =	simm.s32 $0x1BF5;
	[smem:$0x3FA1] =	sst s0  }
0x18: {  	s0 =	sld [smem:$0x3F84];
	_ =	swait.ge [sflag:s4], $0x0  }
0x19: {  	s7 =	sld [smem:$0x3F85]  }
0x1a: {  	s8 =	sadd.s32 $0xFFFFE003, lr  }
0x1b: {  	s9 =	sadd.s32 $0xFFFFFEF7, lr;
	s5 =	simm.s32 $0xFFFFFFFF;
	p2 =	slt.u32 s8, $0xFFFFF086  }
0x1c: {  	p1 =	slt.u32 s9, $0xF7A;
	s5 =	simm.s32 @!p2 $0x0  }
0x1d: {  	s5 =	simm.s32 @p1 $0x1;
	p0 =	seq.s32 s7, s2  }
0x1e: {  	s7 =	smul.u32 @!p0 $0xF7A, s2;
	p2 =	seq.s32 @!p0 s5, $0x0  }
0x1f: {  	s9 =	smul.u32 $0xF7A, s1;
	s8 =	simm.s32 @!p0 $0x1BF5;
	p2 =	por !p2, p0  }
0x20: {  	[sflag:s8] =	ssyncset.s32 @!p0 $0xFFFFF086;
	s6 =	sadd.s32 @!p0 s3, s7;
	s7 =	simm.s32 @!p0 $0x108  }
0x21: {  	s3 =	sadd.s32 s3, s9;
	s6 =	sadd.s32 @!p0 $0x88, s6;
	s7 =	simm.s32 @p2 $0x1082  }
0x22: {  	[simem:s7], [sflag:s8] =	dma.local @!p0 [hbm:s6], $0xF7A  }
0x23: {  	s9 =	sor.u32 $0xD0000000, s2;
	s6 =	simm.s32 $0x108;
	_ =	swait.ge @!p0 [sflag:s8], $0x0  }
0x24: {  	s3 =	sadd.s32 $0x88, s3;
	s6 =	simm.s32 @!p1 $0x1082;
	[sflag:s4] =	ssyncset.s32 $0xFFFFF086  }
0x25: {  	[simem:s6], [sflag:s4] =	dma.local [hbm:s3], $0xF7A  }
0x26: {  	[smem:$0x3F85] =	sst s1;
	(tag) =	ssettag s2;
	_ =	strace s9  }
0x27: {  	s1 =	sld [smem:$0x3F95]  }
0x28: {  	s2 =	sld [smem:$0x3F96]  }
0x29: {  	s4 =	sld [smem:$0x3F98]  }
0x2a: {  	p0 =	seq.s32 s5, $0x0;
	s5 =	sld [smem:$0x3F99]  }
0x2b: {  	s6 =	sld [smem:$0x3F9A]  }
0x2c: {  	s7 =	sld [smem:$0x3F9B]  }
0x2d: {  	s3 =	simm.s32 $0x108;
	s8 =	sld [smem:$0x3F9C]  }
0x2e: {  	s3 =	simm.s32 @!p0 $0x1082;
	s9 =	sld [smem:$0x3F9D]  }
0x2f: {  	lr =	sadd.s32 s0, s3;
	s0 =	sld [smem:$0x3F94]  }
0x30: {  	s3 =	sld [smem:$0x3F97]  }
0x31: {  	[smem:$0x3FA0] =	sst s10  }
0x32: {  	s10 =	sld [smem:$0x3F9E];
	_ =	sdelay $0x3  }
0x33: {  	p0 =	seq.s32 s10, $0x1;
	s10 =	sld [smem:$0x3FA0];
	_ =	sdelay $0x3  }
0x34: {  	[smem:$0x3FA0] =	sst s10  }
0x35: {  	s10 =	sld [smem:$0x3F9F];
	_ =	sdelay $0x3  }
0x36: {  	p1 =	seq.s32 s10, $0x1;
	s10 =	sld [smem:$0x3FA0];
	_ =	sdelay $0x3  }
0x37: {  	[smem:$0x3FA0] =	sst s10  }
0x38: {  	s10 =	sld [smem:$0x3FA1]  }
0x39: {  	_ = 	snop;
	(pc) =	sbr.ind lr, $3  }
0x3a: {  	_ = 	snop  }
0x3b: {  	_ = 	snop  }
0x3c: {  	p2 =	seq.s32 s10, $0x1;
	s10 =	sld [smem:$0x3FA0]  }
0x3d: {  	_ =	shalt  }
0x3e: {  	_ =	shalt  }
0x3f: {  	_ =	shalt  }
0x40: {  	_ =	shalt  }
0x41: {  	_ =	shalt  }
0x42: {  	_ =	shalt  }
0x43: {  	_ =	shalt  }
0x44: {  	_ =	shalt  }
0x45: {  	_ =	shalt  }
0x46: {  	_ =	shalt  }
0x47: {  	_ =	shalt  }
0x48: {  	_ =	shalt  }
0x49: {  	_ =	shalt  }
0x4a: {  	_ =	shalt  }
0x4b: {  	_ =	shalt  }
0x4c: {  	_ =	shalt  }
0x4d: {  	_ =	shalt  }
0x4e: {  	_ =	shalt  }
0x4f: {  	_ =	shalt  }
0x50: {  	_ =	shalt  }
0x51: {  	_ =	shalt  }
0x52: {  	_ =	shalt  }
0x53: {  	_ =	shalt  }
0x54: {  	_ =	shalt  }
0x55: {  	_ =	shalt  }
0x56: {  	_ =	shalt  }
0x57: {  	_ =	shalt  }
0x58: {  	_ =	shalt  }
0x59: {  	_ =	shalt  }
0x5a: {  	_ =	shalt  }
0x5b: {  	_ =	shalt  }
0x5c: {  	_ =	shalt  }
0x5d: {  	_ =	shalt  }
0x5e: {  	_ =	shalt  }
0x5f: {  	_ =	shalt  }
0x60: {  	_ =	shalt  }
0x61: {  	_ =	shalt  }
0x62: {  	_ =	shalt  }
0x63: {  	_ =	shalt  }
0x64: {  	_ =	shalt  }
0x65: {  	_ =	shalt  }
0x66: {  	_ =	shalt  }
0x67: {  	_ =	shalt  }
0x68: {  	_ =	shalt  }
0x69: {  	_ =	shalt  }
0x6a: {  	_ =	shalt  }
0x6b: {  	_ =	shalt  }
0x6c: {  	_ =	shalt  }
0x6d: {  	_ =	shalt  }
0x6e: {  	_ =	shalt  }
0x6f: {  	_ =	shalt  }
0x70: {  	_ =	shalt  }
0x71: {  	_ =	shalt  }
0x72: {  	_ =	shalt  }
0x73: {  	_ =	shalt  }
0x74: {  	_ =	shalt  }
0x75: {  	_ =	shalt  }
0x76: {  	_ =	shalt  }
0x77: {  	_ =	shalt  }
0x78: {  	_ =	shalt  }
0x79: {  	_ =	shalt  }
0x7a: {  	_ =	shalt  }
0x7b: {  	_ =	shalt  }
0x7c: {  	_ =	shalt  }
0x7d: {  	_ =	shalt  }
0x7e: {  	_ =	shalt  }
0x7f: {  	_ =	shalt  }
0x80: {  	_ =	shalt  }
0x81: {  	_ =	shalt  }
0x82: {  	_ =	shalt  }
0x83: {  	_ =	shalt  }
0x84: {  	_ =	shalt  }
0x85: {  	_ =	shalt  }
0x86: {  	_ =	shalt  }
0x87: {  	_ =	shalt  }
.Lfunc_end0:
.L_simem_size_0:
called_computation_lowered:
.L_overlay_start_0:
0x88: {  	s2 =	sld [smem:$0x3FD9]  }
0x89: {  	s3 =	sld [smem:$0x3FFE];
	_ =	sdelay $0x1  }
0x8a: {  	s1 =	srdreg.scid  }
0x8b: {  	s0 =	sand.u32 $0x1, s1  }
0x8c: {  	s14 =	sshll.u32 s0, $0xA;
	s2 =	sadd.s32 s3, s2  }
0x8d: {  	s2 =	sadd.s32 s2, s14  }
0x8e: {  	[smem:$0x3FAC] =	sst s2  }
0x8f: {  	_ = 	snop  }
0x90: {  	s2 =	sld [smem:$0x3FC9]  }
0x91: {  	s15 =	sld [smem:$0x3FD0]  }
0x92: {  	s4 =	sld [smem:$0x3FC7]  }
0x93: {  	s5 =	sld [smem:$0x3FC6]  }
0x94: {  	s7 =	simm.s32 $0xA;
	s8 =	simm.s32 $0x10;
	s6 =	sld [smem:$0x3FC4]  }
0x95: {  	[smem:s8], [sflag:s7] =	dma.local [hbm:s15], $0x1  }
0x96: {  	_ =	swait.eq [sflag:s7], $0x1  }
0x97: {  	[sflag:s7] =	ssyncset.done $0x0  }
0x98: {  	s16 =	sld [smem:$0x10];
	[sflag:s7] =	ssyncadd.s32 $0xFFFFFFFF  }
0x99: {  	s17 =	sld [smem:$0x11];
	(tm) =	ssettm $0x1  }
0x9a: {  	s18 =	sld [smem:$0x3FFB];
	_ =	sdelay $0x3  }
0x9b: {  	_ =	strace s18  }
0x9c: {  	s8 =	sld [smem:$0x3FFC];
	_ =	sdelay $0x3  }
0x9d: {  	_ =	strace s8  }
0x9e: {  	s8 =	sld [smem:$0x3FFD];
	_ =	sdelay $0x3  }
0x9f: {  	_ =	strace s8  }
0xa0: {  	_ =	strace $0x8FFFFFFF  }
0xa1: {  	s19 =	sld [smem:$0x3FDB];
	_ =	sdelay $0x1  }
0xa2: {  	s9 =	simm.s32 $_scs_section_size  }
0xa3: {  	s10 =	simm.s32 $_size__tile_overlayer_lowered;
	s11 =	simm.s32 $_tile_overlayer_lowered  }
0xa4: {  	s22 =	simm.s32 $0x1BFF;
	s21 =	sshll.u32 s11, $0x1;
	s8 =	sadd.s32 s9, s19  }
0xa5: {  	s12 =	simm.s32 $0x0;
	s20 =	sshll.u32 s10, $0x1;
	s10 =	sadd.s32 s21, s8  }
0xa6: {  	[timem:s12], [sflag:s22] =	dma.local [hbm:s10], s20  }
0xa7: {  	_ =	swait.ge [sflag:s22], s20  }
0xa8: {  	s9 =	ssub.s32 $0x0, s20;
	[sflag:s22] =	ssyncset.done $0x0  }
0xa9: {  	[sflag:s22] =	ssyncadd.s32 s9;
	_ =	sdelay $0x1  }
0xaa: {  	s23 =	simm.s32 $0x1B8B  }
0xab: {  	_ =	swait.ge [sflag:s23], $0x1  }
0xac: {  	[sflag:s23] =	ssyncset.done $0x0  }
0xad: {  	s25 =	simm.s32 $0x1B8E;
	s24 =	sld [smem:$0x3FFE];
	[sflag:s23] =	ssyncadd.s32 $0xFFFFFFFF  }
0xae: {  	s26 =	simm.s32 $execute0_lowered;
	[smem:$0x3FD2] =	sst s25  }
0xaf: {  	s10 =	sshll.u32 s26, $0x1;
	_ =	strace $0x80000046;
	[dreg:$0x1] =	wrdreg $0xFFFFFFFF  }
0xb0: {  	s28 =	simm.s32 $_size_execute0_lowered;
	s8 =	sadd.s32 s8, s10;
	[dreg:$0x0] =	wrdreg $0x0  }
0xb1: {  	s10 =	sshll.u32 s28, $0x1;
	[dreg:$0x2] =	wrdreg s8  }
0xb2: {  	[dreg:$0x3] =	wrdreg s10  }
0xb3: {  	[dreg:$0x4] =	wrdreg $0xC0  }
0xb4: {  	_ =	task [dreg:s12], $0x5FFFF  }
0xb5: {  	[dreg:$0x1] =	wrdreg $0xFFFFFFFF  }
0xb6: {  	[dreg:$0x0] =	wrdreg $0x60  }
0xb7: {  	[dreg:$0x2] =	wrdreg s24  }
0xb8: {  	[dreg:$0x3] =	wrdreg s16  }
0xb9: {  	[dreg:$0x4] =	wrdreg s4  }
0xba: {  	[dreg:$0x5] =	wrdreg s17  }
0xbb: {  	[dreg:$0x6] =	wrdreg s6  }
0xbc: {  	[dreg:$0x7] =	wrdreg s2  }
0xbd: {  	[dreg:$0x8] =	wrdreg s5  }
0xbe: {  	[dreg:$0x9] =	wrdreg $0x0  }
0xbf: {  	[dreg:$0xa] =	wrdreg $0x9  }
0xc0: {  	_ =	task.clear_ibuf [dreg:s12], $0xBFFFF;
	_ =	strace $0x90000046  }
0xc1: {  	s29 =	simm.s32 $0x9;
	_ =	strace $0x80000048  }
0xc2: {  	_ =	swait.ge [sflag:s29], $0x1  }
0xc3: {  	[sflag:s29] =	ssyncadd.s32 $0xFFFFFFFF  }
0xc4: {  	_ =	strace $0x90000048  }
0xc5: {  	_ =	sfence  }
0xc6: {  	s30 =	sld [smem:$0x0];
	_ =	sdelay $0x2  }
0xc7: {  	s31 =	sshll.u32 s1, $0xD;
	s1 =	sshrl.u32 s1, $0x2  }
0xc8: {  	s3 =	sand.u32 $0x4000, s31;
	s1 =	sadd.s32 s1, s30  }
0xc9: {  	s0 =	sor.u32 s3, s0;
	s1 =	sshll.u32 s1, $0x11  }
0xca: {  	s0 =	sor.u32 s1, s0  }
0xcb: {  	s0 =	sadd.s32 $0x8F2B, s0  }
0xcc: {  	[sflag:s0] =	ssyncadd.remote.s32 $0x1  }
0xcd: {  	_ =	sfence.sel $0xFFFF  }
0xce: {  	[dreg:$0x0] =	wrdreg $0xFFFFFFFF;
	(pc) =	sbr.abs _section_cstart, $3  }
0xcf: {  	[dreg:$0x1] =	wrdreg $0xFFFFFFFF  }
0xd0: {  	_ =	task.clear_ibuf [dreg:s12], $0x2FFFF;
	_ =	strace $0x9FFFFFFF  }
0xd1: {  	(tm) =	ssettm $0x7FFFFFFF  }
tec
execute0_lowered:
.L_overlay_start_1:
0x0: {  	(tag) =	ssettag $0x1  }
0x1: {  	s0 =	rddreg [dreg:$0x0]  }
0x2: {  	s11 =	rddreg [dreg:$0x2]  }
0x3: {  	s5 =	rddreg [dreg:$0x5]  }
0x4: {  	s7 =	rddreg [dreg:$0x6];
	s1 =	srdreg.scid  }
0x5: {  	s10 =	stileid.u32;
	s8 =	rddreg [dreg:$0x7];
	s9 =	simm.s32 $0x0  }
0x6: {  	s1 =	sand.u32 $0x1, s1;
	s2 =	smul.u32 $0x13900, s10;
	[smem:$0x7FF] =	sst s9  }
0x7: {  	s4 =	sadd.s32 $0x1C00, s0;
	s23 =	sadd.s32 $0xC00, s0;
	s17 =	smul.u32 $0x4E400, s10  }
0x8: {  	s24 =	sadd.s32 $0xC000, s0;
	s6 =	sshll.u32 s10, $0xE;
	s19 =	smul.u32 $0x140, s10  }
0x9: {  	s3 =	smul.u32 $0x139000, s1;
	_ =	strace $0x80000047;
	[dreg:$0x9] =	wrdreg s4  }
0xa: {  	[dreg:$0xa] =	wrdreg s23;
	s12 =	sshll.u32 s1, $0x12;
	s13 =	sshll.u32 s1, $0x4  }
0xb: {  	s14 =	ssub.s32 $0x2, s1;
	s1 =	smul.u32 $0x1400, s1;
	s12 =	sor.u32 s6, s12  }
0xc: {  	s13 =	sor.u32 s10, s13;
	s16 =	sshrl.u32 s14, $0x1;
	s20 =	sshrl.u32 s17, $0x2  }
0xd: {  	s3 =	sadd.s32 s2, s3;
	s12 =	sshrl.u32 s12, $0x3;
	s15 =	smul.u32 $0x140, s13  }
0xe: {  	s1 =	sadd.s32 s19, s1;
	s31 =	sadd.s32 s20, s8;
	s2 =	sadd.s32 s2, s8  }
0xf: {  	s3 =	sshrl.u32 s3, $0x3;
	[dreg:$0x10] =	wrdreg s2;
	s4 =	sadd.s32 $0x2800, s31  }
0x10: {  	s12 =	sadd.s32 s12, s0;
	s19 =	sadd.s32 $0x7800, s31;
	[dreg:$0x11] =	wrdreg s4  }
0x11: {  	s1 =	sshrl.u32 s1, $0x3;
	s20 =	sadd.s32 $0xA000, s31;
	[dreg:$0x13] =	wrdreg s19  }
0x12: {  	s21 =	sadd.s32 $0xC800, s31;
	s22 =	sadd.s32 $0xF000, s31;
	[dreg:$0x14] =	wrdreg s20  }
0x13: {  	s2 =	smul.u32 $0x3E8, s13;
	s3 =	sadd.s32 s3, s0;
	[dreg:$0x15] =	wrdreg s21  }
0x14: {  	s17 =	sadd.s32 s1, s0;
	s0 =	sadd.s32 $0xC600, s0;
	[dreg:$0x16] =	wrdreg s22  }
0x15: {  	s14 =	ssub.s32 s14, s16;
	s25 =	sadd.s32 $0x78, s15;
	[dreg:$0xf] =	wrdreg s0  }
0x16: {  	s18 =	sshrl.u32 s15, $0x3;
	s0 =	sadd.s32 $0x11800, s31;
	[dreg:$0x1d] =	wrdreg s2  }
0x17: {  	s26 =	sadd.s32 $0xC8, s15;
	s23 =	sadd.s32 $0xCC00, s3;
	[dreg:$0x17] =	wrdreg s0  }
0x18: {  	s16 =	sshrl.u32 s25, $0x3;
	s25 =	sadd.s32 $0xA9400, s3;
	[dreg:$0x18] =	wrdreg s23  }
0x19: {  	s15 =	sadd.s32 $0x118, s15;
	s18 =	sadd.s32 s24, s18;
	[dreg:$0x1a] =	wrdreg s25  }
0x1a: {  	s15 =	sshrl.u32 s15, $0x3;
	s16 =	sadd.s32 s24, s16;
	[dreg:$0xb] =	wrdreg s18  }
0x1b: {  	s15 =	sadd.s32 s24, s15;
	[dreg:$0xc] =	wrdreg s16  }
0x1c: {  	s25 =	sadd.s32 $0xA, s18;
	[dreg:$0xe] =	wrdreg s15  }
0x1d: {  	s16 =	sshrl.u32 s26, $0x3;
	s15 =	sadd.s32 $0x5000, s31;
	[smem:$0x7FB] =	sst s25  }
0x1e: {  	s31 =	sadd.s32 s6, s8;
	s6 =	sadd.s32 $0xF7800, s12;
	[dreg:$0x12] =	wrdreg s15  }
0x1f: {  	s26 =	smul.u32 $0x2710, s13;
	s13 =	sadd.s32 $0x117800, s12;
	[dreg:$0x1f] =	wrdreg s6  }
0x20: {  	[smem:$0x7F3] =	sst s13  }
0x21: {  	s16 =	sadd.s32 s24, s16;
	[dreg:$0x1c] =	wrdreg s31  }
0x22: {  	[dreg:$0xd] =	wrdreg s16  }
0x23: {  	s15 =	smax.u32 s14, $0x1;
	[dreg:$0x1b] =	wrdreg s26  }
0x24: {  	s28 =	simm.s32 $0x1;
	s20 =	sadd.s32 $0x2800, s31;
	[smem:$0x7F4] =	sst s15  }
0x25: {  	s19 =	sadd.s32 $0x40000, s31;
	s31 =	sadd.s32 $0x1E, s18;
	[smem:$0x7F6] =	sst s20  }
0x26: {  	s16 =	sadd.s32 s1, s24;
	s24 =	sadd.s32 $0x5B000, s3;
	[smem:$0x7FD] =	sst s31  }
0x27: {  	s3 =	sshll.u32 s10, $0xF;
	s10 =	sadd.s32 $0x107800, s12;
	[dreg:$0x19] =	wrdreg s24  }
0x28: {  	s29 =	sadd.s32 $0x600, s17;
	s0 =	sshrl.u32 s19, $0x3;
	[smem:$0x7F2] =	sst s10  }
0x29: {  	s30 =	sadd.s32 $0xBA00, s17;
	s26 =	sadd.s32 $0x14, s18;
	[smem:$0x7F5] =	sst s0  }
0x2a: {  	s14 =	simm.s32 $0x14D00;
	s4 =	sadd.s32 s3, s8;
	[smem:$0x7FC] =	sst s26  }
0x2b: {  	s15 =	simm.s32 $0x6;
	s24 =	sadd.s32 $0x5, s18;
	[dreg:$0x1e] =	wrdreg s4  }
0x2c: {  	s20 =	simm.s32 $0x1F1D8;
	s21 =	sadd.s32 $0x2800, s4;
	[smem:$0x7FA] =	sst s24  }
0x2d: {  	s1 =	simm.s32 $0x0;
	s22 =	sadd.s32 $0x5000, s4;
	[smem:$0x7F7] =	sst s21  }
0x2e: {  	s26 =	simm.s32 $0x5;
	s23 =	sadd.s32 $0x7800, s4;
	[smem:$0x7F8] =	sst s22  }
0x2f: {  	v0 =	vimm.f32 $1.000000000e+00;
	[smem:$0x7F9] =	sst s23;
	s21 =	simm.s32 $0x28;
	s22 =	simm.s32 $0x1F1B0  }
.LBB2_1:
0x30: {  	[smem:$0x7F1] =	sst s1;
	s0 =	simm.s32 $0x0;
	s1 =	simm.s32 $0x200  }
.LBB2_2:
0x31: {  	p0 =	sne.s32 s1, $0x4E00;
	[tilespmem:s0+$0x13970] =	vst v0  }
0x32: {  	[tilespmem:s0+$0x13900] =	vst v0  }
0x33: {  	[tilespmem:s0+$0x13910] =	vst v0  }
.Ltmp0:
0x34: {  	[tilespmem:s0+$0x13920] =	vst v0;
	(pc) =	sbr.rel @p0 .LBB2_2-.Ltmp0, $4  }
0x35: {  	[tilespmem:s0+$0x13930] =	vst v0  }
0x36: {  	[tilespmem:s0+$0x13940] =	vst v0  }
0x37: {  	[tilespmem:s0+$0x13950] =	vst v0  }
0x38: {  	[tilespmem:s0+$0x13960] =	vst v0;
	s0 =	sshra.s32 s1, $0x2;
	s1 =	sadd.s32 $0x200, s1  }
0x39: {  	[tilespmem:s0+$0x13970] =	vst v0  }
0x3a: {  	[tilespmem:s0+$0x13900] =	vst v0  }
0x3b: {  	[tilespmem:s0+$0x13910] =	vst v0  }
0x3c: {  	[tilespmem:s0+$0x13920] =	vst v0  }
0x3d: {  	[tilespmem:s0+$0x13930] =	vst v0  }
0x3e: {  	[tilespmem:s0+$0x13940] =	vst v0  }
0x3f: {  	[tilespmem:s0+$0x13950] =	vst v0  }
0x40: {  	[tilespmem:s0+$0x13960] =	vst v0;
	s1 =	simm.s32 $0x0;
	s10 =	rddreg [dreg:$0xf]  }
0x41: {  	[tilespmem:s14], [sflag:$0x6] =	stream.linear.gather [hbm4b:s10+s1], $0x2800, $0x38;
	[tilespmem:$0x1F228] =	vst v63  }
0x42: {  	_ =	swait.ge [sflag:s15], $0x2800  }
0x43: {  	[sflag:s15] =	ssyncset.done $0x0  }
0x44: {  	s12 =	rddreg [dreg:$0x10];
	[sflag:s15] =	ssyncadd.s32 $0xFFFFD800  }
0x45: {  	[spmem:s12] =	stream.linear.scatter [tilespmem:s14], [sflag:$0x6], $0x2800, $0x38;
	[tilespmem:$0x1F228] =	vst v63  }
0x46: {  	_ =	swait.ge [sflag:s15], $0x2800  }
0x47: {  	[sflag:s15] =	ssyncset.done $0x0  }
0x48: {  	s13 =	rddreg [dreg:$0x11];
	[sflag:s15] =	ssyncadd.s32 $0xFFFFD800  }
0x49: {  	[spmem:s13] =	stream.linear.scatter [tilespmem:s14], [sflag:$0x6], $0x2800, $0x38;
	[tilespmem:$0x1F228] =	vst v63  }
0x4a: {  	_ =	swait.ge [sflag:s15], $0x2800  }
0x4b: {  	[sflag:s15] =	ssyncset.done $0x0  }
0x4c: {  	s18 =	rddreg [dreg:$0x12];
	[sflag:s15] =	ssyncadd.s32 $0xFFFFD800  }
0x4d: {  	[spmem:s18] =	stream.linear.scatter [tilespmem:s14], [sflag:$0x6], $0x2800, $0x38;
	[tilespmem:$0x1F228] =	vst v63  }
0x4e: {  	_ =	swait.ge [sflag:s15], $0x2800  }
0x4f: {  	[sflag:s15] =	ssyncset.done $0x0  }
0x50: {  	s19 =	rddreg [dreg:$0x13];
	[sflag:s15] =	ssyncadd.s32 $0xFFFFD800  }
0x51: {  	[spmem:s19] =	stream.linear.scatter [tilespmem:s14], [sflag:$0x6], $0x2800, $0x38;
	[tilespmem:$0x1F228] =	vst v63  }
0x52: {  	_ =	swait.ge [sflag:s15], $0x2800  }
0x53: {  	[sflag:s15] =	ssyncset.done $0x0  }
0x54: {  	s23 =	rddreg [dreg:$0x14];
	[sflag:s15] =	ssyncadd.s32 $0xFFFFD800  }
0x55: {  	[spmem:s23] =	stream.linear.scatter [tilespmem:s14], [sflag:$0x6], $0x2800, $0x38;
	[tilespmem:$0x1F228] =	vst v63  }
0x56: {  	_ =	swait.ge [sflag:s15], $0x2800  }
0x57: {  	[sflag:s15] =	ssyncset.done $0x0  }
0x58: {  	s24 =	rddreg [dreg:$0x15];
	[sflag:s15] =	ssyncadd.s32 $0xFFFFD800  }
0x59: {  	[spmem:s24] =	stream.linear.scatter [tilespmem:s14], [sflag:$0x6], $0x2800, $0x38;
	[tilespmem:$0x1F228] =	vst v63  }
0x5a: {  	_ =	swait.ge [sflag:s15], $0x2800  }
0x5b: {  	[sflag:s15] =	ssyncset.done $0x0  }
0x5c: {  	s25 =	rddreg [dreg:$0x16];
	[sflag:s15] =	ssyncadd.s32 $0xFFFFD800  }
0x5d: {  	[spmem:s25] =	stream.linear.scatter [tilespmem:s14], [sflag:$0x6], $0x2800, $0x38;
	[tilespmem:$0x1F228] =	vst v63  }
0x5e: {  	_ =	swait.ge [sflag:s15], $0x2800  }
0x5f: {  	[sflag:s15] =	ssyncset.done $0x0  }
0x60: {  	s31 =	rddreg [dreg:$0x17];
	[sflag:s15] =	ssyncadd.s32 $0xFFFFD800  }
0x61: {  	[spmem:s31] =	stream.linear.scatter [tilespmem:s14], [sflag:$0x6], $0x2100, $0x38;
	[tilespmem:$0x1F228] =	vst v63  }
0x62: {  	_ =	swait.ge [sflag:s15], $0x2100  }
0x63: {  	[sflag:s15] =	ssyncset.done $0x0  }
0x64: {  	[sflag:s15] =	ssyncadd.s32 $0xFFFFDF00  }
0x65: {  	s3 =	simm.s32 $0x0;
	[bflag:$0x0] =	sbarrier.arrive $0xFFFF  }
.LBB2_4:
0x66: {  	s0 =	smul.u32 $0x190, s3  }
0x67: {  	s1 =	rddreg [dreg:$0x1b]  }
0x68: {  	s10 =	rddreg [dreg:$0x9];
	s12 =	simm.s32 $0x1ED00;
	s4 =	sadd.s32 s1, s0  }
0x69: {  	s23 =	simm.s32 $0x0;
	s2 =	rddreg [dreg:$0x1];
	s0 =	sshrl.u32 s4, $0x3  }
0x6a: {  	s19 =	smov.u32 s11;
	s18 =	sadd.s32 $0x50, s4;
	s31 =	sadd.s32 s10, s0  }
0x6b: {  	[tilespmem:s12], [sflag:$0x5] =	stream.linear.gather [hbm4b:s31+s23], $0x50, $0x38;
	[tilespmem:$0x1F228] =	vst v63  }
0x6c: {  	s6 =	simm.s32 $0x1EE90;
	s0 =	sadd.s32 s2, s0;
	s13 =	sshrl.u32 s18, $0x3  }
0x6d: {  	[tilespmem:s6], [sflag:$0x5] =	stream.linear.gather [hbm4b:s0+s23], $0x50, $0x38;
	[tilespmem:$0x1F228] =	vst v63  }
0x6e: {  	s11 =	smov.u32 s2;
	s31 =	sadd.s32 s10, s13;
	s6 =	simm.s32 $0x1ED50  }
0x6f: {  	[tilespmem:s6], [sflag:$0x5] =	stream.linear.gather [hbm4b:s31+s23], $0x50, $0x38;
	[tilespmem:$0x1F228] =	vst v63  }
0x70: {  	s2 =	simm.s32 $0x1EEE0;
	s0 =	sadd.s32 s11, s13  }
0x71: {  	[tilespmem:s2], [sflag:$0x5] =	stream.linear.gather [hbm4b:s0+s23], $0x50, $0x38;
	[tilespmem:$0x1F228] =	vst v63  }
0x72: {  	s2 =	sadd.s32 $0xA0, s4  }
0x73: {  	s0 =	sshrl.u32 s2, $0x3  }
0x74: {  	s31 =	simm.s32 $0x1EDA0;
	s13 =	sadd.s32 s10, s0  }
0x75: {  	[tilespmem:s31], [sflag:$0x5] =	stream.linear.gather [hbm4b:s13+s23], $0x50, $0x38;
	[tilespmem:$0x1F228] =	vst v63  }
0x76: {  	s1 =	sadd.s32 $0xF0, s4;
	s0 =	sadd.s32 s11, s0;
	s13 =	simm.s32 $0x1EF30  }
0x77: {  	[tilespmem:s13], [sflag:$0x5] =	stream.linear.gather [hbm4b:s0+s23], $0x50, $0x38;
	[tilespmem:$0x1F228] =	vst v63  }
0x78: {  	s0 =	sshrl.u32 s1, $0x3  }
0x79: {  	s13 =	simm.s32 $0x1EDF0;
	s31 =	sadd.s32 s10, s0  }
0x7a: {  	[tilespmem:s13], [sflag:$0x5] =	stream.linear.gather [hbm4b:s31+s23], $0x50, $0x38;
	[tilespmem:$0x1F228] =	vst v63  }
0x7b: {  	s0 =	sadd.s32 s11, s0;
	s31 =	simm.s32 $0x1EF80  }
0x7c: {  	[tilespmem:s31], [sflag:$0x5] =	stream.linear.gather [hbm4b:s0+s23], $0x50, $0x38;
	[tilespmem:$0x1F228] =	vst v63  }
0x7d: {  	s0 =	sadd.s32 $0x140, s4  }
0x7e: {  	s31 =	sshrl.u32 s0, $0x3  }
0x7f: {  	s13 =	simm.s32 $0x1EE40;
	s10 =	sadd.s32 s10, s31  }
0x80: {  	[tilespmem:s13], [sflag:$0x5] =	stream.linear.gather [hbm4b:s10+s23], $0x50, $0x38;
	[tilespmem:$0x1F228] =	vst v63  }
0x81: {  	s25 =	simm.s32 $0x1EFD0;
	s31 =	sadd.s32 s11, s31  }
0x82: {  	[tilespmem:s25], [sflag:$0x5] =	stream.linear.gather [hbm4b:s31+s23], $0x50, $0x38;
	[tilespmem:$0x1F228] =	vst v63  }
0x83: {  	_ =	swait.ge [sflag:s26], $0x50  }
0x84: {  	[sflag:s26] =	ssyncset.done $0x0  }
0x85: {  	[sflag:s26] =	ssyncadd.s32 $0xFFFFFFB0  }
0x86: {  	_ =	swait.ge [sflag:s26], $0x50  }
0x87: {  	[sflag:s26] =	ssyncset.done $0x0  }
0x88: {  	[sflag:s26] =	ssyncadd.s32 $0xFFFFFFB0  }
0x89: {  	_ =	swait.ge [sflag:s26], $0x50  }
0x8a: {  	[sflag:s26] =	ssyncset.done $0x0  }
0x8b: {  	[sflag:s26] =	ssyncadd.s32 $0xFFFFFFB0  }
0x8c: {  	_ =	swait.ge [sflag:s26], $0x50  }
0x8d: {  	[sflag:s26] =	ssyncset.done $0x0  }
0x8e: {  	[sflag:s26] =	ssyncadd.s32 $0xFFFFFFB0  }
0x8f: {  	_ =	swait.ge [sflag:s26], $0x50  }
0x90: {  	[sflag:s26] =	ssyncset.done $0x0  }
0x91: {  	[sflag:s26] =	ssyncadd.s32 $0xFFFFFFB0  }
0x92: {  	_ =	swait.ge [sflag:s26], $0x50  }
0x93: {  	[sflag:s26] =	ssyncset.done $0x0  }
0x94: {  	[sflag:s26] =	ssyncadd.s32 $0xFFFFFFB0  }
0x95: {  	_ =	swait.ge [sflag:s26], $0x50  }
0x96: {  	[sflag:s26] =	ssyncset.done $0x0  }
0x97: {  	[sflag:s26] =	ssyncadd.s32 $0xFFFFFFB0  }
0x98: {  	_ =	swait.ge [sflag:s26], $0x50  }
0x99: {  	[sflag:s26] =	ssyncset.done $0x0  }
0x9a: {  	[sflag:s26] =	ssyncadd.s32 $0xFFFFFFB0  }
0x9b: {  	_ =	swait.ge [sflag:s26], $0x50  }
0x9c: {  	[sflag:s26] =	ssyncset.done $0x0  }
0x9d: {  	[sflag:s26] =	ssyncadd.s32 $0xFFFFFFB0  }
0x9e: {  	_ =	swait.ge [sflag:s26], $0x50  }
0x9f: {  	s4 =	sshll.u32 s4, $0x4;
	[sflag:s26] =	ssyncset.done $0x0  }
0xa0: {  	s24 =	simm.s32 $0x50;
	s4 =	sadd.s32 s19, s4;
	[sflag:s26] =	ssyncadd.s32 $0xFFFFFFB0  }
0xa1: {  	[tilespmem:s14], [sflag:$0x1] =	stream.indirect.gather [hbm4b:s5+s24], $0x80, s12, s24, $0xb8;
	[tilespmem:$0x1F228] =	vst v63  }
0xa2: {  	s11 =	smov.u32 s19;
	s19 =	simm.s32 $0x19D00;
	s25 =	sshll.u32 s18, $0x4  }
0xa3: {  	[tilespmem:s19], [sflag:$0x3] =	stream.linear.gather [hbm4b:s4+s23], $0x2800, $0x38;
	[tilespmem:$0x1F228] =	vst v63  }
0xa4: {  	s12 =	simm.s32 $0x50;
	s24 =	simm.s32 $0x17500;
	s4 =	sand.u32 $0x1FFFFF00, s25  }
0xa5: {  	[tilespmem:s24], [sflag:$0x2] =	stream.indirect.gather [hbm4b:s5+s12], $0x80, s6, s12, $0xb8;
	[tilespmem:$0x1F228] =	vst v63  }
0xa6: {  	s31 =	simm.s32 $0x1C500;
	s4 =	sadd.s32 s11, s4  }
0xa7: {  	[tilespmem:s31], [sflag:$0x4] =	stream.linear.gather [hbm4b:s4+s23], $0x2800, $0x38;
	[tilespmem:$0x1F228] =	vst v63  }
0xa8: {  	_ =	swait.ge [sflag:s28], $0x2800  }
0xa9: {  	[sflag:s28] =	ssyncset.done $0x0  }
0xaa: {  	s25 =	simm.s32 $0x3;
	[sflag:s28] =	ssyncadd.s32 $0xFFFFD800  }
0xab: {  	_ =	swait.ge [sflag:s25], $0x2800  }
0xac: {  	[sflag:s25] =	ssyncset.done $0x0  }
0xad: {  	s4 =	simm.s32 $0x0;
	[sflag:s25] =	ssyncadd.s32 $0xFFFFD800  }
0xae: {  	v7 =	vld [tilespmem:s4+$0x19D00]  }
0xaf: {  	v12 =	vld [tilespmem:s4+$0x19D10]  }
0xb0: {  	v6 =	vld [tilespmem:s4+$0x19D20]  }
0xb1: {  	v5 =	vld [tilespmem:s4+$0x19D30]  }
0xb2: {  	v4 =	vld [tilespmem:s4+$0x19D40]  }
0xb3: {  	v3 =	vld [tilespmem:s4+$0x19D50]  }
0xb4: {  	v2 =	vld [tilespmem:s4+$0x19D60]  }
0xb5: {  	v1 =	vld [tilespmem:s4+$0x19D70]  }
0xb6: {  	v13 =	vld [tilespmem:s4+$0x14D00]  }
0xb7: {  	v14 =	vld [tilespmem:s4+$0x14D10]  }
0xb8: {  	v11 =	vld [tilespmem:s4+$0x14D20]  }
0xb9: {  	v10 =	vld [tilespmem:s4+$0x14D30]  }
0xba: {  	v9 =	vld [tilespmem:s4+$0x14D40]  }
0xbb: {  	v8 =	vld [tilespmem:s4+$0x14D50];
	v13 =	vadd.f32 v7, v13  }
0xbc: {  	s18 =	simm.s32 $0x200;
	v12 =	vadd.f32 v12, v14;
	v7 =	vld [tilespmem:s4+$0x14D60]  }
.LBB2_5:
0xbd: {  	s10 =	sshra.s32 s18, $0x2;
	p0 =	sne.s32 s18, $0x9E00;
	v13 =	vmax.f32 v13, $0.0e+00;
	v6 =	vadd.f32 v6, v11;
	v11 =	vld [tilespmem:s4+$0x14D70]  }
0xbe: {  	v14 =	vld [tilespmem:s10+$0x19D00];
	[tilespmem:s4+$0x14D00] =	vst v13;
	v12 =	vmax.f32 v12, $0.0e+00;
	v5 =	vadd.f32 v5, v10  }
0xbf: {  	v15 =	vld [tilespmem:s10+$0x19D10];
	[tilespmem:s4+$0x14D10] =	vst v12;
	v10 =	vmax.f32 v6, $0.0e+00;
	v4 =	vadd.f32 v4, v9  }
0xc0: {  	v6 =	vld [tilespmem:s10+$0x19D20];
	[tilespmem:s4+$0x14D20] =	vst v10;
	v9 =	vmax.f32 v5, $0.0e+00;
	v3 =	vadd.f32 v3, v8  }
0xc1: {  	v5 =	vld [tilespmem:s10+$0x19D30];
	[tilespmem:s4+$0x14D30] =	vst v9;
	v8 =	vmax.f32 v4, $0.0e+00;
	v2 =	vadd.f32 v2, v7  }
0xc2: {  	v4 =	vld [tilespmem:s10+$0x19D40];
	[tilespmem:s4+$0x14D40] =	vst v8;
	v7 =	vmax.f32 v3, $0.0e+00;
	v1 =	vadd.f32 v1, v11  }
0xc3: {  	v3 =	vld [tilespmem:s10+$0x19D50];
	[tilespmem:s4+$0x14D50] =	vst v7;
	v7 =	vmax.f32 v2, $0.0e+00  }
0xc4: {  	v2 =	vld [tilespmem:s10+$0x19D60];
	[tilespmem:s4+$0x14D60] =	vst v7;
	v7 =	vmax.f32 v1, $0.0e+00  }
0xc5: {  	v1 =	vld [tilespmem:s10+$0x19D70];
	[tilespmem:s4+$0x14D70] =	vst v7;
	s4 =	smov.u32 s10  }
0xc6: {  	v7 =	vld [tilespmem:s4+$0x14D00]  }
0xc7: {  	v12 =	vld [tilespmem:s4+$0x14D10]  }
.Ltmp1:
0xc8: {  	v11 =	vld [tilespmem:s4+$0x14D20];
	(pc) =	sbr.rel @p0 .LBB2_5-.Ltmp1, $4  }
0xc9: {  	v10 =	vld [tilespmem:s4+$0x14D30]  }
0xca: {  	v9 =	vld [tilespmem:s4+$0x14D40]  }
0xcb: {  	v13 =	vadd.f32 v14, v7;
	v8 =	vld [tilespmem:s4+$0x14D50]  }
0xcc: {  	s18 =	sadd.s32 $0x200, s18;
	v12 =	vadd.f32 v15, v12;
	v7 =	vld [tilespmem:s4+$0x14D60]  }
0xcd: {  	v13 =	vmax.f32 v13, $0.0e+00;
	v6 =	vadd.f32 v6, v11;
	v11 =	vld [tilespmem:s4+$0x14D70]  }
0xce: {  	[tilespmem:s4+$0x14D00] =	vst v13;
	v12 =	vmax.f32 v12, $0.0e+00;
	v5 =	vadd.f32 v5, v10  }
0xcf: {  	[tilespmem:s4+$0x14D10] =	vst v12;
	v6 =	vmax.f32 v6, $0.0e+00;
	v4 =	vadd.f32 v4, v9  }
0xd0: {  	[tilespmem:s4+$0x14D20] =	vst v6;
	v5 =	vmax.f32 v5, $0.0e+00;
	v3 =	vadd.f32 v3, v8  }
0xd1: {  	[tilespmem:s4+$0x14D30] =	vst v5;
	v4 =	vmax.f32 v4, $0.0e+00;
	v2 =	vadd.f32 v2, v7  }
0xd2: {  	[tilespmem:s4+$0x14D40] =	vst v4;
	v3 =	vmax.f32 v3, $0.0e+00;
	v1 =	vadd.f32 v1, v11  }
0xd3: {  	[tilespmem:s4+$0x14D50] =	vst v3;
	v2 =	vmax.f32 v2, $0.0e+00  }
0xd4: {  	[tilespmem:s4+$0x14D60] =	vst v2;
	v1 =	vmax.f32 v1, $0.0e+00  }
0xd5: {  	s6 =	simm.s32 $0x1EE90;
	[tilespmem:s4+$0x14D70] =	vst v1  }
0xd6: {  	[spmem:s8] =	stream.indirect.scatter.add.f32 [tilespmem:s14], [sflag:$0x6], $0x80, s6, s12, $0xb8;
	[tilespmem:$0x1F228] =	vst v63  }
0xd7: {  	_ =	swait.ge [sflag:s15], $0x2800  }
0xd8: {  	s2 =	sshll.u32 s2, $0x4;
	[sflag:s15] =	ssyncset.done $0x0  }
0xd9: {  	s10 =	simm.s32 $0x1EDA0;
	s2 =	sand.u32 $0x1FFFFF00, s2;
	[sflag:s15] =	ssyncadd.s32 $0xFFFFD800  }
0xda: {  	[tilespmem:s14], [sflag:$0x1] =	stream.indirect.gather [hbm4b:s5+s12], $0x80, s10, s12, $0xb8;
	[tilespmem:$0x1F228] =	vst v63  }
0xdb: {  	s18 =	simm.s32 $0x0;
	s23 =	simm.s32 $0x2;
	s2 =	sadd.s32 s11, s2  }
0xdc: {  	[tilespmem:s19], [sflag:$0x3] =	stream.linear.gather [hbm4b:s2+s18], $0x2800, $0x38;
	[tilespmem:$0x1F228] =	vst v63  }
0xdd: {  	_ =	swait.ge [sflag:s23], $0x2800  }
0xde: {  	[sflag:s23] =	ssyncset.done $0x0  }
0xdf: {  	s31 =	simm.s32 $0x4;
	[sflag:s23] =	ssyncadd.s32 $0xFFFFD800  }
0xe0: {  	_ =	swait.ge [sflag:s31], $0x2800  }
0xe1: {  	[sflag:s31] =	ssyncset.done $0x0  }
0xe2: {  	s2 =	simm.s32 $0x0;
	[sflag:s31] =	ssyncadd.s32 $0xFFFFD800  }
0xe3: {  	v7 =	vld [tilespmem:s2+$0x1C500]  }
0xe4: {  	v12 =	vld [tilespmem:s2+$0x1C510]  }
0xe5: {  	v6 =	vld [tilespmem:s2+$0x1C520]  }
0xe6: {  	v5 =	vld [tilespmem:s2+$0x1C530]  }
0xe7: {  	v4 =	vld [tilespmem:s2+$0x1C540]  }
0xe8: {  	v3 =	vld [tilespmem:s2+$0x1C550]  }
0xe9: {  	v2 =	vld [tilespmem:s2+$0x1C560]  }
0xea: {  	v1 =	vld [tilespmem:s2+$0x1C570]  }
0xeb: {  	v13 =	vld [tilespmem:s2+$0x17500]  }
0xec: {  	v14 =	vld [tilespmem:s2+$0x17510]  }
0xed: {  	v11 =	vld [tilespmem:s2+$0x17520]  }
0xee: {  	v10 =	vld [tilespmem:s2+$0x17530]  }
0xef: {  	v9 =	vld [tilespmem:s2+$0x17540]  }
0xf0: {  	v8 =	vld [tilespmem:s2+$0x17550];
	v13 =	vadd.f32 v7, v13  }
0xf1: {  	s4 =	simm.s32 $0x200;
	v12 =	vadd.f32 v12, v14;
	v7 =	vld [tilespmem:s2+$0x17560]  }
.LBB2_7:
0xf2: {  	s10 =	sshra.s32 s4, $0x2;
	p0 =	sne.s32 s4, $0x9E00;
	v13 =	vmax.f32 v13, $0.0e+00;
	v6 =	vadd.f32 v6, v11;
	v11 =	vld [tilespmem:s2+$0x17570]  }
0xf3: {  	v14 =	vld [tilespmem:s10+$0x1C500];
	[tilespmem:s2+$0x17500] =	vst v13;
	v12 =	vmax.f32 v12, $0.0e+00;
	v5 =	vadd.f32 v5, v10  }
0xf4: {  	v15 =	vld [tilespmem:s10+$0x1C510];
	[tilespmem:s2+$0x17510] =	vst v12;
	v10 =	vmax.f32 v6, $0.0e+00;
	v4 =	vadd.f32 v4, v9  }
0xf5: {  	v6 =	vld [tilespmem:s10+$0x1C520];
	[tilespmem:s2+$0x17520] =	vst v10;
	v9 =	vmax.f32 v5, $0.0e+00;
	v3 =	vadd.f32 v3, v8  }
0xf6: {  	v5 =	vld [tilespmem:s10+$0x1C530];
	[tilespmem:s2+$0x17530] =	vst v9;
	v8 =	vmax.f32 v4, $0.0e+00;
	v2 =	vadd.f32 v2, v7  }
0xf7: {  	v4 =	vld [tilespmem:s10+$0x1C540];
	[tilespmem:s2+$0x17540] =	vst v8;
	v7 =	vmax.f32 v3, $0.0e+00;
	v1 =	vadd.f32 v1, v11  }
0xf8: {  	v3 =	vld [tilespmem:s10+$0x1C550];
	[tilespmem:s2+$0x17550] =	vst v7;
	v7 =	vmax.f32 v2, $0.0e+00  }
0xf9: {  	v2 =	vld [tilespmem:s10+$0x1C560];
	[tilespmem:s2+$0x17560] =	vst v7;
	v7 =	vmax.f32 v1, $0.0e+00  }
0xfa: {  	v1 =	vld [tilespmem:s10+$0x1C570];
	[tilespmem:s2+$0x17570] =	vst v7;
	s2 =	smov.u32 s10  }
0xfb: {  	v7 =	vld [tilespmem:s2+$0x17500]  }
0xfc: {  	v12 =	vld [tilespmem:s2+$0x17510]  }
.Ltmp2:
0xfd: {  	v11 =	vld [tilespmem:s2+$0x17520];
	(pc) =	sbr.rel @p0 .LBB2_7-.Ltmp2, $4  }
0xfe: {  	v10 =	vld [tilespmem:s2+$0x17530]  }
0xff: {  	v9 =	vld [tilespmem:s2+$0x17540]  }
0x100: {  	v13 =	vadd.f32 v14, v7;
	v8 =	vld [tilespmem:s2+$0x17550]  }
0x101: {  	s4 =	sadd.s32 $0x200, s4;
	v12 =	vadd.f32 v15, v12;
	v7 =	vld [tilespmem:s2+$0x17560]  }
0x102: {  	v13 =	vmax.f32 v13, $0.0e+00;
	v6 =	vadd.f32 v6, v11;
	v11 =	vld [tilespmem:s2+$0x17570]  }
0x103: {  	[tilespmem:s2+$0x17500] =	vst v13;
	v12 =	vmax.f32 v12, $0.0e+00;
	v5 =	vadd.f32 v5, v10  }
0x104: {  	[tilespmem:s2+$0x17510] =	vst v12;
	v6 =	vmax.f32 v6, $0.0e+00;
	v4 =	vadd.f32 v4, v9  }
0x105: {  	[tilespmem:s2+$0x17520] =	vst v6;
	v5 =	vmax.f32 v5, $0.0e+00;
	v3 =	vadd.f32 v3, v8  }
0x106: {  	[tilespmem:s2+$0x17530] =	vst v5;
	v4 =	vmax.f32 v4, $0.0e+00;
	v2 =	vadd.f32 v2, v7  }
0x107: {  	[tilespmem:s2+$0x17540] =	vst v4;
	v3 =	vmax.f32 v3, $0.0e+00;
	v1 =	vadd.f32 v1, v11  }
0x108: {  	[tilespmem:s2+$0x17550] =	vst v3;
	v2 =	vmax.f32 v2, $0.0e+00  }
0x109: {  	[tilespmem:s2+$0x17560] =	vst v2;
	v1 =	vmax.f32 v1, $0.0e+00  }
0x10a: {  	s18 =	simm.s32 $0x1EEE0;
	[tilespmem:s2+$0x17570] =	vst v1  }
0x10b: {  	[spmem:s8] =	stream.indirect.scatter.add.f32 [tilespmem:s24], [sflag:$0x6], $0x80, s18, s12, $0xb8;
	[tilespmem:$0x1F228] =	vst v63  }
0x10c: {  	_ =	swait.ge [sflag:s15], $0x2800  }
0x10d: {  	s1 =	sshll.u32 s1, $0x4;
	[sflag:s15] =	ssyncset.done $0x0  }
0x10e: {  	s23 =	simm.s32 $0x1EDF0;
	s1 =	sand.u32 $0x1FFFFF00, s1;
	[sflag:s15] =	ssyncadd.s32 $0xFFFFD800  }
0x10f: {  	[tilespmem:s24], [sflag:$0x2] =	stream.indirect.gather [hbm4b:s5+s12], $0x80, s23, s12, $0xb8;
	[tilespmem:$0x1F228] =	vst v63  }
0x110: {  	s31 =	simm.s32 $0x0;
	s4 =	simm.s32 $0x1C500;
	s1 =	sadd.s32 s11, s1  }
0x111: {  	[tilespmem:s4], [sflag:$0x4] =	stream.linear.gather [hbm4b:s1+s31], $0x2800, $0x38;
	[tilespmem:$0x1F228] =	vst v63  }
0x112: {  	_ =	swait.ge [sflag:s28], $0x2800  }
0x113: {  	[sflag:s28] =	ssyncset.done $0x0  }
0x114: {  	[sflag:s28] =	ssyncadd.s32 $0xFFFFD800  }
0x115: {  	_ =	swait.ge [sflag:s25], $0x2800  }
0x116: {  	[sflag:s25] =	ssyncset.done $0x0  }
0x117: {  	s1 =	simm.s32 $0x0;
	[sflag:s25] =	ssyncadd.s32 $0xFFFFD800  }
0x118: {  	v7 =	vld [tilespmem:s1+$0x19D00]  }
0x119: {  	v12 =	vld [tilespmem:s1+$0x19D10]  }
0x11a: {  	v6 =	vld [tilespmem:s1+$0x19D20]  }
0x11b: {  	v5 =	vld [tilespmem:s1+$0x19D30]  }
0x11c: {  	v4 =	vld [tilespmem:s1+$0x19D40]  }
0x11d: {  	v3 =	vld [tilespmem:s1+$0x19D50]  }
0x11e: {  	v2 =	vld [tilespmem:s1+$0x19D60]  }
0x11f: {  	v1 =	vld [tilespmem:s1+$0x19D70]  }
0x120: {  	v13 =	vld [tilespmem:s1+$0x14D00]  }
0x121: {  	v14 =	vld [tilespmem:s1+$0x14D10]  }
0x122: {  	v11 =	vld [tilespmem:s1+$0x14D20]  }
0x123: {  	v10 =	vld [tilespmem:s1+$0x14D30]  }
0x124: {  	v9 =	vld [tilespmem:s1+$0x14D40]  }
0x125: {  	v8 =	vld [tilespmem:s1+$0x14D50];
	v13 =	vadd.f32 v7, v13  }
0x126: {  	s6 =	simm.s32 $0x1EFD0;
	s2 =	simm.s32 $0x200;
	v12 =	vadd.f32 v12, v14;
	v7 =	vld [tilespmem:s1+$0x14D60]  }
.LBB2_9:
0x127: {  	s4 =	sshra.s32 s2, $0x2;
	p0 =	sne.s32 s2, $0x9E00;
	v13 =	vmax.f32 v13, $0.0e+00;
	v6 =	vadd.f32 v6, v11;
	v11 =	vld [tilespmem:s1+$0x14D70]  }
0x128: {  	v14 =	vld [tilespmem:s4+$0x19D00];
	[tilespmem:s1+$0x14D00] =	vst v13;
	v12 =	vmax.f32 v12, $0.0e+00;
	v5 =	vadd.f32 v5, v10  }
0x129: {  	v15 =	vld [tilespmem:s4+$0x19D10];
	[tilespmem:s1+$0x14D10] =	vst v12;
	v10 =	vmax.f32 v6, $0.0e+00;
	v4 =	vadd.f32 v4, v9  }
0x12a: {  	v6 =	vld [tilespmem:s4+$0x19D20];
	[tilespmem:s1+$0x14D20] =	vst v10;
	v9 =	vmax.f32 v5, $0.0e+00;
	v3 =	vadd.f32 v3, v8  }
0x12b: {  	v5 =	vld [tilespmem:s4+$0x19D30];
	[tilespmem:s1+$0x14D30] =	vst v9;
	v8 =	vmax.f32 v4, $0.0e+00;
	v2 =	vadd.f32 v2, v7  }
0x12c: {  	v4 =	vld [tilespmem:s4+$0x19D40];
	[tilespmem:s1+$0x14D40] =	vst v8;
	v7 =	vmax.f32 v3, $0.0e+00;
	v1 =	vadd.f32 v1, v11  }
0x12d: {  	v3 =	vld [tilespmem:s4+$0x19D50];
	[tilespmem:s1+$0x14D50] =	vst v7;
	v7 =	vmax.f32 v2, $0.0e+00  }
0x12e: {  	v2 =	vld [tilespmem:s4+$0x19D60];
	[tilespmem:s1+$0x14D60] =	vst v7;
	v7 =	vmax.f32 v1, $0.0e+00  }
0x12f: {  	v1 =	vld [tilespmem:s4+$0x19D70];
	[tilespmem:s1+$0x14D70] =	vst v7;
	s1 =	smov.u32 s4  }
0x130: {  	v7 =	vld [tilespmem:s1+$0x14D00]  }
0x131: {  	v12 =	vld [tilespmem:s1+$0x14D10]  }
.Ltmp3:
0x132: {  	v11 =	vld [tilespmem:s1+$0x14D20];
	(pc) =	sbr.rel @p0 .LBB2_9-.Ltmp3, $4  }
0x133: {  	v10 =	vld [tilespmem:s1+$0x14D30]  }
0x134: {  	v9 =	vld [tilespmem:s1+$0x14D40]  }
0x135: {  	v13 =	vadd.f32 v14, v7;
	v8 =	vld [tilespmem:s1+$0x14D50]  }
0x136: {  	s2 =	sadd.s32 $0x200, s2;
	v12 =	vadd.f32 v15, v12;
	v7 =	vld [tilespmem:s1+$0x14D60]  }
0x137: {  	v13 =	vmax.f32 v13, $0.0e+00;
	v6 =	vadd.f32 v6, v11;
	v11 =	vld [tilespmem:s1+$0x14D70]  }
0x138: {  	[tilespmem:s1+$0x14D00] =	vst v13;
	v12 =	vmax.f32 v12, $0.0e+00;
	v5 =	vadd.f32 v5, v10  }
0x139: {  	[tilespmem:s1+$0x14D10] =	vst v12;
	v6 =	vmax.f32 v6, $0.0e+00;
	v4 =	vadd.f32 v4, v9  }
0x13a: {  	[tilespmem:s1+$0x14D20] =	vst v6;
	v5 =	vmax.f32 v5, $0.0e+00;
	v3 =	vadd.f32 v3, v8  }
0x13b: {  	[tilespmem:s1+$0x14D30] =	vst v5;
	v4 =	vmax.f32 v4, $0.0e+00;
	v2 =	vadd.f32 v2, v7  }
0x13c: {  	[tilespmem:s1+$0x14D40] =	vst v4;
	v3 =	vmax.f32 v3, $0.0e+00;
	v1 =	vadd.f32 v1, v11  }
0x13d: {  	[tilespmem:s1+$0x14D50] =	vst v3;
	v2 =	vmax.f32 v2, $0.0e+00  }
0x13e: {  	[tilespmem:s1+$0x14D60] =	vst v2;
	v1 =	vmax.f32 v1, $0.0e+00  }
0x13f: {  	s10 =	simm.s32 $0x1EF30;
	[tilespmem:s1+$0x14D70] =	vst v1  }
0x140: {  	[spmem:s8] =	stream.indirect.scatter.add.f32 [tilespmem:s14], [sflag:$0x6], $0x80, s10, s12, $0xb8;
	[tilespmem:$0x1F228] =	vst v63  }
0x141: {  	_ =	swait.ge [sflag:s15], $0x2800  }
0x142: {  	s0 =	sshll.u32 s0, $0x4;
	[sflag:s15] =	ssyncset.done $0x0  }
0x143: {  	s0 =	sand.u32 $0x1FFFFF00, s0;
	[sflag:s15] =	ssyncadd.s32 $0xFFFFD800  }
0x144: {  	[tilespmem:s14], [sflag:$0x1] =	stream.indirect.gather [hbm4b:s5+s12], $0x80, s13, s12, $0xb8;
	[tilespmem:$0x1F228] =	vst v63  }
0x145: {  	s18 =	simm.s32 $0x0;
	s23 =	simm.s32 $0x2;
	s0 =	sadd.s32 s11, s0  }
0x146: {  	[tilespmem:s19], [sflag:$0x3] =	stream.linear.gather [hbm4b:s0+s18], $0x2800, $0x38;
	[tilespmem:$0x1F228] =	vst v63  }
0x147: {  	_ =	swait.ge [sflag:s23], $0x2800  }
0x148: {  	[sflag:s23] =	ssyncset.done $0x0  }
0x149: {  	s31 =	simm.s32 $0x4;
	[sflag:s23] =	ssyncadd.s32 $0xFFFFD800  }
0x14a: {  	_ =	swait.ge [sflag:s31], $0x2800  }
0x14b: {  	[sflag:s31] =	ssyncset.done $0x0  }
0x14c: {  	s0 =	simm.s32 $0x0;
	[sflag:s31] =	ssyncadd.s32 $0xFFFFD800  }
0x14d: {  	v7 =	vld [tilespmem:s0+$0x1C500]  }
0x14e: {  	v12 =	vld [tilespmem:s0+$0x1C510]  }
0x14f: {  	v6 =	vld [tilespmem:s0+$0x1C520]  }
0x150: {  	v5 =	vld [tilespmem:s0+$0x1C530]  }
0x151: {  	v4 =	vld [tilespmem:s0+$0x1C540]  }
0x152: {  	v3 =	vld [tilespmem:s0+$0x1C550]  }
0x153: {  	v2 =	vld [tilespmem:s0+$0x1C560]  }
0x154: {  	v1 =	vld [tilespmem:s0+$0x1C570]  }
0x155: {  	v13 =	vld [tilespmem:s0+$0x17500]  }
0x156: {  	v14 =	vld [tilespmem:s0+$0x17510]  }
0x157: {  	v11 =	vld [tilespmem:s0+$0x17520]  }
0x158: {  	v10 =	vld [tilespmem:s0+$0x17530]  }
0x159: {  	v9 =	vld [tilespmem:s0+$0x17540]  }
0x15a: {  	v8 =	vld [tilespmem:s0+$0x17550];
	v13 =	vadd.f32 v7, v13  }
0x15b: {  	s1 =	simm.s32 $0x200;
	v12 =	vadd.f32 v12, v14;
	v7 =	vld [tilespmem:s0+$0x17560]  }
.LBB2_11:
0x15c: {  	s2 =	sshra.s32 s1, $0x2;
	p0 =	sne.s32 s1, $0x9E00;
	v13 =	vmax.f32 v13, $0.0e+00;
	v6 =	vadd.f32 v6, v11;
	v11 =	vld [tilespmem:s0+$0x17570]  }
0x15d: {  	v14 =	vld [tilespmem:s2+$0x1C500];
	[tilespmem:s0+$0x17500] =	vst v13;
	v12 =	vmax.f32 v12, $0.0e+00;
	v5 =	vadd.f32 v5, v10  }
0x15e: {  	v15 =	vld [tilespmem:s2+$0x1C510];
	[tilespmem:s0+$0x17510] =	vst v12;
	v10 =	vmax.f32 v6, $0.0e+00;
	v4 =	vadd.f32 v4, v9  }
0x15f: {  	v6 =	vld [tilespmem:s2+$0x1C520];
	[tilespmem:s0+$0x17520] =	vst v10;
	v9 =	vmax.f32 v5, $0.0e+00;
	v3 =	vadd.f32 v3, v8  }
0x160: {  	v5 =	vld [tilespmem:s2+$0x1C530];
	[tilespmem:s0+$0x17530] =	vst v9;
	v8 =	vmax.f32 v4, $0.0e+00;
	v2 =	vadd.f32 v2, v7  }
0x161: {  	v4 =	vld [tilespmem:s2+$0x1C540];
	[tilespmem:s0+$0x17540] =	vst v8;
	v7 =	vmax.f32 v3, $0.0e+00;
	v1 =	vadd.f32 v1, v11  }
0x162: {  	v3 =	vld [tilespmem:s2+$0x1C550];
	[tilespmem:s0+$0x17550] =	vst v7;
	v7 =	vmax.f32 v2, $0.0e+00  }
0x163: {  	v2 =	vld [tilespmem:s2+$0x1C560];
	[tilespmem:s0+$0x17560] =	vst v7;
	v7 =	vmax.f32 v1, $0.0e+00  }
0x164: {  	v1 =	vld [tilespmem:s2+$0x1C570];
	[tilespmem:s0+$0x17570] =	vst v7;
	s0 =	smov.u32 s2  }
0x165: {  	v7 =	vld [tilespmem:s0+$0x17500]  }
0x166: {  	v12 =	vld [tilespmem:s0+$0x17510]  }
.Ltmp4:
0x167: {  	v11 =	vld [tilespmem:s0+$0x17520];
	(pc) =	sbr.rel @p0 .LBB2_11-.Ltmp4, $4  }
0x168: {  	v10 =	vld [tilespmem:s0+$0x17530]  }
0x169: {  	v9 =	vld [tilespmem:s0+$0x17540]  }
0x16a: {  	v13 =	vadd.f32 v14, v7;
	v8 =	vld [tilespmem:s0+$0x17550]  }
0x16b: {  	s1 =	sadd.s32 $0x200, s1;
	v12 =	vadd.f32 v15, v12;
	v7 =	vld [tilespmem:s0+$0x17560]  }
0x16c: {  	v13 =	vmax.f32 v13, $0.0e+00;
	v6 =	vadd.f32 v6, v11;
	v11 =	vld [tilespmem:s0+$0x17570]  }
0x16d: {  	[tilespmem:s0+$0x17500] =	vst v13;
	v12 =	vmax.f32 v12, $0.0e+00;
	v5 =	vadd.f32 v5, v10  }
0x16e: {  	[tilespmem:s0+$0x17510] =	vst v12;
	v6 =	vmax.f32 v6, $0.0e+00;
	v4 =	vadd.f32 v4, v9  }
0x16f: {  	[tilespmem:s0+$0x17520] =	vst v6;
	v5 =	vmax.f32 v5, $0.0e+00;
	v3 =	vadd.f32 v3, v8  }
0x170: {  	[tilespmem:s0+$0x17530] =	vst v5;
	v4 =	vmax.f32 v4, $0.0e+00;
	v2 =	vadd.f32 v2, v7  }
0x171: {  	[tilespmem:s0+$0x17540] =	vst v4;
	v3 =	vmax.f32 v3, $0.0e+00;
	v1 =	vadd.f32 v1, v11  }
0x172: {  	[tilespmem:s0+$0x17550] =	vst v3;
	v2 =	vmax.f32 v2, $0.0e+00  }
0x173: {  	[tilespmem:s0+$0x17560] =	vst v2;
	v1 =	vmax.f32 v1, $0.0e+00  }
0x174: {  	s31 =	simm.s32 $0x1EF80;
	[tilespmem:s0+$0x17570] =	vst v1  }
0x175: {  	[spmem:s8] =	stream.indirect.scatter.add.f32 [tilespmem:s24], [sflag:$0x6], $0x80, s31, s12, $0xb8;
	[tilespmem:$0x1F228] =	vst v63  }
0x176: {  	_ =	swait.ge [sflag:s15], $0x2800  }
0x177: {  	[sflag:s15] =	ssyncset.done $0x0  }
0x178: {  	[sflag:s15] =	ssyncadd.s32 $0xFFFFD800  }
0x179: {  	_ =	swait.ge [sflag:s28], $0x2800  }
0x17a: {  	[sflag:s28] =	ssyncset.done $0x0  }
0x17b: {  	[sflag:s28] =	ssyncadd.s32 $0xFFFFD800  }
0x17c: {  	_ =	swait.ge [sflag:s25], $0x2800  }
0x17d: {  	[sflag:s25] =	ssyncset.done $0x0  }
0x17e: {  	s0 =	simm.s32 $0x0;
	[sflag:s25] =	ssyncadd.s32 $0xFFFFD800  }
0x17f: {  	v7 =	vld [tilespmem:s0+$0x19D00]  }
0x180: {  	v12 =	vld [tilespmem:s0+$0x19D10]  }
0x181: {  	v6 =	vld [tilespmem:s0+$0x19D20]  }
0x182: {  	v5 =	vld [tilespmem:s0+$0x19D30]  }
0x183: {  	v4 =	vld [tilespmem:s0+$0x19D40]  }
0x184: {  	v3 =	vld [tilespmem:s0+$0x19D50]  }
0x185: {  	v2 =	vld [tilespmem:s0+$0x19D60]  }
0x186: {  	v1 =	vld [tilespmem:s0+$0x19D70]  }
0x187: {  	v13 =	vld [tilespmem:s0+$0x14D00]  }
0x188: {  	v14 =	vld [tilespmem:s0+$0x14D10]  }
0x189: {  	v11 =	vld [tilespmem:s0+$0x14D20]  }
0x18a: {  	v10 =	vld [tilespmem:s0+$0x14D30]  }
0x18b: {  	v9 =	vld [tilespmem:s0+$0x14D40]  }
0x18c: {  	v8 =	vld [tilespmem:s0+$0x14D50];
	v13 =	vadd.f32 v7, v13  }
0x18d: {  	s1 =	simm.s32 $0x200;
	v12 =	vadd.f32 v12, v14;
	v7 =	vld [tilespmem:s0+$0x14D60]  }
.LBB2_13:
0x18e: {  	s2 =	sshra.s32 s1, $0x2;
	p0 =	sne.s32 s1, $0x9E00;
	v13 =	vmax.f32 v13, $0.0e+00;
	v6 =	vadd.f32 v6, v11;
	v11 =	vld [tilespmem:s0+$0x14D70]  }
0x18f: {  	v14 =	vld [tilespmem:s2+$0x19D00];
	[tilespmem:s0+$0x14D00] =	vst v13;
	v12 =	vmax.f32 v12, $0.0e+00;
	v5 =	vadd.f32 v5, v10  }
0x190: {  	v15 =	vld [tilespmem:s2+$0x19D10];
	[tilespmem:s0+$0x14D10] =	vst v12;
	v10 =	vmax.f32 v6, $0.0e+00;
	v4 =	vadd.f32 v4, v9  }
0x191: {  	v6 =	vld [tilespmem:s2+$0x19D20];
	[tilespmem:s0+$0x14D20] =	vst v10;
	v9 =	vmax.f32 v5, $0.0e+00;
	v3 =	vadd.f32 v3, v8  }
0x192: {  	v5 =	vld [tilespmem:s2+$0x19D30];
	[tilespmem:s0+$0x14D30] =	vst v9;
	v8 =	vmax.f32 v4, $0.0e+00;
	v2 =	vadd.f32 v2, v7  }
0x193: {  	v4 =	vld [tilespmem:s2+$0x19D40];
	[tilespmem:s0+$0x14D40] =	vst v8;
	v7 =	vmax.f32 v3, $0.0e+00;
	v1 =	vadd.f32 v1, v11  }
0x194: {  	v3 =	vld [tilespmem:s2+$0x19D50];
	[tilespmem:s0+$0x14D50] =	vst v7;
	v7 =	vmax.f32 v2, $0.0e+00  }
0x195: {  	v2 =	vld [tilespmem:s2+$0x19D60];
	[tilespmem:s0+$0x14D60] =	vst v7;
	v7 =	vmax.f32 v1, $0.0e+00  }
0x196: {  	v1 =	vld [tilespmem:s2+$0x19D70];
	[tilespmem:s0+$0x14D70] =	vst v7;
	s0 =	smov.u32 s2  }
0x197: {  	v7 =	vld [tilespmem:s0+$0x14D00]  }
0x198: {  	v12 =	vld [tilespmem:s0+$0x14D10]  }
.Ltmp5:
0x199: {  	v11 =	vld [tilespmem:s0+$0x14D20];
	(pc) =	sbr.rel @p0 .LBB2_13-.Ltmp5, $4  }
0x19a: {  	v10 =	vld [tilespmem:s0+$0x14D30]  }
0x19b: {  	v9 =	vld [tilespmem:s0+$0x14D40]  }
0x19c: {  	v13 =	vadd.f32 v14, v7;
	v8 =	vld [tilespmem:s0+$0x14D50]  }
0x19d: {  	s1 =	sadd.s32 $0x200, s1;
	v12 =	vadd.f32 v15, v12;
	v7 =	vld [tilespmem:s0+$0x14D60]  }
0x19e: {  	v13 =	vmax.f32 v13, $0.0e+00;
	v6 =	vadd.f32 v6, v11;
	v63 =	vld [tilespmem:s0+$0x14D70]  }
0x19f: {  	[tilespmem:s0+$0x14D00] =	vst v13;
	v12 =	vmax.f32 v12, $0.0e+00;
	v5 =	vadd.f32 v5, v10  }
0x1a0: {  	[tilespmem:s0+$0x14D10] =	vst v12;
	v6 =	vmax.f32 v6, $0.0e+00;
	v4 =	vadd.f32 v4, v9  }
0x1a1: {  	[tilespmem:s0+$0x14D20] =	vst v6;
	v5 =	vmax.f32 v5, $0.0e+00;
	v3 =	vadd.f32 v3, v8  }
0x1a2: {  	[tilespmem:s0+$0x14D30] =	vst v5;
	v4 =	vmax.f32 v4, $0.0e+00;
	v2 =	vadd.f32 v2, v7  }
0x1a3: {  	[tilespmem:s0+$0x14D40] =	vst v4;
	v3 =	vmax.f32 v3, $0.0e+00;
	v1 =	vadd.f32 v1, v63  }
0x1a4: {  	s3 =	sadd.s32 $0x1, s3;
	[tilespmem:s0+$0x14D50] =	vst v3;
	v2 =	vmax.f32 v2, $0.0e+00  }
0x1a5: {  	p0 =	sne.s32 s3, $0x19;
	[tilespmem:s0+$0x14D60] =	vst v2;
	v1 =	vmax.f32 v1, $0.0e+00  }
.Ltmp6:
0x1a6: {  	[tilespmem:s0+$0x14D70] =	vst v1;
	(pc) =	sbr.rel @p0 .LBB2_4-.Ltmp6, $4  }
0x1a7: {  	[spmem:s8] =	stream.indirect.scatter.add.f32 [tilespmem:s14], [sflag:$0x6], $0x80, s6, s12, $0xb8;
	[tilespmem:$0x1F228] =	vst v63  }
0x1a8: {  	_ =	swait.ge [sflag:s15], $0x2800  }
0x1a9: {  	[sflag:s15] =	ssyncset.done $0x0  }
0x1aa: {  	[sflag:s15] =	ssyncadd.s32 $0xFFFFD800  }
0x1ab: {  	s0 =	stileid.u32;
	[bflag:$0x0] =	sbarrier.arrive $0xFFFF  }
0x1ac: {  	s0 =	sshll.u32 s0, $0x6;
	s3 =	rddreg [dreg:$0x10]  }
0x1ad: {  	s1 =	rddreg [dreg:$0x18];
	s6 =	sor.u32 $0x1C06, s0;
	s0 =	sshrl.u32 s3, $0x3  }
0x1ae: {  	[hbm:s1], [sflag:s6] =	dma.local [spmem:s0], $0x2720  }
0x1af: {  	_ =	swait.ge [sflag:s15], $0x2720  }
0x1b0: {  	[sflag:s15] =	ssyncset.done $0x0  }
0x1b1: {  	[sflag:s15] =	ssyncadd.s32 $0xFFFFD8E0  }
0x1b2: {  	[bflag:$0x0] =	sbarrier.arrive $0xFFFF  }
0x1b3: {  	s4 =	simm.s32 $0x0;
	s2 =	rddreg [dreg:$0xf]  }
0x1b4: {  	[tilespmem:s14], [sflag:$0x6] =	stream.linear.gather [hbm4b:s2+s4], $0x2800, $0x38;
	[tilespmem:$0x1F228] =	vst v63  }
0x1b5: {  	_ =	swait.ge [sflag:s15], $0x2800  }
0x1b6: {  	[sflag:s15] =	ssyncset.done $0x0  }
0x1b7: {  	[sflag:s15] =	ssyncadd.s32 $0xFFFFD800  }
0x1b8: {  	[spmem:s3] =	stream.linear.scatter [tilespmem:s14], [sflag:$0x6], $0x2800, $0x38;
	[tilespmem:$0x1F228] =	vst v63  }
0x1b9: {  	_ =	swait.ge [sflag:s15], $0x2800  }
0x1ba: {  	[sflag:s15] =	ssyncset.done $0x0  }
0x1bb: {  	s10 =	rddreg [dreg:$0x11];
	[sflag:s15] =	ssyncadd.s32 $0xFFFFD800  }
0x1bc: {  	[spmem:s10] =	stream.linear.scatter [tilespmem:s14], [sflag:$0x6], $0x2800, $0x38;
	[tilespmem:$0x1F228] =	vst v63  }
0x1bd: {  	_ =	swait.ge [sflag:s15], $0x2800  }
0x1be: {  	[sflag:s15] =	ssyncset.done $0x0  }
0x1bf: {  	s12 =	rddreg [dreg:$0x12];
	[sflag:s15] =	ssyncadd.s32 $0xFFFFD800  }
0x1c0: {  	[spmem:s12] =	stream.linear.scatter [tilespmem:s14], [sflag:$0x6], $0x2800, $0x38;
	[tilespmem:$0x1F228] =	vst v63  }
0x1c1: {  	_ =	swait.ge [sflag:s15], $0x2800  }
0x1c2: {  	[sflag:s15] =	ssyncset.done $0x0  }
0x1c3: {  	s13 =	rddreg [dreg:$0x13];
	[sflag:s15] =	ssyncadd.s32 $0xFFFFD800  }
0x1c4: {  	[spmem:s13] =	stream.linear.scatter [tilespmem:s14], [sflag:$0x6], $0x2800, $0x38;
	[tilespmem:$0x1F228] =	vst v63  }
0x1c5: {  	_ =	swait.ge [sflag:s15], $0x2800  }
0x1c6: {  	[sflag:s15] =	ssyncset.done $0x0  }
0x1c7: {  	s18 =	rddreg [dreg:$0x14];
	[sflag:s15] =	ssyncadd.s32 $0xFFFFD800  }
0x1c8: {  	[spmem:s18] =	stream.linear.scatter [tilespmem:s14], [sflag:$0x6], $0x2800, $0x38;
	[tilespmem:$0x1F228] =	vst v63  }
0x1c9: {  	_ =	swait.ge [sflag:s15], $0x2800  }
0x1ca: {  	[sflag:s15] =	ssyncset.done $0x0  }
0x1cb: {  	s19 =	rddreg [dreg:$0x15];
	[sflag:s15] =	ssyncadd.s32 $0xFFFFD800  }
0x1cc: {  	[spmem:s19] =	stream.linear.scatter [tilespmem:s14], [sflag:$0x6], $0x2800, $0x38;
	[tilespmem:$0x1F228] =	vst v63  }
0x1cd: {  	_ =	swait.ge [sflag:s15], $0x2800  }
0x1ce: {  	[sflag:s15] =	ssyncset.done $0x0  }
0x1cf: {  	s23 =	rddreg [dreg:$0x16];
	[sflag:s15] =	ssyncadd.s32 $0xFFFFD800  }
0x1d0: {  	[spmem:s23] =	stream.linear.scatter [tilespmem:s14], [sflag:$0x6], $0x2800, $0x38;
	[tilespmem:$0x1F228] =	vst v63  }
0x1d1: {  	_ =	swait.ge [sflag:s15], $0x2800  }
0x1d2: {  	[sflag:s15] =	ssyncset.done $0x0  }
0x1d3: {  	s24 =	rddreg [dreg:$0x17];
	[sflag:s15] =	ssyncadd.s32 $0xFFFFD800  }
0x1d4: {  	[spmem:s24] =	stream.linear.scatter [tilespmem:s14], [sflag:$0x6], $0x2100, $0x38;
	[tilespmem:$0x1F228] =	vst v63  }
0x1d5: {  	_ =	swait.ge [sflag:s15], $0x2100  }
0x1d6: {  	[sflag:s15] =	ssyncset.done $0x0  }
0x1d7: {  	[sflag:s15] =	ssyncadd.s32 $0xFFFFDF00  }
0x1d8: {  	s25 =	sadd.s32 $0x0, s29;
	[bflag:$0x0] =	sbarrier.arrive $0xFFFF  }
0x1d9: {  	[tilespmem:s20], [sflag:$0x6] =	stream.linear.gather [hbm4b:s25+s9], $0x28, $0x38;
	[tilespmem:$0x1F228] =	vst v63  }
0x1da: {  	_ =	swait.ge [sflag:s15], $0x28  }
0x1db: {  	[sflag:s15] =	ssyncset.done $0x0  }
0x1dc: {  	[sflag:s15] =	ssyncadd.s32 $0xFFFFFFD8  }
0x1dd: {  	[tilespmem:s14], [sflag:$0x1] =	stream.indirect.gather [hbm4b:s7+s21], $0x80, s20, s21, $0xb8;
	[tilespmem:$0x1F228] =	vst v63  }
0x1de: {  	s31 =	sadd.s32 $0x0, s16  }
0x1df: {  	[tilespmem:s22], [sflag:$0x6] =	stream.linear.gather [hbm4b:s31+s9], $0x28, $0x38;
	[tilespmem:$0x1F228] =	vst v63  }
0x1e0: {  	_ =	swait.ge [sflag:s15], $0x28  }
0x1e1: {  	[sflag:s15] =	ssyncset.done $0x0  }
0x1e2: {  	[sflag:s15] =	ssyncadd.s32 $0xFFFFFFD8  }
0x1e3: {  	_ =	swait.ge [sflag:s28], $0x1400  }
0x1e4: {  	[sflag:s28] =	ssyncset.done $0x0  }
0x1e5: {  	[sflag:s28] =	ssyncadd.s32 $0xFFFFEC00  }
0x1e6: {  	[spmem:s8] =	stream.indirect.scatter.add.f32 [tilespmem:s14], [sflag:$0x6], $0x80, s22, s21, $0xb8;
	[tilespmem:$0x1F228] =	vst v63  }
0x1e7: {  	_ =	swait.ge [sflag:s15], $0x1400  }
0x1e8: {  	s1 =	simm.s32 $0x5;
	s2 =	simm.s32 $0xA;
	[sflag:s15] =	ssyncset.done $0x0  }
.LBB2_16:
0x1e9: {  	s3 =	sadd.s32 s1, s29  }
0x1ea: {  	[sflag:s15] =	ssyncadd.s32 $0xFFFFEC00;
	s4 =	smov.u32 s2;
	s10 =	sadd.s32 $0x5, s2  }
0x1eb: {  	[tilespmem:s20], [sflag:$0x6] =	stream.linear.gather [hbm4b:s3+s9], $0x28, $0x38;
	[tilespmem:$0x1F228] =	vst v63  }
0x1ec: {  	p0 =	sne.s32 s2, $0x23;
	_ =	swait.ge [sflag:s15], $0x28  }
0x1ed: {  	[sflag:s15] =	ssyncset.done $0x0  }
0x1ee: {  	[sflag:s15] =	ssyncadd.s32 $0xFFFFFFD8  }
0x1ef: {  	[tilespmem:s14], [sflag:$0x1] =	stream.indirect.gather [hbm4b:s7+s21], $0x80, s20, s21, $0xb8;
	[tilespmem:$0x1F228] =	vst v63  }
0x1f0: {  	s2 =	sadd.s32 s1, s16;
	s1 =	smov.u32 s4  }
0x1f1: {  	[tilespmem:s22], [sflag:$0x6] =	stream.linear.gather [hbm4b:s2+s9], $0x28, $0x38;
	[tilespmem:$0x1F228] =	vst v63  }
0x1f2: {  	_ =	swait.ge [sflag:s15], $0x28  }
0x1f3: {  	[sflag:s15] =	ssyncset.done $0x0  }
0x1f4: {  	[sflag:s15] =	ssyncadd.s32 $0xFFFFFFD8  }
0x1f5: {  	_ =	swait.ge [sflag:s28], $0x1400  }
.Ltmp7:
0x1f6: {  	[sflag:s28] =	ssyncset.done $0x0;
	(pc) =	sbr.rel @p0 .LBB2_16-.Ltmp7, $4  }
0x1f7: {  	[sflag:s28] =	ssyncadd.s32 $0xFFFFEC00  }
0x1f8: {  	[spmem:s8] =	stream.indirect.scatter.add.f32 [tilespmem:s14], [sflag:$0x6], $0x80, s22, s21, $0xb8;
	[tilespmem:$0x1F228] =	vst v63  }
0x1f9: {  	_ =	swait.ge [sflag:s15], $0x1400  }
0x1fa: {  	s2 =	smov.u32 s10;
	[sflag:s15] =	ssyncset.done $0x0  }
0x1fb: {  	s2 =	sadd.s32 s1, s29;
	[sflag:s15] =	ssyncadd.s32 $0xFFFFEC00  }
0x1fc: {  	[tilespmem:s20], [sflag:$0x6] =	stream.linear.gather [hbm4b:s2+s9], $0x28, $0x38;
	[tilespmem:$0x1F228] =	vst v63  }
0x1fd: {  	_ =	swait.ge [sflag:s15], $0x28  }
0x1fe: {  	[sflag:s15] =	ssyncset.done $0x0  }
0x1ff: {  	[sflag:s15] =	ssyncadd.s32 $0xFFFFFFD8  }
0x200: {  	[tilespmem:s14], [sflag:$0x1] =	stream.indirect.gather [hbm4b:s7+s21], $0x80, s20, s21, $0xb8;
	[tilespmem:$0x1F228] =	vst v63  }
0x201: {  	s31 =	sadd.s32 s1, s16  }
0x202: {  	[tilespmem:s22], [sflag:$0x6] =	stream.linear.gather [hbm4b:s31+s9], $0x28, $0x38;
	[tilespmem:$0x1F228] =	vst v63  }
0x203: {  	_ =	swait.ge [sflag:s15], $0x28  }
0x204: {  	[sflag:s15] =	ssyncset.done $0x0  }
0x205: {  	[sflag:s15] =	ssyncadd.s32 $0xFFFFFFD8  }
0x206: {  	_ =	swait.ge [sflag:s28], $0x1400  }
0x207: {  	[sflag:s28] =	ssyncset.done $0x0  }
0x208: {  	[sflag:s28] =	ssyncadd.s32 $0xFFFFEC00  }
0x209: {  	[spmem:s8] =	stream.indirect.scatter.add.f32 [tilespmem:s14], [sflag:$0x6], $0x80, s22, s21, $0xb8;
	[tilespmem:$0x1F228] =	vst v63  }
0x20a: {  	_ =	swait.ge [sflag:s15], $0x1400  }
0x20b: {  	[sflag:s15] =	ssyncset.done $0x0  }
0x20c: {  	[sflag:s15] =	ssyncadd.s32 $0xFFFFEC00  }
0x20d: {  	[bflag:$0x0] =	sbarrier.arrive $0xFFFF  }
0x20e: {  	s2 =	rddreg [dreg:$0x19]  }
0x20f: {  	[hbm:s2], [sflag:s6] =	dma.local [spmem:s0], $0x2720  }
0x210: {  	_ =	swait.ge [sflag:s15], $0x2720  }
0x211: {  	[sflag:s15] =	ssyncset.done $0x0  }
0x212: {  	[sflag:s15] =	ssyncadd.s32 $0xFFFFD8E0  }
0x213: {  	[bflag:$0x0] =	sbarrier.arrive $0xFFFF  }
0x214: {  	s25 =	simm.s32 $0x0;
	s2 =	rddreg [dreg:$0xf]  }
0x215: {  	[tilespmem:s14], [sflag:$0x6] =	stream.linear.gather [hbm4b:s2+s25], $0x2800, $0x38;
	[tilespmem:$0x1F228] =	vst v63  }
0x216: {  	_ =	swait.ge [sflag:s15], $0x2800  }
0x217: {  	[sflag:s15] =	ssyncset.done $0x0  }
0x218: {  	s3 =	rddreg [dreg:$0x10];
	[sflag:s15] =	ssyncadd.s32 $0xFFFFD800  }
0x219: {  	[spmem:s3] =	stream.linear.scatter [tilespmem:s14], [sflag:$0x6], $0x2800, $0x38;
	[tilespmem:$0x1F228] =	vst v63  }
0x21a: {  	_ =	swait.ge [sflag:s15], $0x2800  }
0x21b: {  	[sflag:s15] =	ssyncset.done $0x0  }
0x21c: {  	s4 =	rddreg [dreg:$0x11];
	[sflag:s15] =	ssyncadd.s32 $0xFFFFD800  }
0x21d: {  	[spmem:s4] =	stream.linear.scatter [tilespmem:s14], [sflag:$0x6], $0x2800, $0x38;
	[tilespmem:$0x1F228] =	vst v63  }
0x21e: {  	_ =	swait.ge [sflag:s15], $0x2800  }
0x21f: {  	[sflag:s15] =	ssyncset.done $0x0  }
0x220: {  	s10 =	rddreg [dreg:$0x12];
	[sflag:s15] =	ssyncadd.s32 $0xFFFFD800  }
0x221: {  	[spmem:s10] =	stream.linear.scatter [tilespmem:s14], [sflag:$0x6], $0x2800, $0x38;
	[tilespmem:$0x1F228] =	vst v63  }
0x222: {  	_ =	swait.ge [sflag:s15], $0x2800  }
0x223: {  	[sflag:s15] =	ssyncset.done $0x0  }
0x224: {  	s12 =	rddreg [dreg:$0x13];
	[sflag:s15] =	ssyncadd.s32 $0xFFFFD800  }
0x225: {  	[spmem:s12] =	stream.linear.scatter [tilespmem:s14], [sflag:$0x6], $0x2800, $0x38;
	[tilespmem:$0x1F228] =	vst v63  }
0x226: {  	_ =	swait.ge [sflag:s15], $0x2800  }
0x227: {  	[sflag:s15] =	ssyncset.done $0x0  }
0x228: {  	s13 =	rddreg [dreg:$0x14];
	[sflag:s15] =	ssyncadd.s32 $0xFFFFD800  }
0x229: {  	[spmem:s13] =	stream.linear.scatter [tilespmem:s14], [sflag:$0x6], $0x2800, $0x38;
	[tilespmem:$0x1F228] =	vst v63  }
0x22a: {  	_ =	swait.ge [sflag:s15], $0x2800  }
0x22b: {  	[sflag:s15] =	ssyncset.done $0x0  }
0x22c: {  	s18 =	rddreg [dreg:$0x15];
	[sflag:s15] =	ssyncadd.s32 $0xFFFFD800  }
0x22d: {  	[spmem:s18] =	stream.linear.scatter [tilespmem:s14], [sflag:$0x6], $0x2800, $0x38;
	[tilespmem:$0x1F228] =	vst v63  }
0x22e: {  	_ =	swait.ge [sflag:s15], $0x2800  }
0x22f: {  	[sflag:s15] =	ssyncset.done $0x0  }
0x230: {  	s19 =	rddreg [dreg:$0x16];
	[sflag:s15] =	ssyncadd.s32 $0xFFFFD800  }
0x231: {  	[spmem:s19] =	stream.linear.scatter [tilespmem:s14], [sflag:$0x6], $0x2800, $0x38;
	[tilespmem:$0x1F228] =	vst v63  }
0x232: {  	_ =	swait.ge [sflag:s15], $0x2800  }
0x233: {  	[sflag:s15] =	ssyncset.done $0x0  }
0x234: {  	s23 =	rddreg [dreg:$0x17];
	[sflag:s15] =	ssyncadd.s32 $0xFFFFD800  }
0x235: {  	[spmem:s23] =	stream.linear.scatter [tilespmem:s14], [sflag:$0x6], $0x2100, $0x38;
	[tilespmem:$0x1F228] =	vst v63  }
0x236: {  	_ =	swait.ge [sflag:s15], $0x2100  }
0x237: {  	[sflag:s15] =	ssyncset.done $0x0  }
0x238: {  	[sflag:s15] =	ssyncadd.s32 $0xFFFFDF00  }
0x239: {  	[bflag:$0x0] =	sbarrier.arrive $0xFFFF  }
0x23a: {  	s24 =	rddreg [dreg:$0xb]  }
0x23b: {  	[tilespmem:s22], [sflag:$0x6] =	stream.linear.gather [hbm4b:s24+s25], $0x28, $0x38;
	[tilespmem:$0x1F228] =	vst v63  }
0x23c: {  	_ =	swait.ge [sflag:s15], $0x28  }
0x23d: {  	[sflag:s15] =	ssyncset.done $0x0  }
0x23e: {  	s3 =	simm.s32 $0x13900;
	[sflag:s15] =	ssyncadd.s32 $0xFFFFFFD8  }
0x23f: {  	[spmem:s8] =	stream.indirect.scatter.add.f32 [tilespmem:s3], [sflag:$0x6], $0x80, s22, s21, $0xb8;
	[tilespmem:$0x1F228] =	vst v63  }
0x240: {  	_ =	swait.ge [sflag:s15], $0x1400  }
0x241: {  	s31 =	sld [smem:$0x7FA]  }
0x242: {  	[sflag:s15] =	ssyncset.done $0x0  }
0x243: {  	[sflag:s15] =	ssyncadd.s32 $0xFFFFEC00  }
0x244: {  	[tilespmem:s22], [sflag:$0x6] =	stream.linear.gather [hbm4b:s31+s25], $0x28, $0x38;
	[tilespmem:$0x1F228] =	vst v63  }
0x245: {  	_ =	swait.ge [sflag:s15], $0x28  }
0x246: {  	[sflag:s15] =	ssyncset.done $0x0  }
0x247: {  	[sflag:s15] =	ssyncadd.s32 $0xFFFFFFD8  }
0x248: {  	[spmem:s8] =	stream.indirect.scatter.add.f32 [tilespmem:s3], [sflag:$0x6], $0x80, s22, s21, $0xb8;
	[tilespmem:$0x1F228] =	vst v63  }
0x249: {  	_ =	swait.ge [sflag:s15], $0x1400  }
0x24a: {  	s4 =	sld [smem:$0x7FB]  }
0x24b: {  	[sflag:s15] =	ssyncset.done $0x0  }
0x24c: {  	[sflag:s15] =	ssyncadd.s32 $0xFFFFEC00  }
0x24d: {  	[tilespmem:s22], [sflag:$0x6] =	stream.linear.gather [hbm4b:s4+s25], $0x28, $0x38;
	[tilespmem:$0x1F228] =	vst v63  }
0x24e: {  	_ =	swait.ge [sflag:s15], $0x28  }
0x24f: {  	[sflag:s15] =	ssyncset.done $0x0  }
0x250: {  	[sflag:s15] =	ssyncadd.s32 $0xFFFFFFD8  }
0x251: {  	[spmem:s8] =	stream.indirect.scatter.add.f32 [tilespmem:s3], [sflag:$0x6], $0x80, s22, s21, $0xb8;
	[tilespmem:$0x1F228] =	vst v63  }
0x252: {  	_ =	swait.ge [sflag:s15], $0x1400  }
0x253: {  	[sflag:s15] =	ssyncset.done $0x0  }
0x254: {  	s10 =	rddreg [dreg:$0xc];
	[sflag:s15] =	ssyncadd.s32 $0xFFFFEC00  }
0x255: {  	[tilespmem:s22], [sflag:$0x6] =	stream.linear.gather [hbm4b:s10+s25], $0x28, $0x38;
	[tilespmem:$0x1F228] =	vst v63  }
0x256: {  	_ =	swait.ge [sflag:s15], $0x28  }
0x257: {  	[sflag:s15] =	ssyncset.done $0x0  }
0x258: {  	[sflag:s15] =	ssyncadd.s32 $0xFFFFFFD8  }
0x259: {  	[spmem:s8] =	stream.indirect.scatter.add.f32 [tilespmem:s3], [sflag:$0x6], $0x80, s22, s21, $0xb8;
	[tilespmem:$0x1F228] =	vst v63  }
0x25a: {  	_ =	swait.ge [sflag:s15], $0x1400  }
0x25b: {  	s12 =	sld [smem:$0x7FC]  }
0x25c: {  	[sflag:s15] =	ssyncset.done $0x0  }
0x25d: {  	[sflag:s15] =	ssyncadd.s32 $0xFFFFEC00  }
0x25e: {  	[tilespmem:s22], [sflag:$0x6] =	stream.linear.gather [hbm4b:s12+s25], $0x28, $0x38;
	[tilespmem:$0x1F228] =	vst v63  }
0x25f: {  	_ =	swait.ge [sflag:s15], $0x28  }
0x260: {  	[sflag:s15] =	ssyncset.done $0x0  }
0x261: {  	[sflag:s15] =	ssyncadd.s32 $0xFFFFFFD8  }
0x262: {  	[spmem:s8] =	stream.indirect.scatter.add.f32 [tilespmem:s3], [sflag:$0x6], $0x80, s22, s21, $0xb8;
	[tilespmem:$0x1F228] =	vst v63  }
0x263: {  	_ =	swait.ge [sflag:s15], $0x1400  }
0x264: {  	[sflag:s15] =	ssyncset.done $0x0  }
0x265: {  	s13 =	rddreg [dreg:$0xd];
	[sflag:s15] =	ssyncadd.s32 $0xFFFFEC00  }
0x266: {  	[tilespmem:s22], [sflag:$0x6] =	stream.linear.gather [hbm4b:s13+s25], $0x28, $0x38;
	[tilespmem:$0x1F228] =	vst v63  }
0x267: {  	_ =	swait.ge [sflag:s15], $0x28  }
0x268: {  	[sflag:s15] =	ssyncset.done $0x0  }
0x269: {  	[sflag:s15] =	ssyncadd.s32 $0xFFFFFFD8  }
0x26a: {  	[spmem:s8] =	stream.indirect.scatter.add.f32 [tilespmem:s3], [sflag:$0x6], $0x80, s22, s21, $0xb8;
	[tilespmem:$0x1F228] =	vst v63  }
0x26b: {  	_ =	swait.ge [sflag:s15], $0x1400  }
0x26c: {  	s18 =	sld [smem:$0x7FD]  }
0x26d: {  	[sflag:s15] =	ssyncset.done $0x0  }
0x26e: {  	[sflag:s15] =	ssyncadd.s32 $0xFFFFEC00  }
0x26f: {  	[tilespmem:s22], [sflag:$0x6] =	stream.linear.gather [hbm4b:s18+s25], $0x28, $0x38;
	[tilespmem:$0x1F228] =	vst v63  }
0x270: {  	_ =	swait.ge [sflag:s15], $0x28  }
0x271: {  	[sflag:s15] =	ssyncset.done $0x0  }
0x272: {  	[sflag:s15] =	ssyncadd.s32 $0xFFFFFFD8  }
0x273: {  	[spmem:s8] =	stream.indirect.scatter.add.f32 [tilespmem:s3], [sflag:$0x6], $0x80, s22, s21, $0xb8;
	[tilespmem:$0x1F228] =	vst v63  }
0x274: {  	_ =	swait.ge [sflag:s15], $0x1400  }
0x275: {  	[sflag:s15] =	ssyncset.done $0x0  }
0x276: {  	s19 =	rddreg [dreg:$0xe];
	[sflag:s15] =	ssyncadd.s32 $0xFFFFEC00  }
0x277: {  	[tilespmem:s22], [sflag:$0x6] =	stream.linear.gather [hbm4b:s19+s25], $0x28, $0x38;
	[tilespmem:$0x1F228] =	vst v63  }
0x278: {  	_ =	swait.ge [sflag:s15], $0x28  }
0x279: {  	[sflag:s15] =	ssyncset.done $0x0  }
0x27a: {  	[sflag:s15] =	ssyncadd.s32 $0xFFFFFFD8  }
0x27b: {  	[spmem:s8] =	stream.indirect.scatter.add.f32 [tilespmem:s3], [sflag:$0x6], $0x80, s22, s21, $0xb8;
	[tilespmem:$0x1F228] =	vst v63  }
0x27c: {  	_ =	swait.ge [sflag:s15], $0x1400  }
0x27d: {  	[sflag:s15] =	ssyncset.done $0x0  }
0x27e: {  	[sflag:s15] =	ssyncadd.s32 $0xFFFFEC00  }
0x27f: {  	[bflag:$0x0] =	sbarrier.arrive $0xFFFF  }
0x280: {  	s23 =	rddreg [dreg:$0x1a]  }
0x281: {  	[smem:$0x7F0] =	sst s6  }
0x282: {  	[hbm:s23], [sflag:s6] =	dma.local [spmem:s0], $0x2720  }
0x283: {  	_ =	swait.ge [sflag:s15], $0x2720  }
0x284: {  	[sflag:s15] =	ssyncset.done $0x0  }
0x285: {  	[sflag:s15] =	ssyncadd.s32 $0xFFFFD8E0  }
0x286: {  	[bflag:$0x0] =	sbarrier.arrive $0xFFFF  }
0x287: {  	[tilespmem:s14], [sflag:$0x6] =	stream.linear.gather [hbm4b:s2+s25], $0x2800, $0x38;
	[tilespmem:$0x1F228] =	vst v63  }
0x288: {  	_ =	swait.ge [sflag:s15], $0x2800  }
0x289: {  	[sflag:s15] =	ssyncset.done $0x0  }
0x28a: {  	s24 =	rddreg [dreg:$0x1c];
	[sflag:s15] =	ssyncadd.s32 $0xFFFFD800  }
0x28b: {  	[spmem:s24] =	stream.linear.scatter [tilespmem:s14], [sflag:$0x6], $0x2800, $0x38;
	[tilespmem:$0x1F228] =	vst v63  }
0x28c: {  	_ =	swait.ge [sflag:s15], $0x2800  }
0x28d: {  	s31 =	sld [smem:$0x7F6]  }
0x28e: {  	[sflag:s15] =	ssyncset.done $0x0  }
0x28f: {  	[sflag:s15] =	ssyncadd.s32 $0xFFFFD800  }
0x290: {  	[spmem:s31] =	stream.linear.scatter [tilespmem:s14], [sflag:$0x6], $0x1800, $0x38;
	[tilespmem:$0x1F228] =	vst v63  }
0x291: {  	_ =	swait.ge [sflag:s15], $0x1800  }
0x292: {  	[sflag:s15] =	ssyncset.done $0x0  }
0x293: {  	s12 =	simm.s32 $0x17500;
	s3 =	simm.s32 $0x0;
	[sflag:s15] =	ssyncadd.s32 $0xFFFFE800  }
0x294: {  	s6 =	simm.s32 $0x19D00;
	s23 =	simm.s32 $0x1F020;
	[bflag:$0x0] =	sbarrier.arrive $0xFFFF  }
.LBB2_18:
0x295: {  	s0 =	smul.u32 $0xC8, s3  }
0x296: {  	s1 =	rddreg [dreg:$0x1d]  }
0x297: {  	s4 =	sadd.s32 s1, s0  }
0x298: {  	s31 =	rddreg [dreg:$0xa];
	s0 =	sshrl.u32 s4, $0x3  }
0x299: {  	s19 =	rddreg [dreg:$0x3];
	s10 =	sadd.s32 $0x28, s4;
	s13 =	sadd.s32 s31, s0  }
0x29a: {  	[tilespmem:s23], [sflag:$0x5] =	stream.linear.gather [hbm4b:s13+s25], $0x28, $0x38;
	[tilespmem:$0x1F228] =	vst v63  }
0x29b: {  	s18 =	simm.s32 $0x1F0E8;
	s0 =	sadd.s32 s19, s0;
	s24 =	sshrl.u32 s10, $0x3  }
0x29c: {  	[tilespmem:s18], [sflag:$0x5] =	stream.linear.gather [hbm4b:s0+s25], $0x28, $0x38;
	[tilespmem:$0x1F228] =	vst v63  }
0x29d: {  	s2 =	sadd.s32 s31, s24;
	s13 =	simm.s32 $0x1F048  }
0x29e: {  	[tilespmem:s13], [sflag:$0x5] =	stream.linear.gather [hbm4b:s2+s25], $0x28, $0x38;
	[tilespmem:$0x1F228] =	vst v63  }
0x29f: {  	s0 =	sadd.s32 s19, s24;
	s18 =	simm.s32 $0x1F110;
	s2 =	sadd.s32 $0x50, s4  }
0x2a0: {  	[tilespmem:s18], [sflag:$0x5] =	stream.linear.gather [hbm4b:s0+s25], $0x28, $0x38;
	[tilespmem:$0x1F228] =	vst v63  }
0x2a1: {  	s0 =	sshrl.u32 s2, $0x3  }
0x2a2: {  	s18 =	simm.s32 $0x1F070;
	s24 =	sadd.s32 s31, s0  }
0x2a3: {  	[tilespmem:s18], [sflag:$0x5] =	stream.linear.gather [hbm4b:s24+s25], $0x28, $0x38;
	[tilespmem:$0x1F228] =	vst v63  }
0x2a4: {  	s1 =	sadd.s32 $0x78, s4;
	s0 =	sadd.s32 s19, s0;
	s18 =	simm.s32 $0x1F138  }
0x2a5: {  	[tilespmem:s18], [sflag:$0x5] =	stream.linear.gather [hbm4b:s0+s25], $0x28, $0x38;
	[tilespmem:$0x1F228] =	vst v63  }
0x2a6: {  	s0 =	sshrl.u32 s1, $0x3  }
0x2a7: {  	s24 =	simm.s32 $0x1F098;
	s18 =	sadd.s32 s31, s0  }
0x2a8: {  	[tilespmem:s24], [sflag:$0x5] =	stream.linear.gather [hbm4b:s18+s25], $0x28, $0x38;
	[tilespmem:$0x1F228] =	vst v63  }
0x2a9: {  	s0 =	sadd.s32 s19, s0;
	s24 =	simm.s32 $0x1F160  }
0x2aa: {  	[tilespmem:s24], [sflag:$0x5] =	stream.linear.gather [hbm4b:s0+s25], $0x28, $0x38;
	[tilespmem:$0x1F228] =	vst v63  }
0x2ab: {  	s0 =	sadd.s32 $0xA0, s4  }
0x2ac: {  	s18 =	sshrl.u32 s0, $0x3  }
0x2ad: {  	s24 =	simm.s32 $0x1F0C0;
	s31 =	sadd.s32 s31, s18  }
0x2ae: {  	[tilespmem:s24], [sflag:$0x5] =	stream.linear.gather [hbm4b:s31+s25], $0x28, $0x38;
	[tilespmem:$0x1F228] =	vst v63  }
0x2af: {  	s18 =	sadd.s32 s19, s18;
	s24 =	simm.s32 $0x1F188  }
0x2b0: {  	[tilespmem:s24], [sflag:$0x5] =	stream.linear.gather [hbm4b:s18+s25], $0x28, $0x38;
	[tilespmem:$0x1F228] =	vst v63  }
0x2b1: {  	_ =	swait.ge [sflag:s26], $0x28  }
0x2b2: {  	[sflag:s26] =	ssyncset.done $0x0  }
0x2b3: {  	[sflag:s26] =	ssyncadd.s32 $0xFFFFFFD8  }
0x2b4: {  	_ =	swait.ge [sflag:s26], $0x28  }
0x2b5: {  	[sflag:s26] =	ssyncset.done $0x0  }
0x2b6: {  	[sflag:s26] =	ssyncadd.s32 $0xFFFFFFD8  }
0x2b7: {  	_ =	swait.ge [sflag:s26], $0x28  }
0x2b8: {  	[sflag:s26] =	ssyncset.done $0x0  }
0x2b9: {  	[sflag:s26] =	ssyncadd.s32 $0xFFFFFFD8  }
0x2ba: {  	_ =	swait.ge [sflag:s26], $0x28  }
0x2bb: {  	[sflag:s26] =	ssyncset.done $0x0  }
0x2bc: {  	[sflag:s26] =	ssyncadd.s32 $0xFFFFFFD8  }
0x2bd: {  	_ =	swait.ge [sflag:s26], $0x28  }
0x2be: {  	[sflag:s26] =	ssyncset.done $0x0  }
0x2bf: {  	[sflag:s26] =	ssyncadd.s32 $0xFFFFFFD8  }
0x2c0: {  	_ =	swait.ge [sflag:s26], $0x28  }
0x2c1: {  	[sflag:s26] =	ssyncset.done $0x0  }
0x2c2: {  	[sflag:s26] =	ssyncadd.s32 $0xFFFFFFD8  }
0x2c3: {  	_ =	swait.ge [sflag:s26], $0x28  }
0x2c4: {  	[sflag:s26] =	ssyncset.done $0x0  }
0x2c5: {  	[sflag:s26] =	ssyncadd.s32 $0xFFFFFFD8  }
0x2c6: {  	_ =	swait.ge [sflag:s26], $0x28  }
0x2c7: {  	[sflag:s26] =	ssyncset.done $0x0  }
0x2c8: {  	[sflag:s26] =	ssyncadd.s32 $0xFFFFFFD8  }
0x2c9: {  	_ =	swait.ge [sflag:s26], $0x28  }
0x2ca: {  	[sflag:s26] =	ssyncset.done $0x0  }
0x2cb: {  	[sflag:s26] =	ssyncadd.s32 $0xFFFFFFD8  }
0x2cc: {  	_ =	swait.ge [sflag:s26], $0x28  }
0x2cd: {  	[sflag:s26] =	ssyncset.done $0x0  }
0x2ce: {  	[sflag:s26] =	ssyncadd.s32 $0xFFFFFFD8  }
0x2cf: {  	[tilespmem:s14], [sflag:$0x1] =	stream.indirect.gather [hbm4b:s7+s21], $0x80, s23, s21, $0xb8;
	[tilespmem:$0x1F228] =	vst v63  }
0x2d0: {  	s4 =	sshll.u32 s4, $0x4;
	s19 =	rddreg [dreg:$0x4]  }
0x2d1: {  	s18 =	sshll.u32 s10, $0x4;
	s4 =	sadd.s32 s19, s4  }
0x2d2: {  	[tilespmem:s6], [sflag:$0x3] =	stream.linear.gather [hbm4b:s4+s25], $0x1400, $0x38;
	[tilespmem:$0x1F228] =	vst v63  }
0x2d3: {  	s4 =	sand.u32 $0x1FFFFF80, s18  }
0x2d4: {  	[tilespmem:s12], [sflag:$0x2] =	stream.indirect.gather [hbm4b:s7+s21], $0x80, s13, s21, $0xb8;
	[tilespmem:$0x1F228] =	vst v63  }
0x2d5: {  	s31 =	simm.s32 $0x1C500;
	s4 =	sadd.s32 s19, s4  }
0x2d6: {  	[tilespmem:s31], [sflag:$0x4] =	stream.linear.gather [hbm4b:s4+s25], $0x1400, $0x38;
	[tilespmem:$0x1F228] =	vst v63  }
0x2d7: {  	_ =	swait.ge [sflag:s28], $0x1400  }
0x2d8: {  	[sflag:s28] =	ssyncset.done $0x0  }
0x2d9: {  	s13 =	simm.s32 $0x3;
	[sflag:s28] =	ssyncadd.s32 $0xFFFFEC00  }
0x2da: {  	_ =	swait.ge [sflag:s13], $0x1400  }
0x2db: {  	[sflag:s13] =	ssyncset.done $0x0  }
0x2dc: {  	s4 =	simm.s32 $0x0;
	[sflag:s13] =	ssyncadd.s32 $0xFFFFEC00  }
0x2dd: {  	v7 =	vld [tilespmem:s4+$0x19D00]  }
0x2de: {  	v12 =	vld [tilespmem:s4+$0x19D10]  }
0x2df: {  	v6 =	vld [tilespmem:s4+$0x19D20]  }
0x2e0: {  	v5 =	vld [tilespmem:s4+$0x19D30]  }
0x2e1: {  	v4 =	vld [tilespmem:s4+$0x19D40]  }
0x2e2: {  	v3 =	vld [tilespmem:s4+$0x19D50]  }
0x2e3: {  	v2 =	vld [tilespmem:s4+$0x19D60]  }
0x2e4: {  	v1 =	vld [tilespmem:s4+$0x19D70]  }
0x2e5: {  	v13 =	vld [tilespmem:s4+$0x14D00]  }
0x2e6: {  	v14 =	vld [tilespmem:s4+$0x14D10]  }
0x2e7: {  	v11 =	vld [tilespmem:s4+$0x14D20]  }
0x2e8: {  	v10 =	vld [tilespmem:s4+$0x14D30]  }
0x2e9: {  	v9 =	vld [tilespmem:s4+$0x14D40]  }
0x2ea: {  	v8 =	vld [tilespmem:s4+$0x14D50];
	v13 =	vadd.f32 v7, v13  }
0x2eb: {  	s18 =	simm.s32 $0x200;
	v12 =	vadd.f32 v12, v14;
	v7 =	vld [tilespmem:s4+$0x14D60]  }
.LBB2_19:
0x2ec: {  	s10 =	sshra.s32 s18, $0x2;
	p0 =	sne.s32 s18, $0x4E00;
	v13 =	vmax.f32 v13, $0.0e+00;
	v6 =	vadd.f32 v6, v11;
	v11 =	vld [tilespmem:s4+$0x14D70]  }
0x2ed: {  	v14 =	vld [tilespmem:s10+$0x19D00];
	[tilespmem:s4+$0x14D00] =	vst v13;
	v12 =	vmax.f32 v12, $0.0e+00;
	v5 =	vadd.f32 v5, v10  }
0x2ee: {  	v15 =	vld [tilespmem:s10+$0x19D10];
	[tilespmem:s4+$0x14D10] =	vst v12;
	v10 =	vmax.f32 v6, $0.0e+00;
	v4 =	vadd.f32 v4, v9  }
0x2ef: {  	v6 =	vld [tilespmem:s10+$0x19D20];
	[tilespmem:s4+$0x14D20] =	vst v10;
	v9 =	vmax.f32 v5, $0.0e+00;
	v3 =	vadd.f32 v3, v8  }
0x2f0: {  	v5 =	vld [tilespmem:s10+$0x19D30];
	[tilespmem:s4+$0x14D30] =	vst v9;
	v8 =	vmax.f32 v4, $0.0e+00;
	v2 =	vadd.f32 v2, v7  }
0x2f1: {  	v4 =	vld [tilespmem:s10+$0x19D40];
	[tilespmem:s4+$0x14D40] =	vst v8;
	v7 =	vmax.f32 v3, $0.0e+00;
	v1 =	vadd.f32 v1, v11  }
0x2f2: {  	v3 =	vld [tilespmem:s10+$0x19D50];
	[tilespmem:s4+$0x14D50] =	vst v7;
	v7 =	vmax.f32 v2, $0.0e+00  }
0x2f3: {  	v2 =	vld [tilespmem:s10+$0x19D60];
	[tilespmem:s4+$0x14D60] =	vst v7;
	v7 =	vmax.f32 v1, $0.0e+00  }
0x2f4: {  	v1 =	vld [tilespmem:s10+$0x19D70];
	[tilespmem:s4+$0x14D70] =	vst v7;
	s4 =	smov.u32 s10  }
0x2f5: {  	v7 =	vld [tilespmem:s4+$0x14D00]  }
0x2f6: {  	v12 =	vld [tilespmem:s4+$0x14D10]  }
.Ltmp8:
0x2f7: {  	v11 =	vld [tilespmem:s4+$0x14D20];
	(pc) =	sbr.rel @p0 .LBB2_19-.Ltmp8, $4  }
0x2f8: {  	v10 =	vld [tilespmem:s4+$0x14D30]  }
0x2f9: {  	v9 =	vld [tilespmem:s4+$0x14D40]  }
0x2fa: {  	v13 =	vadd.f32 v14, v7;
	v8 =	vld [tilespmem:s4+$0x14D50]  }
0x2fb: {  	s18 =	sadd.s32 $0x200, s18;
	v12 =	vadd.f32 v15, v12;
	v7 =	vld [tilespmem:s4+$0x14D60]  }
0x2fc: {  	v13 =	vmax.f32 v13, $0.0e+00;
	v6 =	vadd.f32 v6, v11;
	v11 =	vld [tilespmem:s4+$0x14D70]  }
0x2fd: {  	[tilespmem:s4+$0x14D00] =	vst v13;
	v12 =	vmax.f32 v12, $0.0e+00;
	v5 =	vadd.f32 v5, v10  }
0x2fe: {  	[tilespmem:s4+$0x14D10] =	vst v12;
	v6 =	vmax.f32 v6, $0.0e+00;
	v4 =	vadd.f32 v4, v9  }
0x2ff: {  	[tilespmem:s4+$0x14D20] =	vst v6;
	v5 =	vmax.f32 v5, $0.0e+00;
	v3 =	vadd.f32 v3, v8  }
0x300: {  	[tilespmem:s4+$0x14D30] =	vst v5;
	v4 =	vmax.f32 v4, $0.0e+00;
	v2 =	vadd.f32 v2, v7  }
0x301: {  	[tilespmem:s4+$0x14D40] =	vst v4;
	v3 =	vmax.f32 v3, $0.0e+00;
	v1 =	vadd.f32 v1, v11  }
0x302: {  	[tilespmem:s4+$0x14D50] =	vst v3;
	v2 =	vmax.f32 v2, $0.0e+00  }
0x303: {  	[tilespmem:s4+$0x14D60] =	vst v2;
	v1 =	vmax.f32 v1, $0.0e+00  }
0x304: {  	s18 =	simm.s32 $0x1F0E8;
	[tilespmem:s4+$0x14D70] =	vst v1  }
0x305: {  	[spmem:s8] =	stream.indirect.scatter.add.f32 [tilespmem:s14], [sflag:$0x6], $0x80, s18, s21, $0xb8;
	[tilespmem:$0x1F228] =	vst v63  }
0x306: {  	_ =	swait.ge [sflag:s15], $0x1400  }
0x307: {  	s2 =	sshll.u32 s2, $0x4;
	[sflag:s15] =	ssyncset.done $0x0  }
0x308: {  	s31 =	simm.s32 $0x1F070;
	s2 =	sand.u32 $0x1FFFFF80, s2;
	[sflag:s15] =	ssyncadd.s32 $0xFFFFEC00  }
0x309: {  	[tilespmem:s14], [sflag:$0x1] =	stream.indirect.gather [hbm4b:s7+s21], $0x80, s31, s21, $0xb8;
	[tilespmem:$0x1F228] =	vst v63  }
0x30a: {  	s10 =	simm.s32 $0x0;
	s2 =	sadd.s32 s19, s2;
	s18 =	simm.s32 $0x2  }
0x30b: {  	[tilespmem:s6], [sflag:$0x3] =	stream.linear.gather [hbm4b:s2+s10], $0x1400, $0x38;
	[tilespmem:$0x1F228] =	vst v63  }
0x30c: {  	_ =	swait.ge [sflag:s18], $0x1400  }
0x30d: {  	[sflag:s18] =	ssyncset.done $0x0  }
0x30e: {  	s31 =	simm.s32 $0x4;
	[sflag:s18] =	ssyncadd.s32 $0xFFFFEC00  }
0x30f: {  	_ =	swait.ge [sflag:s31], $0x1400  }
0x310: {  	[sflag:s31] =	ssyncset.done $0x0  }
0x311: {  	s2 =	simm.s32 $0x0;
	[sflag:s31] =	ssyncadd.s32 $0xFFFFEC00  }
0x312: {  	v7 =	vld [tilespmem:s2+$0x1C500]  }
0x313: {  	v12 =	vld [tilespmem:s2+$0x1C510]  }
0x314: {  	v6 =	vld [tilespmem:s2+$0x1C520]  }
0x315: {  	v5 =	vld [tilespmem:s2+$0x1C530]  }
0x316: {  	v4 =	vld [tilespmem:s2+$0x1C540]  }
0x317: {  	v3 =	vld [tilespmem:s2+$0x1C550]  }
0x318: {  	v2 =	vld [tilespmem:s2+$0x1C560]  }
0x319: {  	v1 =	vld [tilespmem:s2+$0x1C570]  }
0x31a: {  	v13 =	vld [tilespmem:s2+$0x17500]  }
0x31b: {  	v14 =	vld [tilespmem:s2+$0x17510]  }
0x31c: {  	v11 =	vld [tilespmem:s2+$0x17520]  }
0x31d: {  	v10 =	vld [tilespmem:s2+$0x17530]  }
0x31e: {  	v9 =	vld [tilespmem:s2+$0x17540]  }
0x31f: {  	v8 =	vld [tilespmem:s2+$0x17550];
	v13 =	vadd.f32 v7, v13  }
0x320: {  	s4 =	simm.s32 $0x200;
	v12 =	vadd.f32 v12, v14;
	v7 =	vld [tilespmem:s2+$0x17560]  }
.LBB2_21:
0x321: {  	s10 =	sshra.s32 s4, $0x2;
	p0 =	sne.s32 s4, $0x4E00;
	v13 =	vmax.f32 v13, $0.0e+00;
	v6 =	vadd.f32 v6, v11;
	v11 =	vld [tilespmem:s2+$0x17570]  }
0x322: {  	v14 =	vld [tilespmem:s10+$0x1C500];
	[tilespmem:s2+$0x17500] =	vst v13;
	v12 =	vmax.f32 v12, $0.0e+00;
	v5 =	vadd.f32 v5, v10  }
0x323: {  	v15 =	vld [tilespmem:s10+$0x1C510];
	[tilespmem:s2+$0x17510] =	vst v12;
	v10 =	vmax.f32 v6, $0.0e+00;
	v4 =	vadd.f32 v4, v9  }
0x324: {  	v6 =	vld [tilespmem:s10+$0x1C520];
	[tilespmem:s2+$0x17520] =	vst v10;
	v9 =	vmax.f32 v5, $0.0e+00;
	v3 =	vadd.f32 v3, v8  }
0x325: {  	v5 =	vld [tilespmem:s10+$0x1C530];
	[tilespmem:s2+$0x17530] =	vst v9;
	v8 =	vmax.f32 v4, $0.0e+00;
	v2 =	vadd.f32 v2, v7  }
0x326: {  	v4 =	vld [tilespmem:s10+$0x1C540];
	[tilespmem:s2+$0x17540] =	vst v8;
	v7 =	vmax.f32 v3, $0.0e+00;
	v1 =	vadd.f32 v1, v11  }
0x327: {  	v3 =	vld [tilespmem:s10+$0x1C550];
	[tilespmem:s2+$0x17550] =	vst v7;
	v7 =	vmax.f32 v2, $0.0e+00  }
0x328: {  	v2 =	vld [tilespmem:s10+$0x1C560];
	[tilespmem:s2+$0x17560] =	vst v7;
	v7 =	vmax.f32 v1, $0.0e+00  }
0x329: {  	v1 =	vld [tilespmem:s10+$0x1C570];
	[tilespmem:s2+$0x17570] =	vst v7;
	s2 =	smov.u32 s10  }
0x32a: {  	v7 =	vld [tilespmem:s2+$0x17500]  }
0x32b: {  	v12 =	vld [tilespmem:s2+$0x17510]  }
.Ltmp9:
0x32c: {  	v11 =	vld [tilespmem:s2+$0x17520];
	(pc) =	sbr.rel @p0 .LBB2_21-.Ltmp9, $4  }
0x32d: {  	v10 =	vld [tilespmem:s2+$0x17530]  }
0x32e: {  	v9 =	vld [tilespmem:s2+$0x17540]  }
0x32f: {  	v13 =	vadd.f32 v14, v7;
	v8 =	vld [tilespmem:s2+$0x17550]  }
0x330: {  	s4 =	sadd.s32 $0x200, s4;
	v12 =	vadd.f32 v15, v12;
	v7 =	vld [tilespmem:s2+$0x17560]  }
0x331: {  	v13 =	vmax.f32 v13, $0.0e+00;
	v6 =	vadd.f32 v6, v11;
	v11 =	vld [tilespmem:s2+$0x17570]  }
0x332: {  	[tilespmem:s2+$0x17500] =	vst v13;
	v12 =	vmax.f32 v12, $0.0e+00;
	v5 =	vadd.f32 v5, v10  }
0x333: {  	[tilespmem:s2+$0x17510] =	vst v12;
	v6 =	vmax.f32 v6, $0.0e+00;
	v4 =	vadd.f32 v4, v9  }
0x334: {  	[tilespmem:s2+$0x17520] =	vst v6;
	v5 =	vmax.f32 v5, $0.0e+00;
	v3 =	vadd.f32 v3, v8  }
0x335: {  	[tilespmem:s2+$0x17530] =	vst v5;
	v4 =	vmax.f32 v4, $0.0e+00;
	v2 =	vadd.f32 v2, v7  }
0x336: {  	[tilespmem:s2+$0x17540] =	vst v4;
	v3 =	vmax.f32 v3, $0.0e+00;
	v1 =	vadd.f32 v1, v11  }
0x337: {  	[tilespmem:s2+$0x17550] =	vst v3;
	v2 =	vmax.f32 v2, $0.0e+00  }
0x338: {  	[tilespmem:s2+$0x17560] =	vst v2;
	v1 =	vmax.f32 v1, $0.0e+00  }
0x339: {  	s10 =	simm.s32 $0x1F110;
	[tilespmem:s2+$0x17570] =	vst v1  }
0x33a: {  	[spmem:s8] =	stream.indirect.scatter.add.f32 [tilespmem:s12], [sflag:$0x6], $0x80, s10, s21, $0xb8;
	[tilespmem:$0x1F228] =	vst v63  }
0x33b: {  	_ =	swait.ge [sflag:s15], $0x1400  }
0x33c: {  	s1 =	sshll.u32 s1, $0x4;
	[sflag:s15] =	ssyncset.done $0x0  }
0x33d: {  	s18 =	simm.s32 $0x1F098;
	s1 =	sand.u32 $0x1FFFFF80, s1;
	[sflag:s15] =	ssyncadd.s32 $0xFFFFEC00  }
0x33e: {  	[tilespmem:s12], [sflag:$0x2] =	stream.indirect.gather [hbm4b:s7+s21], $0x80, s18, s21, $0xb8;
	[tilespmem:$0x1F228] =	vst v63  }
0x33f: {  	s31 =	simm.s32 $0x0;
	s4 =	simm.s32 $0x1C500;
	s1 =	sadd.s32 s19, s1  }
0x340: {  	[tilespmem:s4], [sflag:$0x4] =	stream.linear.gather [hbm4b:s1+s31], $0x1400, $0x38;
	[tilespmem:$0x1F228] =	vst v63  }
0x341: {  	_ =	swait.ge [sflag:s28], $0x1400  }
0x342: {  	[sflag:s28] =	ssyncset.done $0x0  }
0x343: {  	[sflag:s28] =	ssyncadd.s32 $0xFFFFEC00  }
0x344: {  	_ =	swait.ge [sflag:s13], $0x1400  }
0x345: {  	[sflag:s13] =	ssyncset.done $0x0  }
0x346: {  	s1 =	simm.s32 $0x0;
	[sflag:s13] =	ssyncadd.s32 $0xFFFFEC00  }
0x347: {  	v7 =	vld [tilespmem:s1+$0x19D00]  }
0x348: {  	v12 =	vld [tilespmem:s1+$0x19D10]  }
0x349: {  	v6 =	vld [tilespmem:s1+$0x19D20]  }
0x34a: {  	v5 =	vld [tilespmem:s1+$0x19D30]  }
0x34b: {  	v4 =	vld [tilespmem:s1+$0x19D40]  }
0x34c: {  	v3 =	vld [tilespmem:s1+$0x19D50]  }
0x34d: {  	v2 =	vld [tilespmem:s1+$0x19D60]  }
0x34e: {  	v1 =	vld [tilespmem:s1+$0x19D70]  }
0x34f: {  	v13 =	vld [tilespmem:s1+$0x14D00]  }
0x350: {  	v14 =	vld [tilespmem:s1+$0x14D10]  }
0x351: {  	v11 =	vld [tilespmem:s1+$0x14D20]  }
0x352: {  	v10 =	vld [tilespmem:s1+$0x14D30]  }
0x353: {  	v9 =	vld [tilespmem:s1+$0x14D40]  }
0x354: {  	v8 =	vld [tilespmem:s1+$0x14D50];
	v13 =	vadd.f32 v7, v13  }
0x355: {  	s2 =	simm.s32 $0x200;
	v12 =	vadd.f32 v12, v14;
	v7 =	vld [tilespmem:s1+$0x14D60]  }
.LBB2_23:
0x356: {  	s4 =	sshra.s32 s2, $0x2;
	p0 =	sne.s32 s2, $0x4E00;
	v13 =	vmax.f32 v13, $0.0e+00;
	v6 =	vadd.f32 v6, v11;
	v11 =	vld [tilespmem:s1+$0x14D70]  }
0x357: {  	v14 =	vld [tilespmem:s4+$0x19D00];
	[tilespmem:s1+$0x14D00] =	vst v13;
	v12 =	vmax.f32 v12, $0.0e+00;
	v5 =	vadd.f32 v5, v10  }
0x358: {  	v15 =	vld [tilespmem:s4+$0x19D10];
	[tilespmem:s1+$0x14D10] =	vst v12;
	v10 =	vmax.f32 v6, $0.0e+00;
	v4 =	vadd.f32 v4, v9  }
0x359: {  	v6 =	vld [tilespmem:s4+$0x19D20];
	[tilespmem:s1+$0x14D20] =	vst v10;
	v9 =	vmax.f32 v5, $0.0e+00;
	v3 =	vadd.f32 v3, v8  }
0x35a: {  	v5 =	vld [tilespmem:s4+$0x19D30];
	[tilespmem:s1+$0x14D30] =	vst v9;
	v8 =	vmax.f32 v4, $0.0e+00;
	v2 =	vadd.f32 v2, v7  }
0x35b: {  	v4 =	vld [tilespmem:s4+$0x19D40];
	[tilespmem:s1+$0x14D40] =	vst v8;
	v7 =	vmax.f32 v3, $0.0e+00;
	v1 =	vadd.f32 v1, v11  }
0x35c: {  	v3 =	vld [tilespmem:s4+$0x19D50];
	[tilespmem:s1+$0x14D50] =	vst v7;
	v7 =	vmax.f32 v2, $0.0e+00  }
0x35d: {  	v2 =	vld [tilespmem:s4+$0x19D60];
	[tilespmem:s1+$0x14D60] =	vst v7;
	v7 =	vmax.f32 v1, $0.0e+00  }
0x35e: {  	v1 =	vld [tilespmem:s4+$0x19D70];
	[tilespmem:s1+$0x14D70] =	vst v7;
	s1 =	smov.u32 s4  }
0x35f: {  	v7 =	vld [tilespmem:s1+$0x14D00]  }
0x360: {  	v12 =	vld [tilespmem:s1+$0x14D10]  }
.Ltmp10:
0x361: {  	v11 =	vld [tilespmem:s1+$0x14D20];
	(pc) =	sbr.rel @p0 .LBB2_23-.Ltmp10, $4  }
0x362: {  	v10 =	vld [tilespmem:s1+$0x14D30]  }
0x363: {  	v9 =	vld [tilespmem:s1+$0x14D40]  }
0x364: {  	v13 =	vadd.f32 v14, v7;
	v8 =	vld [tilespmem:s1+$0x14D50]  }
0x365: {  	s2 =	sadd.s32 $0x200, s2;
	v12 =	vadd.f32 v15, v12;
	v7 =	vld [tilespmem:s1+$0x14D60]  }
0x366: {  	v13 =	vmax.f32 v13, $0.0e+00;
	v6 =	vadd.f32 v6, v11;
	v11 =	vld [tilespmem:s1+$0x14D70]  }
0x367: {  	[tilespmem:s1+$0x14D00] =	vst v13;
	v12 =	vmax.f32 v12, $0.0e+00;
	v5 =	vadd.f32 v5, v10  }
0x368: {  	[tilespmem:s1+$0x14D10] =	vst v12;
	v6 =	vmax.f32 v6, $0.0e+00;
	v4 =	vadd.f32 v4, v9  }
0x369: {  	[tilespmem:s1+$0x14D20] =	vst v6;
	v5 =	vmax.f32 v5, $0.0e+00;
	v3 =	vadd.f32 v3, v8  }
0x36a: {  	[tilespmem:s1+$0x14D30] =	vst v5;
	v4 =	vmax.f32 v4, $0.0e+00;
	v2 =	vadd.f32 v2, v7  }
0x36b: {  	[tilespmem:s1+$0x14D40] =	vst v4;
	v3 =	vmax.f32 v3, $0.0e+00;
	v1 =	vadd.f32 v1, v11  }
0x36c: {  	[tilespmem:s1+$0x14D50] =	vst v3;
	v2 =	vmax.f32 v2, $0.0e+00  }
0x36d: {  	[tilespmem:s1+$0x14D60] =	vst v2;
	v1 =	vmax.f32 v1, $0.0e+00  }
0x36e: {  	s4 =	simm.s32 $0x1F138;
	[tilespmem:s1+$0x14D70] =	vst v1  }
0x36f: {  	[spmem:s8] =	stream.indirect.scatter.add.f32 [tilespmem:s14], [sflag:$0x6], $0x80, s4, s21, $0xb8;
	[tilespmem:$0x1F228] =	vst v63  }
0x370: {  	_ =	swait.ge [sflag:s15], $0x1400  }
0x371: {  	s0 =	sshll.u32 s0, $0x4;
	[sflag:s15] =	ssyncset.done $0x0  }
0x372: {  	s10 =	simm.s32 $0x1F0C0;
	s0 =	sand.u32 $0x1FFFFF80, s0;
	[sflag:s15] =	ssyncadd.s32 $0xFFFFEC00  }
0x373: {  	[tilespmem:s14], [sflag:$0x1] =	stream.indirect.gather [hbm4b:s7+s21], $0x80, s10, s21, $0xb8;
	[tilespmem:$0x1F228] =	vst v63  }
0x374: {  	s18 =	simm.s32 $0x0;
	s0 =	sadd.s32 s19, s0;
	s19 =	simm.s32 $0x2  }
0x375: {  	[tilespmem:s6], [sflag:$0x3] =	stream.linear.gather [hbm4b:s0+s18], $0x1400, $0x38;
	[tilespmem:$0x1F228] =	vst v63  }
0x376: {  	_ =	swait.ge [sflag:s19], $0x1400  }
0x377: {  	[sflag:s19] =	ssyncset.done $0x0  }
0x378: {  	s31 =	simm.s32 $0x4;
	[sflag:s19] =	ssyncadd.s32 $0xFFFFEC00  }
0x379: {  	_ =	swait.ge [sflag:s31], $0x1400  }
0x37a: {  	[sflag:s31] =	ssyncset.done $0x0  }
0x37b: {  	s0 =	simm.s32 $0x0;
	[sflag:s31] =	ssyncadd.s32 $0xFFFFEC00  }
0x37c: {  	v7 =	vld [tilespmem:s0+$0x1C500]  }
0x37d: {  	v12 =	vld [tilespmem:s0+$0x1C510]  }
0x37e: {  	v6 =	vld [tilespmem:s0+$0x1C520]  }
0x37f: {  	v5 =	vld [tilespmem:s0+$0x1C530]  }
0x380: {  	v4 =	vld [tilespmem:s0+$0x1C540]  }
0x381: {  	v3 =	vld [tilespmem:s0+$0x1C550]  }
0x382: {  	v2 =	vld [tilespmem:s0+$0x1C560]  }
0x383: {  	v1 =	vld [tilespmem:s0+$0x1C570]  }
0x384: {  	v13 =	vld [tilespmem:s0+$0x17500]  }
0x385: {  	v14 =	vld [tilespmem:s0+$0x17510]  }
0x386: {  	v11 =	vld [tilespmem:s0+$0x17520]  }
0x387: {  	v10 =	vld [tilespmem:s0+$0x17530]  }
0x388: {  	v9 =	vld [tilespmem:s0+$0x17540]  }
0x389: {  	v8 =	vld [tilespmem:s0+$0x17550];
	v13 =	vadd.f32 v7, v13  }
0x38a: {  	s1 =	simm.s32 $0x200;
	v12 =	vadd.f32 v12, v14;
	v7 =	vld [tilespmem:s0+$0x17560]  }
.LBB2_25:
0x38b: {  	s2 =	sshra.s32 s1, $0x2;
	p0 =	sne.s32 s1, $0x4E00;
	v13 =	vmax.f32 v13, $0.0e+00;
	v6 =	vadd.f32 v6, v11;
	v11 =	vld [tilespmem:s0+$0x17570]  }
0x38c: {  	v14 =	vld [tilespmem:s2+$0x1C500];
	[tilespmem:s0+$0x17500] =	vst v13;
	v12 =	vmax.f32 v12, $0.0e+00;
	v5 =	vadd.f32 v5, v10  }
0x38d: {  	v15 =	vld [tilespmem:s2+$0x1C510];
	[tilespmem:s0+$0x17510] =	vst v12;
	v10 =	vmax.f32 v6, $0.0e+00;
	v4 =	vadd.f32 v4, v9  }
0x38e: {  	v6 =	vld [tilespmem:s2+$0x1C520];
	[tilespmem:s0+$0x17520] =	vst v10;
	v9 =	vmax.f32 v5, $0.0e+00;
	v3 =	vadd.f32 v3, v8  }
0x38f: {  	v5 =	vld [tilespmem:s2+$0x1C530];
	[tilespmem:s0+$0x17530] =	vst v9;
	v8 =	vmax.f32 v4, $0.0e+00;
	v2 =	vadd.f32 v2, v7  }
0x390: {  	v4 =	vld [tilespmem:s2+$0x1C540];
	[tilespmem:s0+$0x17540] =	vst v8;
	v7 =	vmax.f32 v3, $0.0e+00;
	v1 =	vadd.f32 v1, v11  }
0x391: {  	v3 =	vld [tilespmem:s2+$0x1C550];
	[tilespmem:s0+$0x17550] =	vst v7;
	v7 =	vmax.f32 v2, $0.0e+00  }
0x392: {  	v2 =	vld [tilespmem:s2+$0x1C560];
	[tilespmem:s0+$0x17560] =	vst v7;
	v7 =	vmax.f32 v1, $0.0e+00  }
0x393: {  	v1 =	vld [tilespmem:s2+$0x1C570];
	[tilespmem:s0+$0x17570] =	vst v7;
	s0 =	smov.u32 s2  }
0x394: {  	v7 =	vld [tilespmem:s0+$0x17500]  }
0x395: {  	v12 =	vld [tilespmem:s0+$0x17510]  }
.Ltmp11:
0x396: {  	v11 =	vld [tilespmem:s0+$0x17520];
	(pc) =	sbr.rel @p0 .LBB2_25-.Ltmp11, $4  }
0x397: {  	v10 =	vld [tilespmem:s0+$0x17530]  }
0x398: {  	v9 =	vld [tilespmem:s0+$0x17540]  }
0x399: {  	v13 =	vadd.f32 v14, v7;
	v8 =	vld [tilespmem:s0+$0x17550]  }
0x39a: {  	s1 =	sadd.s32 $0x200, s1;
	v12 =	vadd.f32 v15, v12;
	v7 =	vld [tilespmem:s0+$0x17560]  }
0x39b: {  	v13 =	vmax.f32 v13, $0.0e+00;
	v6 =	vadd.f32 v6, v11;
	v11 =	vld [tilespmem:s0+$0x17570]  }
0x39c: {  	[tilespmem:s0+$0x17500] =	vst v13;
	v12 =	vmax.f32 v12, $0.0e+00;
	v5 =	vadd.f32 v5, v10  }
0x39d: {  	[tilespmem:s0+$0x17510] =	vst v12;
	v6 =	vmax.f32 v6, $0.0e+00;
	v4 =	vadd.f32 v4, v9  }
0x39e: {  	[tilespmem:s0+$0x17520] =	vst v6;
	v5 =	vmax.f32 v5, $0.0e+00;
	v3 =	vadd.f32 v3, v8  }
0x39f: {  	[tilespmem:s0+$0x17530] =	vst v5;
	v4 =	vmax.f32 v4, $0.0e+00;
	v2 =	vadd.f32 v2, v7  }
0x3a0: {  	[tilespmem:s0+$0x17540] =	vst v4;
	v3 =	vmax.f32 v3, $0.0e+00;
	v1 =	vadd.f32 v1, v11  }
0x3a1: {  	[tilespmem:s0+$0x17550] =	vst v3;
	v2 =	vmax.f32 v2, $0.0e+00  }
0x3a2: {  	[tilespmem:s0+$0x17560] =	vst v2;
	v1 =	vmax.f32 v1, $0.0e+00  }
0x3a3: {  	s31 =	simm.s32 $0x1F160;
	[tilespmem:s0+$0x17570] =	vst v1  }
0x3a4: {  	[spmem:s8] =	stream.indirect.scatter.add.f32 [tilespmem:s12], [sflag:$0x6], $0x80, s31, s21, $0xb8;
	[tilespmem:$0x1F228] =	vst v63  }
0x3a5: {  	_ =	swait.ge [sflag:s15], $0x1400  }
0x3a6: {  	[sflag:s15] =	ssyncset.done $0x0  }
0x3a7: {  	[sflag:s15] =	ssyncadd.s32 $0xFFFFEC00  }
0x3a8: {  	_ =	swait.ge [sflag:s28], $0x1400  }
0x3a9: {  	[sflag:s28] =	ssyncset.done $0x0  }
0x3aa: {  	[sflag:s28] =	ssyncadd.s32 $0xFFFFEC00  }
0x3ab: {  	_ =	swait.ge [sflag:s13], $0x1400  }
0x3ac: {  	[sflag:s13] =	ssyncset.done $0x0  }
0x3ad: {  	s0 =	simm.s32 $0x0;
	[sflag:s13] =	ssyncadd.s32 $0xFFFFEC00  }
0x3ae: {  	v7 =	vld [tilespmem:s0+$0x19D00]  }
0x3af: {  	v12 =	vld [tilespmem:s0+$0x19D10]  }
0x3b0: {  	v6 =	vld [tilespmem:s0+$0x19D20]  }
0x3b1: {  	v5 =	vld [tilespmem:s0+$0x19D30]  }
0x3b2: {  	v4 =	vld [tilespmem:s0+$0x19D40]  }
0x3b3: {  	v3 =	vld [tilespmem:s0+$0x19D50]  }
0x3b4: {  	v2 =	vld [tilespmem:s0+$0x19D60]  }
0x3b5: {  	v1 =	vld [tilespmem:s0+$0x19D70]  }
0x3b6: {  	v13 =	vld [tilespmem:s0+$0x14D00]  }
0x3b7: {  	v14 =	vld [tilespmem:s0+$0x14D10]  }
0x3b8: {  	v11 =	vld [tilespmem:s0+$0x14D20]  }
0x3b9: {  	v10 =	vld [tilespmem:s0+$0x14D30]  }
0x3ba: {  	v9 =	vld [tilespmem:s0+$0x14D40]  }
0x3bb: {  	v8 =	vld [tilespmem:s0+$0x14D50];
	v13 =	vadd.f32 v7, v13  }
0x3bc: {  	s1 =	simm.s32 $0x200;
	v12 =	vadd.f32 v12, v14;
	v7 =	vld [tilespmem:s0+$0x14D60]  }
.LBB2_27:
0x3bd: {  	s2 =	sshra.s32 s1, $0x2;
	p0 =	sne.s32 s1, $0x4E00;
	v13 =	vmax.f32 v13, $0.0e+00;
	v6 =	vadd.f32 v6, v11;
	v11 =	vld [tilespmem:s0+$0x14D70]  }
0x3be: {  	v14 =	vld [tilespmem:s2+$0x19D00];
	[tilespmem:s0+$0x14D00] =	vst v13;
	v12 =	vmax.f32 v12, $0.0e+00;
	v5 =	vadd.f32 v5, v10  }
0x3bf: {  	v15 =	vld [tilespmem:s2+$0x19D10];
	[tilespmem:s0+$0x14D10] =	vst v12;
	v10 =	vmax.f32 v6, $0.0e+00;
	v4 =	vadd.f32 v4, v9  }
0x3c0: {  	v6 =	vld [tilespmem:s2+$0x19D20];
	[tilespmem:s0+$0x14D20] =	vst v10;
	v9 =	vmax.f32 v5, $0.0e+00;
	v3 =	vadd.f32 v3, v8  }
0x3c1: {  	v5 =	vld [tilespmem:s2+$0x19D30];
	[tilespmem:s0+$0x14D30] =	vst v9;
	v8 =	vmax.f32 v4, $0.0e+00;
	v2 =	vadd.f32 v2, v7  }
0x3c2: {  	v4 =	vld [tilespmem:s2+$0x19D40];
	[tilespmem:s0+$0x14D40] =	vst v8;
	v7 =	vmax.f32 v3, $0.0e+00;
	v1 =	vadd.f32 v1, v11  }
0x3c3: {  	v3 =	vld [tilespmem:s2+$0x19D50];
	[tilespmem:s0+$0x14D50] =	vst v7;
	v7 =	vmax.f32 v2, $0.0e+00  }
0x3c4: {  	v2 =	vld [tilespmem:s2+$0x19D60];
	[tilespmem:s0+$0x14D60] =	vst v7;
	v7 =	vmax.f32 v1, $0.0e+00  }
0x3c5: {  	v1 =	vld [tilespmem:s2+$0x19D70];
	[tilespmem:s0+$0x14D70] =	vst v7;
	s0 =	smov.u32 s2  }
0x3c6: {  	v7 =	vld [tilespmem:s0+$0x14D00]  }
0x3c7: {  	v12 =	vld [tilespmem:s0+$0x14D10]  }
.Ltmp12:
0x3c8: {  	v11 =	vld [tilespmem:s0+$0x14D20];
	(pc) =	sbr.rel @p0 .LBB2_27-.Ltmp12, $4  }
0x3c9: {  	v10 =	vld [tilespmem:s0+$0x14D30]  }
0x3ca: {  	v9 =	vld [tilespmem:s0+$0x14D40]  }
0x3cb: {  	v13 =	vadd.f32 v14, v7;
	v8 =	vld [tilespmem:s0+$0x14D50]  }
0x3cc: {  	s1 =	sadd.s32 $0x200, s1;
	v12 =	vadd.f32 v15, v12;
	v7 =	vld [tilespmem:s0+$0x14D60]  }
0x3cd: {  	v13 =	vmax.f32 v13, $0.0e+00;
	v6 =	vadd.f32 v6, v11;
	v63 =	vld [tilespmem:s0+$0x14D70]  }
0x3ce: {  	[tilespmem:s0+$0x14D00] =	vst v13;
	v12 =	vmax.f32 v12, $0.0e+00;
	v5 =	vadd.f32 v5, v10  }
0x3cf: {  	[tilespmem:s0+$0x14D10] =	vst v12;
	v6 =	vmax.f32 v6, $0.0e+00;
	v4 =	vadd.f32 v4, v9  }
0x3d0: {  	[tilespmem:s0+$0x14D20] =	vst v6;
	v5 =	vmax.f32 v5, $0.0e+00;
	v3 =	vadd.f32 v3, v8  }
0x3d1: {  	[tilespmem:s0+$0x14D30] =	vst v5;
	v4 =	vmax.f32 v4, $0.0e+00;
	v2 =	vadd.f32 v2, v7  }
0x3d2: {  	[tilespmem:s0+$0x14D40] =	vst v4;
	v3 =	vmax.f32 v3, $0.0e+00;
	v1 =	vadd.f32 v1, v63  }
0x3d3: {  	s3 =	sadd.s32 $0x1, s3;
	[tilespmem:s0+$0x14D50] =	vst v3;
	v2 =	vmax.f32 v2, $0.0e+00  }
0x3d4: {  	p0 =	sne.s32 s3, $0x5;
	[tilespmem:s0+$0x14D60] =	vst v2;
	v1 =	vmax.f32 v1, $0.0e+00  }
.Ltmp13:
0x3d5: {  	[tilespmem:s0+$0x14D70] =	vst v1;
	(pc) =	sbr.rel @p0 .LBB2_18-.Ltmp13, $4  }
0x3d6: {  	[spmem:s8] =	stream.indirect.scatter.add.f32 [tilespmem:s14], [sflag:$0x6], $0x80, s24, s21, $0xb8;
	[tilespmem:$0x1F228] =	vst v63  }
0x3d7: {  	_ =	swait.ge [sflag:s15], $0x1400  }
0x3d8: {  	[sflag:s15] =	ssyncset.done $0x0  }
0x3d9: {  	[sflag:s15] =	ssyncadd.s32 $0xFFFFEC00  }
0x3da: {  	[bflag:$0x0] =	sbarrier.arrive $0xFFFF  }
0x3db: {  	s6 =	sld [smem:$0x7F0]  }
0x3dc: {  	s0 =	rddreg [dreg:$0x1c]  }
0x3dd: {  	s1 =	rddreg [dreg:$0x1f];
	s0 =	sshrl.u32 s0, $0x3  }
0x3de: {  	[hbm:s1], [sflag:s6] =	dma.local [spmem:s0], $0x800  }
0x3df: {  	_ =	swait.ge [sflag:s15], $0x800  }
0x3e0: {  	[sflag:s15] =	ssyncset.done $0x0  }
0x3e1: {  	[sflag:s15] =	ssyncadd.s32 $0xFFFFF800  }
0x3e2: {  	[bflag:$0x0] =	sbarrier.arrive $0xFFFF  }
0x3e3: {  	s13 =	simm.s32 $0x0;
	s2 =	rddreg [dreg:$0xf]  }
0x3e4: {  	[tilespmem:s14], [sflag:$0x6] =	stream.linear.gather [hbm4b:s2+s13], $0x2800, $0x38;
	[tilespmem:$0x1F228] =	vst v63  }
0x3e5: {  	_ =	swait.ge [sflag:s15], $0x2800  }
0x3e6: {  	[sflag:s15] =	ssyncset.done $0x0  }
0x3e7: {  	s18 =	rddreg [dreg:$0x1e];
	[sflag:s15] =	ssyncadd.s32 $0xFFFFD800  }
0x3e8: {  	[spmem:s18] =	stream.linear.scatter [tilespmem:s14], [sflag:$0x6], $0x2800, $0x38;
	[tilespmem:$0x1F228] =	vst v63  }
0x3e9: {  	_ =	swait.ge [sflag:s15], $0x2800  }
0x3ea: {  	s19 =	sld [smem:$0x7F7]  }
0x3eb: {  	[sflag:s15] =	ssyncset.done $0x0  }
0x3ec: {  	[sflag:s15] =	ssyncadd.s32 $0xFFFFD800  }
0x3ed: {  	[spmem:s19] =	stream.linear.scatter [tilespmem:s14], [sflag:$0x6], $0x2800, $0x38;
	[tilespmem:$0x1F228] =	vst v63  }
0x3ee: {  	_ =	swait.ge [sflag:s15], $0x2800  }
0x3ef: {  	s23 =	sld [smem:$0x7F8]  }
0x3f0: {  	[sflag:s15] =	ssyncset.done $0x0  }
0x3f1: {  	[sflag:s15] =	ssyncadd.s32 $0xFFFFD800  }
0x3f2: {  	[spmem:s23] =	stream.linear.scatter [tilespmem:s14], [sflag:$0x6], $0x2800, $0x38;
	[tilespmem:$0x1F228] =	vst v63  }
0x3f3: {  	_ =	swait.ge [sflag:s15], $0x2800  }
0x3f4: {  	s24 =	sld [smem:$0x7F9]  }
0x3f5: {  	[sflag:s15] =	ssyncset.done $0x0  }
0x3f6: {  	[sflag:s15] =	ssyncadd.s32 $0xFFFFD800  }
0x3f7: {  	[spmem:s24] =	stream.linear.scatter [tilespmem:s14], [sflag:$0x6], $0x800, $0x38;
	[tilespmem:$0x1F228] =	vst v63  }
0x3f8: {  	_ =	swait.ge [sflag:s15], $0x800  }
0x3f9: {  	[sflag:s15] =	ssyncset.done $0x0  }
0x3fa: {  	[sflag:s15] =	ssyncadd.s32 $0xFFFFF800  }
0x3fb: {  	s25 =	sadd.s32 $0x0, s17;
	[bflag:$0x0] =	sbarrier.arrive $0xFFFF  }
0x3fc: {  	[tilespmem:s20], [sflag:$0x6] =	stream.linear.gather [hbm4b:s25+s9], $0x28, $0x38;
	[tilespmem:$0x1F228] =	vst v63  }
0x3fd: {  	_ =	swait.ge [sflag:s15], $0x28  }
0x3fe: {  	[sflag:s15] =	ssyncset.done $0x0  }
0x3ff: {  	[sflag:s15] =	ssyncadd.s32 $0xFFFFFFD8  }
0x400: {  	[tilespmem:s14], [sflag:$0x1] =	stream.indirect.gather [hbm4b:s5+s21], $0x80, s20, s21, $0xb8;
	[tilespmem:$0x1F228] =	vst v63  }
0x401: {  	s31 =	sadd.s32 $0x0, s30  }
0x402: {  	[tilespmem:s22], [sflag:$0x6] =	stream.linear.gather [hbm4b:s31+s9], $0x28, $0x38;
	[tilespmem:$0x1F228] =	vst v63  }
0x403: {  	_ =	swait.ge [sflag:s15], $0x28  }
0x404: {  	[sflag:s15] =	ssyncset.done $0x0  }
0x405: {  	[sflag:s15] =	ssyncadd.s32 $0xFFFFFFD8  }
0x406: {  	v1 =	vld [tilespmem:$0x1F1B0]  }
0x407: {  	v2 =	vld [tilespmem:$0x1F1C0]  }
0x408: {  	v3 =	vld [tilespmem:$0x1F1C8];
	_ =	sdelay $0x2  }
0x409: {  	v1 =	vadd.s32 $0x800, v1  }
0x40a: {  	[tilespmem:$0x1F200] =	vst v1;
	v1 =	vadd.s32 $0x800, v2  }
0x40b: {  	[tilespmem:$0x1F210] =	vst v1;
	v1 =	vadd.s32 $0x800, v3  }
0x40c: {  	s4 =	simm.s32 $0x1F200;
	s10 =	simm.s32 $0x13900;
	[tilespmem:$0x1F218] =	vst v1  }
0x40d: {  	[spmem:s8] =	stream.indirect.scatter.add.f32 [tilespmem:s10], [sflag:$0x6], $0x80, s4, s21, $0xb8;
	[tilespmem:$0x1F228] =	vst v63  }
0x40e: {  	_ =	swait.ge [sflag:s15], $0x1400  }
0x40f: {  	[sflag:s15] =	ssyncset.done $0x0  }
0x410: {  	[sflag:s15] =	ssyncadd.s32 $0xFFFFEC00  }
0x411: {  	_ =	swait.ge [sflag:s28], $0x1400  }
0x412: {  	[sflag:s28] =	ssyncset.done $0x0  }
0x413: {  	[sflag:s28] =	ssyncadd.s32 $0xFFFFEC00  }
0x414: {  	[spmem:s8] =	stream.indirect.scatter.add.f32 [tilespmem:s14], [sflag:$0x6], $0x80, s22, s21, $0xb8;
	[tilespmem:$0x1F228] =	vst v63  }
0x415: {  	s1 =	simm.s32 $0x5;
	_ =	swait.ge [sflag:s15], $0x1400  }
.LBB2_30:
0x416: {  	p0 =	sne.s32 s1, $0x23  }
0x417: {  	[sflag:s15] =	ssyncset.done $0x0;
	s2 =	smov.u32 s1;
	s1 =	sadd.s32 $0x5, s1  }
0x418: {  	s3 =	sadd.s32 s2, s17;
	[sflag:s15] =	ssyncadd.s32 $0xFFFFEC00  }
0x419: {  	[tilespmem:s20], [sflag:$0x6] =	stream.linear.gather [hbm4b:s3+s9], $0x28, $0x38;
	[tilespmem:$0x1F228] =	vst v63  }
0x41a: {  	_ =	swait.ge [sflag:s15], $0x28  }
0x41b: {  	[sflag:s15] =	ssyncset.done $0x0  }
0x41c: {  	[sflag:s15] =	ssyncadd.s32 $0xFFFFFFD8  }
0x41d: {  	[tilespmem:s14], [sflag:$0x1] =	stream.indirect.gather [hbm4b:s5+s21], $0x80, s20, s21, $0xb8;
	[tilespmem:$0x1F228] =	vst v63  }
0x41e: {  	s2 =	sadd.s32 s2, s30  }
0x41f: {  	[tilespmem:s22], [sflag:$0x6] =	stream.linear.gather [hbm4b:s2+s9], $0x28, $0x38;
	[tilespmem:$0x1F228] =	vst v63  }
0x420: {  	_ =	swait.ge [sflag:s15], $0x28  }
0x421: {  	[sflag:s15] =	ssyncset.done $0x0  }
0x422: {  	[sflag:s15] =	ssyncadd.s32 $0xFFFFFFD8  }
0x423: {  	v1 =	vld [tilespmem:$0x1F1B0]  }
0x424: {  	v2 =	vld [tilespmem:$0x1F1C0]  }
0x425: {  	v3 =	vld [tilespmem:$0x1F1C8];
	_ =	sdelay $0x2  }
0x426: {  	v1 =	vadd.s32 $0x800, v1  }
0x427: {  	[tilespmem:$0x1F200] =	vst v1;
	v1 =	vadd.s32 $0x800, v2  }
0x428: {  	[tilespmem:$0x1F210] =	vst v1;
	v1 =	vadd.s32 $0x800, v3  }
0x429: {  	[tilespmem:$0x1F218] =	vst v1  }
0x42a: {  	[spmem:s8] =	stream.indirect.scatter.add.f32 [tilespmem:s10], [sflag:$0x6], $0x80, s4, s21, $0xb8;
	[tilespmem:$0x1F228] =	vst v63  }
0x42b: {  	_ =	swait.ge [sflag:s15], $0x1400  }
0x42c: {  	[sflag:s15] =	ssyncset.done $0x0  }
0x42d: {  	[sflag:s15] =	ssyncadd.s32 $0xFFFFEC00  }
.Ltmp14:
0x42e: {  	_ =	swait.ge [sflag:s28], $0x1400;
	(pc) =	sbr.rel @p0 .LBB2_30-.Ltmp14, $4  }
0x42f: {  	[sflag:s28] =	ssyncset.done $0x0  }
0x430: {  	[sflag:s28] =	ssyncadd.s32 $0xFFFFEC00  }
0x431: {  	[spmem:s8] =	stream.indirect.scatter.add.f32 [tilespmem:s14], [sflag:$0x6], $0x80, s22, s21, $0xb8;
	[tilespmem:$0x1F228] =	vst v63  }
0x432: {  	_ =	swait.ge [sflag:s15], $0x1400  }
0x433: {  	[sflag:s15] =	ssyncset.done $0x0  }
0x434: {  	[sflag:s15] =	ssyncadd.s32 $0xFFFFEC00  }
0x435: {  	[bflag:$0x0] =	sbarrier.arrive $0xFFFF  }
0x436: {  	s1 =	sld [smem:$0x7F2];
	_ =	sdelay $0x2  }
0x437: {  	[hbm:s1], [sflag:s6] =	dma.local [spmem:s0], $0x800  }
0x438: {  	_ =	swait.ge [sflag:s15], $0x800  }
0x439: {  	s23 =	sld [smem:$0x7F3]  }
0x43a: {  	s24 =	sld [smem:$0x7F5]  }
0x43b: {  	[sflag:s15] =	ssyncset.done $0x0  }
0x43c: {  	[sflag:s15] =	ssyncadd.s32 $0xFFFFF800  }
0x43d: {  	[hbm:s23], [sflag:s6] =	dma.local [spmem:s24], $0x800  }
0x43e: {  	_ =	swait.ge [sflag:s15], $0x800  }
0x43f: {  	s25 =	sld [smem:$0x7F1]  }
0x440: {  	s31 =	sld [smem:$0x7F4];
	_ =	sdelay $0x1  }
0x441: {  	s1 =	sadd.s32 $0x1, s25  }
0x442: {  	p0 =	sne.s32 s1, s31  }
.Ltmp15:
0x443: {  	_ = 	snop;
	(pc) =	sbr.rel @p0 .LBB2_1-.Ltmp15, $3  }
0x444: {  	_ =	sdelay $0x1  }
0x445: {  	[sflag:s15] =	ssyncset.done $0x0  }
0x446: {  	[sflag:s15] =	ssyncadd.s32 $0xFFFFF800  }
0x447: {  	_ =	sfence.sel $0x180000  }
0x448: {  	[bflag:$0x0] =	sbarrier.arrive $0xFFFF  }
0x449: {  	_ =	strace $0x90000047  }
0x44a: {  	s0 =	stileid.u32;
	[bflag:$0x2] =	sbarrier.arrive $0xFFFF  }
0x44b: {  	p0 =	sne.s32 s0, $0x0;
	s0 =	rddreg [dreg:$0x8]  }
0x44c: {  	s0 =	sadd.s32 @!p0 $0x100000, s0  }
0x44d: {  	[sflag:s0] =	ssyncadd.tile.s32 @!p0 $0x1;
	_ =	shalt  }
.Lfunc_end2:
_tile_overlayer_lowered:
.L_overlay_start_2:
0x44e: {  	(tag) =	ssettag $0x2  }
0x44f: {  	s0 =	rddreg [dreg:$0x0];
	s2 =	stileid.u32  }
0x450: {  	s1 =	rddreg [dreg:$0x1];
	p0 =	sne.s32 s2, $0x0  }
0x451: {  	s3 =	rddreg [dreg:$0x2];
	[bflag:$0x3] =	sbarrier.arrive $0xFFFF;
	s2 =	simm.s32 @!p0 $0x1C06  }
0x452: {  	[timem:s3], [sflag:s2] =	dma.local @!p0 [hbm:s0], s1  }
0x453: {  	s0 =	simm.s32 @!p0 $0x6  }
0x454: {  	_ =	swait.ge @!p0 [sflag:s0], s1  }
0x455: {  	s1 =	ssub.s32 @!p0 $0x0, s1;
	[sflag:s0] =	ssyncset.done @!p0 $0x0  }
0x456: {  	[sflag:s0] =	ssyncadd.s32 @!p0 s1  }
0x457: {  	[bflag:$0x3] =	sbarrier.arrive $0xFFFF  }
0x458: {  	_ =	shalt  }

</sc_bundles>
